<compile_context>
chip_gen: v7x
topology: tpu7x:2x2x1
jax: 0.10.2.dev20260603
libtpu: 0.0.44.dev20260713+nightly
codegen_flags: <defaults>
</compile_context>

<pallas_src>
import functools

import jax
import jax.numpy as jnp
from jax import lax
from jax.experimental import pallas as pl
from jax.experimental.pallas import tpu as pltpu
from jax.experimental.pallas import tpu_sc as plsc

T = 2048
D = 768
F = 2048
E = 64
K = 2
P = T * K
BLK = 128
PAD = 12288
NBLK = PAD // BLK
CH = 128
L = 16
NC = 2
NS = 16
NW = NC * NS


def _router_body(x_ref, gw_ref, dest_ref, blk_ref, wb_ref):
    xt = x_ref[...]
    gw = gw_ref[...]
    logits = jnp.dot(xt, gw, preferred_element_type=jnp.float32)

    iota_e = lax.broadcasted_iota(jnp.int32, (T, E), 1)
    m0 = jnp.max(logits, axis=1, keepdims=True)
    i0 = jnp.min(jnp.where(logits == m0, iota_e, E), axis=1, keepdims=True)
    lm = jnp.where(iota_e == i0, -jnp.inf, logits)
    m1 = jnp.max(lm, axis=1, keepdims=True)
    i1 = jnp.min(jnp.where(lm == m1, iota_e, E), axis=1, keepdims=True)
    s = jnp.exp(m1 - m0)
    w0 = 1.0 / (1.0 + s)
    w1v = s * w0

    e_col = jnp.concatenate([i0, i1], axis=0)
    w_col = jnp.concatenate([w0, w1v], axis=0)

    iota_pe = lax.broadcasted_iota(jnp.int32, (P, E), 1)
    oh = (e_col == iota_pe).astype(jnp.float32)

    r = lax.broadcasted_iota(jnp.int32, (CH, CH), 0)
    c = lax.broadcasted_iota(jnp.int32, (CH, CH), 1)
    tril = (r >= c).astype(jnp.float32)
    run = jnp.zeros((1, E), jnp.float32)
    cum_rows = []
    for ci in range(P // CH):
        blk = lax.slice(oh, (ci * CH, 0), ((ci + 1) * CH, E))
        cum_rows.append(jnp.dot(tril, blk, preferred_element_type=jnp.float32) + run)
        run = run + jnp.sum(blk, axis=0, keepdims=True)
    cum = jnp.concatenate(cum_rows, axis=0)
    counts = run

    pc = jnp.floor((counts + (BLK - 1)) / BLK) * BLK
    re = lax.broadcasted_iota(jnp.int32, (E, E), 0)
    ce = lax.broadcasted_iota(jnp.int32, (E, E), 1)
    sut = (re < ce).astype(jnp.float32)
    pad_off = jnp.dot(pc, sut, preferred_element_type=jnp.float32)

    rank = jnp.sum(cum * oh, axis=1, keepdims=True) - 1.0
    offs = jnp.sum(oh * pad_off, axis=1, keepdims=True)
    dest_ref[...] = (rank + offs).astype(jnp.int32)

    blk_end = ((pad_off + pc) * (1.0 / BLK)).astype(jnp.int32)
    bidx = lax.broadcasted_iota(jnp.int32, (NBLK, 1), 0)
    cnt = jnp.sum((bidx >= blk_end).astype(jnp.int32), axis=1, keepdims=True)
    iota_1e = lax.broadcasted_iota(jnp.int32, (1, E), 1)
    last_e = jnp.max(jnp.where(counts > 0, iota_1e, 0))
    used = jnp.max(blk_end)
    blk_full = jnp.concatenate(
        [jnp.minimum(cnt, last_e),
         jnp.broadcast_to(used.reshape(1, 1), (1, 1))], axis=0)
    blk_ref[...] = blk_full

    wb_ref[...] = w_col * jnp.ones((1, L), jnp.float32)


_router = pl.pallas_call(
    _router_body,
    out_shape=(
        jax.ShapeDtypeStruct((P, 1), jnp.int32),
        jax.ShapeDtypeStruct((NBLK + 1, 1), jnp.int32),
        jax.ShapeDtypeStruct((P, L), jnp.float32),
    ),
)


GCH = P // NW


@functools.cache
def _sc_kernels():
    mesh = plsc.VectorSubcoreMesh(
        core_axis_name="c", subcore_axis_name="s", num_cores=NC, num_subcores=NS
    )

    GH = GCH // 2

    @functools.partial(
        pl.kernel,
        out_type=jax.ShapeDtypeStruct((PAD, D), jnp.float32),
        mesh=mesh,
        scratch_types=[
            pltpu.VMEM((GH,), jnp.int32),
            pltpu.VMEM((GH,), jnp.int32),
            pltpu.VMEM((GH, D), jnp.float32),
            pltpu.VMEM((GH, D), jnp.float32),
            pltpu.SemaphoreType.DMA,
            pltpu.SemaphoreType.DMA,
            pltpu.SemaphoreType.DMA,
            pltpu.SemaphoreType.DMA,
        ],
    )
    def sc_gather(x_hbm, dest_hbm, xs_hbm, da_v, db_v, ra_v, rb_v,
                  sa, sb, sc_, sd):
        wid = lax.axis_index("s") * NC + lax.axis_index("c")
        base = wid * GCH
        bx = base % T
        ga = pltpu.async_copy(x_hbm.at[pl.ds(bx, GH)], ra_v, sa)
        gb = pltpu.async_copy(x_hbm.at[pl.ds(bx + GH, GH)], rb_v, sb)
        pltpu.sync_copy(dest_hbm.at[pl.ds(base, GH)], da_v)
        pltpu.sync_copy(dest_hbm.at[pl.ds(base + GH, GH)], db_v)
        ga.wait()
        pa = pltpu.async_copy(ra_v, xs_hbm.at[da_v], sc_)
        gb.wait()
        pb = pltpu.async_copy(rb_v, xs_hbm.at[db_v], sd)
        pa.wait()
        pb.wait()

    @functools.partial(
        pl.kernel,
        out_type=jax.ShapeDtypeStruct((T, D), jnp.float32),
        mesh=mesh,
        scratch_types=[
            pltpu.VMEM((HALF,), jnp.int32),
            pltpu.VMEM((HALF,), jnp.int32),
            pltpu.VMEM((HALF,), jnp.int32),
            pltpu.VMEM((HALF,), jnp.int32),
            pltpu.VMEM((HALF, L), jnp.float32),
            pltpu.VMEM((HALF, L), jnp.float32),
            pltpu.VMEM((HALF, L), jnp.float32),
            pltpu.VMEM((HALF, L), jnp.float32),
            pltpu.VMEM((HALF, D), jnp.float32),
            pltpu.VMEM((HALF, D), jnp.float32),
            pltpu.VMEM((HALF, D), jnp.float32),
            pltpu.VMEM((HALF, D), jnp.float32),
            pltpu.SemaphoreType.DMA,
            pltpu.SemaphoreType.DMA,
            pltpu.SemaphoreType.DMA,
            pltpu.SemaphoreType.DMA,
        ],
    )
    def sc_combine(ys_hbm, dest_hbm, wb_hbm, out_hbm,
                   da0_v, da1_v, db0_v, db1_v,
                   wa0_v, wa1_v, wb0_v, wb1_v,
                   ra0_v, ra1_v, rb0_v, rb1_v,
                   sa0, sa1, sb0, sb1):
        wid = lax.axis_index("s") * NC + lax.axis_index("c")
        ta = wid * CCH
        tb = ta + HALF
        pltpu.sync_copy(dest_hbm.at[pl.ds(ta, HALF)], da0_v)
        pltpu.sync_copy(dest_hbm.at[pl.ds(T + ta, HALF)], da1_v)
        ga0 = pltpu.async_copy(ys_hbm.at[da0_v], ra0_v, sa0)
        ga1 = pltpu.async_copy(ys_hbm.at[da1_v], ra1_v, sa1)
        pltpu.sync_copy(dest_hbm.at[pl.ds(tb, HALF)], db0_v)
        pltpu.sync_copy(dest_hbm.at[pl.ds(T + tb, HALF)], db1_v)
        gb0 = pltpu.async_copy(ys_hbm.at[db0_v], rb0_v, sb0)
        gb1 = pltpu.async_copy(ys_hbm.at[db1_v], rb1_v, sb1)
        pltpu.sync_copy(wb_hbm.at[pl.ds(ta, HALF)], wa0_v)
        pltpu.sync_copy(wb_hbm.at[pl.ds(T + ta, HALF)], wa1_v)
        pltpu.sync_copy(wb_hbm.at[pl.ds(tb, HALF)], wb0_v)
        pltpu.sync_copy(wb_hbm.at[pl.ds(T + tb, HALF)], wb1_v)

        def mk_body(w0_v, w1_v, r0_v, r1_v):
            def body(j, carry):
                w0 = w0_v[j, :]
                w1 = w1_v[j, :]
                for si in range(D // L):
                    sl = pl.ds(si * L, L)
                    r0_v[j, sl] = w0 * r0_v[j, sl] + w1 * r1_v[j, sl]
                return carry
            return body

        ga0.wait()
        ga1.wait()
        lax.fori_loop(0, HALF, mk_body(wa0_v, wa1_v, ra0_v, ra1_v), 0)
        pltpu.sync_copy(ra0_v, out_hbm.at[pl.ds(ta, HALF)])
        gb0.wait()
        gb1.wait()
        lax.fori_loop(0, HALF, mk_body(wb0_v, wb1_v, rb0_v, rb1_v), 0)
        pltpu.sync_copy(rb0_v, out_hbm.at[pl.ds(tb, HALF)])

    return sc_gather, sc_combine


def _gmm_body(be_ref, xs_ref, w1_ref, w2_ref, ys_ref):
    b = pl.program_id(0)

    @pl.when(b < be_ref[NBLK])
    def _():
        xb = xs_ref[...]
        h = jnp.dot(xb, w1_ref[...], preferred_element_type=jnp.float32,
                    precision=lax.Precision.DEFAULT)
        h = h * (1.0 / (1.0 + jnp.exp(-h)))
        ys_ref[...] = jnp.dot(h, w2_ref[...], preferred_element_type=jnp.float32,
                              precision=lax.Precision.DEFAULT)


_gmm = pl.pallas_call(
    _gmm_body,
    grid_spec=pltpu.PrefetchScalarGridSpec(
        num_scalar_prefetch=1,
        grid=(NBLK,),
        in_specs=[
            pl.BlockSpec((BLK, D),
                         lambda b, be: (jnp.minimum(b, be[NBLK]), 0)),
            pl.BlockSpec((None, D, F), lambda b, be: (be[b], 0, 0)),
            pl.BlockSpec((None, F, D), lambda b, be: (be[b], 0, 0)),
        ],
        out_specs=pl.BlockSpec((BLK, D), lambda b, be: (b, 0)),
    ),
    out_shape=jax.ShapeDtypeStruct((PAD, D), jnp.float32),
)


CCH = T // NW
HALF = CCH // 2


def kernel(x, gate_w, w1, w2):
    sc_gather, sc_combine = _sc_kernels()
    xt = x.reshape(T, D)
    dest2, blk2, wb = _router(xt, gate_w)
    dest = dest2.reshape(P)
    blk_e = blk2.reshape(NBLK + 1)
    xs = sc_gather(xt, dest)
    ys = _gmm(blk_e, xs, w1, w2)
    out = sc_combine(ys, dest, wb)
    return out.reshape(x.shape)

# --- scband reference (transcript-rebuilt; emitter-appended) ---
"""Pipeline reference for scband-mixture-of-experts-3710851744201 (READ-ONLY COPY).

The authoritative reference and input builder live on the scoring server;
editing this copy changes nothing except your own understanding.
"""

import jax, jax.numpy as jnp
import numpy as np

D_MODEL = 768
D_FF = 2048
NUM_EXPERTS = 64
TOP_K = 2
B = 1
S = 2048


def setup_inputs(seed: int = 0) -> dict:
    key = jax.random.key(seed)
    k0, k1, k2, k3 = jax.random.split(key, 4)
    x = jax.random.normal(k0, (B, S, D_MODEL), dtype=jnp.float32)
    gate_w = jax.random.normal(k1, (D_MODEL, NUM_EXPERTS), dtype=jnp.float32) * (D_MODEL ** -0.5)
    w1 = jax.random.normal(k2, (NUM_EXPERTS, D_MODEL, D_FF), dtype=jnp.float32) * (D_MODEL ** -0.5)
    # torch module zero-inits linear2; use small random weights so the output is nontrivial
    w2 = jax.random.normal(k3, (NUM_EXPERTS, D_FF, D_MODEL), dtype=jnp.float32) * 0.02
    return {"x": x, "gate_w": gate_w, "w1": w1, "w2": w2}


def reference(x, gate_w, w1, w2):
    # Eval-mode MixtureOfExperts forward (no router noise, dropout identity, aux_loss=None).
    Bx, Sx, D = x.shape
    xt = x.reshape(Bx * Sx, D)
    router_logits = xt @ gate_w                               # [T, E]
    router_probs = jax.nn.softmax(router_logits, axis=-1)    # full distribution (computed as in torch)
    topk_logits, topk_idx = jax.lax.top_k(router_logits, TOP_K)
    topk_w = jax.nn.softmax(topk_logits, axis=-1)             # [T, K]
    out = jnp.zeros_like(xt)

    def body(e, out):
        h = jax.nn.silu(xt @ w1[e]) @ w2[e]                   # expert MLP (silu activation)
        w_e = jnp.sum(jnp.where(topk_idx == e, topk_w, 0.0), axis=-1)  # routing weight at the matched slot
        return out + w_e[:, None] * h                          # weighted combine

    out = jax.lax.fori_loop(0, NUM_EXPERTS, body, out)
    return out.reshape(Bx, Sx, D)

if __name__ == "__main__":
    import jax
    _d = setup_inputs()
    print(jax.jit(kernel)(*tuple(_d.values())))

</pallas_src>

<mosaic_0001>
#map = affine_map<(d0, d1) -> (0, 0)>
#map1 = affine_map<(d0, d1) -> (0)>
module attributes {stable_mosaic.version = 14 : i64} {
  func.func @sc_gather(%arg0: i32, %arg1: i32, %arg2: memref<2048x768xf32, #tpu.memory_space<hbm>>, %arg3: memref<4096xi32, #tpu.memory_space<hbm>>, %arg4: memref<12288x768xf32, #tpu.memory_space<hbm>>, %arg5: memref<64xi32, #tpu.memory_space<vmem>>, %arg6: memref<64xi32, #tpu.memory_space<vmem>>, %arg7: memref<64x768xf32, #tpu.memory_space<vmem>>, %arg8: memref<64x768xf32, #tpu.memory_space<vmem>>, %arg9: memref<!tpu.dma_semaphore, #tpu.memory_space<semaphore_mem>>, %arg10: memref<!tpu.dma_semaphore, #tpu.memory_space<semaphore_mem>>, %arg11: memref<!tpu.dma_semaphore, #tpu.memory_space<semaphore_mem>>, %arg12: memref<!tpu.dma_semaphore, #tpu.memory_space<semaphore_mem>>) attributes {dimension_semantics = [#tpu.dimension_semantics<core_parallel>, #tpu.dimension_semantics<subcore_parallel>], iteration_bounds = array<i64: 2, 16>, scalar_prefetch = 0 : i64, scratch_operands = 8 : i64, tpu.core_type = #tpu.core_type<sc_vector_subcore>, window_params = [{transform_indices = #map}, {transform_indices = #map1}, {transform_indices = #map}]} {
    %mul3A = arith.constant 2 : i32
    %mul3A_0 = arith.muli %arg1, %mul3A : i32
    %add3A = arith.addi %mul3A_0, %arg0 : i32
    %mul3A_1 = arith.constant 128 : i32
    %mul3A_2 = arith.muli %add3A, %mul3A_1 : i32
    %jit3A = arith.constant 2048 : i32
    %eq3A = arith.constant 0 : i32
    %eq3A_3 = arith.cmpi eq, %jit3A, %eq3A : i32
    %jit3A_4 = arith.constant 1 : i32
    %select_n3A = arith.select %eq3A_3, %jit3A_4, %jit3A : i32
    %rem3A = arith.remsi %mul3A_2, %select_n3A : i32
    %ne3A = arith.constant 0 : i32
    %ne3A_5 = arith.cmpi ne, %rem3A, %ne3A : i32
    %lt3A = arith.constant 0 : i32
    %lt3A_6 = arith.cmpi slt, %rem3A, %lt3A : i32
    %lt3A_7 = arith.constant 0 : i32
    %lt3A_8 = arith.cmpi slt, %select_n3A, %lt3A_7 : i32
    %ne3A_9 = arith.xori %lt3A_6, %lt3A_8 : i1
    %and3A = arith.andi %ne3A_9, %ne3A_5 : i1
    %add3A_10 = arith.addi %rem3A, %select_n3A : i32
    %select_n3A_11 = arith.select %and3A, %add3A_10, %rem3A : i32
    %dma_start3A = arith.constant 0 : i32
    %dma_start3A_12 = tpu.memref_slice %arg2[%select_n3A_11, %dma_start3A] : memref<2048x768xf32, #tpu.memory_space<hbm>> -> memref<64x768xf32, #tpu.memory_space<hbm>>
    %dma_start3A_13 = arith.constant 0 : i32
    %dma_start3A_14 = tpu.memref_slice %arg2[%select_n3A_11, %dma_start3A_13] : memref<2048x768xf32, #tpu.memory_space<hbm>> -> memref<64x768xf32, #tpu.memory_space<hbm>>
    tpu.enqueue_dma source(%dma_start3A_14 : memref<64x768xf32, #tpu.memory_space<hbm>>) target(%arg7 : memref<64x768xf32, #tpu.memory_space<vmem>>) target_semaphore(%arg9 : memref<!tpu.dma_semaphore, #tpu.memory_space<semaphore_mem>>)
    %add3A_15 = arith.constant 64 : i32
    %add3A_16 = arith.addi %select_n3A_11, %add3A_15 : i32
    %dma_start3A_17 = arith.constant 0 : i32
    %dma_start3A_18 = tpu.memref_slice %arg2[%add3A_16, %dma_start3A_17] : memref<2048x768xf32, #tpu.memory_space<hbm>> -> memref<64x768xf32, #tpu.memory_space<hbm>>
    %dma_start3A_19 = arith.constant 0 : i32
    %dma_start3A_20 = tpu.memref_slice %arg2[%add3A_16, %dma_start3A_19] : memref<2048x768xf32, #tpu.memory_space<hbm>> -> memref<64x768xf32, #tpu.memory_space<hbm>>
    tpu.enqueue_dma source(%dma_start3A_20 : memref<64x768xf32, #tpu.memory_space<hbm>>) target(%arg8 : memref<64x768xf32, #tpu.memory_space<vmem>>) target_semaphore(%arg10 : memref<!tpu.dma_semaphore, #tpu.memory_space<semaphore_mem>>)
    "tpu.region"() ({
      %run_scoped3A = tpu.sem_alloc : memref<!tpu.dma_semaphore, #tpu.memory_space<semaphore_mem>>
      %dma_start3A_42 = tpu.memref_slice %arg3[%mul3A_2] : memref<4096xi32, #tpu.memory_space<hbm>> -> memref<64xi32, #tpu.memory_space<hbm>>
      %dma_start3A_43 = tpu.memref_slice %arg3[%mul3A_2] : memref<4096xi32, #tpu.memory_space<hbm>> -> memref<64xi32, #tpu.memory_space<hbm>>
      tpu.enqueue_dma source(%dma_start3A_43 : memref<64xi32, #tpu.memory_space<hbm>>) target(%arg5 : memref<64xi32, #tpu.memory_space<vmem>>) target_semaphore(%run_scoped3A : memref<!tpu.dma_semaphore, #tpu.memory_space<semaphore_mem>>)
      %dma_wait3A_44 = tpu.memref_slice %arg3[%mul3A_2] : memref<4096xi32, #tpu.memory_space<hbm>> -> memref<64xi32, #tpu.memory_space<hbm>>
      %dma_wait3A_45 = tpu.memref_slice %arg3[%mul3A_2] : memref<4096xi32, #tpu.memory_space<hbm>> -> memref<64xi32, #tpu.memory_space<hbm>>
      tpu.wait_dma2 semaphore(%run_scoped3A : memref<!tpu.dma_semaphore, #tpu.memory_space<semaphore_mem>>) src(%dma_wait3A_45 : memref<64xi32, #tpu.memory_space<hbm>>) dst(%arg5 : memref<64xi32, #tpu.memory_space<vmem>>)
      tpu.yield
    }) : () -> ()
    %add3A_21 = arith.constant 64 : i32
    %add3A_22 = arith.addi %mul3A_2, %add3A_21 : i32
    "tpu.region"() ({
      %run_scoped3A = tpu.sem_alloc : memref<!tpu.dma_semaphore, #tpu.memory_space<semaphore_mem>>
      %dma_start3A_42 = tpu.memref_slice %arg3[%add3A_22] : memref<4096xi32, #tpu.memory_space<hbm>> -> memref<64xi32, #tpu.memory_space<hbm>>
      %dma_start3A_43 = tpu.memref_slice %arg3[%add3A_22] : memref<4096xi32, #tpu.memory_space<hbm>> -> memref<64xi32, #tpu.memory_space<hbm>>
      tpu.enqueue_dma source(%dma_start3A_43 : memref<64xi32, #tpu.memory_space<hbm>>) target(%arg6 : memref<64xi32, #tpu.memory_space<vmem>>) target_semaphore(%run_scoped3A : memref<!tpu.dma_semaphore, #tpu.memory_space<semaphore_mem>>)
      %dma_wait3A_44 = tpu.memref_slice %arg3[%add3A_22] : memref<4096xi32, #tpu.memory_space<hbm>> -> memref<64xi32, #tpu.memory_space<hbm>>
      %dma_wait3A_45 = tpu.memref_slice %arg3[%add3A_22] : memref<4096xi32, #tpu.memory_space<hbm>> -> memref<64xi32, #tpu.memory_space<hbm>>
      tpu.wait_dma2 semaphore(%run_scoped3A : memref<!tpu.dma_semaphore, #tpu.memory_space<semaphore_mem>>) src(%dma_wait3A_45 : memref<64xi32, #tpu.memory_space<hbm>>) dst(%arg6 : memref<64xi32, #tpu.memory_space<vmem>>)
      tpu.yield
    }) : () -> ()
    %dma_wait3A = arith.constant 0 : i32
    %dma_wait3A_23 = tpu.memref_slice %arg2[%select_n3A_11, %dma_wait3A] : memref<2048x768xf32, #tpu.memory_space<hbm>> -> memref<64x768xf32, #tpu.memory_space<hbm>>
    %dma_wait3A_24 = arith.constant 0 : i32
    %dma_wait3A_25 = tpu.memref_slice %arg2[%select_n3A_11, %dma_wait3A_24] : memref<2048x768xf32, #tpu.memory_space<hbm>> -> memref<64x768xf32, #tpu.memory_space<hbm>>
    tpu.wait_dma2 semaphore(%arg9 : memref<!tpu.dma_semaphore, #tpu.memory_space<semaphore_mem>>) src(%dma_wait3A_25 : memref<64x768xf32, #tpu.memory_space<hbm>>) dst(%arg7 : memref<64x768xf32, #tpu.memory_space<vmem>>)
    %dma_start3A_26 = arith.constant 0 : i32
    %dma_start3A_27 = arith.constant 0 : i32
    %dma_start3A_28 = tpu.memref_slice %arg4[%dma_start3A_26, %dma_start3A_27] : memref<12288x768xf32, #tpu.memory_space<hbm>> -> memref<12288x768xf32, #tpu.memory_space<hbm>>
    tpu.enqueue_indirect_dma source(%arg7 : memref<64x768xf32, #tpu.memory_space<vmem>>) target(%dma_start3A_28 : memref<12288x768xf32, #tpu.memory_space<hbm>>) offsets(%arg5 : memref<64xi32, #tpu.memory_space<vmem>>) semaphore(%arg11 : memref<!tpu.dma_semaphore, #tpu.memory_space<semaphore_mem>>)
    %dma_wait3A_29 = arith.constant 0 : i32
    %dma_wait3A_30 = tpu.memref_slice %arg2[%add3A_16, %dma_wait3A_29] : memref<2048x768xf32, #tpu.memory_space<hbm>> -> memref<64x768xf32, #tpu.memory_space<hbm>>
    %dma_wait3A_31 = arith.constant 0 : i32
    %dma_wait3A_32 = tpu.memref_slice %arg2[%add3A_16, %dma_wait3A_31] : memref<2048x768xf32, #tpu.memory_space<hbm>> -> memref<64x768xf32, #tpu.memory_space<hbm>>
    tpu.wait_dma2 semaphore(%arg10 : memref<!tpu.dma_semaphore, #tpu.memory_space<semaphore_mem>>) src(%dma_wait3A_32 : memref<64x768xf32, #tpu.memory_space<hbm>>) dst(%arg8 : memref<64x768xf32, #tpu.memory_space<vmem>>)
    %dma_start3A_33 = arith.constant 0 : i32
    %dma_start3A_34 = arith.constant 0 : i32
    %dma_start3A_35 = tpu.memref_slice %arg4[%dma_start3A_33, %dma_start3A_34] : memref<12288x768xf32, #tpu.memory_space<hbm>> -> memref<12288x768xf32, #tpu.memory_space<hbm>>
    tpu.enqueue_indirect_dma source(%arg8 : memref<64x768xf32, #tpu.memory_space<vmem>>) target(%dma_start3A_35 : memref<12288x768xf32, #tpu.memory_space<hbm>>) offsets(%arg6 : memref<64xi32, #tpu.memory_space<vmem>>) semaphore(%arg12 : memref<!tpu.dma_semaphore, #tpu.memory_space<semaphore_mem>>)
    %dma_wait3A_36 = arith.constant 0 : i32
    %dma_wait3A_37 = arith.constant 0 : i32
    %dma_wait3A_38 = tpu.memref_slice %arg4[%dma_wait3A_36, %dma_wait3A_37] : memref<12288x768xf32, #tpu.memory_space<hbm>> -> memref<12288x768xf32, #tpu.memory_space<hbm>>
    tpu.wait_indirect_dma semaphore(%arg11 : memref<!tpu.dma_semaphore, #tpu.memory_space<semaphore_mem>>) src(%arg7 : memref<64x768xf32, #tpu.memory_space<vmem>>) dst(%dma_wait3A_38 : memref<12288x768xf32, #tpu.memory_space<hbm>>)
    %dma_wait3A_39 = arith.constant 0 : i32
    %dma_wait3A_40 = arith.constant 0 : i32
    %dma_wait3A_41 = tpu.memref_slice %arg4[%dma_wait3A_39, %dma_wait3A_40] : memref<12288x768xf32, #tpu.memory_space<hbm>> -> memref<12288x768xf32, #tpu.memory_space<hbm>>
    tpu.wait_indirect_dma semaphore(%arg12 : memref<!tpu.dma_semaphore, #tpu.memory_space<semaphore_mem>>) src(%arg8 : memref<64x768xf32, #tpu.memory_space<vmem>>) dst(%dma_wait3A_41 : memref<12288x768xf32, #tpu.memory_space<hbm>>)
    return
  }
}

#map = affine_map<(d0, d1) -> (0, 0)>
#map1 = affine_map<(d0, d1) -> (0)>
module attributes {stable_mosaic.version = 14 : i64} {
  func.func @sc_combine(%arg0: i32, %arg1: i32, %arg2: memref<12288x768xf32, #tpu.memory_space<hbm>>, %arg3: memref<4096xi32, #tpu.memory_space<hbm>>, %arg4: memref<4096x16xf32, #tpu.memory_space<hbm>>, %arg5: memref<2048x768xf32, #tpu.memory_space<hbm>>, %arg6: memref<32xi32, #tpu.memory_space<vmem>>, %arg7: memref<32xi32, #tpu.memory_space<vmem>>, %arg8: memref<32xi32, #tpu.memory_space<vmem>>, %arg9: memref<32xi32, #tpu.memory_space<vmem>>, %arg10: memref<32x16xf32, #tpu.memory_space<vmem>>, %arg11: memref<32x16xf32, #tpu.memory_space<vmem>>, %arg12: memref<32x16xf32, #tpu.memory_space<vmem>>, %arg13: memref<32x16xf32, #tpu.memory_space<vmem>>, %arg14: memref<32x768xf32, #tpu.memory_space<vmem>>, %arg15: memref<32x768xf32, #tpu.memory_space<vmem>>, %arg16: memref<32x768xf32, #tpu.memory_space<vmem>>, %arg17: memref<32x768xf32, #tpu.memory_space<vmem>>, %arg18: memref<!tpu.dma_semaphore, #tpu.memory_space<semaphore_mem>>, %arg19: memref<!tpu.dma_semaphore, #tpu.memory_space<semaphore_mem>>, %arg20: memref<!tpu.dma_semaphore, #tpu.memory_space<semaphore_mem>>, %arg21: memref<!tpu.dma_semaphore, #tpu.memory_space<semaphore_mem>>) attributes {dimension_semantics = [#tpu.dimension_semantics<core_parallel>, #tpu.dimension_semantics<subcore_parallel>], iteration_bounds = array<i64: 2, 16>, scalar_prefetch = 0 : i64, scratch_operands = 16 : i64, tpu.core_type = #tpu.core_type<sc_vector_subcore>, window_params = [{transform_indices = #map}, {transform_indices = #map1}, {transform_indices = #map}, {transform_indices = #map}]} {
    %mul3A = arith.constant 2 : i32
    %mul3A_0 = arith.muli %arg1, %mul3A : i32
    %add3A = arith.addi %mul3A_0, %arg0 : i32
    %mul3A_1 = arith.constant 64 : i32
    %mul3A_2 = arith.muli %add3A, %mul3A_1 : i32
    %add3A_3 = arith.constant 32 : i32
    %add3A_4 = arith.addi %mul3A_2, %add3A_3 : i32
    "tpu.region"() ({
      %run_scoped3A = tpu.sem_alloc : memref<!tpu.dma_semaphore, #tpu.memory_space<semaphore_mem>>
      %dma_start3A_46 = tpu.memref_slice %arg3[%mul3A_2] : memref<4096xi32, #tpu.memory_space<hbm>> -> memref<32xi32, #tpu.memory_space<hbm>>
      %dma_start3A_47 = tpu.memref_slice %arg3[%mul3A_2] : memref<4096xi32, #tpu.memory_space<hbm>> -> memref<32xi32, #tpu.memory_space<hbm>>
      tpu.enqueue_dma source(%dma_start3A_47 : memref<32xi32, #tpu.memory_space<hbm>>) target(%arg6 : memref<32xi32, #tpu.memory_space<vmem>>) target_semaphore(%run_scoped3A : memref<!tpu.dma_semaphore, #tpu.memory_space<semaphore_mem>>)
      %dma_wait3A_48 = tpu.memref_slice %arg3[%mul3A_2] : memref<4096xi32, #tpu.memory_space<hbm>> -> memref<32xi32, #tpu.memory_space<hbm>>
      %dma_wait3A_49 = tpu.memref_slice %arg3[%mul3A_2] : memref<4096xi32, #tpu.memory_space<hbm>> -> memref<32xi32, #tpu.memory_space<hbm>>
      tpu.wait_dma2 semaphore(%run_scoped3A : memref<!tpu.dma_semaphore, #tpu.memory_space<semaphore_mem>>) src(%dma_wait3A_49 : memref<32xi32, #tpu.memory_space<hbm>>) dst(%arg6 : memref<32xi32, #tpu.memory_space<vmem>>)
      tpu.yield
    }) : () -> ()
    %add3A_5 = arith.constant 2048 : i32
    %add3A_6 = arith.addi %add3A_5, %mul3A_2 : i32
    "tpu.region"() ({
      %run_scoped3A = tpu.sem_alloc : memref<!tpu.dma_semaphore, #tpu.memory_space<semaphore_mem>>
      %dma_start3A_46 = tpu.memref_slice %arg3[%add3A_6] : memref<4096xi32, #tpu.memory_space<hbm>> -> memref<32xi32, #tpu.memory_space<hbm>>
      %dma_start3A_47 = tpu.memref_slice %arg3[%add3A_6] : memref<4096xi32, #tpu.memory_space<hbm>> -> memref<32xi32, #tpu.memory_space<hbm>>
      tpu.enqueue_dma source(%dma_start3A_47 : memref<32xi32, #tpu.memory_space<hbm>>) target(%arg7 : memref<32xi32, #tpu.memory_space<vmem>>) target_semaphore(%run_scoped3A : memref<!tpu.dma_semaphore, #tpu.memory_space<semaphore_mem>>)
      %dma_wait3A_48 = tpu.memref_slice %arg3[%add3A_6] : memref<4096xi32, #tpu.memory_space<hbm>> -> memref<32xi32, #tpu.memory_space<hbm>>
      %dma_wait3A_49 = tpu.memref_slice %arg3[%add3A_6] : memref<4096xi32, #tpu.memory_space<hbm>> -> memref<32xi32, #tpu.memory_space<hbm>>
      tpu.wait_dma2 semaphore(%run_scoped3A : memref<!tpu.dma_semaphore, #tpu.memory_space<semaphore_mem>>) src(%dma_wait3A_49 : memref<32xi32, #tpu.memory_space<hbm>>) dst(%arg7 : memref<32xi32, #tpu.memory_space<vmem>>)
      tpu.yield
    }) : () -> ()
    %dma_start3A = arith.constant 0 : i32
    %dma_start3A_7 = arith.constant 0 : i32
    %dma_start3A_8 = tpu.memref_slice %arg2[%dma_start3A, %dma_start3A_7] : memref<12288x768xf32, #tpu.memory_space<hbm>> -> memref<12288x768xf32, #tpu.memory_space<hbm>>
    tpu.enqueue_indirect_dma source(%dma_start3A_8 : memref<12288x768xf32, #tpu.memory_space<hbm>>) target(%arg14 : memref<32x768xf32, #tpu.memory_space<vmem>>) offsets(%arg6 : memref<32xi32, #tpu.memory_space<vmem>>) semaphore(%arg18 : memref<!tpu.dma_semaphore, #tpu.memory_space<semaphore_mem>>)
    %dma_start3A_9 = arith.constant 0 : i32
    %dma_start3A_10 = arith.constant 0 : i32
    %dma_start3A_11 = tpu.memref_slice %arg2[%dma_start3A_9, %dma_start3A_10] : memref<12288x768xf32, #tpu.memory_space<hbm>> -> memref<12288x768xf32, #tpu.memory_space<hbm>>
    tpu.enqueue_indirect_dma source(%dma_start3A_11 : memref<12288x768xf32, #tpu.memory_space<hbm>>) target(%arg15 : memref<32x768xf32, #tpu.memory_space<vmem>>) offsets(%arg7 : memref<32xi32, #tpu.memory_space<vmem>>) semaphore(%arg19 : memref<!tpu.dma_semaphore, #tpu.memory_space<semaphore_mem>>)
    "tpu.region"() ({
      %run_scoped3A = tpu.sem_alloc : memref<!tpu.dma_semaphore, #tpu.memory_space<semaphore_mem>>
      %dma_start3A_46 = tpu.memref_slice %arg3[%add3A_4] : memref<4096xi32, #tpu.memory_space<hbm>> -> memref<32xi32, #tpu.memory_space<hbm>>
      %dma_start3A_47 = tpu.memref_slice %arg3[%add3A_4] : memref<4096xi32, #tpu.memory_space<hbm>> -> memref<32xi32, #tpu.memory_space<hbm>>
      tpu.enqueue_dma source(%dma_start3A_47 : memref<32xi32, #tpu.memory_space<hbm>>) target(%arg8 : memref<32xi32, #tpu.memory_space<vmem>>) target_semaphore(%run_scoped3A : memref<!tpu.dma_semaphore, #tpu.memory_space<semaphore_mem>>)
      %dma_wait3A_48 = tpu.memref_slice %arg3[%add3A_4] : memref<4096xi32, #tpu.memory_space<hbm>> -> memref<32xi32, #tpu.memory_space<hbm>>
      %dma_wait3A_49 = tpu.memref_slice %arg3[%add3A_4] : memref<4096xi32, #tpu.memory_space<hbm>> -> memref<32xi32, #tpu.memory_space<hbm>>
      tpu.wait_dma2 semaphore(%run_scoped3A : memref<!tpu.dma_semaphore, #tpu.memory_space<semaphore_mem>>) src(%dma_wait3A_49 : memref<32xi32, #tpu.memory_space<hbm>>) dst(%arg8 : memref<32xi32, #tpu.memory_space<vmem>>)
      tpu.yield
    }) : () -> ()
    %add3A_12 = arith.constant 2048 : i32
    %add3A_13 = arith.addi %add3A_12, %add3A_4 : i32
    "tpu.region"() ({
      %run_scoped3A = tpu.sem_alloc : memref<!tpu.dma_semaphore, #tpu.memory_space<semaphore_mem>>
      %dma_start3A_46 = tpu.memref_slice %arg3[%add3A_13] : memref<4096xi32, #tpu.memory_space<hbm>> -> memref<32xi32, #tpu.memory_space<hbm>>
      %dma_start3A_47 = tpu.memref_slice %arg3[%add3A_13] : memref<4096xi32, #tpu.memory_space<hbm>> -> memref<32xi32, #tpu.memory_space<hbm>>
      tpu.enqueue_dma source(%dma_start3A_47 : memref<32xi32, #tpu.memory_space<hbm>>) target(%arg9 : memref<32xi32, #tpu.memory_space<vmem>>) target_semaphore(%run_scoped3A : memref<!tpu.dma_semaphore, #tpu.memory_space<semaphore_mem>>)
      %dma_wait3A_48 = tpu.memref_slice %arg3[%add3A_13] : memref<4096xi32, #tpu.memory_space<hbm>> -> memref<32xi32, #tpu.memory_space<hbm>>
      %dma_wait3A_49 = tpu.memref_slice %arg3[%add3A_13] : memref<4096xi32, #tpu.memory_space<hbm>> -> memref<32xi32, #tpu.memory_space<hbm>>
      tpu.wait_dma2 semaphore(%run_scoped3A : memref<!tpu.dma_semaphore, #tpu.memory_space<semaphore_mem>>) src(%dma_wait3A_49 : memref<32xi32, #tpu.memory_space<hbm>>) dst(%arg9 : memref<32xi32, #tpu.memory_space<vmem>>)
      tpu.yield
    }) : () -> ()
    %dma_start3A_14 = arith.constant 0 : i32
    %dma_start3A_15 = arith.constant 0 : i32
    %dma_start3A_16 = tpu.memref_slice %arg2[%dma_start3A_14, %dma_start3A_15] : memref<12288x768xf32, #tpu.memory_space<hbm>> -> memref<12288x768xf32, #tpu.memory_space<hbm>>
    tpu.enqueue_indirect_dma source(%dma_start3A_16 : memref<12288x768xf32, #tpu.memory_space<hbm>>) target(%arg16 : memref<32x768xf32, #tpu.memory_space<vmem>>) offsets(%arg8 : memref<32xi32, #tpu.memory_space<vmem>>) semaphore(%arg20 : memref<!tpu.dma_semaphore, #tpu.memory_space<semaphore_mem>>)
    %dma_start3A_17 = arith.constant 0 : i32
    %dma_start3A_18 = arith.constant 0 : i32
    %dma_start3A_19 = tpu.memref_slice %arg2[%dma_start3A_17, %dma_start3A_18] : memref<12288x768xf32, #tpu.memory_space<hbm>> -> memref<12288x768xf32, #tpu.memory_space<hbm>>
    tpu.enqueue_indirect_dma source(%dma_start3A_19 : memref<12288x768xf32, #tpu.memory_space<hbm>>) target(%arg17 : memref<32x768xf32, #tpu.memory_space<vmem>>) offsets(%arg9 : memref<32xi32, #tpu.memory_space<vmem>>) semaphore(%arg21 : memref<!tpu.dma_semaphore, #tpu.memory_space<semaphore_mem>>)
    "tpu.region"() ({
      %run_scoped3A = tpu.sem_alloc : memref<!tpu.dma_semaphore, #tpu.memory_space<semaphore_mem>>
      %dma_start3A_46 = arith.constant 0 : i32
      %dma_start3A_47 = tpu.memref_slice %arg4[%mul3A_2, %dma_start3A_46] : memref<4096x16xf32, #tpu.memory_space<hbm>> -> memref<32x16xf32, #tpu.memory_space<hbm>>
      %dma_start3A_48 = arith.constant 0 : i32
      %dma_start3A_49 = tpu.memref_slice %arg4[%mul3A_2, %dma_start3A_48] : memref<4096x16xf32, #tpu.memory_space<hbm>> -> memref<32x16xf32, #tpu.memory_space<hbm>>
      tpu.enqueue_dma source(%dma_start3A_49 : memref<32x16xf32, #tpu.memory_space<hbm>>) target(%arg10 : memref<32x16xf32, #tpu.memory_space<vmem>>) target_semaphore(%run_scoped3A : memref<!tpu.dma_semaphore, #tpu.memory_space<semaphore_mem>>)
      %dma_wait3A_50 = arith.constant 0 : i32
      %dma_wait3A_51 = tpu.memref_slice %arg4[%mul3A_2, %dma_wait3A_50] : memref<4096x16xf32, #tpu.memory_space<hbm>> -> memref<32x16xf32, #tpu.memory_space<hbm>>
      %dma_wait3A_52 = arith.constant 0 : i32
      %dma_wait3A_53 = tpu.memref_slice %arg4[%mul3A_2, %dma_wait3A_52] : memref<4096x16xf32, #tpu.memory_space<hbm>> -> memref<32x16xf32, #tpu.memory_space<hbm>>
      tpu.wait_dma2 semaphore(%run_scoped3A : memref<!tpu.dma_semaphore, #tpu.memory_space<semaphore_mem>>) src(%dma_wait3A_53 : memref<32x16xf32, #tpu.memory_space<hbm>>) dst(%arg10 : memref<32x16xf32, #tpu.memory_space<vmem>>)
      tpu.yield
    }) : () -> ()
    %add3A_20 = arith.constant 2048 : i32
    %add3A_21 = arith.addi %add3A_20, %mul3A_2 : i32
    "tpu.region"() ({
      %run_scoped3A = tpu.sem_alloc : memref<!tpu.dma_semaphore, #tpu.memory_space<semaphore_mem>>
      %dma_start3A_46 = arith.constant 0 : i32
      %dma_start3A_47 = tpu.memref_slice %arg4[%add3A_21, %dma_start3A_46] : memref<4096x16xf32, #tpu.memory_space<hbm>> -> memref<32x16xf32, #tpu.memory_space<hbm>>
      %dma_start3A_48 = arith.constant 0 : i32
      %dma_start3A_49 = tpu.memref_slice %arg4[%add3A_21, %dma_start3A_48] : memref<4096x16xf32, #tpu.memory_space<hbm>> -> memref<32x16xf32, #tpu.memory_space<hbm>>
      tpu.enqueue_dma source(%dma_start3A_49 : memref<32x16xf32, #tpu.memory_space<hbm>>) target(%arg11 : memref<32x16xf32, #tpu.memory_space<vmem>>) target_semaphore(%run_scoped3A : memref<!tpu.dma_semaphore, #tpu.memory_space<semaphore_mem>>)
      %dma_wait3A_50 = arith.constant 0 : i32
      %dma_wait3A_51 = tpu.memref_slice %arg4[%add3A_21, %dma_wait3A_50] : memref<4096x16xf32, #tpu.memory_space<hbm>> -> memref<32x16xf32, #tpu.memory_space<hbm>>
      %dma_wait3A_52 = arith.constant 0 : i32
      %dma_wait3A_53 = tpu.memref_slice %arg4[%add3A_21, %dma_wait3A_52] : memref<4096x16xf32, #tpu.memory_space<hbm>> -> memref<32x16xf32, #tpu.memory_space<hbm>>
      tpu.wait_dma2 semaphore(%run_scoped3A : memref<!tpu.dma_semaphore, #tpu.memory_space<semaphore_mem>>) src(%dma_wait3A_53 : memref<32x16xf32, #tpu.memory_space<hbm>>) dst(%arg11 : memref<32x16xf32, #tpu.memory_space<vmem>>)
      tpu.yield
    }) : () -> ()
    "tpu.region"() ({
      %run_scoped3A = tpu.sem_alloc : memref<!tpu.dma_semaphore, #tpu.memory_space<semaphore_mem>>
      %dma_start3A_46 = arith.constant 0 : i32
      %dma_start3A_47 = tpu.memref_slice %arg4[%add3A_4, %dma_start3A_46] : memref<4096x16xf32, #tpu.memory_space<hbm>> -> memref<32x16xf32, #tpu.memory_space<hbm>>
      %dma_start3A_48 = arith.constant 0 : i32
      %dma_start3A_49 = tpu.memref_slice %arg4[%add3A_4, %dma_start3A_48] : memref<4096x16xf32, #tpu.memory_space<hbm>> -> memref<32x16xf32, #tpu.memory_space<hbm>>
      tpu.enqueue_dma source(%dma_start3A_49 : memref<32x16xf32, #tpu.memory_space<hbm>>) target(%arg12 : memref<32x16xf32, #tpu.memory_space<vmem>>) target_semaphore(%run_scoped3A : memref<!tpu.dma_semaphore, #tpu.memory_space<semaphore_mem>>)
      %dma_wait3A_50 = arith.constant 0 : i32
      %dma_wait3A_51 = tpu.memref_slice %arg4[%add3A_4, %dma_wait3A_50] : memref<4096x16xf32, #tpu.memory_space<hbm>> -> memref<32x16xf32, #tpu.memory_space<hbm>>
      %dma_wait3A_52 = arith.constant 0 : i32
      %dma_wait3A_53 = tpu.memref_slice %arg4[%add3A_4, %dma_wait3A_52] : memref<4096x16xf32, #tpu.memory_space<hbm>> -> memref<32x16xf32, #tpu.memory_space<hbm>>
      tpu.wait_dma2 semaphore(%run_scoped3A : memref<!tpu.dma_semaphore, #tpu.memory_space<semaphore_mem>>) src(%dma_wait3A_53 : memref<32x16xf32, #tpu.memory_space<hbm>>) dst(%arg12 : memref<32x16xf32, #tpu.memory_space<vmem>>)
      tpu.yield
    }) : () -> ()
    %add3A_22 = arith.constant 2048 : i32
    %add3A_23 = arith.addi %add3A_22, %add3A_4 : i32
    "tpu.region"() ({
      %run_scoped3A = tpu.sem_alloc : memref<!tpu.dma_semaphore, #tpu.memory_space<semaphore_mem>>
      %dma_start3A_46 = arith.constant 0 : i32
      %dma_start3A_47 = tpu.memref_slice %arg4[%add3A_23, %dma_start3A_46] : memref<4096x16xf32, #tpu.memory_space<hbm>> -> memref<32x16xf32, #tpu.memory_space<hbm>>
      %dma_start3A_48 = arith.constant 0 : i32
      %dma_start3A_49 = tpu.memref_slice %arg4[%add3A_23, %dma_start3A_48] : memref<4096x16xf32, #tpu.memory_space<hbm>> -> memref<32x16xf32, #tpu.memory_space<hbm>>
      tpu.enqueue_dma source(%dma_start3A_49 : memref<32x16xf32, #tpu.memory_space<hbm>>) target(%arg13 : memref<32x16xf32, #tpu.memory_space<vmem>>) target_semaphore(%run_scoped3A : memref<!tpu.dma_semaphore, #tpu.memory_space<semaphore_mem>>)
      %dma_wait3A_50 = arith.constant 0 : i32
      %dma_wait3A_51 = tpu.memref_slice %arg4[%add3A_23, %dma_wait3A_50] : memref<4096x16xf32, #tpu.memory_space<hbm>> -> memref<32x16xf32, #tpu.memory_space<hbm>>
      %dma_wait3A_52 = arith.constant 0 : i32
      %dma_wait3A_53 = tpu.memref_slice %arg4[%add3A_23, %dma_wait3A_52] : memref<4096x16xf32, #tpu.memory_space<hbm>> -> memref<32x16xf32, #tpu.memory_space<hbm>>
      tpu.wait_dma2 semaphore(%run_scoped3A : memref<!tpu.dma_semaphore, #tpu.memory_space<semaphore_mem>>) src(%dma_wait3A_53 : memref<32x16xf32, #tpu.memory_space<hbm>>) dst(%arg13 : memref<32x16xf32, #tpu.memory_space<vmem>>)
      tpu.yield
    }) : () -> ()
    %dma_wait3A = arith.constant 0 : i32
    %dma_wait3A_24 = arith.constant 0 : i32
    %dma_wait3A_25 = tpu.memref_slice %arg2[%dma_wait3A, %dma_wait3A_24] : memref<12288x768xf32, #tpu.memory_space<hbm>> -> memref<12288x768xf32, #tpu.memory_space<hbm>>
    tpu.wait_indirect_dma semaphore(%arg18 : memref<!tpu.dma_semaphore, #tpu.memory_space<semaphore_mem>>) src(%dma_wait3A_25 : memref<12288x768xf32, #tpu.memory_space<hbm>>) dst(%arg14 : memref<32x768xf32, #tpu.memory_space<vmem>>)
    %dma_wait3A_26 = arith.constant 0 : i32
    %dma_wait3A_27 = arith.constant 0 : i32
    %dma_wait3A_28 = tpu.memref_slice %arg2[%dma_wait3A_26, %dma_wait3A_27] : memref<12288x768xf32, #tpu.memory_space<hbm>> -> memref<12288x768xf32, #tpu.memory_space<hbm>>
    tpu.wait_indirect_dma semaphore(%arg19 : memref<!tpu.dma_semaphore, #tpu.memory_space<semaphore_mem>>) src(%dma_wait3A_28 : memref<12288x768xf32, #tpu.memory_space<hbm>>) dst(%arg15 : memref<32x768xf32, #tpu.memory_space<vmem>>)
    %scan3A = arith.constant 0 : i32
    %scan3A_29 = arith.constant 0 : i32
    %scan3A_30 = arith.constant 32 : i32
    %scan3A_31 = arith.addi %scan3A_29, %scan3A_30 : i32
    %scan3A_32 = arith.constant 1 : i32
    scf.for %scan3A_46 = %scan3A_29 to %scan3A_31 step %scan3A_32  : i32 {
      %get3A = arith.index_cast %scan3A_46 : i32 to index
      %get3A_47 = arith.constant 0 : index
      %get3A_48 = tpu.vector_load %arg10[%get3A, %get3A_47] {strides = array<i32>} : memref<32x16xf32, #tpu.memory_space<vmem>>, vector<1x16xf32>,
      %get3A_49 = vector.shape_cast %get3A_48 : vector<1x16xf32> to vector<16xf32>
      %get3A_50 = arith.index_cast %scan3A_46 : i32 to index
      %get3A_51 = arith.constant 0 : index
      %get3A_52 = tpu.vector_load %arg11[%get3A_50, %get3A_51] {strides = array<i32>} : memref<32x16xf32, #tpu.memory_space<vmem>>, vector<1x16xf32>,
      %get3A_53 = vector.shape_cast %get3A_52 : vector<1x16xf32> to vector<16xf32>
      %get3A_54 = arith.index_cast %scan3A_46 : i32 to index
      %get3A_55 = arith.constant 0 : index
      %get3A_56 = tpu.vector_load %arg14[%get3A_54, %get3A_55] {strides = array<i32>} : memref<32x768xf32, #tpu.memory_space<vmem>>, vector<1x16xf32>,
      %get3A_57 = vector.shape_cast %get3A_56 : vector<1x16xf32> to vector<16xf32>
      %mul3A_58 = arith.mulf %get3A_49, %get3A_57 : vector<16xf32>
      %get3A_59 = arith.index_cast %scan3A_46 : i32 to index
      %get3A_60 = arith.constant 0 : index
      %get3A_61 = tpu.vector_load %arg15[%get3A_59, %get3A_60] {strides = array<i32>} : memref<32x768xf32, #tpu.memory_space<vmem>>, vector<1x16xf32>,
      %get3A_62 = vector.shape_cast %get3A_61 : vector<1x16xf32> to vector<16xf32>
      %mul3A_63 = arith.mulf %get3A_53, %get3A_62 : vector<16xf32>
      %add3A_64 = arith.addf %mul3A_58, %mul3A_63 : vector<16xf32>
      %swap3A = arith.index_cast %scan3A_46 : i32 to index
      %swap3A_65 = arith.constant 0 : index
      %swap3A_66 = tpu.vector_load %arg14[%swap3A, %swap3A_65] {strides = array<i32>} : memref<32x768xf32, #tpu.memory_space<vmem>>, vector<1x16xf32>,
      %swap3A_67 = vector.shape_cast %swap3A_66 : vector<1x16xf32> to vector<16xf32>
      %swap3A_68 = vector.shape_cast %add3A_64 : vector<16xf32> to vector<1x16xf32>
      tpu.vector_store %arg14[%swap3A, %swap3A_65], %swap3A_68 {strides = array<i32>} : memref<32x768xf32, #tpu.memory_space<vmem>>, vector<1x16xf32>,
      %get3A_69 = arith.index_cast %scan3A_46 : i32 to index
      %get3A_70 = arith.constant 16 : index
      %get3A_71 = tpu.vector_load %arg14[%get3A_69, %get3A_70] {strides = array<i32>} : memref<32x768xf32, #tpu.memory_space<vmem>>, vector<1x16xf32>,
      %get3A_72 = vector.shape_cast %get3A_71 : vector<1x16xf32> to vector<16xf32>
      %mul3A_73 = arith.mulf %get3A_49, %get3A_72 : vector<16xf32>
      %get3A_74 = arith.index_cast %scan3A_46 : i32 to index
      %get3A_75 = arith.constant 16 : index
      %get3A_76 = tpu.vector_load %arg15[%get3A_74, %get3A_75] {strides = array<i32>} : memref<32x768xf32, #tpu.memory_space<vmem>>, vector<1x16xf32>,
      %get3A_77 = vector.shape_cast %get3A_76 : vector<1x16xf32> to vector<16xf32>
      %mul3A_78 = arith.mulf %get3A_53, %get3A_77 : vector<16xf32>
      %add3A_79 = arith.addf %mul3A_73, %mul3A_78 : vector<16xf32>
      %swap3A_80 = arith.index_cast %scan3A_46 : i32 to index
      %swap3A_81 = arith.constant 16 : index
      %swap3A_82 = tpu.vector_load %arg14[%swap3A_80, %swap3A_81] {strides = array<i32>} : memref<32x768xf32, #tpu.memory_space<vmem>>, vector<1x16xf32>,
      %swap3A_83 = vector.shape_cast %swap3A_82 : vector<1x16xf32> to vector<16xf32>
      %swap3A_84 = vector.shape_cast %add3A_79 : vector<16xf32> to vector<1x16xf32>
      tpu.vector_store %arg14[%swap3A_80, %swap3A_81], %swap3A_84 {strides = array<i32>} : memref<32x768xf32, #tpu.memory_space<vmem>>, vector<1x16xf32>,
      %get3A_85 = arith.index_cast %scan3A_46 : i32 to index
      %get3A_86 = arith.constant 32 : index
      %get3A_87 = tpu.vector_load %arg14[%get3A_85, %get3A_86] {strides = array<i32>} : memref<32x768xf32, #tpu.memory_space<vmem>>, vector<1x16xf32>,
      %get3A_88 = vector.shape_cast %get3A_87 : vector<1x16xf32> to vector<16xf32>
      %mul3A_89 = arith.mulf %get3A_49, %get3A_88 : vector<16xf32>
      %get3A_90 = arith.index_cast %scan3A_46 : i32 to index
      %get3A_91 = arith.constant 32 : index
      %get3A_92 = tpu.vector_load %arg15[%get3A_90, %get3A_91] {strides = array<i32>} : memref<32x768xf32, #tpu.memory_space<vmem>>, vector<1x16xf32>,
      %get3A_93 = vector.shape_cast %get3A_92 : vector<1x16xf32> to vector<16xf32>
      %mul3A_94 = arith.mulf %get3A_53, %get3A_93 : vector<16xf32>
      %add3A_95 = arith.addf %mul3A_89, %mul3A_94 : vector<16xf32>
      %swap3A_96 = arith.index_cast %scan3A_46 : i32 to index
      %swap3A_97 = arith.constant 32 : index
      %swap3A_98 = tpu.vector_load %arg14[%swap3A_96, %swap3A_97] {strides = array<i32>} : memref<32x768xf32, #tpu.memory_space<vmem>>, vector<1x16xf32>,
      %swap3A_99 = vector.shape_cast %swap3A_98 : vector<1x16xf32> to vector<16xf32>
      %swap3A_100 = vector.shape_cast %add3A_95 : vector<16xf32> to vector<1x16xf32>
      tpu.vector_store %arg14[%swap3A_96, %swap3A_97], %swap3A_100 {strides = array<i32>} : memref<32x768xf32, #tpu.memory_space<vmem>>, vector<1x16xf32>,
      %get3A_101 = arith.index_cast %scan3A_46 : i32 to index
      %get3A_102 = arith.constant 48 : index
      %get3A_103 = tpu.vector_load %arg14[%get3A_101, %get3A_102] {strides = array<i32>} : memref<32x768xf32, #tpu.memory_space<vmem>>, vector<1x16xf32>,
      %get3A_104 = vector.shape_cast %get3A_103 : vector<1x16xf32> to vector<16xf32>
      %mul3A_105 = arith.mulf %get3A_49, %get3A_104 : vector<16xf32>
      %get3A_106 = arith.index_cast %scan3A_46 : i32 to index
      %get3A_107 = arith.constant 48 : index
      %get3A_108 = tpu.vector_load %arg15[%get3A_106, %get3A_107] {strides = array<i32>} : memref<32x768xf32, #tpu.memory_space<vmem>>, vector<1x16xf32>,
      %get3A_109 = vector.shape_cast %get3A_108 : vector<1x16xf32> to vector<16xf32>
      %mul3A_110 = arith.mulf %get3A_53, %get3A_109 : vector<16xf32>
      %add3A_111 = arith.addf %mul3A_105, %mul3A_110 : vector<16xf32>
      %swap3A_112 = arith.index_cast %scan3A_46 : i32 to index
      %swap3A_113 = arith.constant 48 : index
      %swap3A_114 = tpu.vector_load %arg14[%swap3A_112, %swap3A_113] {strides = array<i32>} : memref<32x768xf32, #tpu.memory_space<vmem>>, vector<1x16xf32>,
      %swap3A_115 = vector.shape_cast %swap3A_114 : vector<1x16xf32> to vector<16xf32>
      %swap3A_116 = vector.shape_cast %add3A_111 : vector<16xf32> to vector<1x16xf32>
      tpu.vector_store %arg14[%swap3A_112, %swap3A_113], %swap3A_116 {strides = array<i32>} : memref<32x768xf32, #tpu.memory_space<vmem>>, vector<1x16xf32>,
      %get3A_117 = arith.index_cast %scan3A_46 : i32 to index
      %get3A_118 = arith.constant 64 : index
      %get3A_119 = tpu.vector_load %arg14[%get3A_117, %get3A_118] {strides = array<i32>} : memref<32x768xf32, #tpu.memory_space<vmem>>, vector<1x16xf32>,
      %get3A_120 = vector.shape_cast %get3A_119 : vector<1x16xf32> to vector<16xf32>
      %mul3A_121 = arith.mulf %get3A_49, %get3A_120 : vector<16xf32>
      %get3A_122 = arith.index_cast %scan3A_46 : i32 to index
      %get3A_123 = arith.constant 64 : index
      %get3A_124 = tpu.vector_load %arg15[%get3A_122, %get3A_123] {strides = array<i32>} : memref<32x768xf32, #tpu.memory_space<vmem>>, vector<1x16xf32>,
      %get3A_125 = vector.shape_cast %get3A_124 : vector<1x16xf32> to vector<16xf32>
      %mul3A_126 = arith.mulf %get3A_53, %get3A_125 : vector<16xf32>
      %add3A_127 = arith.addf %mul3A_121, %mul3A_126 : vector<16xf32>
      %swap3A_128 = arith.index_cast %scan3A_46 : i32 to index
      %swap3A_129 = arith.constant 64 : index
      %swap3A_130 = tpu.vector_load %arg14[%swap3A_128, %swap3A_129] {strides = array<i32>} : memref<32x768xf32, #tpu.memory_space<vmem>>, vector<1x16xf32>,
      %swap3A_131 = vector.shape_cast %swap3A_130 : vector<1x16xf32> to vector<16xf32>
      %swap3A_132 = vector.shape_cast %add3A_127 : vector<16xf32> to vector<1x16xf32>
      tpu.vector_store %arg14[%swap3A_128, %swap3A_129], %swap3A_132 {strides = array<i32>} : memref<32x768xf32, #tpu.memory_space<vmem>>, vector<1x16xf32>,
      %get3A_133 = arith.index_cast %scan3A_46 : i32 to index
      %get3A_134 = arith.constant 80 : index
      %get3A_135 = tpu.vector_load %arg14[%get3A_133, %get3A_134] {strides = array<i32>} : memref<32x768xf32, #tpu.memory_space<vmem>>, vector<1x16xf32>,
      %get3A_136 = vector.shape_cast %get3A_135 : vector<1x16xf32> to vector<16xf32>
      %mul3A_137 = arith.mulf %get3A_49, %get3A_136 : vector<16xf32>
      %get3A_138 = arith.index_cast %scan3A_46 : i32 to index
      %get3A_139 = arith.constant 80 : index
      %get3A_140 = tpu.vector_load %arg15[%get3A_138, %get3A_139] {strides = array<i32>} : memref<32x768xf32, #tpu.memory_space<vmem>>, vector<1x16xf32>,
      %get3A_141 = vector.shape_cast %get3A_140 : vector<1x16xf32> to vector<16xf32>
      %mul3A_142 = arith.mulf %get3A_53, %get3A_141 : vector<16xf32>
      %add3A_143 = arith.addf %mul3A_137, %mul3A_142 : vector<16xf32>
      %swap3A_144 = arith.index_cast %scan3A_46 : i32 to index
      %swap3A_145 = arith.constant 80 : index
      %swap3A_146 = tpu.vector_load %arg14[%swap3A_144, %swap3A_145] {strides = array<i32>} : memref<32x768xf32, #tpu.memory_space<vmem>>, vector<1x16xf32>,
      %swap3A_147 = vector.shape_cast %swap3A_146 : vector<1x16xf32> to vector<16xf32>
      %swap3A_148 = vector.shape_cast %add3A_143 : vector<16xf32> to vector<1x16xf32>
      tpu.vector_store %arg14[%swap3A_144, %swap3A_145], %swap3A_148 {strides = array<i32>} : memref<32x768xf32, #tpu.memory_space<vmem>>, vector<1x16xf32>,
      %get3A_149 = arith.index_cast %scan3A_46 : i32 to index
      %get3A_150 = arith.constant 96 : index
      %get3A_151 = tpu.vector_load %arg14[%get3A_149, %get3A_150] {strides = array<i32>} : memref<32x768xf32, #tpu.memory_space<vmem>>, vector<1x16xf32>,
      %get3A_152 = vector.shape_cast %get3A_151 : vector<1x16xf32> to vector<16xf32>
      %mul3A_153 = arith.mulf %get3A_49, %get3A_152 : vector<16xf32>
      %get3A_154 = arith.index_cast %scan3A_46 : i32 to index
      %get3A_155 = arith.constant 96 : index
      %get3A_156 = tpu.vector_load %arg15[%get3A_154, %get3A_155] {strides = array<i32>} : memref<32x768xf32, #tpu.memory_space<vmem>>, vector<1x16xf32>,
      %get3A_157 = vector.shape_cast %get3A_156 : vector<1x16xf32> to vector<16xf32>
      %mul3A_158 = arith.mulf %get3A_53, %get3A_157 : vector<16xf32>
      %add3A_159 = arith.addf %mul3A_153, %mul3A_158 : vector<16xf32>
      %swap3A_160 = arith.index_cast %scan3A_46 : i32 to index
      %swap3A_161 = arith.constant 96 : index
      %swap3A_162 = tpu.vector_load %arg14[%swap3A_160, %swap3A_161] {strides = array<i32>} : memref<32x768xf32, #tpu.memory_space<vmem>>, vector<1x16xf32>,
      %swap3A_163 = vector.shape_cast %swap3A_162 : vector<1x16xf32> to vector<16xf32>
      %swap3A_164 = vector.shape_cast %add3A_159 : vector<16xf32> to vector<1x16xf32>
      tpu.vector_store %arg14[%swap3A_160, %swap3A_161], %swap3A_164 {strides = array<i32>} : memref<32x768xf32, #tpu.memory_space<vmem>>, vector<1x16xf32>,
      %get3A_165 = arith.index_cast %scan3A_46 : i32 to index
      %get3A_166 = arith.constant 112 : index
      %get3A_167 = tpu.vector_load %arg14[%get3A_165, %get3A_166] {strides = array<i32>} : memref<32x768xf32, #tpu.memory_space<vmem>>, vector<1x16xf32>,
      %get3A_168 = vector.shape_cast %get3A_167 : vector<1x16xf32> to vector<16xf32>
      %mul3A_169 = arith.mulf %get3A_49, %get3A_168 : vector<16xf32>
      %get3A_170 = arith.index_cast %scan3A_46 : i32 to index
      %get3A_171 = arith.constant 112 : index
      %get3A_172 = tpu.vector_load %arg15[%get3A_170, %get3A_171] {strides = array<i32>} : memref<32x768xf32, #tpu.memory_space<vmem>>, vector<1x16xf32>,
      %get3A_173 = vector.shape_cast %get3A_172 : vector<1x16xf32> to vector<16xf32>
      %mul3A_174 = arith.mulf %get3A_53, %get3A_173 : vector<16xf32>
      %add3A_175 = arith.addf %mul3A_169, %mul3A_174 : vector<16xf32>
      %swap3A_176 = arith.index_cast %scan3A_46 : i32 to index
      %swap3A_177 = arith.constant 112 : index
      %swap3A_178 = tpu.vector_load %arg14[%swap3A_176, %swap3A_177] {strides = array<i32>} : memref<32x768xf32, #tpu.memory_space<vmem>>, vector<1x16xf32>,
      %swap3A_179 = vector.shape_cast %swap3A_178 : vector<1x16xf32> to vector<16xf32>
      %swap3A_180 = vector.shape_cast %add3A_175 : vector<16xf32> to vector<1x16xf32>
      tpu.vector_store %arg14[%swap3A_176, %swap3A_177], %swap3A_180 {strides = array<i32>} : memref<32x768xf32, #tpu.memory_space<vmem>>, vector<1x16xf32>,
      %get3A_181 = arith.index_cast %scan3A_46 : i32 to index
      %get3A_182 = arith.constant 128 : index
      %get3A_183 = tpu.vector_load %arg14[%get3A_181, %get3A_182] {strides = array<i32>} : memref<32x768xf32, #tpu.memory_space<vmem>>, vector<1x16xf32>,
      %get3A_184 = vector.shape_cast %get3A_183 : vector<1x16xf32> to vector<16xf32>
      %mul3A_185 = arith.mulf %get3A_49, %get3A_184 : vector<16xf32>
      %get3A_186 = arith.index_cast %scan3A_46 : i32 to index
      %get3A_187 = arith.constant 128 : index
      %get3A_188 = tpu.vector_load %arg15[%get3A_186, %get3A_187] {strides = array<i32>} : memref<32x768xf32, #tpu.memory_space<vmem>>, vector<1x16xf32>,
      %get3A_189 = vector.shape_cast %get3A_188 : vector<1x16xf32> to vector<16xf32>
      %mul3A_190 = arith.mulf %get3A_53, %get3A_189 : vector<16xf32>
      %add3A_191 = arith.addf %mul3A_185, %mul3A_190 : vector<16xf32>
      %swap3A_192 = arith.index_cast %scan3A_46 : i32 to index
      %swap3A_193 = arith.constant 128 : index
      %swap3A_194 = tpu.vector_load %arg14[%swap3A_192, %swap3A_193] {strides = array<i32>} : memref<32x768xf32, #tpu.memory_space<vmem>>, vector<1x16xf32>,
      %swap3A_195 = vector.shape_cast %swap3A_194 : vector<1x16xf32> to vector<16xf32>
      %swap3A_196 = vector.shape_cast %add3A_191 : vector<16xf32> to vector<1x16xf32>
      tpu.vector_store %arg14[%swap3A_192, %swap3A_193], %swap3A_196 {strides = array<i32>} : memref<32x768xf32, #tpu.memory_space<vmem>>, vector<1x16xf32>,
      %get3A_197 = arith.index_cast %scan3A_46 : i32 to index
      %get3A_198 = arith.constant 144 : index
      %get3A_199 = tpu.vector_load %arg14[%get3A_197, %get3A_198] {strides = array<i32>} : memref<32x768xf32, #tpu.memory_space<vmem>>, vector<1x16xf32>,
      %get3A_200 = vector.shape_cast %get3A_199 : vector<1x16xf32> to vector<16xf32>
      %mul3A_201 = arith.mulf %get3A_49, %get3A_200 : vector<16xf32>
      %get3A_202 = arith.index_cast %scan3A_46 : i32 to index
      %get3A_203 = arith.constant 144 : index
      %get3A_204 = tpu.vector_load %arg15[%get3A_202, %get3A_203] {strides = array<i32>} : memref<32x768xf32, #tpu.memory_space<vmem>>, vector<1x16xf32>,
      %get3A_205 = vector.shape_cast %get3A_204 : vector<1x16xf32> to vector<16xf32>
      %mul3A_206 = arith.mulf %get3A_53, %get3A_205 : vector<16xf32>
      %add3A_207 = arith.addf %mul3A_201, %mul3A_206 : vector<16xf32>
      %swap3A_208 = arith.index_cast %scan3A_46 : i32 to index
      %swap3A_209 = arith.constant 144 : index
      %swap3A_210 = tpu.vector_load %arg14[%swap3A_208, %swap3A_209] {strides = array<i32>} : memref<32x768xf32, #tpu.memory_space<vmem>>, vector<1x16xf32>,
      %swap3A_211 = vector.shape_cast %swap3A_210 : vector<1x16xf32> to vector<16xf32>
      %swap3A_212 = vector.shape_cast %add3A_207 : vector<16xf32> to vector<1x16xf32>
      tpu.vector_store %arg14[%swap3A_208, %swap3A_209], %swap3A_212 {strides = array<i32>} : memref<32x768xf32, #tpu.memory_space<vmem>>, vector<1x16xf32>,
      %get3A_213 = arith.index_cast %scan3A_46 : i32 to index
      %get3A_214 = arith.constant 160 : index
      %get3A_215 = tpu.vector_load %arg14[%get3A_213, %get3A_214] {strides = array<i32>} : memref<32x768xf32, #tpu.memory_space<vmem>>, vector<1x16xf32>,
      %get3A_216 = vector.shape_cast %get3A_215 : vector<1x16xf32> to vector<16xf32>
      %mul3A_217 = arith.mulf %get3A_49, %get3A_216 : vector<16xf32>
      %get3A_218 = arith.index_cast %scan3A_46 : i32 to index
      %get3A_219 = arith.constant 160 : index
      %get3A_220 = tpu.vector_load %arg15[%get3A_218, %get3A_219] {strides = array<i32>} : memref<32x768xf32, #tpu.memory_space<vmem>>, vector<1x16xf32>,
      %get3A_221 = vector.shape_cast %get3A_220 : vector<1x16xf32> to vector<16xf32>
      %mul3A_222 = arith.mulf %get3A_53, %get3A_221 : vector<16xf32>
      %add3A_223 = arith.addf %mul3A_217, %mul3A_222 : vector<16xf32>
      %swap3A_224 = arith.index_cast %scan3A_46 : i32 to index
      %swap3A_225 = arith.constant 160 : index
      %swap3A_226 = tpu.vector_load %arg14[%swap3A_224, %swap3A_225] {strides = array<i32>} : memref<32x768xf32, #tpu.memory_space<vmem>>, vector<1x16xf32>,
      %swap3A_227 = vector.shape_cast %swap3A_226 : vector<1x16xf32> to vector<16xf32>
      %swap3A_228 = vector.shape_cast %add3A_223 : vector<16xf32> to vector<1x16xf32>
      tpu.vector_store %arg14[%swap3A_224, %swap3A_225], %swap3A_228 {strides = array<i32>} : memref<32x768xf32, #tpu.memory_space<vmem>>, vector<1x16xf32>,
      %get3A_229 = arith.index_cast %scan3A_46 : i32 to index
      %get3A_230 = arith.constant 176 : index
      %get3A_231 = tpu.vector_load %arg14[%get3A_229, %get3A_230] {strides = array<i32>} : memref<32x768xf32, #tpu.memory_space<vmem>>, vector<1x16xf32>,
      %get3A_232 = vector.shape_cast %get3A_231 : vector<1x16xf32> to vector<16xf32>
      %mul3A_233 = arith.mulf %get3A_49, %get3A_232 : vector<16xf32>
      %get3A_234 = arith.index_cast %scan3A_46 : i32 to index
      %get3A_235 = arith.constant 176 : index
      %get3A_236 = tpu.vector_load %arg15[%get3A_234, %get3A_235] {strides = array<i32>} : memref<32x768xf32, #tpu.memory_space<vmem>>, vector<1x16xf32>,
      %get3A_237 = vector.shape_cast %get3A_236 : vector<1x16xf32> to vector<16xf32>
      %mul3A_238 = arith.mulf %get3A_53, %get3A_237 : vector<16xf32>
      %add3A_239 = arith.addf %mul3A_233, %mul3A_238 : vector<16xf32>
      %swap3A_240 = arith.index_cast %scan3A_46 : i32 to index
      %swap3A_241 = arith.constant 176 : index
      %swap3A_242 = tpu.vector_load %arg14[%swap3A_240, %swap3A_241] {strides = array<i32>} : memref<32x768xf32, #tpu.memory_space<vmem>>, vector<1x16xf32>,
      %swap3A_243 = vector.shape_cast %swap3A_242 : vector<1x16xf32> to vector<16xf32>
      %swap3A_244 = vector.shape_cast %add3A_239 : vector<16xf32> to vector<1x16xf32>
      tpu.vector_store %arg14[%swap3A_240, %swap3A_241], %swap3A_244 {strides = array<i32>} : memref<32x768xf32, #tpu.memory_space<vmem>>, vector<1x16xf32>,
      %get3A_245 = arith.index_cast %scan3A_46 : i32 to index
      %get3A_246 = arith.constant 192 : index
      %get3A_247 = tpu.vector_load %arg14[%get3A_245, %get3A_246] {strides = array<i32>} : memref<32x768xf32, #tpu.memory_space<vmem>>, vector<1x16xf32>,
      %get3A_248 = vector.shape_cast %get3A_247 : vector<1x16xf32> to vector<16xf32>
      %mul3A_249 = arith.mulf %get3A_49, %get3A_248 : vector<16xf32>
      %get3A_250 = arith.index_cast %scan3A_46 : i32 to index
      %get3A_251 = arith.constant 192 : index
      %get3A_252 = tpu.vector_load %arg15[%get3A_250, %get3A_251] {strides = array<i32>} : memref<32x768xf32, #tpu.memory_space<vmem>>, vector<1x16xf32>,
      %get3A_253 = vector.shape_cast %get3A_252 : vector<1x16xf32> to vector<16xf32>
      %mul3A_254 = arith.mulf %get3A_53, %get3A_253 : vector<16xf32>
      %add3A_255 = arith.addf %mul3A_249, %mul3A_254 : vector<16xf32>
      %swap3A_256 = arith.index_cast %scan3A_46 : i32 to index
      %swap3A_257 = arith.constant 192 : index
      %swap3A_258 = tpu.vector_load %arg14[%swap3A_256, %swap3A_257] {strides = array<i32>} : memref<32x768xf32, #tpu.memory_space<vmem>>, vector<1x16xf32>,
      %swap3A_259 = vector.shape_cast %swap3A_258 : vector<1x16xf32> to vector<16xf32>
      %swap3A_260 = vector.shape_cast %add3A_255 : vector<16xf32> to vector<1x16xf32>
      tpu.vector_store %arg14[%swap3A_256, %swap3A_257], %swap3A_260 {strides = array<i32>} : memref<32x768xf32, #tpu.memory_space<vmem>>, vector<1x16xf32>,
      %get3A_261 = arith.index_cast %scan3A_46 : i32 to index
      %get3A_262 = arith.constant 208 : index
      %get3A_263 = tpu.vector_load %arg14[%get3A_261, %get3A_262] {strides = array<i32>} : memref<32x768xf32, #tpu.memory_space<vmem>>, vector<1x16xf32>,
      %get3A_264 = vector.shape_cast %get3A_263 : vector<1x16xf32> to vector<16xf32>
      %mul3A_265 = arith.mulf %get3A_49, %get3A_264 : vector<16xf32>
      %get3A_266 = arith.index_cast %scan3A_46 : i32 to index
      %get3A_267 = arith.constant 208 : index
      %get3A_268 = tpu.vector_load %arg15[%get3A_266, %get3A_267] {strides = array<i32>} : memref<32x768xf32, #tpu.memory_space<vmem>>, vector<1x16xf32>,
      %get3A_269 = vector.shape_cast %get3A_268 : vector<1x16xf32> to vector<16xf32>
      %mul3A_270 = arith.mulf %get3A_53, %get3A_269 : vector<16xf32>
      %add3A_271 = arith.addf %mul3A_265, %mul3A_270 : vector<16xf32>
      %swap3A_272 = arith.index_cast %scan3A_46 : i32 to index
      %swap3A_273 = arith.constant 208 : index
      %swap3A_274 = tpu.vector_load %arg14[%swap3A_272, %swap3A_273] {strides = array<i32>} : memref<32x768xf32, #tpu.memory_space<vmem>>, vector<1x16xf32>,
      %swap3A_275 = vector.shape_cast %swap3A_274 : vector<1x16xf32> to vector<16xf32>
      %swap3A_276 = vector.shape_cast %add3A_271 : vector<16xf32> to vector<1x16xf32>
      tpu.vector_store %arg14[%swap3A_272, %swap3A_273], %swap3A_276 {strides = array<i32>} : memref<32x768xf32, #tpu.memory_space<vmem>>, vector<1x16xf32>,
      %get3A_277 = arith.index_cast %scan3A_46 : i32 to index
      %get3A_278 = arith.constant 224 : index
      %get3A_279 = tpu.vector_load %arg14[%get3A_277, %get3A_278] {strides = array<i32>} : memref<32x768xf32, #tpu.memory_space<vmem>>, vector<1x16xf32>,
      %get3A_280 = vector.shape_cast %get3A_279 : vector<1x16xf32> to vector<16xf32>
      %mul3A_281 = arith.mulf %get3A_49, %get3A_280 : vector<16xf32>
      %get3A_282 = arith.index_cast %scan3A_46 : i32 to index
      %get3A_283 = arith.constant 224 : index
      %get3A_284 = tpu.vector_load %arg15[%get3A_282, %get3A_283] {strides = array<i32>} : memref<32x768xf32, #tpu.memory_space<vmem>>, vector<1x16xf32>,
      %get3A_285 = vector.shape_cast %get3A_284 : vector<1x16xf32> to vector<16xf32>
      %mul3A_286 = arith.mulf %get3A_53, %get3A_285 : vector<16xf32>
      %add3A_287 = arith.addf %mul3A_281, %mul3A_286 : vector<16xf32>
      %swap3A_288 = arith.index_cast %scan3A_46 : i32 to index
      %swap3A_289 = arith.constant 224 : index
      %swap3A_290 = tpu.vector_load %arg14[%swap3A_288, %swap3A_289] {strides = array<i32>} : memref<32x768xf32, #tpu.memory_space<vmem>>, vector<1x16xf32>,
      %swap3A_291 = vector.shape_cast %swap3A_290 : vector<1x16xf32> to vector<16xf32>
      %swap3A_292 = vector.shape_cast %add3A_287 : vector<16xf32> to vector<1x16xf32>
      tpu.vector_store %arg14[%swap3A_288, %swap3A_289], %swap3A_292 {strides = array<i32>} : memref<32x768xf32, #tpu.memory_space<vmem>>, vector<1x16xf32>,
      %get3A_293 = arith.index_cast %scan3A_46 : i32 to index
      %get3A_294 = arith.constant 240 : index
      %get3A_295 = tpu.vector_load %arg14[%get3A_293, %get3A_294] {strides = array<i32>} : memref<32x768xf32, #tpu.memory_space<vmem>>, vector<1x16xf32>,
      %get3A_296 = vector.shape_cast %get3A_295 : vector<1x16xf32> to vector<16xf32>
      %mul3A_297 = arith.mulf %get3A_49, %get3A_296 : vector<16xf32>
      %get3A_298 = arith.index_cast %scan3A_46 : i32 to index
      %get3A_299 = arith.constant 240 : index
      %get3A_300 = tpu.vector_load %arg15[%get3A_298, %get3A_299] {strides = array<i32>} : memref<32x768xf32, #tpu.memory_space<vmem>>, vector<1x16xf32>,
      %get3A_301 = vector.shape_cast %get3A_300 : vector<1x16xf32> to vector<16xf32>
      %mul3A_302 = arith.mulf %get3A_53, %get3A_301 : vector<16xf32>
      %add3A_303 = arith.addf %mul3A_297, %mul3A_302 : vector<16xf32>
      %swap3A_304 = arith.index_cast %scan3A_46 : i32 to index
      %swap3A_305 = arith.constant 240 : index
      %swap3A_306 = tpu.vector_load %arg14[%swap3A_304, %swap3A_305] {strides = array<i32>} : memref<32x768xf32, #tpu.memory_space<vmem>>, vector<1x16xf32>,
      %swap3A_307 = vector.shape_cast %swap3A_306 : vector<1x16xf32> to vector<16xf32>
      %swap3A_308 = vector.shape_cast %add3A_303 : vector<16xf32> to vector<1x16xf32>
      tpu.vector_store %arg14[%swap3A_304, %swap3A_305], %swap3A_308 {strides = array<i32>} : memref<32x768xf32, #tpu.memory_space<vmem>>, vector<1x16xf32>,
      %get3A_309 = arith.index_cast %scan3A_46 : i32 to index
      %get3A_310 = arith.constant 256 : index
      %get3A_311 = tpu.vector_load %arg14[%get3A_309, %get3A_310] {strides = array<i32>} : memref<32x768xf32, #tpu.memory_space<vmem>>, vector<1x16xf32>,
      %get3A_312 = vector.shape_cast %get3A_311 : vector<1x16xf32> to vector<16xf32>
      %mul3A_313 = arith.mulf %get3A_49, %get3A_312 : vector<16xf32>
      %get3A_314 = arith.index_cast %scan3A_46 : i32 to index
      %get3A_315 = arith.constant 256 : index
      %get3A_316 = tpu.vector_load %arg15[%get3A_314, %get3A_315] {strides = array<i32>} : memref<32x768xf32, #tpu.memory_space<vmem>>, vector<1x16xf32>,
      %get3A_317 = vector.shape_cast %get3A_316 : vector<1x16xf32> to vector<16xf32>
      %mul3A_318 = arith.mulf %get3A_53, %get3A_317 : vector<16xf32>
      %add3A_319 = arith.addf %mul3A_313, %mul3A_318 : vector<16xf32>
      %swap3A_320 = arith.index_cast %scan3A_46 : i32 to index
      %swap3A_321 = arith.constant 256 : index
      %swap3A_322 = tpu.vector_load %arg14[%swap3A_320, %swap3A_321] {strides = array<i32>} : memref<32x768xf32, #tpu.memory_space<vmem>>, vector<1x16xf32>,
      %swap3A_323 = vector.shape_cast %swap3A_322 : vector<1x16xf32> to vector<16xf32>
      %swap3A_324 = vector.shape_cast %add3A_319 : vector<16xf32> to vector<1x16xf32>
      tpu.vector_store %arg14[%swap3A_320, %swap3A_321], %swap3A_324 {strides = array<i32>} : memref<32x768xf32, #tpu.memory_space<vmem>>, vector<1x16xf32>,
      %get3A_325 = arith.index_cast %scan3A_46 : i32 to index
      %get3A_326 = arith.constant 272 : index
      %get3A_327 = tpu.vector_load %arg14[%get3A_325, %get3A_326] {strides = array<i32>} : memref<32x768xf32, #tpu.memory_space<vmem>>, vector<1x16xf32>,
      %get3A_328 = vector.shape_cast %get3A_327 : vector<1x16xf32> to vector<16xf32>
      %mul3A_329 = arith.mulf %get3A_49, %get3A_328 : vector<16xf32>
      %get3A_330 = arith.index_cast %scan3A_46 : i32 to index
      %get3A_331 = arith.constant 272 : index
      %get3A_332 = tpu.vector_load %arg15[%get3A_330, %get3A_331] {strides = array<i32>} : memref<32x768xf32, #tpu.memory_space<vmem>>, vector<1x16xf32>,
      %get3A_333 = vector.shape_cast %get3A_332 : vector<1x16xf32> to vector<16xf32>
      %mul3A_334 = arith.mulf %get3A_53, %get3A_333 : vector<16xf32>
      %add3A_335 = arith.addf %mul3A_329, %mul3A_334 : vector<16xf32>
      %swap3A_336 = arith.index_cast %scan3A_46 : i32 to index
      %swap3A_337 = arith.constant 272 : index
      %swap3A_338 = tpu.vector_load %arg14[%swap3A_336, %swap3A_337] {strides = array<i32>} : memref<32x768xf32, #tpu.memory_space<vmem>>, vector<1x16xf32>,
      %swap3A_339 = vector.shape_cast %swap3A_338 : vector<1x16xf32> to vector<16xf32>
      %swap3A_340 = vector.shape_cast %add3A_335 : vector<16xf32> to vector<1x16xf32>
      tpu.vector_store %arg14[%swap3A_336, %swap3A_337], %swap3A_340 {strides = array<i32>} : memref<32x768xf32, #tpu.memory_space<vmem>>, vector<1x16xf32>,
      %get3A_341 = arith.index_cast %scan3A_46 : i32 to index
      %get3A_342 = arith.constant 288 : index
      %get3A_343 = tpu.vector_load %arg14[%get3A_341, %get3A_342] {strides = array<i32>} : memref<32x768xf32, #tpu.memory_space<vmem>>, vector<1x16xf32>,
      %get3A_344 = vector.shape_cast %get3A_343 : vector<1x16xf32> to vector<16xf32>
      %mul3A_345 = arith.mulf %get3A_49, %get3A_344 : vector<16xf32>
      %get3A_346 = arith.index_cast %scan3A_46 : i32 to index
      %get3A_347 = arith.constant 288 : index
      %get3A_348 = tpu.vector_load %arg15[%get3A_346, %get3A_347] {strides = array<i32>} : memref<32x768xf32, #tpu.memory_space<vmem>>, vector<1x16xf32>,
      %get3A_349 = vector.shape_cast %get3A_348 : vector<1x16xf32> to vector<16xf32>
      %mul3A_350 = arith.mulf %get3A_53, %get3A_349 : vector<16xf32>
      %add3A_351 = arith.addf %mul3A_345, %mul3A_350 : vector<16xf32>
      %swap3A_352 = arith.index_cast %scan3A_46 : i32 to index
      %swap3A_353 = arith.constant 288 : index
      %swap3A_354 = tpu.vector_load %arg14[%swap3A_352, %swap3A_353] {strides = array<i32>} : memref<32x768xf32, #tpu.memory_space<vmem>>, vector<1x16xf32>,
      %swap3A_355 = vector.shape_cast %swap3A_354 : vector<1x16xf32> to vector<16xf32>
      %swap3A_356 = vector.shape_cast %add3A_351 : vector<16xf32> to vector<1x16xf32>
      tpu.vector_store %arg14[%swap3A_352, %swap3A_353], %swap3A_356 {strides = array<i32>} : memref<32x768xf32, #tpu.memory_space<vmem>>, vector<1x16xf32>,
      %get3A_357 = arith.index_cast %scan3A_46 : i32 to index
      %get3A_358 = arith.constant 304 : index
      %get3A_359 = tpu.vector_load %arg14[%get3A_357, %get3A_358] {strides = array<i32>} : memref<32x768xf32, #tpu.memory_space<vmem>>, vector<1x16xf32>,
      %get3A_360 = vector.shape_cast %get3A_359 : vector<1x16xf32> to vector<16xf32>
      %mul3A_361 = arith.mulf %get3A_49, %get3A_360 : vector<16xf32>
      %get3A_362 = arith.index_cast %scan3A_46 : i32 to index
      %get3A_363 = arith.constant 304 : index
      %get3A_364 = tpu.vector_load %arg15[%get3A_362, %get3A_363] {strides = array<i32>} : memref<32x768xf32, #tpu.memory_space<vmem>>, vector<1x16xf32>,
      %get3A_365 = vector.shape_cast %get3A_364 : vector<1x16xf32> to vector<16xf32>
      %mul3A_366 = arith.mulf %get3A_53, %get3A_365 : vector<16xf32>
      %add3A_367 = arith.addf %mul3A_361, %mul3A_366 : vector<16xf32>
      %swap3A_368 = arith.index_cast %scan3A_46 : i32 to index
      %swap3A_369 = arith.constant 304 : index
      %swap3A_370 = tpu.vector_load %arg14[%swap3A_368, %swap3A_369] {strides = array<i32>} : memref<32x768xf32, #tpu.memory_space<vmem>>, vector<1x16xf32>,
      %swap3A_371 = vector.shape_cast %swap3A_370 : vector<1x16xf32> to vector<16xf32>
      %swap3A_372 = vector.shape_cast %add3A_367 : vector<16xf32> to vector<1x16xf32>
      tpu.vector_store %arg14[%swap3A_368, %swap3A_369], %swap3A_372 {strides = array<i32>} : memref<32x768xf32, #tpu.memory_space<vmem>>, vector<1x16xf32>,
      %get3A_373 = arith.index_cast %scan3A_46 : i32 to index
      %get3A_374 = arith.constant 320 : index
      %get3A_375 = tpu.vector_load %arg14[%get3A_373, %get3A_374] {strides = array<i32>} : memref<32x768xf32, #tpu.memory_space<vmem>>, vector<1x16xf32>,
      %get3A_376 = vector.shape_cast %get3A_375 : vector<1x16xf32> to vector<16xf32>
      %mul3A_377 = arith.mulf %get3A_49, %get3A_376 : vector<16xf32>
      %get3A_378 = arith.index_cast %scan3A_46 : i32 to index
      %get3A_379 = arith.constant 320 : index
      %get3A_380 = tpu.vector_load %arg15[%get3A_378, %get3A_379] {strides = array<i32>} : memref<32x768xf32, #tpu.memory_space<vmem>>, vector<1x16xf32>,
      %get3A_381 = vector.shape_cast %get3A_380 : vector<1x16xf32> to vector<16xf32>
      %mul3A_382 = arith.mulf %get3A_53, %get3A_381 : vector<16xf32>
      %add3A_383 = arith.addf %mul3A_377, %mul3A_382 : vector<16xf32>
      %swap3A_384 = arith.index_cast %scan3A_46 : i32 to index
      %swap3A_385 = arith.constant 320 : index
      %swap3A_386 = tpu.vector_load %arg14[%swap3A_384, %swap3A_385] {strides = array<i32>} : memref<32x768xf32, #tpu.memory_space<vmem>>, vector<1x16xf32>,
      %swap3A_387 = vector.shape_cast %swap3A_386 : vector<1x16xf32> to vector<16xf32>
      %swap3A_388 = vector.shape_cast %add3A_383 : vector<16xf32> to vector<1x16xf32>
      tpu.vector_store %arg14[%swap3A_384, %swap3A_385], %swap3A_388 {strides = array<i32>} : memref<32x768xf32, #tpu.memory_space<vmem>>, vector<1x16xf32>,
      %get3A_389 = arith.index_cast %scan3A_46 : i32 to index
      %get3A_390 = arith.constant 336 : index
      %get3A_391 = tpu.vector_load %arg14[%get3A_389, %get3A_390] {strides = array<i32>} : memref<32x768xf32, #tpu.memory_space<vmem>>, vector<1x16xf32>,
      %get3A_392 = vector.shape_cast %get3A_391 : vector<1x16xf32> to vector<16xf32>
      %mul3A_393 = arith.mulf %get3A_49, %get3A_392 : vector<16xf32>
      %get3A_394 = arith.index_cast %scan3A_46 : i32 to index
      %get3A_395 = arith.constant 336 : index
      %get3A_396 = tpu.vector_load %arg15[%get3A_394, %get3A_395] {strides = array<i32>} : memref<32x768xf32, #tpu.memory_space<vmem>>, vector<1x16xf32>,
      %get3A_397 = vector.shape_cast %get3A_396 : vector<1x16xf32> to vector<16xf32>
      %mul3A_398 = arith.mulf %get3A_53, %get3A_397 : vector<16xf32>
      %add3A_399 = arith.addf %mul3A_393, %mul3A_398 : vector<16xf32>
      %swap3A_400 = arith.index_cast %scan3A_46 : i32 to index
      %swap3A_401 = arith.constant 336 : index
      %swap3A_402 = tpu.vector_load %arg14[%swap3A_400, %swap3A_401] {strides = array<i32>} : memref<32x768xf32, #tpu.memory_space<vmem>>, vector<1x16xf32>,
      %swap3A_403 = vector.shape_cast %swap3A_402 : vector<1x16xf32> to vector<16xf32>
      %swap3A_404 = vector.shape_cast %add3A_399 : vector<16xf32> to vector<1x16xf32>
      tpu.vector_store %arg14[%swap3A_400, %swap3A_401], %swap3A_404 {strides = array<i32>} : memref<32x768xf32, #tpu.memory_space<vmem>>, vector<1x16xf32>,
      %get3A_405 = arith.index_cast %scan3A_46 : i32 to index
      %get3A_406 = arith.constant 352 : index
      %get3A_407 = tpu.vector_load %arg14[%get3A_405, %get3A_406] {strides = array<i32>} : memref<32x768xf32, #tpu.memory_space<vmem>>, vector<1x16xf32>,
      %get3A_408 = vector.shape_cast %get3A_407 : vector<1x16xf32> to vector<16xf32>
      %mul3A_409 = arith.mulf %get3A_49, %get3A_408 : vector<16xf32>
      %get3A_410 = arith.index_cast %scan3A_46 : i32 to index
      %get3A_411 = arith.constant 352 : index
      %get3A_412 = tpu.vector_load %arg15[%get3A_410, %get3A_411] {strides = array<i32>} : memref<32x768xf32, #tpu.memory_space<vmem>>, vector<1x16xf32>,
      %get3A_413 = vector.shape_cast %get3A_412 : vector<1x16xf32> to vector<16xf32>
      %mul3A_414 = arith.mulf %get3A_53, %get3A_413 : vector<16xf32>
      %add3A_415 = arith.addf %mul3A_409, %mul3A_414 : vector<16xf32>
      %swap3A_416 = arith.index_cast %scan3A_46 : i32 to index
      %swap3A_417 = arith.constant 352 : index
      %swap3A_418 = tpu.vector_load %arg14[%swap3A_416, %swap3A_417] {strides = array<i32>} : memref<32x768xf32, #tpu.memory_space<vmem>>, vector<1x16xf32>,
      %swap3A_419 = vector.shape_cast %swap3A_418 : vector<1x16xf32> to vector<16xf32>
      %swap3A_420 = vector.shape_cast %add3A_415 : vector<16xf32> to vector<1x16xf32>
      tpu.vector_store %arg14[%swap3A_416, %swap3A_417], %swap3A_420 {strides = array<i32>} : memref<32x768xf32, #tpu.memory_space<vmem>>, vector<1x16xf32>,
      %get3A_421 = arith.index_cast %scan3A_46 : i32 to index
      %get3A_422 = arith.constant 368 : index
      %get3A_423 = tpu.vector_load %arg14[%get3A_421, %get3A_422] {strides = array<i32>} : memref<32x768xf32, #tpu.memory_space<vmem>>, vector<1x16xf32>,
      %get3A_424 = vector.shape_cast %get3A_423 : vector<1x16xf32> to vector<16xf32>
      %mul3A_425 = arith.mulf %get3A_49, %get3A_424 : vector<16xf32>
      %get3A_426 = arith.index_cast %scan3A_46 : i32 to index
      %get3A_427 = arith.constant 368 : index
      %get3A_428 = tpu.vector_load %arg15[%get3A_426, %get3A_427] {strides = array<i32>} : memref<32x768xf32, #tpu.memory_space<vmem>>, vector<1x16xf32>,
      %get3A_429 = vector.shape_cast %get3A_428 : vector<1x16xf32> to vector<16xf32>
      %mul3A_430 = arith.mulf %get3A_53, %get3A_429 : vector<16xf32>
      %add3A_431 = arith.addf %mul3A_425, %mul3A_430 : vector<16xf32>
      %swap3A_432 = arith.index_cast %scan3A_46 : i32 to index
      %swap3A_433 = arith.constant 368 : index
      %swap3A_434 = tpu.vector_load %arg14[%swap3A_432, %swap3A_433] {strides = array<i32>} : memref<32x768xf32, #tpu.memory_space<vmem>>, vector<1x16xf32>,
      %swap3A_435 = vector.shape_cast %swap3A_434 : vector<1x16xf32> to vector<16xf32>
      %swap3A_436 = vector.shape_cast %add3A_431 : vector<16xf32> to vector<1x16xf32>
      tpu.vector_store %arg14[%swap3A_432, %swap3A_433], %swap3A_436 {strides = array<i32>} : memref<32x768xf32, #tpu.memory_space<vmem>>, vector<1x16xf32>,
      %get3A_437 = arith.index_cast %scan3A_46 : i32 to index
      %get3A_438 = arith.constant 384 : index
      %get3A_439 = tpu.vector_load %arg14[%get3A_437, %get3A_438] {strides = array<i32>} : memref<32x768xf32, #tpu.memory_space<vmem>>, vector<1x16xf32>,
      %get3A_440 = vector.shape_cast %get3A_439 : vector<1x16xf32> to vector<16xf32>
      %mul3A_441 = arith.mulf %get3A_49, %get3A_440 : vector<16xf32>
      %get3A_442 = arith.index_cast %scan3A_46 : i32 to index
      %get3A_443 = arith.constant 384 : index
      %get3A_444 = tpu.vector_load %arg15[%get3A_442, %get3A_443] {strides = array<i32>} : memref<32x768xf32, #tpu.memory_space<vmem>>, vector<1x16xf32>,
      %get3A_445 = vector.shape_cast %get3A_444 : vector<1x16xf32> to vector<16xf32>
      %mul3A_446 = arith.mulf %get3A_53, %get3A_445 : vector<16xf32>
      %add3A_447 = arith.addf %mul3A_441, %mul3A_446 : vector<16xf32>
      %swap3A_448 = arith.index_cast %scan3A_46 : i32 to index
      %swap3A_449 = arith.constant 384 : index
      %swap3A_450 = tpu.vector_load %arg14[%swap3A_448, %swap3A_449] {strides = array<i32>} : memref<32x768xf32, #tpu.memory_space<vmem>>, vector<1x16xf32>,
      %swap3A_451 = vector.shape_cast %swap3A_450 : vector<1x16xf32> to vector<16xf32>
      %swap3A_452 = vector.shape_cast %add3A_447 : vector<16xf32> to vector<1x16xf32>
      tpu.vector_store %arg14[%swap3A_448, %swap3A_449], %swap3A_452 {strides = array<i32>} : memref<32x768xf32, #tpu.memory_space<vmem>>, vector<1x16xf32>,
      %get3A_453 = arith.index_cast %scan3A_46 : i32 to index
      %get3A_454 = arith.constant 400 : index
      %get3A_455 = tpu.vector_load %arg14[%get3A_453, %get3A_454] {strides = array<i32>} : memref<32x768xf32, #tpu.memory_space<vmem>>, vector<1x16xf32>,
      %get3A_456 = vector.shape_cast %get3A_455 : vector<1x16xf32> to vector<16xf32>
      %mul3A_457 = arith.mulf %get3A_49, %get3A_456 : vector<16xf32>
      %get3A_458 = arith.index_cast %scan3A_46 : i32 to index
      %get3A_459 = arith.constant 400 : index
      %get3A_460 = tpu.vector_load %arg15[%get3A_458, %get3A_459] {strides = array<i32>} : memref<32x768xf32, #tpu.memory_space<vmem>>, vector<1x16xf32>,
      %get3A_461 = vector.shape_cast %get3A_460 : vector<1x16xf32> to vector<16xf32>
      %mul3A_462 = arith.mulf %get3A_53, %get3A_461 : vector<16xf32>
      %add3A_463 = arith.addf %mul3A_457, %mul3A_462 : vector<16xf32>
      %swap3A_464 = arith.index_cast %scan3A_46 : i32 to index
      %swap3A_465 = arith.constant 400 : index
      %swap3A_466 = tpu.vector_load %arg14[%swap3A_464, %swap3A_465] {strides = array<i32>} : memref<32x768xf32, #tpu.memory_space<vmem>>, vector<1x16xf32>,
      %swap3A_467 = vector.shape_cast %swap3A_466 : vector<1x16xf32> to vector<16xf32>
      %swap3A_468 = vector.shape_cast %add3A_463 : vector<16xf32> to vector<1x16xf32>
      tpu.vector_store %arg14[%swap3A_464, %swap3A_465], %swap3A_468 {strides = array<i32>} : memref<32x768xf32, #tpu.memory_space<vmem>>, vector<1x16xf32>,
      %get3A_469 = arith.index_cast %scan3A_46 : i32 to index
      %get3A_470 = arith.constant 416 : index
      %get3A_471 = tpu.vector_load %arg14[%get3A_469, %get3A_470] {strides = array<i32>} : memref<32x768xf32, #tpu.memory_space<vmem>>, vector<1x16xf32>,
      %get3A_472 = vector.shape_cast %get3A_471 : vector<1x16xf32> to vector<16xf32>
      %mul3A_473 = arith.mulf %get3A_49, %get3A_472 : vector<16xf32>
      %get3A_474 = arith.index_cast %scan3A_46 : i32 to index
      %get3A_475 = arith.constant 416 : index
      %get3A_476 = tpu.vector_load %arg15[%get3A_474, %get3A_475] {strides = array<i32>} : memref<32x768xf32, #tpu.memory_space<vmem>>, vector<1x16xf32>,
      %get3A_477 = vector.shape_cast %get3A_476 : vector<1x16xf32> to vector<16xf32>
      %mul3A_478 = arith.mulf %get3A_53, %get3A_477 : vector<16xf32>
      %add3A_479 = arith.addf %mul3A_473, %mul3A_478 : vector<16xf32>
      %swap3A_480 = arith.index_cast %scan3A_46 : i32 to index
      %swap3A_481 = arith.constant 416 : index
      %swap3A_482 = tpu.vector_load %arg14[%swap3A_480, %swap3A_481] {strides = array<i32>} : memref<32x768xf32, #tpu.memory_space<vmem>>, vector<1x16xf32>,
      %swap3A_483 = vector.shape_cast %swap3A_482 : vector<1x16xf32> to vector<16xf32>
      %swap3A_484 = vector.shape_cast %add3A_479 : vector<16xf32> to vector<1x16xf32>
      tpu.vector_store %arg14[%swap3A_480, %swap3A_481], %swap3A_484 {strides = array<i32>} : memref<32x768xf32, #tpu.memory_space<vmem>>, vector<1x16xf32>,
      %get3A_485 = arith.index_cast %scan3A_46 : i32 to index
      %get3A_486 = arith.constant 432 : index
      %get3A_487 = tpu.vector_load %arg14[%get3A_485, %get3A_486] {strides = array<i32>} : memref<32x768xf32, #tpu.memory_space<vmem>>, vector<1x16xf32>,
      %get3A_488 = vector.shape_cast %get3A_487 : vector<1x16xf32> to vector<16xf32>
      %mul3A_489 = arith.mulf %get3A_49, %get3A_488 : vector<16xf32>
      %get3A_490 = arith.index_cast %scan3A_46 : i32 to index
      %get3A_491 = arith.constant 432 : index
      %get3A_492 = tpu.vector_load %arg15[%get3A_490, %get3A_491] {strides = array<i32>} : memref<32x768xf32, #tpu.memory_space<vmem>>, vector<1x16xf32>,
      %get3A_493 = vector.shape_cast %get3A_492 : vector<1x16xf32> to vector<16xf32>
      %mul3A_494 = arith.mulf %get3A_53, %get3A_493 : vector<16xf32>
      %add3A_495 = arith.addf %mul3A_489, %mul3A_494 : vector<16xf32>
      %swap3A_496 = arith.index_cast %scan3A_46 : i32 to index
      %swap3A_497 = arith.constant 432 : index
      %swap3A_498 = tpu.vector_load %arg14[%swap3A_496, %swap3A_497] {strides = array<i32>} : memref<32x768xf32, #tpu.memory_space<vmem>>, vector<1x16xf32>,
      %swap3A_499 = vector.shape_cast %swap3A_498 : vector<1x16xf32> to vector<16xf32>
      %swap3A_500 = vector.shape_cast %add3A_495 : vector<16xf32> to vector<1x16xf32>
      tpu.vector_store %arg14[%swap3A_496, %swap3A_497], %swap3A_500 {strides = array<i32>} : memref<32x768xf32, #tpu.memory_space<vmem>>, vector<1x16xf32>,
      %get3A_501 = arith.index_cast %scan3A_46 : i32 to index
      %get3A_502 = arith.constant 448 : index
      %get3A_503 = tpu.vector_load %arg14[%get3A_501, %get3A_502] {strides = array<i32>} : memref<32x768xf32, #tpu.memory_space<vmem>>, vector<1x16xf32>,
      %get3A_504 = vector.shape_cast %get3A_503 : vector<1x16xf32> to vector<16xf32>
      %mul3A_505 = arith.mulf %get3A_49, %get3A_504 : vector<16xf32>
      %get3A_506 = arith.index_cast %scan3A_46 : i32 to index
      %get3A_507 = arith.constant 448 : index
      %get3A_508 = tpu.vector_load %arg15[%get3A_506, %get3A_507] {strides = array<i32>} : memref<32x768xf32, #tpu.memory_space<vmem>>, vector<1x16xf32>,
      %get3A_509 = vector.shape_cast %get3A_508 : vector<1x16xf32> to vector<16xf32>
      %mul3A_510 = arith.mulf %get3A_53, %get3A_509 : vector<16xf32>
      %add3A_511 = arith.addf %mul3A_505, %mul3A_510 : vector<16xf32>
      %swap3A_512 = arith.index_cast %scan3A_46 : i32 to index
      %swap3A_513 = arith.constant 448 : index
      %swap3A_514 = tpu.vector_load %arg14[%swap3A_512, %swap3A_513] {strides = array<i32>} : memref<32x768xf32, #tpu.memory_space<vmem>>, vector<1x16xf32>,
      %swap3A_515 = vector.shape_cast %swap3A_514 : vector<1x16xf32> to vector<16xf32>
      %swap3A_516 = vector.shape_cast %add3A_511 : vector<16xf32> to vector<1x16xf32>
      tpu.vector_store %arg14[%swap3A_512, %swap3A_513], %swap3A_516 {strides = array<i32>} : memref<32x768xf32, #tpu.memory_space<vmem>>, vector<1x16xf32>,
      %get3A_517 = arith.index_cast %scan3A_46 : i32 to index
      %get3A_518 = arith.constant 464 : index
      %get3A_519 = tpu.vector_load %arg14[%get3A_517, %get3A_518] {strides = array<i32>} : memref<32x768xf32, #tpu.memory_space<vmem>>, vector<1x16xf32>,
      %get3A_520 = vector.shape_cast %get3A_519 : vector<1x16xf32> to vector<16xf32>
      %mul3A_521 = arith.mulf %get3A_49, %get3A_520 : vector<16xf32>
      %get3A_522 = arith.index_cast %scan3A_46 : i32 to index
      %get3A_523 = arith.constant 464 : index
      %get3A_524 = tpu.vector_load %arg15[%get3A_522, %get3A_523] {strides = array<i32>} : memref<32x768xf32, #tpu.memory_space<vmem>>, vector<1x16xf32>,
      %get3A_525 = vector.shape_cast %get3A_524 : vector<1x16xf32> to vector<16xf32>
      %mul3A_526 = arith.mulf %get3A_53, %get3A_525 : vector<16xf32>
      %add3A_527 = arith.addf %mul3A_521, %mul3A_526 : vector<16xf32>
      %swap3A_528 = arith.index_cast %scan3A_46 : i32 to index
      %swap3A_529 = arith.constant 464 : index
      %swap3A_530 = tpu.vector_load %arg14[%swap3A_528, %swap3A_529] {strides = array<i32>} : memref<32x768xf32, #tpu.memory_space<vmem>>, vector<1x16xf32>,
      %swap3A_531 = vector.shape_cast %swap3A_530 : vector<1x16xf32> to vector<16xf32>
      %swap3A_532 = vector.shape_cast %add3A_527 : vector<16xf32> to vector<1x16xf32>
      tpu.vector_store %arg14[%swap3A_528, %swap3A_529], %swap3A_532 {strides = array<i32>} : memref<32x768xf32, #tpu.memory_space<vmem>>, vector<1x16xf32>,
      %get3A_533 = arith.index_cast %scan3A_46 : i32 to index
      %get3A_534 = arith.constant 480 : index
      %get3A_535 = tpu.vector_load %arg14[%get3A_533, %get3A_534] {strides = array<i32>} : memref<32x768xf32, #tpu.memory_space<vmem>>, vector<1x16xf32>,
      %get3A_536 = vector.shape_cast %get3A_535 : vector<1x16xf32> to vector<16xf32>
      %mul3A_537 = arith.mulf %get3A_49, %get3A_536 : vector<16xf32>
      %get3A_538 = arith.index_cast %scan3A_46 : i32 to index
      %get3A_539 = arith.constant 480 : index
      %get3A_540 = tpu.vector_load %arg15[%get3A_538, %get3A_539] {strides = array<i32>} : memref<32x768xf32, #tpu.memory_space<vmem>>, vector<1x16xf32>,
      %get3A_541 = vector.shape_cast %get3A_540 : vector<1x16xf32> to vector<16xf32>
      %mul3A_542 = arith.mulf %get3A_53, %get3A_541 : vector<16xf32>
      %add3A_543 = arith.addf %mul3A_537, %mul3A_542 : vector<16xf32>
      %swap3A_544 = arith.index_cast %scan3A_46 : i32 to index
      %swap3A_545 = arith.constant 480 : index
      %swap3A_546 = tpu.vector_load %arg14[%swap3A_544, %swap3A_545] {strides = array<i32>} : memref<32x768xf32, #tpu.memory_space<vmem>>, vector<1x16xf32>,
      %swap3A_547 = vector.shape_cast %swap3A_546 : vector<1x16xf32> to vector<16xf32>
      %swap3A_548 = vector.shape_cast %add3A_543 : vector<16xf32> to vector<1x16xf32>
      tpu.vector_store %arg14[%swap3A_544, %swap3A_545], %swap3A_548 {strides = array<i32>} : memref<32x768xf32, #tpu.memory_space<vmem>>, vector<1x16xf32>,
      %get3A_549 = arith.index_cast %scan3A_46 : i32 to index
      %get3A_550 = arith.constant 496 : index
      %get3A_551 = tpu.vector_load %arg14[%get3A_549, %get3A_550] {strides = array<i32>} : memref<32x768xf32, #tpu.memory_space<vmem>>, vector<1x16xf32>,
      %get3A_552 = vector.shape_cast %get3A_551 : vector<1x16xf32> to vector<16xf32>
      %mul3A_553 = arith.mulf %get3A_49, %get3A_552 : vector<16xf32>
      %get3A_554 = arith.index_cast %scan3A_46 : i32 to index
      %get3A_555 = arith.constant 496 : index
      %get3A_556 = tpu.vector_load %arg15[%get3A_554, %get3A_555] {strides = array<i32>} : memref<32x768xf32, #tpu.memory_space<vmem>>, vector<1x16xf32>,
      %get3A_557 = vector.shape_cast %get3A_556 : vector<1x16xf32> to vector<16xf32>
      %mul3A_558 = arith.mulf %get3A_53, %get3A_557 : vector<16xf32>
      %add3A_559 = arith.addf %mul3A_553, %mul3A_558 : vector<16xf32>
      %swap3A_560 = arith.index_cast %scan3A_46 : i32 to index
      %swap3A_561 = arith.constant 496 : index
      %swap3A_562 = tpu.vector_load %arg14[%swap3A_560, %swap3A_561] {strides = array<i32>} : memref<32x768xf32, #tpu.memory_space<vmem>>, vector<1x16xf32>,
      %swap3A_563 = vector.shape_cast %swap3A_562 : vector<1x16xf32> to vector<16xf32>
      %swap3A_564 = vector.shape_cast %add3A_559 : vector<16xf32> to vector<1x16xf32>
      tpu.vector_store %arg14[%swap3A_560, %swap3A_561], %swap3A_564 {strides = array<i32>} : memref<32x768xf32, #tpu.memory_space<vmem>>, vector<1x16xf32>,
      %get3A_565 = arith.index_cast %scan3A_46 : i32 to index
      %get3A_566 = arith.constant 512 : index
      %get3A_567 = tpu.vector_load %arg14[%get3A_565, %get3A_566] {strides = array<i32>} : memref<32x768xf32, #tpu.memory_space<vmem>>, vector<1x16xf32>,
      %get3A_568 = vector.shape_cast %get3A_567 : vector<1x16xf32> to vector<16xf32>
      %mul3A_569 = arith.mulf %get3A_49, %get3A_568 : vector<16xf32>
      %get3A_570 = arith.index_cast %scan3A_46 : i32 to index
      %get3A_571 = arith.constant 512 : index
      %get3A_572 = tpu.vector_load %arg15[%get3A_570, %get3A_571] {strides = array<i32>} : memref<32x768xf32, #tpu.memory_space<vmem>>, vector<1x16xf32>,
      %get3A_573 = vector.shape_cast %get3A_572 : vector<1x16xf32> to vector<16xf32>
      %mul3A_574 = arith.mulf %get3A_53, %get3A_573 : vector<16xf32>
      %add3A_575 = arith.addf %mul3A_569, %mul3A_574 : vector<16xf32>
      %swap3A_576 = arith.index_cast %scan3A_46 : i32 to index
      %swap3A_577 = arith.constant 512 : index
      %swap3A_578 = tpu.vector_load %arg14[%swap3A_576, %swap3A_577] {strides = array<i32>} : memref<32x768xf32, #tpu.memory_space<vmem>>, vector<1x16xf32>,
      %swap3A_579 = vector.shape_cast %swap3A_578 : vector<1x16xf32> to vector<16xf32>
      %swap3A_580 = vector.shape_cast %add3A_575 : vector<16xf32> to vector<1x16xf32>
      tpu.vector_store %arg14[%swap3A_576, %swap3A_577], %swap3A_580 {strides = array<i32>} : memref<32x768xf32, #tpu.memory_space<vmem>>, vector<1x16xf32>,
      %get3A_581 = arith.index_cast %scan3A_46 : i32 to index
      %get3A_582 = arith.constant 528 : index
      %get3A_583 = tpu.vector_load %arg14[%get3A_581, %get3A_582] {strides = array<i32>} : memref<32x768xf32, #tpu.memory_space<vmem>>, vector<1x16xf32>,
      %get3A_584 = vector.shape_cast %get3A_583 : vector<1x16xf32> to vector<16xf32>
      %mul3A_585 = arith.mulf %get3A_49, %get3A_584 : vector<16xf32>
      %get3A_586 = arith.index_cast %scan3A_46 : i32 to index
      %get3A_587 = arith.constant 528 : index
      %get3A_588 = tpu.vector_load %arg15[%get3A_586, %get3A_587] {strides = array<i32>} : memref<32x768xf32, #tpu.memory_space<vmem>>, vector<1x16xf32>,
      %get3A_589 = vector.shape_cast %get3A_588 : vector<1x16xf32> to vector<16xf32>
      %mul3A_590 = arith.mulf %get3A_53, %get3A_589 : vector<16xf32>
      %add3A_591 = arith.addf %mul3A_585, %mul3A_590 : vector<16xf32>
      %swap3A_592 = arith.index_cast %scan3A_46 : i32 to index
      %swap3A_593 = arith.constant 528 : index
      %swap3A_594 = tpu.vector_load %arg14[%swap3A_592, %swap3A_593] {strides = array<i32>} : memref<32x768xf32, #tpu.memory_space<vmem>>, vector<1x16xf32>,
      %swap3A_595 = vector.shape_cast %swap3A_594 : vector<1x16xf32> to vector<16xf32>
      %swap3A_596 = vector.shape_cast %add3A_591 : vector<16xf32> to vector<1x16xf32>
      tpu.vector_store %arg14[%swap3A_592, %swap3A_593], %swap3A_596 {strides = array<i32>} : memref<32x768xf32, #tpu.memory_space<vmem>>, vector<1x16xf32>,
      %get3A_597 = arith.index_cast %scan3A_46 : i32 to index
      %get3A_598 = arith.constant 544 : index
      %get3A_599 = tpu.vector_load %arg14[%get3A_597, %get3A_598] {strides = array<i32>} : memref<32x768xf32, #tpu.memory_space<vmem>>, vector<1x16xf32>,
      %get3A_600 = vector.shape_cast %get3A_599 : vector<1x16xf32> to vector<16xf32>
      %mul3A_601 = arith.mulf %get3A_49, %get3A_600 : vector<16xf32>
      %get3A_602 = arith.index_cast %scan3A_46 : i32 to index
      %get3A_603 = arith.constant 544 : index
      %get3A_604 = tpu.vector_load %arg15[%get3A_602, %get3A_603] {strides = array<i32>} : memref<32x768xf32, #tpu.memory_space<vmem>>, vector<1x16xf32>,
      %get3A_605 = vector.shape_cast %get3A_604 : vector<1x16xf32> to vector<16xf32>
      %mul3A_606 = arith.mulf %get3A_53, %get3A_605 : vector<16xf32>
      %add3A_607 = arith.addf %mul3A_601, %mul3A_606 : vector<16xf32>
      %swap3A_608 = arith.index_cast %scan3A_46 : i32 to index
      %swap3A_609 = arith.constant 544 : index
      %swap3A_610 = tpu.vector_load %arg14[%swap3A_608, %swap3A_609] {strides = array<i32>} : memref<32x768xf32, #tpu.memory_space<vmem>>, vector<1x16xf32>,
      %swap3A_611 = vector.shape_cast %swap3A_610 : vector<1x16xf32> to vector<16xf32>
      %swap3A_612 = vector.shape_cast %add3A_607 : vector<16xf32> to vector<1x16xf32>
      tpu.vector_store %arg14[%swap3A_608, %swap3A_609], %swap3A_612 {strides = array<i32>} : memref<32x768xf32, #tpu.memory_space<vmem>>, vector<1x16xf32>,
      %get3A_613 = arith.index_cast %scan3A_46 : i32 to index
      %get3A_614 = arith.constant 560 : index
      %get3A_615 = tpu.vector_load %arg14[%get3A_613, %get3A_614] {strides = array<i32>} : memref<32x768xf32, #tpu.memory_space<vmem>>, vector<1x16xf32>,
      %get3A_616 = vector.shape_cast %get3A_615 : vector<1x16xf32> to vector<16xf32>
      %mul3A_617 = arith.mulf %get3A_49, %get3A_616 : vector<16xf32>
      %get3A_618 = arith.index_cast %scan3A_46 : i32 to index
      %get3A_619 = arith.constant 560 : index
      %get3A_620 = tpu.vector_load %arg15[%get3A_618, %get3A_619] {strides = array<i32>} : memref<32x768xf32, #tpu.memory_space<vmem>>, vector<1x16xf32>,
      %get3A_621 = vector.shape_cast %get3A_620 : vector<1x16xf32> to vector<16xf32>
      %mul3A_622 = arith.mulf %get3A_53, %get3A_621 : vector<16xf32>
      %add3A_623 = arith.addf %mul3A_617, %mul3A_622 : vector<16xf32>
      %swap3A_624 = arith.index_cast %scan3A_46 : i32 to index
      %swap3A_625 = arith.constant 560 : index
      %swap3A_626 = tpu.vector_load %arg14[%swap3A_624, %swap3A_625] {strides = array<i32>} : memref<32x768xf32, #tpu.memory_space<vmem>>, vector<1x16xf32>,
      %swap3A_627 = vector.shape_cast %swap3A_626 : vector<1x16xf32> to vector<16xf32>
      %swap3A_628 = vector.shape_cast %add3A_623 : vector<16xf32> to vector<1x16xf32>
      tpu.vector_store %arg14[%swap3A_624, %swap3A_625], %swap3A_628 {strides = array<i32>} : memref<32x768xf32, #tpu.memory_space<vmem>>, vector<1x16xf32>,
      %get3A_629 = arith.index_cast %scan3A_46 : i32 to index
      %get3A_630 = arith.constant 576 : index
      %get3A_631 = tpu.vector_load %arg14[%get3A_629, %get3A_630] {strides = array<i32>} : memref<32x768xf32, #tpu.memory_space<vmem>>, vector<1x16xf32>,
      %get3A_632 = vector.shape_cast %get3A_631 : vector<1x16xf32> to vector<16xf32>
      %mul3A_633 = arith.mulf %get3A_49, %get3A_632 : vector<16xf32>
      %get3A_634 = arith.index_cast %scan3A_46 : i32 to index
      %get3A_635 = arith.constant 576 : index
      %get3A_636 = tpu.vector_load %arg15[%get3A_634, %get3A_635] {strides = array<i32>} : memref<32x768xf32, #tpu.memory_space<vmem>>, vector<1x16xf32>,
      %get3A_637 = vector.shape_cast %get3A_636 : vector<1x16xf32> to vector<16xf32>
      %mul3A_638 = arith.mulf %get3A_53, %get3A_637 : vector<16xf32>
      %add3A_639 = arith.addf %mul3A_633, %mul3A_638 : vector<16xf32>
      %swap3A_640 = arith.index_cast %scan3A_46 : i32 to index
      %swap3A_641 = arith.constant 576 : index
      %swap3A_642 = tpu.vector_load %arg14[%swap3A_640, %swap3A_641] {strides = array<i32>} : memref<32x768xf32, #tpu.memory_space<vmem>>, vector<1x16xf32>,
      %swap3A_643 = vector.shape_cast %swap3A_642 : vector<1x16xf32> to vector<16xf32>
      %swap3A_644 = vector.shape_cast %add3A_639 : vector<16xf32> to vector<1x16xf32>
      tpu.vector_store %arg14[%swap3A_640, %swap3A_641], %swap3A_644 {strides = array<i32>} : memref<32x768xf32, #tpu.memory_space<vmem>>, vector<1x16xf32>,
      %get3A_645 = arith.index_cast %scan3A_46 : i32 to index
      %get3A_646 = arith.constant 592 : index
      %get3A_647 = tpu.vector_load %arg14[%get3A_645, %get3A_646] {strides = array<i32>} : memref<32x768xf32, #tpu.memory_space<vmem>>, vector<1x16xf32>,
      %get3A_648 = vector.shape_cast %get3A_647 : vector<1x16xf32> to vector<16xf32>
      %mul3A_649 = arith.mulf %get3A_49, %get3A_648 : vector<16xf32>
      %get3A_650 = arith.index_cast %scan3A_46 : i32 to index
      %get3A_651 = arith.constant 592 : index
      %get3A_652 = tpu.vector_load %arg15[%get3A_650, %get3A_651] {strides = array<i32>} : memref<32x768xf32, #tpu.memory_space<vmem>>, vector<1x16xf32>,
      %get3A_653 = vector.shape_cast %get3A_652 : vector<1x16xf32> to vector<16xf32>
      %mul3A_654 = arith.mulf %get3A_53, %get3A_653 : vector<16xf32>
      %add3A_655 = arith.addf %mul3A_649, %mul3A_654 : vector<16xf32>
      %swap3A_656 = arith.index_cast %scan3A_46 : i32 to index
      %swap3A_657 = arith.constant 592 : index
      %swap3A_658 = tpu.vector_load %arg14[%swap3A_656, %swap3A_657] {strides = array<i32>} : memref<32x768xf32, #tpu.memory_space<vmem>>, vector<1x16xf32>,
      %swap3A_659 = vector.shape_cast %swap3A_658 : vector<1x16xf32> to vector<16xf32>
      %swap3A_660 = vector.shape_cast %add3A_655 : vector<16xf32> to vector<1x16xf32>
      tpu.vector_store %arg14[%swap3A_656, %swap3A_657], %swap3A_660 {strides = array<i32>} : memref<32x768xf32, #tpu.memory_space<vmem>>, vector<1x16xf32>,
      %get3A_661 = arith.index_cast %scan3A_46 : i32 to index
      %get3A_662 = arith.constant 608 : index
      %get3A_663 = tpu.vector_load %arg14[%get3A_661, %get3A_662] {strides = array<i32>} : memref<32x768xf32, #tpu.memory_space<vmem>>, vector<1x16xf32>,
      %get3A_664 = vector.shape_cast %get3A_663 : vector<1x16xf32> to vector<16xf32>
      %mul3A_665 = arith.mulf %get3A_49, %get3A_664 : vector<16xf32>
      %get3A_666 = arith.index_cast %scan3A_46 : i32 to index
      %get3A_667 = arith.constant 608 : index
      %get3A_668 = tpu.vector_load %arg15[%get3A_666, %get3A_667] {strides = array<i32>} : memref<32x768xf32, #tpu.memory_space<vmem>>, vector<1x16xf32>,
      %get3A_669 = vector.shape_cast %get3A_668 : vector<1x16xf32> to vector<16xf32>
      %mul3A_670 = arith.mulf %get3A_53, %get3A_669 : vector<16xf32>
      %add3A_671 = arith.addf %mul3A_665, %mul3A_670 : vector<16xf32>
      %swap3A_672 = arith.index_cast %scan3A_46 : i32 to index
      %swap3A_673 = arith.constant 608 : index
      %swap3A_674 = tpu.vector_load %arg14[%swap3A_672, %swap3A_673] {strides = array<i32>} : memref<32x768xf32, #tpu.memory_space<vmem>>, vector<1x16xf32>,
      %swap3A_675 = vector.shape_cast %swap3A_674 : vector<1x16xf32> to vector<16xf32>
      %swap3A_676 = vector.shape_cast %add3A_671 : vector<16xf32> to vector<1x16xf32>
      tpu.vector_store %arg14[%swap3A_672, %swap3A_673], %swap3A_676 {strides = array<i32>} : memref<32x768xf32, #tpu.memory_space<vmem>>, vector<1x16xf32>,
      %get3A_677 = arith.index_cast %scan3A_46 : i32 to index
      %get3A_678 = arith.constant 624 : index
      %get3A_679 = tpu.vector_load %arg14[%get3A_677, %get3A_678] {strides = array<i32>} : memref<32x768xf32, #tpu.memory_space<vmem>>, vector<1x16xf32>,
      %get3A_680 = vector.shape_cast %get3A_679 : vector<1x16xf32> to vector<16xf32>
      %mul3A_681 = arith.mulf %get3A_49, %get3A_680 : vector<16xf32>
      %get3A_682 = arith.index_cast %scan3A_46 : i32 to index
      %get3A_683 = arith.constant 624 : index
      %get3A_684 = tpu.vector_load %arg15[%get3A_682, %get3A_683] {strides = array<i32>} : memref<32x768xf32, #tpu.memory_space<vmem>>, vector<1x16xf32>,
      %get3A_685 = vector.shape_cast %get3A_684 : vector<1x16xf32> to vector<16xf32>
      %mul3A_686 = arith.mulf %get3A_53, %get3A_685 : vector<16xf32>
      %add3A_687 = arith.addf %mul3A_681, %mul3A_686 : vector<16xf32>
      %swap3A_688 = arith.index_cast %scan3A_46 : i32 to index
      %swap3A_689 = arith.constant 624 : index
      %swap3A_690 = tpu.vector_load %arg14[%swap3A_688, %swap3A_689] {strides = array<i32>} : memref<32x768xf32, #tpu.memory_space<vmem>>, vector<1x16xf32>,
      %swap3A_691 = vector.shape_cast %swap3A_690 : vector<1x16xf32> to vector<16xf32>
      %swap3A_692 = vector.shape_cast %add3A_687 : vector<16xf32> to vector<1x16xf32>
      tpu.vector_store %arg14[%swap3A_688, %swap3A_689], %swap3A_692 {strides = array<i32>} : memref<32x768xf32, #tpu.memory_space<vmem>>, vector<1x16xf32>,
      %get3A_693 = arith.index_cast %scan3A_46 : i32 to index
      %get3A_694 = arith.constant 640 : index
      %get3A_695 = tpu.vector_load %arg14[%get3A_693, %get3A_694] {strides = array<i32>} : memref<32x768xf32, #tpu.memory_space<vmem>>, vector<1x16xf32>,
      %get3A_696 = vector.shape_cast %get3A_695 : vector<1x16xf32> to vector<16xf32>
      %mul3A_697 = arith.mulf %get3A_49, %get3A_696 : vector<16xf32>
      %get3A_698 = arith.index_cast %scan3A_46 : i32 to index
      %get3A_699 = arith.constant 640 : index
      %get3A_700 = tpu.vector_load %arg15[%get3A_698, %get3A_699] {strides = array<i32>} : memref<32x768xf32, #tpu.memory_space<vmem>>, vector<1x16xf32>,
      %get3A_701 = vector.shape_cast %get3A_700 : vector<1x16xf32> to vector<16xf32>
      %mul3A_702 = arith.mulf %get3A_53, %get3A_701 : vector<16xf32>
      %add3A_703 = arith.addf %mul3A_697, %mul3A_702 : vector<16xf32>
      %swap3A_704 = arith.index_cast %scan3A_46 : i32 to index
      %swap3A_705 = arith.constant 640 : index
      %swap3A_706 = tpu.vector_load %arg14[%swap3A_704, %swap3A_705] {strides = array<i32>} : memref<32x768xf32, #tpu.memory_space<vmem>>, vector<1x16xf32>,
      %swap3A_707 = vector.shape_cast %swap3A_706 : vector<1x16xf32> to vector<16xf32>
      %swap3A_708 = vector.shape_cast %add3A_703 : vector<16xf32> to vector<1x16xf32>
      tpu.vector_store %arg14[%swap3A_704, %swap3A_705], %swap3A_708 {strides = array<i32>} : memref<32x768xf32, #tpu.memory_space<vmem>>, vector<1x16xf32>,
      %get3A_709 = arith.index_cast %scan3A_46 : i32 to index
      %get3A_710 = arith.constant 656 : index
      %get3A_711 = tpu.vector_load %arg14[%get3A_709, %get3A_710] {strides = array<i32>} : memref<32x768xf32, #tpu.memory_space<vmem>>, vector<1x16xf32>,
      %get3A_712 = vector.shape_cast %get3A_711 : vector<1x16xf32> to vector<16xf32>
      %mul3A_713 = arith.mulf %get3A_49, %get3A_712 : vector<16xf32>
      %get3A_714 = arith.index_cast %scan3A_46 : i32 to index
      %get3A_715 = arith.constant 656 : index
      %get3A_716 = tpu.vector_load %arg15[%get3A_714, %get3A_715] {strides = array<i32>} : memref<32x768xf32, #tpu.memory_space<vmem>>, vector<1x16xf32>,
      %get3A_717 = vector.shape_cast %get3A_716 : vector<1x16xf32> to vector<16xf32>
      %mul3A_718 = arith.mulf %get3A_53, %get3A_717 : vector<16xf32>
      %add3A_719 = arith.addf %mul3A_713, %mul3A_718 : vector<16xf32>
      %swap3A_720 = arith.index_cast %scan3A_46 : i32 to index
      %swap3A_721 = arith.constant 656 : index
      %swap3A_722 = tpu.vector_load %arg14[%swap3A_720, %swap3A_721] {strides = array<i32>} : memref<32x768xf32, #tpu.memory_space<vmem>>, vector<1x16xf32>,
      %swap3A_723 = vector.shape_cast %swap3A_722 : vector<1x16xf32> to vector<16xf32>
      %swap3A_724 = vector.shape_cast %add3A_719 : vector<16xf32> to vector<1x16xf32>
      tpu.vector_store %arg14[%swap3A_720, %swap3A_721], %swap3A_724 {strides = array<i32>} : memref<32x768xf32, #tpu.memory_space<vmem>>, vector<1x16xf32>,
      %get3A_725 = arith.index_cast %scan3A_46 : i32 to index
      %get3A_726 = arith.constant 672 : index
      %get3A_727 = tpu.vector_load %arg14[%get3A_725, %get3A_726] {strides = array<i32>} : memref<32x768xf32, #tpu.memory_space<vmem>>, vector<1x16xf32>,
      %get3A_728 = vector.shape_cast %get3A_727 : vector<1x16xf32> to vector<16xf32>
      %mul3A_729 = arith.mulf %get3A_49, %get3A_728 : vector<16xf32>
      %get3A_730 = arith.index_cast %scan3A_46 : i32 to index
      %get3A_731 = arith.constant 672 : index
      %get3A_732 = tpu.vector_load %arg15[%get3A_730, %get3A_731] {strides = array<i32>} : memref<32x768xf32, #tpu.memory_space<vmem>>, vector<1x16xf32>,
      %get3A_733 = vector.shape_cast %get3A_732 : vector<1x16xf32> to vector<16xf32>
      %mul3A_734 = arith.mulf %get3A_53, %get3A_733 : vector<16xf32>
      %add3A_735 = arith.addf %mul3A_729, %mul3A_734 : vector<16xf32>
      %swap3A_736 = arith.index_cast %scan3A_46 : i32 to index
      %swap3A_737 = arith.constant 672 : index
      %swap3A_738 = tpu.vector_load %arg14[%swap3A_736, %swap3A_737] {strides = array<i32>} : memref<32x768xf32, #tpu.memory_space<vmem>>, vector<1x16xf32>,
      %swap3A_739 = vector.shape_cast %swap3A_738 : vector<1x16xf32> to vector<16xf32>
      %swap3A_740 = vector.shape_cast %add3A_735 : vector<16xf32> to vector<1x16xf32>
      tpu.vector_store %arg14[%swap3A_736, %swap3A_737], %swap3A_740 {strides = array<i32>} : memref<32x768xf32, #tpu.memory_space<vmem>>, vector<1x16xf32>,
      %get3A_741 = arith.index_cast %scan3A_46 : i32 to index
      %get3A_742 = arith.constant 688 : index
      %get3A_743 = tpu.vector_load %arg14[%get3A_741, %get3A_742] {strides = array<i32>} : memref<32x768xf32, #tpu.memory_space<vmem>>, vector<1x16xf32>,
      %get3A_744 = vector.shape_cast %get3A_743 : vector<1x16xf32> to vector<16xf32>
      %mul3A_745 = arith.mulf %get3A_49, %get3A_744 : vector<16xf32>
      %get3A_746 = arith.index_cast %scan3A_46 : i32 to index
      %get3A_747 = arith.constant 688 : index
      %get3A_748 = tpu.vector_load %arg15[%get3A_746, %get3A_747] {strides = array<i32>} : memref<32x768xf32, #tpu.memory_space<vmem>>, vector<1x16xf32>,
      %get3A_749 = vector.shape_cast %get3A_748 : vector<1x16xf32> to vector<16xf32>
      %mul3A_750 = arith.mulf %get3A_53, %get3A_749 : vector<16xf32>
      %add3A_751 = arith.addf %mul3A_745, %mul3A_750 : vector<16xf32>
      %swap3A_752 = arith.index_cast %scan3A_46 : i32 to index
      %swap3A_753 = arith.constant 688 : index
      %swap3A_754 = tpu.vector_load %arg14[%swap3A_752, %swap3A_753] {strides = array<i32>} : memref<32x768xf32, #tpu.memory_space<vmem>>, vector<1x16xf32>,
      %swap3A_755 = vector.shape_cast %swap3A_754 : vector<1x16xf32> to vector<16xf32>
      %swap3A_756 = vector.shape_cast %add3A_751 : vector<16xf32> to vector<1x16xf32>
      tpu.vector_store %arg14[%swap3A_752, %swap3A_753], %swap3A_756 {strides = array<i32>} : memref<32x768xf32, #tpu.memory_space<vmem>>, vector<1x16xf32>,
      %get3A_757 = arith.index_cast %scan3A_46 : i32 to index
      %get3A_758 = arith.constant 704 : index
      %get3A_759 = tpu.vector_load %arg14[%get3A_757, %get3A_758] {strides = array<i32>} : memref<32x768xf32, #tpu.memory_space<vmem>>, vector<1x16xf32>,
      %get3A_760 = vector.shape_cast %get3A_759 : vector<1x16xf32> to vector<16xf32>
      %mul3A_761 = arith.mulf %get3A_49, %get3A_760 : vector<16xf32>
      %get3A_762 = arith.index_cast %scan3A_46 : i32 to index
      %get3A_763 = arith.constant 704 : index
      %get3A_764 = tpu.vector_load %arg15[%get3A_762, %get3A_763] {strides = array<i32>} : memref<32x768xf32, #tpu.memory_space<vmem>>, vector<1x16xf32>,
      %get3A_765 = vector.shape_cast %get3A_764 : vector<1x16xf32> to vector<16xf32>
      %mul3A_766 = arith.mulf %get3A_53, %get3A_765 : vector<16xf32>
      %add3A_767 = arith.addf %mul3A_761, %mul3A_766 : vector<16xf32>
      %swap3A_768 = arith.index_cast %scan3A_46 : i32 to index
      %swap3A_769 = arith.constant 704 : index
      %swap3A_770 = tpu.vector_load %arg14[%swap3A_768, %swap3A_769] {strides = array<i32>} : memref<32x768xf32, #tpu.memory_space<vmem>>, vector<1x16xf32>,
      %swap3A_771 = vector.shape_cast %swap3A_770 : vector<1x16xf32> to vector<16xf32>
      %swap3A_772 = vector.shape_cast %add3A_767 : vector<16xf32> to vector<1x16xf32>
      tpu.vector_store %arg14[%swap3A_768, %swap3A_769], %swap3A_772 {strides = array<i32>} : memref<32x768xf32, #tpu.memory_space<vmem>>, vector<1x16xf32>,
      %get3A_773 = arith.index_cast %scan3A_46 : i32 to index
      %get3A_774 = arith.constant 720 : index
      %get3A_775 = tpu.vector_load %arg14[%get3A_773, %get3A_774] {strides = array<i32>} : memref<32x768xf32, #tpu.memory_space<vmem>>, vector<1x16xf32>,
      %get3A_776 = vector.shape_cast %get3A_775 : vector<1x16xf32> to vector<16xf32>
      %mul3A_777 = arith.mulf %get3A_49, %get3A_776 : vector<16xf32>
      %get3A_778 = arith.index_cast %scan3A_46 : i32 to index
      %get3A_779 = arith.constant 720 : index
      %get3A_780 = tpu.vector_load %arg15[%get3A_778, %get3A_779] {strides = array<i32>} : memref<32x768xf32, #tpu.memory_space<vmem>>, vector<1x16xf32>,
      %get3A_781 = vector.shape_cast %get3A_780 : vector<1x16xf32> to vector<16xf32>
      %mul3A_782 = arith.mulf %get3A_53, %get3A_781 : vector<16xf32>
      %add3A_783 = arith.addf %mul3A_777, %mul3A_782 : vector<16xf32>
      %swap3A_784 = arith.index_cast %scan3A_46 : i32 to index
      %swap3A_785 = arith.constant 720 : index
      %swap3A_786 = tpu.vector_load %arg14[%swap3A_784, %swap3A_785] {strides = array<i32>} : memref<32x768xf32, #tpu.memory_space<vmem>>, vector<1x16xf32>,
      %swap3A_787 = vector.shape_cast %swap3A_786 : vector<1x16xf32> to vector<16xf32>
      %swap3A_788 = vector.shape_cast %add3A_783 : vector<16xf32> to vector<1x16xf32>
      tpu.vector_store %arg14[%swap3A_784, %swap3A_785], %swap3A_788 {strides = array<i32>} : memref<32x768xf32, #tpu.memory_space<vmem>>, vector<1x16xf32>,
      %get3A_789 = arith.index_cast %scan3A_46 : i32 to index
      %get3A_790 = arith.constant 736 : index
      %get3A_791 = tpu.vector_load %arg14[%get3A_789, %get3A_790] {strides = array<i32>} : memref<32x768xf32, #tpu.memory_space<vmem>>, vector<1x16xf32>,
      %get3A_792 = vector.shape_cast %get3A_791 : vector<1x16xf32> to vector<16xf32>
      %mul3A_793 = arith.mulf %get3A_49, %get3A_792 : vector<16xf32>
      %get3A_794 = arith.index_cast %scan3A_46 : i32 to index
      %get3A_795 = arith.constant 736 : index
      %get3A_796 = tpu.vector_load %arg15[%get3A_794, %get3A_795] {strides = array<i32>} : memref<32x768xf32, #tpu.memory_space<vmem>>, vector<1x16xf32>,
      %get3A_797 = vector.shape_cast %get3A_796 : vector<1x16xf32> to vector<16xf32>
      %mul3A_798 = arith.mulf %get3A_53, %get3A_797 : vector<16xf32>
      %add3A_799 = arith.addf %mul3A_793, %mul3A_798 : vector<16xf32>
      %swap3A_800 = arith.index_cast %scan3A_46 : i32 to index
      %swap3A_801 = arith.constant 736 : index
      %swap3A_802 = tpu.vector_load %arg14[%swap3A_800, %swap3A_801] {strides = array<i32>} : memref<32x768xf32, #tpu.memory_space<vmem>>, vector<1x16xf32>,
      %swap3A_803 = vector.shape_cast %swap3A_802 : vector<1x16xf32> to vector<16xf32>
      %swap3A_804 = vector.shape_cast %add3A_799 : vector<16xf32> to vector<1x16xf32>
      tpu.vector_store %arg14[%swap3A_800, %swap3A_801], %swap3A_804 {strides = array<i32>} : memref<32x768xf32, #tpu.memory_space<vmem>>, vector<1x16xf32>,
      %get3A_805 = arith.index_cast %scan3A_46 : i32 to index
      %get3A_806 = arith.constant 752 : index
      %get3A_807 = tpu.vector_load %arg14[%get3A_805, %get3A_806] {strides = array<i32>} : memref<32x768xf32, #tpu.memory_space<vmem>>, vector<1x16xf32>,
      %get3A_808 = vector.shape_cast %get3A_807 : vector<1x16xf32> to vector<16xf32>
      %mul3A_809 = arith.mulf %get3A_49, %get3A_808 : vector<16xf32>
      %get3A_810 = arith.index_cast %scan3A_46 : i32 to index
      %get3A_811 = arith.constant 752 : index
      %get3A_812 = tpu.vector_load %arg15[%get3A_810, %get3A_811] {strides = array<i32>} : memref<32x768xf32, #tpu.memory_space<vmem>>, vector<1x16xf32>,
      %get3A_813 = vector.shape_cast %get3A_812 : vector<1x16xf32> to vector<16xf32>
      %mul3A_814 = arith.mulf %get3A_53, %get3A_813 : vector<16xf32>
      %add3A_815 = arith.addf %mul3A_809, %mul3A_814 : vector<16xf32>
      %swap3A_816 = arith.index_cast %scan3A_46 : i32 to index
      %swap3A_817 = arith.constant 752 : index
      %swap3A_818 = tpu.vector_load %arg14[%swap3A_816, %swap3A_817] {strides = array<i32>} : memref<32x768xf32, #tpu.memory_space<vmem>>, vector<1x16xf32>,
      %swap3A_819 = vector.shape_cast %swap3A_818 : vector<1x16xf32> to vector<16xf32>
      %swap3A_820 = vector.shape_cast %add3A_815 : vector<16xf32> to vector<1x16xf32>
      tpu.vector_store %arg14[%swap3A_816, %swap3A_817], %swap3A_820 {strides = array<i32>} : memref<32x768xf32, #tpu.memory_space<vmem>>, vector<1x16xf32>,
    }
    %scan3A_33 = arith.constant 32 : i32
    "tpu.region"() ({
      %run_scoped3A = tpu.sem_alloc : memref<!tpu.dma_semaphore, #tpu.memory_space<semaphore_mem>>
      %dma_start3A_46 = arith.constant 0 : i32
      %dma_start3A_47 = tpu.memref_slice %arg5[%mul3A_2, %dma_start3A_46] : memref<2048x768xf32, #tpu.memory_space<hbm>> -> memref<32x768xf32, #tpu.memory_space<hbm>>
      %dma_start3A_48 = arith.constant 0 : i32
      %dma_start3A_49 = tpu.memref_slice %arg5[%mul3A_2, %dma_start3A_48] : memref<2048x768xf32, #tpu.memory_space<hbm>> -> memref<32x768xf32, #tpu.memory_space<hbm>>
      tpu.enqueue_dma source(%arg14 : memref<32x768xf32, #tpu.memory_space<vmem>>) target(%dma_start3A_49 : memref<32x768xf32, #tpu.memory_space<hbm>>) target_semaphore(%run_scoped3A : memref<!tpu.dma_semaphore, #tpu.memory_space<semaphore_mem>>)
      %dma_wait3A_50 = arith.constant 0 : i32
      %dma_wait3A_51 = tpu.memref_slice %arg5[%mul3A_2, %dma_wait3A_50] : memref<2048x768xf32, #tpu.memory_space<hbm>> -> memref<32x768xf32, #tpu.memory_space<hbm>>
      %dma_wait3A_52 = arith.constant 0 : i32
      %dma_wait3A_53 = tpu.memref_slice %arg5[%mul3A_2, %dma_wait3A_52] : memref<2048x768xf32, #tpu.memory_space<hbm>> -> memref<32x768xf32, #tpu.memory_space<hbm>>
      tpu.wait_dma2 semaphore(%run_scoped3A : memref<!tpu.dma_semaphore, #tpu.memory_space<semaphore_mem>>) src(%arg14 : memref<32x768xf32, #tpu.memory_space<vmem>>) dst(%dma_wait3A_53 : memref<32x768xf32, #tpu.memory_space<hbm>>)
      tpu.yield
    }) : () -> ()
    %dma_wait3A_34 = arith.constant 0 : i32
    %dma_wait3A_35 = arith.constant 0 : i32
    %dma_wait3A_36 = tpu.memref_slice %arg2[%dma_wait3A_34, %dma_wait3A_35] : memref<12288x768xf32, #tpu.memory_space<hbm>> -> memref<12288x768xf32, #tpu.memory_space<hbm>>
    tpu.wait_indirect_dma semaphore(%arg20 : memref<!tpu.dma_semaphore, #tpu.memory_space<semaphore_mem>>) src(%dma_wait3A_36 : memref<12288x768xf32, #tpu.memory_space<hbm>>) dst(%arg16 : memref<32x768xf32, #tpu.memory_space<vmem>>)
    %dma_wait3A_37 = arith.constant 0 : i32
    %dma_wait3A_38 = arith.constant 0 : i32
    %dma_wait3A_39 = tpu.memref_slice %arg2[%dma_wait3A_37, %dma_wait3A_38] : memref<12288x768xf32, #tpu.memory_space<hbm>> -> memref<12288x768xf32, #tpu.memory_space<hbm>>
    tpu.wait_indirect_dma semaphore(%arg21 : memref<!tpu.dma_semaphore, #tpu.memory_space<semaphore_mem>>) src(%dma_wait3A_39 : memref<12288x768xf32, #tpu.memory_space<hbm>>) dst(%arg17 : memref<32x768xf32, #tpu.memory_space<vmem>>)
    %scan3A_40 = arith.constant 0 : i32
    %scan3A_41 = arith.constant 0 : i32
    %scan3A_42 = arith.constant 32 : i32
    %scan3A_43 = arith.addi %scan3A_41, %scan3A_42 : i32
    %scan3A_44 = arith.constant 1 : i32
    scf.for %scan3A_46 = %scan3A_41 to %scan3A_43 step %scan3A_44  : i32 {
      %get3A = arith.index_cast %scan3A_46 : i32 to index
      %get3A_47 = arith.constant 0 : index
      %get3A_48 = tpu.vector_load %arg12[%get3A, %get3A_47] {strides = array<i32>} : memref<32x16xf32, #tpu.memory_space<vmem>>, vector<1x16xf32>,
      %get3A_49 = vector.shape_cast %get3A_48 : vector<1x16xf32> to vector<16xf32>
      %get3A_50 = arith.index_cast %scan3A_46 : i32 to index
      %get3A_51 = arith.constant 0 : index
      %get3A_52 = tpu.vector_load %arg13[%get3A_50, %get3A_51] {strides = array<i32>} : memref<32x16xf32, #tpu.memory_space<vmem>>, vector<1x16xf32>,
      %get3A_53 = vector.shape_cast %get3A_52 : vector<1x16xf32> to vector<16xf32>
      %get3A_54 = arith.index_cast %scan3A_46 : i32 to index
      %get3A_55 = arith.constant 0 : index
      %get3A_56 = tpu.vector_load %arg16[%get3A_54, %get3A_55] {strides = array<i32>} : memref<32x768xf32, #tpu.memory_space<vmem>>, vector<1x16xf32>,
      %get3A_57 = vector.shape_cast %get3A_56 : vector<1x16xf32> to vector<16xf32>
      %mul3A_58 = arith.mulf %get3A_49, %get3A_57 : vector<16xf32>
      %get3A_59 = arith.index_cast %scan3A_46 : i32 to index
      %get3A_60 = arith.constant 0 : index
      %get3A_61 = tpu.vector_load %arg17[%get3A_59, %get3A_60] {strides = array<i32>} : memref<32x768xf32, #tpu.memory_space<vmem>>, vector<1x16xf32>,
      %get3A_62 = vector.shape_cast %get3A_61 : vector<1x16xf32> to vector<16xf32>
      %mul3A_63 = arith.mulf %get3A_53, %get3A_62 : vector<16xf32>
      %add3A_64 = arith.addf %mul3A_58, %mul3A_63 : vector<16xf32>
      %swap3A = arith.index_cast %scan3A_46 : i32 to index
      %swap3A_65 = arith.constant 0 : index
      %swap3A_66 = tpu.vector_load %arg16[%swap3A, %swap3A_65] {strides = array<i32>} : memref<32x768xf32, #tpu.memory_space<vmem>>, vector<1x16xf32>,
      %swap3A_67 = vector.shape_cast %swap3A_66 : vector<1x16xf32> to vector<16xf32>
      %swap3A_68 = vector.shape_cast %add3A_64 : vector<16xf32> to vector<1x16xf32>
      tpu.vector_store %arg16[%swap3A, %swap3A_65], %swap3A_68 {strides = array<i32>} : memref<32x768xf32, #tpu.memory_space<vmem>>, vector<1x16xf32>,
      %get3A_69 = arith.index_cast %scan3A_46 : i32 to index
      %get3A_70 = arith.constant 16 : index
      %get3A_71 = tpu.vector_load %arg16[%get3A_69, %get3A_70] {strides = array<i32>} : memref<32x768xf32, #tpu.memory_space<vmem>>, vector<1x16xf32>,
      %get3A_72 = vector.shape_cast %get3A_71 : vector<1x16xf32> to vector<16xf32>
      %mul3A_73 = arith.mulf %get3A_49, %get3A_72 : vector<16xf32>
      %get3A_74 = arith.index_cast %scan3A_46 : i32 to index
      %get3A_75 = arith.constant 16 : index
      %get3A_76 = tpu.vector_load %arg17[%get3A_74, %get3A_75] {strides = array<i32>} : memref<32x768xf32, #tpu.memory_space<vmem>>, vector<1x16xf32>,
      %get3A_77 = vector.shape_cast %get3A_76 : vector<1x16xf32> to vector<16xf32>
      %mul3A_78 = arith.mulf %get3A_53, %get3A_77 : vector<16xf32>
      %add3A_79 = arith.addf %mul3A_73, %mul3A_78 : vector<16xf32>
      %swap3A_80 = arith.index_cast %scan3A_46 : i32 to index
      %swap3A_81 = arith.constant 16 : index
      %swap3A_82 = tpu.vector_load %arg16[%swap3A_80, %swap3A_81] {strides = array<i32>} : memref<32x768xf32, #tpu.memory_space<vmem>>, vector<1x16xf32>,
      %swap3A_83 = vector.shape_cast %swap3A_82 : vector<1x16xf32> to vector<16xf32>
      %swap3A_84 = vector.shape_cast %add3A_79 : vector<16xf32> to vector<1x16xf32>
      tpu.vector_store %arg16[%swap3A_80, %swap3A_81], %swap3A_84 {strides = array<i32>} : memref<32x768xf32, #tpu.memory_space<vmem>>, vector<1x16xf32>,
      %get3A_85 = arith.index_cast %scan3A_46 : i32 to index
      %get3A_86 = arith.constant 32 : index
      %get3A_87 = tpu.vector_load %arg16[%get3A_85, %get3A_86] {strides = array<i32>} : memref<32x768xf32, #tpu.memory_space<vmem>>, vector<1x16xf32>,
      %get3A_88 = vector.shape_cast %get3A_87 : vector<1x16xf32> to vector<16xf32>
      %mul3A_89 = arith.mulf %get3A_49, %get3A_88 : vector<16xf32>
      %get3A_90 = arith.index_cast %scan3A_46 : i32 to index
      %get3A_91 = arith.constant 32 : index
      %get3A_92 = tpu.vector_load %arg17[%get3A_90, %get3A_91] {strides = array<i32>} : memref<32x768xf32, #tpu.memory_space<vmem>>, vector<1x16xf32>,
      %get3A_93 = vector.shape_cast %get3A_92 : vector<1x16xf32> to vector<16xf32>
      %mul3A_94 = arith.mulf %get3A_53, %get3A_93 : vector<16xf32>
      %add3A_95 = arith.addf %mul3A_89, %mul3A_94 : vector<16xf32>
      %swap3A_96 = arith.index_cast %scan3A_46 : i32 to index
      %swap3A_97 = arith.constant 32 : index
      %swap3A_98 = tpu.vector_load %arg16[%swap3A_96, %swap3A_97] {strides = array<i32>} : memref<32x768xf32, #tpu.memory_space<vmem>>, vector<1x16xf32>,
      %swap3A_99 = vector.shape_cast %swap3A_98 : vector<1x16xf32> to vector<16xf32>
      %swap3A_100 = vector.shape_cast %add3A_95 : vector<16xf32> to vector<1x16xf32>
      tpu.vector_store %arg16[%swap3A_96, %swap3A_97], %swap3A_100 {strides = array<i32>} : memref<32x768xf32, #tpu.memory_space<vmem>>, vector<1x16xf32>,
      %get3A_101 = arith.index_cast %scan3A_46 : i32 to index
      %get3A_102 = arith.constant 48 : index
      %get3A_103 = tpu.vector_load %arg16[%get3A_101, %get3A_102] {strides = array<i32>} : memref<32x768xf32, #tpu.memory_space<vmem>>, vector<1x16xf32>,
      %get3A_104 = vector.shape_cast %get3A_103 : vector<1x16xf32> to vector<16xf32>
      %mul3A_105 = arith.mulf %get3A_49, %get3A_104 : vector<16xf32>
      %get3A_106 = arith.index_cast %scan3A_46 : i32 to index
      %get3A_107 = arith.constant 48 : index
      %get3A_108 = tpu.vector_load %arg17[%get3A_106, %get3A_107] {strides = array<i32>} : memref<32x768xf32, #tpu.memory_space<vmem>>, vector<1x16xf32>,
      %get3A_109 = vector.shape_cast %get3A_108 : vector<1x16xf32> to vector<16xf32>
      %mul3A_110 = arith.mulf %get3A_53, %get3A_109 : vector<16xf32>
      %add3A_111 = arith.addf %mul3A_105, %mul3A_110 : vector<16xf32>
      %swap3A_112 = arith.index_cast %scan3A_46 : i32 to index
      %swap3A_113 = arith.constant 48 : index
      %swap3A_114 = tpu.vector_load %arg16[%swap3A_112, %swap3A_113] {strides = array<i32>} : memref<32x768xf32, #tpu.memory_space<vmem>>, vector<1x16xf32>,
      %swap3A_115 = vector.shape_cast %swap3A_114 : vector<1x16xf32> to vector<16xf32>
      %swap3A_116 = vector.shape_cast %add3A_111 : vector<16xf32> to vector<1x16xf32>
      tpu.vector_store %arg16[%swap3A_112, %swap3A_113], %swap3A_116 {strides = array<i32>} : memref<32x768xf32, #tpu.memory_space<vmem>>, vector<1x16xf32>,
      %get3A_117 = arith.index_cast %scan3A_46 : i32 to index
      %get3A_118 = arith.constant 64 : index
      %get3A_119 = tpu.vector_load %arg16[%get3A_117, %get3A_118] {strides = array<i32>} : memref<32x768xf32, #tpu.memory_space<vmem>>, vector<1x16xf32>,
      %get3A_120 = vector.shape_cast %get3A_119 : vector<1x16xf32> to vector<16xf32>
      %mul3A_121 = arith.mulf %get3A_49, %get3A_120 : vector<16xf32>
      %get3A_122 = arith.index_cast %scan3A_46 : i32 to index
      %get3A_123 = arith.constant 64 : index
      %get3A_124 = tpu.vector_load %arg17[%get3A_122, %get3A_123] {strides = array<i32>} : memref<32x768xf32, #tpu.memory_space<vmem>>, vector<1x16xf32>,
      %get3A_125 = vector.shape_cast %get3A_124 : vector<1x16xf32> to vector<16xf32>
      %mul3A_126 = arith.mulf %get3A_53, %get3A_125 : vector<16xf32>
      %add3A_127 = arith.addf %mul3A_121, %mul3A_126 : vector<16xf32>
      %swap3A_128 = arith.index_cast %scan3A_46 : i32 to index
      %swap3A_129 = arith.constant 64 : index
      %swap3A_130 = tpu.vector_load %arg16[%swap3A_128, %swap3A_129] {strides = array<i32>} : memref<32x768xf32, #tpu.memory_space<vmem>>, vector<1x16xf32>,
      %swap3A_131 = vector.shape_cast %swap3A_130 : vector<1x16xf32> to vector<16xf32>
      %swap3A_132 = vector.shape_cast %add3A_127 : vector<16xf32> to vector<1x16xf32>
      tpu.vector_store %arg16[%swap3A_128, %swap3A_129], %swap3A_132 {strides = array<i32>} : memref<32x768xf32, #tpu.memory_space<vmem>>, vector<1x16xf32>,
      %get3A_133 = arith.index_cast %scan3A_46 : i32 to index
      %get3A_134 = arith.constant 80 : index
      %get3A_135 = tpu.vector_load %arg16[%get3A_133, %get3A_134] {strides = array<i32>} : memref<32x768xf32, #tpu.memory_space<vmem>>, vector<1x16xf32>,
      %get3A_136 = vector.shape_cast %get3A_135 : vector<1x16xf32> to vector<16xf32>
      %mul3A_137 = arith.mulf %get3A_49, %get3A_136 : vector<16xf32>
      %get3A_138 = arith.index_cast %scan3A_46 : i32 to index
      %get3A_139 = arith.constant 80 : index
      %get3A_140 = tpu.vector_load %arg17[%get3A_138, %get3A_139] {strides = array<i32>} : memref<32x768xf32, #tpu.memory_space<vmem>>, vector<1x16xf32>,
      %get3A_141 = vector.shape_cast %get3A_140 : vector<1x16xf32> to vector<16xf32>
      %mul3A_142 = arith.mulf %get3A_53, %get3A_141 : vector<16xf32>
      %add3A_143 = arith.addf %mul3A_137, %mul3A_142 : vector<16xf32>
      %swap3A_144 = arith.index_cast %scan3A_46 : i32 to index
      %swap3A_145 = arith.constant 80 : index
      %swap3A_146 = tpu.vector_load %arg16[%swap3A_144, %swap3A_145] {strides = array<i32>} : memref<32x768xf32, #tpu.memory_space<vmem>>, vector<1x16xf32>,
      %swap3A_147 = vector.shape_cast %swap3A_146 : vector<1x16xf32> to vector<16xf32>
      %swap3A_148 = vector.shape_cast %add3A_143 : vector<16xf32> to vector<1x16xf32>
      tpu.vector_store %arg16[%swap3A_144, %swap3A_145], %swap3A_148 {strides = array<i32>} : memref<32x768xf32, #tpu.memory_space<vmem>>, vector<1x16xf32>,
      %get3A_149 = arith.index_cast %scan3A_46 : i32 to index
      %get3A_150 = arith.constant 96 : index
      %get3A_151 = tpu.vector_load %arg16[%get3A_149, %get3A_150] {strides = array<i32>} : memref<32x768xf32, #tpu.memory_space<vmem>>, vector<1x16xf32>,
      %get3A_152 = vector.shape_cast %get3A_151 : vector<1x16xf32> to vector<16xf32>
      %mul3A_153 = arith.mulf %get3A_49, %get3A_152 : vector<16xf32>
      %get3A_154 = arith.index_cast %scan3A_46 : i32 to index
      %get3A_155 = arith.constant 96 : index
      %get3A_156 = tpu.vector_load %arg17[%get3A_154, %get3A_155] {strides = array<i32>} : memref<32x768xf32, #tpu.memory_space<vmem>>, vector<1x16xf32>,
      %get3A_157 = vector.shape_cast %get3A_156 : vector<1x16xf32> to vector<16xf32>
      %mul3A_158 = arith.mulf %get3A_53, %get3A_157 : vector<16xf32>
      %add3A_159 = arith.addf %mul3A_153, %mul3A_158 : vector<16xf32>
      %swap3A_160 = arith.index_cast %scan3A_46 : i32 to index
      %swap3A_161 = arith.constant 96 : index
      %swap3A_162 = tpu.vector_load %arg16[%swap3A_160, %swap3A_161] {strides = array<i32>} : memref<32x768xf32, #tpu.memory_space<vmem>>, vector<1x16xf32>,
      %swap3A_163 = vector.shape_cast %swap3A_162 : vector<1x16xf32> to vector<16xf32>
      %swap3A_164 = vector.shape_cast %add3A_159 : vector<16xf32> to vector<1x16xf32>
      tpu.vector_store %arg16[%swap3A_160, %swap3A_161], %swap3A_164 {strides = array<i32>} : memref<32x768xf32, #tpu.memory_space<vmem>>, vector<1x16xf32>,
      %get3A_165 = arith.index_cast %scan3A_46 : i32 to index
      %get3A_166 = arith.constant 112 : index
      %get3A_167 = tpu.vector_load %arg16[%get3A_165, %get3A_166] {strides = array<i32>} : memref<32x768xf32, #tpu.memory_space<vmem>>, vector<1x16xf32>,
      %get3A_168 = vector.shape_cast %get3A_167 : vector<1x16xf32> to vector<16xf32>
      %mul3A_169 = arith.mulf %get3A_49, %get3A_168 : vector<16xf32>
      %get3A_170 = arith.index_cast %scan3A_46 : i32 to index
      %get3A_171 = arith.constant 112 : index
      %get3A_172 = tpu.vector_load %arg17[%get3A_170, %get3A_171] {strides = array<i32>} : memref<32x768xf32, #tpu.memory_space<vmem>>, vector<1x16xf32>,
      %get3A_173 = vector.shape_cast %get3A_172 : vector<1x16xf32> to vector<16xf32>
      %mul3A_174 = arith.mulf %get3A_53, %get3A_173 : vector<16xf32>
      %add3A_175 = arith.addf %mul3A_169, %mul3A_174 : vector<16xf32>
      %swap3A_176 = arith.index_cast %scan3A_46 : i32 to index
      %swap3A_177 = arith.constant 112 : index
      %swap3A_178 = tpu.vector_load %arg16[%swap3A_176, %swap3A_177] {strides = array<i32>} : memref<32x768xf32, #tpu.memory_space<vmem>>, vector<1x16xf32>,
      %swap3A_179 = vector.shape_cast %swap3A_178 : vector<1x16xf32> to vector<16xf32>
      %swap3A_180 = vector.shape_cast %add3A_175 : vector<16xf32> to vector<1x16xf32>
      tpu.vector_store %arg16[%swap3A_176, %swap3A_177], %swap3A_180 {strides = array<i32>} : memref<32x768xf32, #tpu.memory_space<vmem>>, vector<1x16xf32>,
      %get3A_181 = arith.index_cast %scan3A_46 : i32 to index
      %get3A_182 = arith.constant 128 : index
      %get3A_183 = tpu.vector_load %arg16[%get3A_181, %get3A_182] {strides = array<i32>} : memref<32x768xf32, #tpu.memory_space<vmem>>, vector<1x16xf32>,
      %get3A_184 = vector.shape_cast %get3A_183 : vector<1x16xf32> to vector<16xf32>
      %mul3A_185 = arith.mulf %get3A_49, %get3A_184 : vector<16xf32>
      %get3A_186 = arith.index_cast %scan3A_46 : i32 to index
      %get3A_187 = arith.constant 128 : index
      %get3A_188 = tpu.vector_load %arg17[%get3A_186, %get3A_187] {strides = array<i32>} : memref<32x768xf32, #tpu.memory_space<vmem>>, vector<1x16xf32>,
      %get3A_189 = vector.shape_cast %get3A_188 : vector<1x16xf32> to vector<16xf32>
      %mul3A_190 = arith.mulf %get3A_53, %get3A_189 : vector<16xf32>
      %add3A_191 = arith.addf %mul3A_185, %mul3A_190 : vector<16xf32>
      %swap3A_192 = arith.index_cast %scan3A_46 : i32 to index
      %swap3A_193 = arith.constant 128 : index
      %swap3A_194 = tpu.vector_load %arg16[%swap3A_192, %swap3A_193] {strides = array<i32>} : memref<32x768xf32, #tpu.memory_space<vmem>>, vector<1x16xf32>,
      %swap3A_195 = vector.shape_cast %swap3A_194 : vector<1x16xf32> to vector<16xf32>
      %swap3A_196 = vector.shape_cast %add3A_191 : vector<16xf32> to vector<1x16xf32>
      tpu.vector_store %arg16[%swap3A_192, %swap3A_193], %swap3A_196 {strides = array<i32>} : memref<32x768xf32, #tpu.memory_space<vmem>>, vector<1x16xf32>,
      %get3A_197 = arith.index_cast %scan3A_46 : i32 to index
      %get3A_198 = arith.constant 144 : index
      %get3A_199 = tpu.vector_load %arg16[%get3A_197, %get3A_198] {strides = array<i32>} : memref<32x768xf32, #tpu.memory_space<vmem>>, vector<1x16xf32>,
      %get3A_200 = vector.shape_cast %get3A_199 : vector<1x16xf32> to vector<16xf32>
      %mul3A_201 = arith.mulf %get3A_49, %get3A_200 : vector<16xf32>
      %get3A_202 = arith.index_cast %scan3A_46 : i32 to index
      %get3A_203 = arith.constant 144 : index
      %get3A_204 = tpu.vector_load %arg17[%get3A_202, %get3A_203] {strides = array<i32>} : memref<32x768xf32, #tpu.memory_space<vmem>>, vector<1x16xf32>,
      %get3A_205 = vector.shape_cast %get3A_204 : vector<1x16xf32> to vector<16xf32>
      %mul3A_206 = arith.mulf %get3A_53, %get3A_205 : vector<16xf32>
      %add3A_207 = arith.addf %mul3A_201, %mul3A_206 : vector<16xf32>
      %swap3A_208 = arith.index_cast %scan3A_46 : i32 to index
      %swap3A_209 = arith.constant 144 : index
      %swap3A_210 = tpu.vector_load %arg16[%swap3A_208, %swap3A_209] {strides = array<i32>} : memref<32x768xf32, #tpu.memory_space<vmem>>, vector<1x16xf32>,
      %swap3A_211 = vector.shape_cast %swap3A_210 : vector<1x16xf32> to vector<16xf32>
      %swap3A_212 = vector.shape_cast %add3A_207 : vector<16xf32> to vector<1x16xf32>
      tpu.vector_store %arg16[%swap3A_208, %swap3A_209], %swap3A_212 {strides = array<i32>} : memref<32x768xf32, #tpu.memory_space<vmem>>, vector<1x16xf32>,
      %get3A_213 = arith.index_cast %scan3A_46 : i32 to index
      %get3A_214 = arith.constant 160 : index
      %get3A_215 = tpu.vector_load %arg16[%get3A_213, %get3A_214] {strides = array<i32>} : memref<32x768xf32, #tpu.memory_space<vmem>>, vector<1x16xf32>,
      %get3A_216 = vector.shape_cast %get3A_215 : vector<1x16xf32> to vector<16xf32>
      %mul3A_217 = arith.mulf %get3A_49, %get3A_216 : vector<16xf32>
      %get3A_218 = arith.index_cast %scan3A_46 : i32 to index
      %get3A_219 = arith.constant 160 : index
      %get3A_220 = tpu.vector_load %arg17[%get3A_218, %get3A_219] {strides = array<i32>} : memref<32x768xf32, #tpu.memory_space<vmem>>, vector<1x16xf32>,
      %get3A_221 = vector.shape_cast %get3A_220 : vector<1x16xf32> to vector<16xf32>
      %mul3A_222 = arith.mulf %get3A_53, %get3A_221 : vector<16xf32>
      %add3A_223 = arith.addf %mul3A_217, %mul3A_222 : vector<16xf32>
      %swap3A_224 = arith.index_cast %scan3A_46 : i32 to index
      %swap3A_225 = arith.constant 160 : index
      %swap3A_226 = tpu.vector_load %arg16[%swap3A_224, %swap3A_225] {strides = array<i32>} : memref<32x768xf32, #tpu.memory_space<vmem>>, vector<1x16xf32>,
      %swap3A_227 = vector.shape_cast %swap3A_226 : vector<1x16xf32> to vector<16xf32>
      %swap3A_228 = vector.shape_cast %add3A_223 : vector<16xf32> to vector<1x16xf32>
      tpu.vector_store %arg16[%swap3A_224, %swap3A_225], %swap3A_228 {strides = array<i32>} : memref<32x768xf32, #tpu.memory_space<vmem>>, vector<1x16xf32>,
      %get3A_229 = arith.index_cast %scan3A_46 : i32 to index
      %get3A_230 = arith.constant 176 : index
      %get3A_231 = tpu.vector_load %arg16[%get3A_229, %get3A_230] {strides = array<i32>} : memref<32x768xf32, #tpu.memory_space<vmem>>, vector<1x16xf32>,
      %get3A_232 = vector.shape_cast %get3A_231 : vector<1x16xf32> to vector<16xf32>
      %mul3A_233 = arith.mulf %get3A_49, %get3A_232 : vector<16xf32>
      %get3A_234 = arith.index_cast %scan3A_46 : i32 to index
      %get3A_235 = arith.constant 176 : index
      %get3A_236 = tpu.vector_load %arg17[%get3A_234, %get3A_235] {strides = array<i32>} : memref<32x768xf32, #tpu.memory_space<vmem>>, vector<1x16xf32>,
      %get3A_237 = vector.shape_cast %get3A_236 : vector<1x16xf32> to vector<16xf32>
      %mul3A_238 = arith.mulf %get3A_53, %get3A_237 : vector<16xf32>
      %add3A_239 = arith.addf %mul3A_233, %mul3A_238 : vector<16xf32>
      %swap3A_240 = arith.index_cast %scan3A_46 : i32 to index
      %swap3A_241 = arith.constant 176 : index
      %swap3A_242 = tpu.vector_load %arg16[%swap3A_240, %swap3A_241] {strides = array<i32>} : memref<32x768xf32, #tpu.memory_space<vmem>>, vector<1x16xf32>,
      %swap3A_243 = vector.shape_cast %swap3A_242 : vector<1x16xf32> to vector<16xf32>
      %swap3A_244 = vector.shape_cast %add3A_239 : vector<16xf32> to vector<1x16xf32>
      tpu.vector_store %arg16[%swap3A_240, %swap3A_241], %swap3A_244 {strides = array<i32>} : memref<32x768xf32, #tpu.memory_space<vmem>>, vector<1x16xf32>,
      %get3A_245 = arith.index_cast %scan3A_46 : i32 to index
      %get3A_246 = arith.constant 192 : index
      %get3A_247 = tpu.vector_load %arg16[%get3A_245, %get3A_246] {strides = array<i32>} : memref<32x768xf32, #tpu.memory_space<vmem>>, vector<1x16xf32>,
      %get3A_248 = vector.shape_cast %get3A_247 : vector<1x16xf32> to vector<16xf32>
      %mul3A_249 = arith.mulf %get3A_49, %get3A_248 : vector<16xf32>
      %get3A_250 = arith.index_cast %scan3A_46 : i32 to index
      %get3A_251 = arith.constant 192 : index
      %get3A_252 = tpu.vector_load %arg17[%get3A_250, %get3A_251] {strides = array<i32>} : memref<32x768xf32, #tpu.memory_space<vmem>>, vector<1x16xf32>,
      %get3A_253 = vector.shape_cast %get3A_252 : vector<1x16xf32> to vector<16xf32>
      %mul3A_254 = arith.mulf %get3A_53, %get3A_253 : vector<16xf32>
      %add3A_255 = arith.addf %mul3A_249, %mul3A_254 : vector<16xf32>
      %swap3A_256 = arith.index_cast %scan3A_46 : i32 to index
      %swap3A_257 = arith.constant 192 : index
      %swap3A_258 = tpu.vector_load %arg16[%swap3A_256, %swap3A_257] {strides = array<i32>} : memref<32x768xf32, #tpu.memory_space<vmem>>, vector<1x16xf32>,
      %swap3A_259 = vector.shape_cast %swap3A_258 : vector<1x16xf32> to vector<16xf32>
      %swap3A_260 = vector.shape_cast %add3A_255 : vector<16xf32> to vector<1x16xf32>
      tpu.vector_store %arg16[%swap3A_256, %swap3A_257], %swap3A_260 {strides = array<i32>} : memref<32x768xf32, #tpu.memory_space<vmem>>, vector<1x16xf32>,
      %get3A_261 = arith.index_cast %scan3A_46 : i32 to index
      %get3A_262 = arith.constant 208 : index
      %get3A_263 = tpu.vector_load %arg16[%get3A_261, %get3A_262] {strides = array<i32>} : memref<32x768xf32, #tpu.memory_space<vmem>>, vector<1x16xf32>,
      %get3A_264 = vector.shape_cast %get3A_263 : vector<1x16xf32> to vector<16xf32>
      %mul3A_265 = arith.mulf %get3A_49, %get3A_264 : vector<16xf32>
      %get3A_266 = arith.index_cast %scan3A_46 : i32 to index
      %get3A_267 = arith.constant 208 : index
      %get3A_268 = tpu.vector_load %arg17[%get3A_266, %get3A_267] {strides = array<i32>} : memref<32x768xf32, #tpu.memory_space<vmem>>, vector<1x16xf32>,
      %get3A_269 = vector.shape_cast %get3A_268 : vector<1x16xf32> to vector<16xf32>
      %mul3A_270 = arith.mulf %get3A_53, %get3A_269 : vector<16xf32>
      %add3A_271 = arith.addf %mul3A_265, %mul3A_270 : vector<16xf32>
      %swap3A_272 = arith.index_cast %scan3A_46 : i32 to index
      %swap3A_273 = arith.constant 208 : index
      %swap3A_274 = tpu.vector_load %arg16[%swap3A_272, %swap3A_273] {strides = array<i32>} : memref<32x768xf32, #tpu.memory_space<vmem>>, vector<1x16xf32>,
      %swap3A_275 = vector.shape_cast %swap3A_274 : vector<1x16xf32> to vector<16xf32>
      %swap3A_276 = vector.shape_cast %add3A_271 : vector<16xf32> to vector<1x16xf32>
      tpu.vector_store %arg16[%swap3A_272, %swap3A_273], %swap3A_276 {strides = array<i32>} : memref<32x768xf32, #tpu.memory_space<vmem>>, vector<1x16xf32>,
      %get3A_277 = arith.index_cast %scan3A_46 : i32 to index
      %get3A_278 = arith.constant 224 : index
      %get3A_279 = tpu.vector_load %arg16[%get3A_277, %get3A_278] {strides = array<i32>} : memref<32x768xf32, #tpu.memory_space<vmem>>, vector<1x16xf32>,
      %get3A_280 = vector.shape_cast %get3A_279 : vector<1x16xf32> to vector<16xf32>
      %mul3A_281 = arith.mulf %get3A_49, %get3A_280 : vector<16xf32>
      %get3A_282 = arith.index_cast %scan3A_46 : i32 to index
      %get3A_283 = arith.constant 224 : index
      %get3A_284 = tpu.vector_load %arg17[%get3A_282, %get3A_283] {strides = array<i32>} : memref<32x768xf32, #tpu.memory_space<vmem>>, vector<1x16xf32>,
      %get3A_285 = vector.shape_cast %get3A_284 : vector<1x16xf32> to vector<16xf32>
      %mul3A_286 = arith.mulf %get3A_53, %get3A_285 : vector<16xf32>
      %add3A_287 = arith.addf %mul3A_281, %mul3A_286 : vector<16xf32>
      %swap3A_288 = arith.index_cast %scan3A_46 : i32 to index
      %swap3A_289 = arith.constant 224 : index
      %swap3A_290 = tpu.vector_load %arg16[%swap3A_288, %swap3A_289] {strides = array<i32>} : memref<32x768xf32, #tpu.memory_space<vmem>>, vector<1x16xf32>,
      %swap3A_291 = vector.shape_cast %swap3A_290 : vector<1x16xf32> to vector<16xf32>
      %swap3A_292 = vector.shape_cast %add3A_287 : vector<16xf32> to vector<1x16xf32>
      tpu.vector_store %arg16[%swap3A_288, %swap3A_289], %swap3A_292 {strides = array<i32>} : memref<32x768xf32, #tpu.memory_space<vmem>>, vector<1x16xf32>,
      %get3A_293 = arith.index_cast %scan3A_46 : i32 to index
      %get3A_294 = arith.constant 240 : index
      %get3A_295 = tpu.vector_load %arg16[%get3A_293, %get3A_294] {strides = array<i32>} : memref<32x768xf32, #tpu.memory_space<vmem>>, vector<1x16xf32>,
      %get3A_296 = vector.shape_cast %get3A_295 : vector<1x16xf32> to vector<16xf32>
      %mul3A_297 = arith.mulf %get3A_49, %get3A_296 : vector<16xf32>
      %get3A_298 = arith.index_cast %scan3A_46 : i32 to index
      %get3A_299 = arith.constant 240 : index
      %get3A_300 = tpu.vector_load %arg17[%get3A_298, %get3A_299] {strides = array<i32>} : memref<32x768xf32, #tpu.memory_space<vmem>>, vector<1x16xf32>,
      %get3A_301 = vector.shape_cast %get3A_300 : vector<1x16xf32> to vector<16xf32>
      %mul3A_302 = arith.mulf %get3A_53, %get3A_301 : vector<16xf32>
      %add3A_303 = arith.addf %mul3A_297, %mul3A_302 : vector<16xf32>
      %swap3A_304 = arith.index_cast %scan3A_46 : i32 to index
      %swap3A_305 = arith.constant 240 : index
      %swap3A_306 = tpu.vector_load %arg16[%swap3A_304, %swap3A_305] {strides = array<i32>} : memref<32x768xf32, #tpu.memory_space<vmem>>, vector<1x16xf32>,
      %swap3A_307 = vector.shape_cast %swap3A_306 : vector<1x16xf32> to vector<16xf32>
      %swap3A_308 = vector.shape_cast %add3A_303 : vector<16xf32> to vector<1x16xf32>
      tpu.vector_store %arg16[%swap3A_304, %swap3A_305], %swap3A_308 {strides = array<i32>} : memref<32x768xf32, #tpu.memory_space<vmem>>, vector<1x16xf32>,
      %get3A_309 = arith.index_cast %scan3A_46 : i32 to index
      %get3A_310 = arith.constant 256 : index
      %get3A_311 = tpu.vector_load %arg16[%get3A_309, %get3A_310] {strides = array<i32>} : memref<32x768xf32, #tpu.memory_space<vmem>>, vector<1x16xf32>,
      %get3A_312 = vector.shape_cast %get3A_311 : vector<1x16xf32> to vector<16xf32>
      %mul3A_313 = arith.mulf %get3A_49, %get3A_312 : vector<16xf32>
      %get3A_314 = arith.index_cast %scan3A_46 : i32 to index
      %get3A_315 = arith.constant 256 : index
      %get3A_316 = tpu.vector_load %arg17[%get3A_314, %get3A_315] {strides = array<i32>} : memref<32x768xf32, #tpu.memory_space<vmem>>, vector<1x16xf32>,
      %get3A_317 = vector.shape_cast %get3A_316 : vector<1x16xf32> to vector<16xf32>
      %mul3A_318 = arith.mulf %get3A_53, %get3A_317 : vector<16xf32>
      %add3A_319 = arith.addf %mul3A_313, %mul3A_318 : vector<16xf32>
      %swap3A_320 = arith.index_cast %scan3A_46 : i32 to index
      %swap3A_321 = arith.constant 256 : index
      %swap3A_322 = tpu.vector_load %arg16[%swap3A_320, %swap3A_321] {strides = array<i32>} : memref<32x768xf32, #tpu.memory_space<vmem>>, vector<1x16xf32>,
      %swap3A_323 = vector.shape_cast %swap3A_322 : vector<1x16xf32> to vector<16xf32>
      %swap3A_324 = vector.shape_cast %add3A_319 : vector<16xf32> to vector<1x16xf32>
      tpu.vector_store %arg16[%swap3A_320, %swap3A_321], %swap3A_324 {strides = array<i32>} : memref<32x768xf32, #tpu.memory_space<vmem>>, vector<1x16xf32>,
      %get3A_325 = arith.index_cast %scan3A_46 : i32 to index
      %get3A_326 = arith.constant 272 : index
      %get3A_327 = tpu.vector_load %arg16[%get3A_325, %get3A_326] {strides = array<i32>} : memref<32x768xf32, #tpu.memory_space<vmem>>, vector<1x16xf32>,
      %get3A_328 = vector.shape_cast %get3A_327 : vector<1x16xf32> to vector<16xf32>
      %mul3A_329 = arith.mulf %get3A_49, %get3A_328 : vector<16xf32>
      %get3A_330 = arith.index_cast %scan3A_46 : i32 to index
      %get3A_331 = arith.constant 272 : index
      %get3A_332 = tpu.vector_load %arg17[%get3A_330, %get3A_331] {strides = array<i32>} : memref<32x768xf32, #tpu.memory_space<vmem>>, vector<1x16xf32>,
      %get3A_333 = vector.shape_cast %get3A_332 : vector<1x16xf32> to vector<16xf32>
      %mul3A_334 = arith.mulf %get3A_53, %get3A_333 : vector<16xf32>
      %add3A_335 = arith.addf %mul3A_329, %mul3A_334 : vector<16xf32>
      %swap3A_336 = arith.index_cast %scan3A_46 : i32 to index
      %swap3A_337 = arith.constant 272 : index
      %swap3A_338 = tpu.vector_load %arg16[%swap3A_336, %swap3A_337] {strides = array<i32>} : memref<32x768xf32, #tpu.memory_space<vmem>>, vector<1x16xf32>,
      %swap3A_339 = vector.shape_cast %swap3A_338 : vector<1x16xf32> to vector<16xf32>
      %swap3A_340 = vector.shape_cast %add3A_335 : vector<16xf32> to vector<1x16xf32>
      tpu.vector_store %arg16[%swap3A_336, %swap3A_337], %swap3A_340 {strides = array<i32>} : memref<32x768xf32, #tpu.memory_space<vmem>>, vector<1x16xf32>,
      %get3A_341 = arith.index_cast %scan3A_46 : i32 to index
      %get3A_342 = arith.constant 288 : index
      %get3A_343 = tpu.vector_load %arg16[%get3A_341, %get3A_342] {strides = array<i32>} : memref<32x768xf32, #tpu.memory_space<vmem>>, vector<1x16xf32>,
      %get3A_344 = vector.shape_cast %get3A_343 : vector<1x16xf32> to vector<16xf32>
      %mul3A_345 = arith.mulf %get3A_49, %get3A_344 : vector<16xf32>
      %get3A_346 = arith.index_cast %scan3A_46 : i32 to index
      %get3A_347 = arith.constant 288 : index
      %get3A_348 = tpu.vector_load %arg17[%get3A_346, %get3A_347] {strides = array<i32>} : memref<32x768xf32, #tpu.memory_space<vmem>>, vector<1x16xf32>,
      %get3A_349 = vector.shape_cast %get3A_348 : vector<1x16xf32> to vector<16xf32>
      %mul3A_350 = arith.mulf %get3A_53, %get3A_349 : vector<16xf32>
      %add3A_351 = arith.addf %mul3A_345, %mul3A_350 : vector<16xf32>
      %swap3A_352 = arith.index_cast %scan3A_46 : i32 to index
      %swap3A_353 = arith.constant 288 : index
      %swap3A_354 = tpu.vector_load %arg16[%swap3A_352, %swap3A_353] {strides = array<i32>} : memref<32x768xf32, #tpu.memory_space<vmem>>, vector<1x16xf32>,
      %swap3A_355 = vector.shape_cast %swap3A_354 : vector<1x16xf32> to vector<16xf32>
      %swap3A_356 = vector.shape_cast %add3A_351 : vector<16xf32> to vector<1x16xf32>
      tpu.vector_store %arg16[%swap3A_352, %swap3A_353], %swap3A_356 {strides = array<i32>} : memref<32x768xf32, #tpu.memory_space<vmem>>, vector<1x16xf32>,
      %get3A_357 = arith.index_cast %scan3A_46 : i32 to index
      %get3A_358 = arith.constant 304 : index
      %get3A_359 = tpu.vector_load %arg16[%get3A_357, %get3A_358] {strides = array<i32>} : memref<32x768xf32, #tpu.memory_space<vmem>>, vector<1x16xf32>,
      %get3A_360 = vector.shape_cast %get3A_359 : vector<1x16xf32> to vector<16xf32>
      %mul3A_361 = arith.mulf %get3A_49, %get3A_360 : vector<16xf32>
      %get3A_362 = arith.index_cast %scan3A_46 : i32 to index
      %get3A_363 = arith.constant 304 : index
      %get3A_364 = tpu.vector_load %arg17[%get3A_362, %get3A_363] {strides = array<i32>} : memref<32x768xf32, #tpu.memory_space<vmem>>, vector<1x16xf32>,
      %get3A_365 = vector.shape_cast %get3A_364 : vector<1x16xf32> to vector<16xf32>
      %mul3A_366 = arith.mulf %get3A_53, %get3A_365 : vector<16xf32>
      %add3A_367 = arith.addf %mul3A_361, %mul3A_366 : vector<16xf32>
      %swap3A_368 = arith.index_cast %scan3A_46 : i32 to index
      %swap3A_369 = arith.constant 304 : index
      %swap3A_370 = tpu.vector_load %arg16[%swap3A_368, %swap3A_369] {strides = array<i32>} : memref<32x768xf32, #tpu.memory_space<vmem>>, vector<1x16xf32>,
      %swap3A_371 = vector.shape_cast %swap3A_370 : vector<1x16xf32> to vector<16xf32>
      %swap3A_372 = vector.shape_cast %add3A_367 : vector<16xf32> to vector<1x16xf32>
      tpu.vector_store %arg16[%swap3A_368, %swap3A_369], %swap3A_372 {strides = array<i32>} : memref<32x768xf32, #tpu.memory_space<vmem>>, vector<1x16xf32>,
      %get3A_373 = arith.index_cast %scan3A_46 : i32 to index
      %get3A_374 = arith.constant 320 : index
      %get3A_375 = tpu.vector_load %arg16[%get3A_373, %get3A_374] {strides = array<i32>} : memref<32x768xf32, #tpu.memory_space<vmem>>, vector<1x16xf32>,
      %get3A_376 = vector.shape_cast %get3A_375 : vector<1x16xf32> to vector<16xf32>
      %mul3A_377 = arith.mulf %get3A_49, %get3A_376 : vector<16xf32>
      %get3A_378 = arith.index_cast %scan3A_46 : i32 to index
      %get3A_379 = arith.constant 320 : index
      %get3A_380 = tpu.vector_load %arg17[%get3A_378, %get3A_379] {strides = array<i32>} : memref<32x768xf32, #tpu.memory_space<vmem>>, vector<1x16xf32>,
      %get3A_381 = vector.shape_cast %get3A_380 : vector<1x16xf32> to vector<16xf32>
      %mul3A_382 = arith.mulf %get3A_53, %get3A_381 : vector<16xf32>
      %add3A_383 = arith.addf %mul3A_377, %mul3A_382 : vector<16xf32>
      %swap3A_384 = arith.index_cast %scan3A_46 : i32 to index
      %swap3A_385 = arith.constant 320 : index
      %swap3A_386 = tpu.vector_load %arg16[%swap3A_384, %swap3A_385] {strides = array<i32>} : memref<32x768xf32, #tpu.memory_space<vmem>>, vector<1x16xf32>,
      %swap3A_387 = vector.shape_cast %swap3A_386 : vector<1x16xf32> to vector<16xf32>
      %swap3A_388 = vector.shape_cast %add3A_383 : vector<16xf32> to vector<1x16xf32>
      tpu.vector_store %arg16[%swap3A_384, %swap3A_385], %swap3A_388 {strides = array<i32>} : memref<32x768xf32, #tpu.memory_space<vmem>>, vector<1x16xf32>,
      %get3A_389 = arith.index_cast %scan3A_46 : i32 to index
      %get3A_390 = arith.constant 336 : index
      %get3A_391 = tpu.vector_load %arg16[%get3A_389, %get3A_390] {strides = array<i32>} : memref<32x768xf32, #tpu.memory_space<vmem>>, vector<1x16xf32>,
      %get3A_392 = vector.shape_cast %get3A_391 : vector<1x16xf32> to vector<16xf32>
      %mul3A_393 = arith.mulf %get3A_49, %get3A_392 : vector<16xf32>
      %get3A_394 = arith.index_cast %scan3A_46 : i32 to index
      %get3A_395 = arith.constant 336 : index
      %get3A_396 = tpu.vector_load %arg17[%get3A_394, %get3A_395] {strides = array<i32>} : memref<32x768xf32, #tpu.memory_space<vmem>>, vector<1x16xf32>,
      %get3A_397 = vector.shape_cast %get3A_396 : vector<1x16xf32> to vector<16xf32>
      %mul3A_398 = arith.mulf %get3A_53, %get3A_397 : vector<16xf32>
      %add3A_399 = arith.addf %mul3A_393, %mul3A_398 : vector<16xf32>
      %swap3A_400 = arith.index_cast %scan3A_46 : i32 to index
      %swap3A_401 = arith.constant 336 : index
      %swap3A_402 = tpu.vector_load %arg16[%swap3A_400, %swap3A_401] {strides = array<i32>} : memref<32x768xf32, #tpu.memory_space<vmem>>, vector<1x16xf32>,
      %swap3A_403 = vector.shape_cast %swap3A_402 : vector<1x16xf32> to vector<16xf32>
      %swap3A_404 = vector.shape_cast %add3A_399 : vector<16xf32> to vector<1x16xf32>
      tpu.vector_store %arg16[%swap3A_400, %swap3A_401], %swap3A_404 {strides = array<i32>} : memref<32x768xf32, #tpu.memory_space<vmem>>, vector<1x16xf32>,
      %get3A_405 = arith.index_cast %scan3A_46 : i32 to index
      %get3A_406 = arith.constant 352 : index
      %get3A_407 = tpu.vector_load %arg16[%get3A_405, %get3A_406] {strides = array<i32>} : memref<32x768xf32, #tpu.memory_space<vmem>>, vector<1x16xf32>,
      %get3A_408 = vector.shape_cast %get3A_407 : vector<1x16xf32> to vector<16xf32>
      %mul3A_409 = arith.mulf %get3A_49, %get3A_408 : vector<16xf32>
      %get3A_410 = arith.index_cast %scan3A_46 : i32 to index
      %get3A_411 = arith.constant 352 : index
      %get3A_412 = tpu.vector_load %arg17[%get3A_410, %get3A_411] {strides = array<i32>} : memref<32x768xf32, #tpu.memory_space<vmem>>, vector<1x16xf32>,
      %get3A_413 = vector.shape_cast %get3A_412 : vector<1x16xf32> to vector<16xf32>
      %mul3A_414 = arith.mulf %get3A_53, %get3A_413 : vector<16xf32>
      %add3A_415 = arith.addf %mul3A_409, %mul3A_414 : vector<16xf32>
      %swap3A_416 = arith.index_cast %scan3A_46 : i32 to index
      %swap3A_417 = arith.constant 352 : index
      %swap3A_418 = tpu.vector_load %arg16[%swap3A_416, %swap3A_417] {strides = array<i32>} : memref<32x768xf32, #tpu.memory_space<vmem>>, vector<1x16xf32>,
      %swap3A_419 = vector.shape_cast %swap3A_418 : vector<1x16xf32> to vector<16xf32>
      %swap3A_420 = vector.shape_cast %add3A_415 : vector<16xf32> to vector<1x16xf32>
      tpu.vector_store %arg16[%swap3A_416, %swap3A_417], %swap3A_420 {strides = array<i32>} : memref<32x768xf32, #tpu.memory_space<vmem>>, vector<1x16xf32>,
      %get3A_421 = arith.index_cast %scan3A_46 : i32 to index
      %get3A_422 = arith.constant 368 : index
      %get3A_423 = tpu.vector_load %arg16[%get3A_421, %get3A_422] {strides = array<i32>} : memref<32x768xf32, #tpu.memory_space<vmem>>, vector<1x16xf32>,
      %get3A_424 = vector.shape_cast %get3A_423 : vector<1x16xf32> to vector<16xf32>
      %mul3A_425 = arith.mulf %get3A_49, %get3A_424 : vector<16xf32>
      %get3A_426 = arith.index_cast %scan3A_46 : i32 to index
      %get3A_427 = arith.constant 368 : index
      %get3A_428 = tpu.vector_load %arg17[%get3A_426, %get3A_427] {strides = array<i32>} : memref<32x768xf32, #tpu.memory_space<vmem>>, vector<1x16xf32>,
      %get3A_429 = vector.shape_cast %get3A_428 : vector<1x16xf32> to vector<16xf32>
      %mul3A_430 = arith.mulf %get3A_53, %get3A_429 : vector<16xf32>
      %add3A_431 = arith.addf %mul3A_425, %mul3A_430 : vector<16xf32>
      %swap3A_432 = arith.index_cast %scan3A_46 : i32 to index
      %swap3A_433 = arith.constant 368 : index
      %swap3A_434 = tpu.vector_load %arg16[%swap3A_432, %swap3A_433] {strides = array<i32>} : memref<32x768xf32, #tpu.memory_space<vmem>>, vector<1x16xf32>,
      %swap3A_435 = vector.shape_cast %swap3A_434 : vector<1x16xf32> to vector<16xf32>
      %swap3A_436 = vector.shape_cast %add3A_431 : vector<16xf32> to vector<1x16xf32>
      tpu.vector_store %arg16[%swap3A_432, %swap3A_433], %swap3A_436 {strides = array<i32>} : memref<32x768xf32, #tpu.memory_space<vmem>>, vector<1x16xf32>,
      %get3A_437 = arith.index_cast %scan3A_46 : i32 to index
      %get3A_438 = arith.constant 384 : index
      %get3A_439 = tpu.vector_load %arg16[%get3A_437, %get3A_438] {strides = array<i32>} : memref<32x768xf32, #tpu.memory_space<vmem>>, vector<1x16xf32>,
      %get3A_440 = vector.shape_cast %get3A_439 : vector<1x16xf32> to vector<16xf32>
      %mul3A_441 = arith.mulf %get3A_49, %get3A_440 : vector<16xf32>
      %get3A_442 = arith.index_cast %scan3A_46 : i32 to index
      %get3A_443 = arith.constant 384 : index
      %get3A_444 = tpu.vector_load %arg17[%get3A_442, %get3A_443] {strides = array<i32>} : memref<32x768xf32, #tpu.memory_space<vmem>>, vector<1x16xf32>,
      %get3A_445 = vector.shape_cast %get3A_444 : vector<1x16xf32> to vector<16xf32>
      %mul3A_446 = arith.mulf %get3A_53, %get3A_445 : vector<16xf32>
      %add3A_447 = arith.addf %mul3A_441, %mul3A_446 : vector<16xf32>
      %swap3A_448 = arith.index_cast %scan3A_46 : i32 to index
      %swap3A_449 = arith.constant 384 : index
      %swap3A_450 = tpu.vector_load %arg16[%swap3A_448, %swap3A_449] {strides = array<i32>} : memref<32x768xf32, #tpu.memory_space<vmem>>, vector<1x16xf32>,
      %swap3A_451 = vector.shape_cast %swap3A_450 : vector<1x16xf32> to vector<16xf32>
      %swap3A_452 = vector.shape_cast %add3A_447 : vector<16xf32> to vector<1x16xf32>
      tpu.vector_store %arg16[%swap3A_448, %swap3A_449], %swap3A_452 {strides = array<i32>} : memref<32x768xf32, #tpu.memory_space<vmem>>, vector<1x16xf32>,
      %get3A_453 = arith.index_cast %scan3A_46 : i32 to index
      %get3A_454 = arith.constant 400 : index
      %get3A_455 = tpu.vector_load %arg16[%get3A_453, %get3A_454] {strides = array<i32>} : memref<32x768xf32, #tpu.memory_space<vmem>>, vector<1x16xf32>,
      %get3A_456 = vector.shape_cast %get3A_455 : vector<1x16xf32> to vector<16xf32>
      %mul3A_457 = arith.mulf %get3A_49, %get3A_456 : vector<16xf32>
      %get3A_458 = arith.index_cast %scan3A_46 : i32 to index
      %get3A_459 = arith.constant 400 : index
      %get3A_460 = tpu.vector_load %arg17[%get3A_458, %get3A_459] {strides = array<i32>} : memref<32x768xf32, #tpu.memory_space<vmem>>, vector<1x16xf32>,
      %get3A_461 = vector.shape_cast %get3A_460 : vector<1x16xf32> to vector<16xf32>
      %mul3A_462 = arith.mulf %get3A_53, %get3A_461 : vector<16xf32>
      %add3A_463 = arith.addf %mul3A_457, %mul3A_462 : vector<16xf32>
      %swap3A_464 = arith.index_cast %scan3A_46 : i32 to index
      %swap3A_465 = arith.constant 400 : index
      %swap3A_466 = tpu.vector_load %arg16[%swap3A_464, %swap3A_465] {strides = array<i32>} : memref<32x768xf32, #tpu.memory_space<vmem>>, vector<1x16xf32>,
      %swap3A_467 = vector.shape_cast %swap3A_466 : vector<1x16xf32> to vector<16xf32>
      %swap3A_468 = vector.shape_cast %add3A_463 : vector<16xf32> to vector<1x16xf32>
      tpu.vector_store %arg16[%swap3A_464, %swap3A_465], %swap3A_468 {strides = array<i32>} : memref<32x768xf32, #tpu.memory_space<vmem>>, vector<1x16xf32>,
      %get3A_469 = arith.index_cast %scan3A_46 : i32 to index
      %get3A_470 = arith.constant 416 : index
      %get3A_471 = tpu.vector_load %arg16[%get3A_469, %get3A_470] {strides = array<i32>} : memref<32x768xf32, #tpu.memory_space<vmem>>, vector<1x16xf32>,
      %get3A_472 = vector.shape_cast %get3A_471 : vector<1x16xf32> to vector<16xf32>
      %mul3A_473 = arith.mulf %get3A_49, %get3A_472 : vector<16xf32>
      %get3A_474 = arith.index_cast %scan3A_46 : i32 to index
      %get3A_475 = arith.constant 416 : index
      %get3A_476 = tpu.vector_load %arg17[%get3A_474, %get3A_475] {strides = array<i32>} : memref<32x768xf32, #tpu.memory_space<vmem>>, vector<1x16xf32>,
      %get3A_477 = vector.shape_cast %get3A_476 : vector<1x16xf32> to vector<16xf32>
      %mul3A_478 = arith.mulf %get3A_53, %get3A_477 : vector<16xf32>
      %add3A_479 = arith.addf %mul3A_473, %mul3A_478 : vector<16xf32>
      %swap3A_480 = arith.index_cast %scan3A_46 : i32 to index
      %swap3A_481 = arith.constant 416 : index
      %swap3A_482 = tpu.vector_load %arg16[%swap3A_480, %swap3A_481] {strides = array<i32>} : memref<32x768xf32, #tpu.memory_space<vmem>>, vector<1x16xf32>,
      %swap3A_483 = vector.shape_cast %swap3A_482 : vector<1x16xf32> to vector<16xf32>
      %swap3A_484 = vector.shape_cast %add3A_479 : vector<16xf32> to vector<1x16xf32>
      tpu.vector_store %arg16[%swap3A_480, %swap3A_481], %swap3A_484 {strides = array<i32>} : memref<32x768xf32, #tpu.memory_space<vmem>>, vector<1x16xf32>,
      %get3A_485 = arith.index_cast %scan3A_46 : i32 to index
      %get3A_486 = arith.constant 432 : index
      %get3A_487 = tpu.vector_load %arg16[%get3A_485, %get3A_486] {strides = array<i32>} : memref<32x768xf32, #tpu.memory_space<vmem>>, vector<1x16xf32>,
      %get3A_488 = vector.shape_cast %get3A_487 : vector<1x16xf32> to vector<16xf32>
      %mul3A_489 = arith.mulf %get3A_49, %get3A_488 : vector<16xf32>
      %get3A_490 = arith.index_cast %scan3A_46 : i32 to index
      %get3A_491 = arith.constant 432 : index
      %get3A_492 = tpu.vector_load %arg17[%get3A_490, %get3A_491] {strides = array<i32>} : memref<32x768xf32, #tpu.memory_space<vmem>>, vector<1x16xf32>,
      %get3A_493 = vector.shape_cast %get3A_492 : vector<1x16xf32> to vector<16xf32>
      %mul3A_494 = arith.mulf %get3A_53, %get3A_493 : vector<16xf32>
      %add3A_495 = arith.addf %mul3A_489, %mul3A_494 : vector<16xf32>
      %swap3A_496 = arith.index_cast %scan3A_46 : i32 to index
      %swap3A_497 = arith.constant 432 : index
      %swap3A_498 = tpu.vector_load %arg16[%swap3A_496, %swap3A_497] {strides = array<i32>} : memref<32x768xf32, #tpu.memory_space<vmem>>, vector<1x16xf32>,
      %swap3A_499 = vector.shape_cast %swap3A_498 : vector<1x16xf32> to vector<16xf32>
      %swap3A_500 = vector.shape_cast %add3A_495 : vector<16xf32> to vector<1x16xf32>
      tpu.vector_store %arg16[%swap3A_496, %swap3A_497], %swap3A_500 {strides = array<i32>} : memref<32x768xf32, #tpu.memory_space<vmem>>, vector<1x16xf32>,
      %get3A_501 = arith.index_cast %scan3A_46 : i32 to index
      %get3A_502 = arith.constant 448 : index
      %get3A_503 = tpu.vector_load %arg16[%get3A_501, %get3A_502] {strides = array<i32>} : memref<32x768xf32, #tpu.memory_space<vmem>>, vector<1x16xf32>,
      %get3A_504 = vector.shape_cast %get3A_503 : vector<1x16xf32> to vector<16xf32>
      %mul3A_505 = arith.mulf %get3A_49, %get3A_504 : vector<16xf32>
      %get3A_506 = arith.index_cast %scan3A_46 : i32 to index
      %get3A_507 = arith.constant 448 : index
      %get3A_508 = tpu.vector_load %arg17[%get3A_506, %get3A_507] {strides = array<i32>} : memref<32x768xf32, #tpu.memory_space<vmem>>, vector<1x16xf32>,
      %get3A_509 = vector.shape_cast %get3A_508 : vector<1x16xf32> to vector<16xf32>
      %mul3A_510 = arith.mulf %get3A_53, %get3A_509 : vector<16xf32>
      %add3A_511 = arith.addf %mul3A_505, %mul3A_510 : vector<16xf32>
      %swap3A_512 = arith.index_cast %scan3A_46 : i32 to index
      %swap3A_513 = arith.constant 448 : index
      %swap3A_514 = tpu.vector_load %arg16[%swap3A_512, %swap3A_513] {strides = array<i32>} : memref<32x768xf32, #tpu.memory_space<vmem>>, vector<1x16xf32>,
      %swap3A_515 = vector.shape_cast %swap3A_514 : vector<1x16xf32> to vector<16xf32>
      %swap3A_516 = vector.shape_cast %add3A_511 : vector<16xf32> to vector<1x16xf32>
      tpu.vector_store %arg16[%swap3A_512, %swap3A_513], %swap3A_516 {strides = array<i32>} : memref<32x768xf32, #tpu.memory_space<vmem>>, vector<1x16xf32>,
      %get3A_517 = arith.index_cast %scan3A_46 : i32 to index
      %get3A_518 = arith.constant 464 : index
      %get3A_519 = tpu.vector_load %arg16[%get3A_517, %get3A_518] {strides = array<i32>} : memref<32x768xf32, #tpu.memory_space<vmem>>, vector<1x16xf32>,
      %get3A_520 = vector.shape_cast %get3A_519 : vector<1x16xf32> to vector<16xf32>
      %mul3A_521 = arith.mulf %get3A_49, %get3A_520 : vector<16xf32>
      %get3A_522 = arith.index_cast %scan3A_46 : i32 to index
      %get3A_523 = arith.constant 464 : index
      %get3A_524 = tpu.vector_load %arg17[%get3A_522, %get3A_523] {strides = array<i32>} : memref<32x768xf32, #tpu.memory_space<vmem>>, vector<1x16xf32>,
      %get3A_525 = vector.shape_cast %get3A_524 : vector<1x16xf32> to vector<16xf32>
      %mul3A_526 = arith.mulf %get3A_53, %get3A_525 : vector<16xf32>
      %add3A_527 = arith.addf %mul3A_521, %mul3A_526 : vector<16xf32>
      %swap3A_528 = arith.index_cast %scan3A_46 : i32 to index
      %swap3A_529 = arith.constant 464 : index
      %swap3A_530 = tpu.vector_load %arg16[%swap3A_528, %swap3A_529] {strides = array<i32>} : memref<32x768xf32, #tpu.memory_space<vmem>>, vector<1x16xf32>,
      %swap3A_531 = vector.shape_cast %swap3A_530 : vector<1x16xf32> to vector<16xf32>
      %swap3A_532 = vector.shape_cast %add3A_527 : vector<16xf32> to vector<1x16xf32>
      tpu.vector_store %arg16[%swap3A_528, %swap3A_529], %swap3A_532 {strides = array<i32>} : memref<32x768xf32, #tpu.memory_space<vmem>>, vector<1x16xf32>,
      %get3A_533 = arith.index_cast %scan3A_46 : i32 to index
      %get3A_534 = arith.constant 480 : index
      %get3A_535 = tpu.vector_load %arg16[%get3A_533, %get3A_534] {strides = array<i32>} : memref<32x768xf32, #tpu.memory_space<vmem>>, vector<1x16xf32>,
      %get3A_536 = vector.shape_cast %get3A_535 : vector<1x16xf32> to vector<16xf32>
      %mul3A_537 = arith.mulf %get3A_49, %get3A_536 : vector<16xf32>
      %get3A_538 = arith.index_cast %scan3A_46 : i32 to index
      %get3A_539 = arith.constant 480 : index
      %get3A_540 = tpu.vector_load %arg17[%get3A_538, %get3A_539] {strides = array<i32>} : memref<32x768xf32, #tpu.memory_space<vmem>>, vector<1x16xf32>,
      %get3A_541 = vector.shape_cast %get3A_540 : vector<1x16xf32> to vector<16xf32>
      %mul3A_542 = arith.mulf %get3A_53, %get3A_541 : vector<16xf32>
      %add3A_543 = arith.addf %mul3A_537, %mul3A_542 : vector<16xf32>
      %swap3A_544 = arith.index_cast %scan3A_46 : i32 to index
      %swap3A_545 = arith.constant 480 : index
      %swap3A_546 = tpu.vector_load %arg16[%swap3A_544, %swap3A_545] {strides = array<i32>} : memref<32x768xf32, #tpu.memory_space<vmem>>, vector<1x16xf32>,
      %swap3A_547 = vector.shape_cast %swap3A_546 : vector<1x16xf32> to vector<16xf32>
      %swap3A_548 = vector.shape_cast %add3A_543 : vector<16xf32> to vector<1x16xf32>
      tpu.vector_store %arg16[%swap3A_544, %swap3A_545], %swap3A_548 {strides = array<i32>} : memref<32x768xf32, #tpu.memory_space<vmem>>, vector<1x16xf32>,
      %get3A_549 = arith.index_cast %scan3A_46 : i32 to index
      %get3A_550 = arith.constant 496 : index
      %get3A_551 = tpu.vector_load %arg16[%get3A_549, %get3A_550] {strides = array<i32>} : memref<32x768xf32, #tpu.memory_space<vmem>>, vector<1x16xf32>,
      %get3A_552 = vector.shape_cast %get3A_551 : vector<1x16xf32> to vector<16xf32>
      %mul3A_553 = arith.mulf %get3A_49, %get3A_552 : vector<16xf32>
      %get3A_554 = arith.index_cast %scan3A_46 : i32 to index
      %get3A_555 = arith.constant 496 : index
      %get3A_556 = tpu.vector_load %arg17[%get3A_554, %get3A_555] {strides = array<i32>} : memref<32x768xf32, #tpu.memory_space<vmem>>, vector<1x16xf32>,
      %get3A_557 = vector.shape_cast %get3A_556 : vector<1x16xf32> to vector<16xf32>
      %mul3A_558 = arith.mulf %get3A_53, %get3A_557 : vector<16xf32>
      %add3A_559 = arith.addf %mul3A_553, %mul3A_558 : vector<16xf32>
      %swap3A_560 = arith.index_cast %scan3A_46 : i32 to index
      %swap3A_561 = arith.constant 496 : index
      %swap3A_562 = tpu.vector_load %arg16[%swap3A_560, %swap3A_561] {strides = array<i32>} : memref<32x768xf32, #tpu.memory_space<vmem>>, vector<1x16xf32>,
      %swap3A_563 = vector.shape_cast %swap3A_562 : vector<1x16xf32> to vector<16xf32>
      %swap3A_564 = vector.shape_cast %add3A_559 : vector<16xf32> to vector<1x16xf32>
      tpu.vector_store %arg16[%swap3A_560, %swap3A_561], %swap3A_564 {strides = array<i32>} : memref<32x768xf32, #tpu.memory_space<vmem>>, vector<1x16xf32>,
      %get3A_565 = arith.index_cast %scan3A_46 : i32 to index
      %get3A_566 = arith.constant 512 : index
      %get3A_567 = tpu.vector_load %arg16[%get3A_565, %get3A_566] {strides = array<i32>} : memref<32x768xf32, #tpu.memory_space<vmem>>, vector<1x16xf32>,
      %get3A_568 = vector.shape_cast %get3A_567 : vector<1x16xf32> to vector<16xf32>
      %mul3A_569 = arith.mulf %get3A_49, %get3A_568 : vector<16xf32>
      %get3A_570 = arith.index_cast %scan3A_46 : i32 to index
      %get3A_571 = arith.constant 512 : index
      %get3A_572 = tpu.vector_load %arg17[%get3A_570, %get3A_571] {strides = array<i32>} : memref<32x768xf32, #tpu.memory_space<vmem>>, vector<1x16xf32>,
      %get3A_573 = vector.shape_cast %get3A_572 : vector<1x16xf32> to vector<16xf32>
      %mul3A_574 = arith.mulf %get3A_53, %get3A_573 : vector<16xf32>
      %add3A_575 = arith.addf %mul3A_569, %mul3A_574 : vector<16xf32>
      %swap3A_576 = arith.index_cast %scan3A_46 : i32 to index
      %swap3A_577 = arith.constant 512 : index
      %swap3A_578 = tpu.vector_load %arg16[%swap3A_576, %swap3A_577] {strides = array<i32>} : memref<32x768xf32, #tpu.memory_space<vmem>>, vector<1x16xf32>,
      %swap3A_579 = vector.shape_cast %swap3A_578 : vector<1x16xf32> to vector<16xf32>
      %swap3A_580 = vector.shape_cast %add3A_575 : vector<16xf32> to vector<1x16xf32>
      tpu.vector_store %arg16[%swap3A_576, %swap3A_577], %swap3A_580 {strides = array<i32>} : memref<32x768xf32, #tpu.memory_space<vmem>>, vector<1x16xf32>,
      %get3A_581 = arith.index_cast %scan3A_46 : i32 to index
      %get3A_582 = arith.constant 528 : index
      %get3A_583 = tpu.vector_load %arg16[%get3A_581, %get3A_582] {strides = array<i32>} : memref<32x768xf32, #tpu.memory_space<vmem>>, vector<1x16xf32>,
      %get3A_584 = vector.shape_cast %get3A_583 : vector<1x16xf32> to vector<16xf32>
      %mul3A_585 = arith.mulf %get3A_49, %get3A_584 : vector<16xf32>
      %get3A_586 = arith.index_cast %scan3A_46 : i32 to index
      %get3A_587 = arith.constant 528 : index
      %get3A_588 = tpu.vector_load %arg17[%get3A_586, %get3A_587] {strides = array<i32>} : memref<32x768xf32, #tpu.memory_space<vmem>>, vector<1x16xf32>,
      %get3A_589 = vector.shape_cast %get3A_588 : vector<1x16xf32> to vector<16xf32>
      %mul3A_590 = arith.mulf %get3A_53, %get3A_589 : vector<16xf32>
      %add3A_591 = arith.addf %mul3A_585, %mul3A_590 : vector<16xf32>
      %swap3A_592 = arith.index_cast %scan3A_46 : i32 to index
      %swap3A_593 = arith.constant 528 : index
      %swap3A_594 = tpu.vector_load %arg16[%swap3A_592, %swap3A_593] {strides = array<i32>} : memref<32x768xf32, #tpu.memory_space<vmem>>, vector<1x16xf32>,
      %swap3A_595 = vector.shape_cast %swap3A_594 : vector<1x16xf32> to vector<16xf32>
      %swap3A_596 = vector.shape_cast %add3A_591 : vector<16xf32> to vector<1x16xf32>
      tpu.vector_store %arg16[%swap3A_592, %swap3A_593], %swap3A_596 {strides = array<i32>} : memref<32x768xf32, #tpu.memory_space<vmem>>, vector<1x16xf32>,
      %get3A_597 = arith.index_cast %scan3A_46 : i32 to index
      %get3A_598 = arith.constant 544 : index
      %get3A_599 = tpu.vector_load %arg16[%get3A_597, %get3A_598] {strides = array<i32>} : memref<32x768xf32, #tpu.memory_space<vmem>>, vector<1x16xf32>,
      %get3A_600 = vector.shape_cast %get3A_599 : vector<1x16xf32> to vector<16xf32>
      %mul3A_601 = arith.mulf %get3A_49, %get3A_600 : vector<16xf32>
      %get3A_602 = arith.index_cast %scan3A_46 : i32 to index
      %get3A_603 = arith.constant 544 : index
      %get3A_604 = tpu.vector_load %arg17[%get3A_602, %get3A_603] {strides = array<i32>} : memref<32x768xf32, #tpu.memory_space<vmem>>, vector<1x16xf32>,
      %get3A_605 = vector.shape_cast %get3A_604 : vector<1x16xf32> to vector<16xf32>
      %mul3A_606 = arith.mulf %get3A_53, %get3A_605 : vector<16xf32>
      %add3A_607 = arith.addf %mul3A_601, %mul3A_606 : vector<16xf32>
      %swap3A_608 = arith.index_cast %scan3A_46 : i32 to index
      %swap3A_609 = arith.constant 544 : index
      %swap3A_610 = tpu.vector_load %arg16[%swap3A_608, %swap3A_609] {strides = array<i32>} : memref<32x768xf32, #tpu.memory_space<vmem>>, vector<1x16xf32>,
      %swap3A_611 = vector.shape_cast %swap3A_610 : vector<1x16xf32> to vector<16xf32>
      %swap3A_612 = vector.shape_cast %add3A_607 : vector<16xf32> to vector<1x16xf32>
      tpu.vector_store %arg16[%swap3A_608, %swap3A_609], %swap3A_612 {strides = array<i32>} : memref<32x768xf32, #tpu.memory_space<vmem>>, vector<1x16xf32>,
      %get3A_613 = arith.index_cast %scan3A_46 : i32 to index
      %get3A_614 = arith.constant 560 : index
      %get3A_615 = tpu.vector_load %arg16[%get3A_613, %get3A_614] {strides = array<i32>} : memref<32x768xf32, #tpu.memory_space<vmem>>, vector<1x16xf32>,
      %get3A_616 = vector.shape_cast %get3A_615 : vector<1x16xf32> to vector<16xf32>
      %mul3A_617 = arith.mulf %get3A_49, %get3A_616 : vector<16xf32>
      %get3A_618 = arith.index_cast %scan3A_46 : i32 to index
      %get3A_619 = arith.constant 560 : index
      %get3A_620 = tpu.vector_load %arg17[%get3A_618, %get3A_619] {strides = array<i32>} : memref<32x768xf32, #tpu.memory_space<vmem>>, vector<1x16xf32>,
      %get3A_621 = vector.shape_cast %get3A_620 : vector<1x16xf32> to vector<16xf32>
      %mul3A_622 = arith.mulf %get3A_53, %get3A_621 : vector<16xf32>
      %add3A_623 = arith.addf %mul3A_617, %mul3A_622 : vector<16xf32>
      %swap3A_624 = arith.index_cast %scan3A_46 : i32 to index
      %swap3A_625 = arith.constant 560 : index
      %swap3A_626 = tpu.vector_load %arg16[%swap3A_624, %swap3A_625] {strides = array<i32>} : memref<32x768xf32, #tpu.memory_space<vmem>>, vector<1x16xf32>,
      %swap3A_627 = vector.shape_cast %swap3A_626 : vector<1x16xf32> to vector<16xf32>
      %swap3A_628 = vector.shape_cast %add3A_623 : vector<16xf32> to vector<1x16xf32>
      tpu.vector_store %arg16[%swap3A_624, %swap3A_625], %swap3A_628 {strides = array<i32>} : memref<32x768xf32, #tpu.memory_space<vmem>>, vector<1x16xf32>,
      %get3A_629 = arith.index_cast %scan3A_46 : i32 to index
      %get3A_630 = arith.constant 576 : index
      %get3A_631 = tpu.vector_load %arg16[%get3A_629, %get3A_630] {strides = array<i32>} : memref<32x768xf32, #tpu.memory_space<vmem>>, vector<1x16xf32>,
      %get3A_632 = vector.shape_cast %get3A_631 : vector<1x16xf32> to vector<16xf32>
      %mul3A_633 = arith.mulf %get3A_49, %get3A_632 : vector<16xf32>
      %get3A_634 = arith.index_cast %scan3A_46 : i32 to index
      %get3A_635 = arith.constant 576 : index
      %get3A_636 = tpu.vector_load %arg17[%get3A_634, %get3A_635] {strides = array<i32>} : memref<32x768xf32, #tpu.memory_space<vmem>>, vector<1x16xf32>,
      %get3A_637 = vector.shape_cast %get3A_636 : vector<1x16xf32> to vector<16xf32>
      %mul3A_638 = arith.mulf %get3A_53, %get3A_637 : vector<16xf32>
      %add3A_639 = arith.addf %mul3A_633, %mul3A_638 : vector<16xf32>
      %swap3A_640 = arith.index_cast %scan3A_46 : i32 to index
      %swap3A_641 = arith.constant 576 : index
      %swap3A_642 = tpu.vector_load %arg16[%swap3A_640, %swap3A_641] {strides = array<i32>} : memref<32x768xf32, #tpu.memory_space<vmem>>, vector<1x16xf32>,
      %swap3A_643 = vector.shape_cast %swap3A_642 : vector<1x16xf32> to vector<16xf32>
      %swap3A_644 = vector.shape_cast %add3A_639 : vector<16xf32> to vector<1x16xf32>
      tpu.vector_store %arg16[%swap3A_640, %swap3A_641], %swap3A_644 {strides = array<i32>} : memref<32x768xf32, #tpu.memory_space<vmem>>, vector<1x16xf32>,
      %get3A_645 = arith.index_cast %scan3A_46 : i32 to index
      %get3A_646 = arith.constant 592 : index
      %get3A_647 = tpu.vector_load %arg16[%get3A_645, %get3A_646] {strides = array<i32>} : memref<32x768xf32, #tpu.memory_space<vmem>>, vector<1x16xf32>,
      %get3A_648 = vector.shape_cast %get3A_647 : vector<1x16xf32> to vector<16xf32>
      %mul3A_649 = arith.mulf %get3A_49, %get3A_648 : vector<16xf32>
      %get3A_650 = arith.index_cast %scan3A_46 : i32 to index
      %get3A_651 = arith.constant 592 : index
      %get3A_652 = tpu.vector_load %arg17[%get3A_650, %get3A_651] {strides = array<i32>} : memref<32x768xf32, #tpu.memory_space<vmem>>, vector<1x16xf32>,
      %get3A_653 = vector.shape_cast %get3A_652 : vector<1x16xf32> to vector<16xf32>
      %mul3A_654 = arith.mulf %get3A_53, %get3A_653 : vector<16xf32>
      %add3A_655 = arith.addf %mul3A_649, %mul3A_654 : vector<16xf32>
      %swap3A_656 = arith.index_cast %scan3A_46 : i32 to index
      %swap3A_657 = arith.constant 592 : index
      %swap3A_658 = tpu.vector_load %arg16[%swap3A_656, %swap3A_657] {strides = array<i32>} : memref<32x768xf32, #tpu.memory_space<vmem>>, vector<1x16xf32>,
      %swap3A_659 = vector.shape_cast %swap3A_658 : vector<1x16xf32> to vector<16xf32>
      %swap3A_660 = vector.shape_cast %add3A_655 : vector<16xf32> to vector<1x16xf32>
      tpu.vector_store %arg16[%swap3A_656, %swap3A_657], %swap3A_660 {strides = array<i32>} : memref<32x768xf32, #tpu.memory_space<vmem>>, vector<1x16xf32>,
      %get3A_661 = arith.index_cast %scan3A_46 : i32 to index
      %get3A_662 = arith.constant 608 : index
      %get3A_663 = tpu.vector_load %arg16[%get3A_661, %get3A_662] {strides = array<i32>} : memref<32x768xf32, #tpu.memory_space<vmem>>, vector<1x16xf32>,
      %get3A_664 = vector.shape_cast %get3A_663 : vector<1x16xf32> to vector<16xf32>
      %mul3A_665 = arith.mulf %get3A_49, %get3A_664 : vector<16xf32>
      %get3A_666 = arith.index_cast %scan3A_46 : i32 to index
      %get3A_667 = arith.constant 608 : index
      %get3A_668 = tpu.vector_load %arg17[%get3A_666, %get3A_667] {strides = array<i32>} : memref<32x768xf32, #tpu.memory_space<vmem>>, vector<1x16xf32>,
      %get3A_669 = vector.shape_cast %get3A_668 : vector<1x16xf32> to vector<16xf32>
      %mul3A_670 = arith.mulf %get3A_53, %get3A_669 : vector<16xf32>
      %add3A_671 = arith.addf %mul3A_665, %mul3A_670 : vector<16xf32>
      %swap3A_672 = arith.index_cast %scan3A_46 : i32 to index
      %swap3A_673 = arith.constant 608 : index
      %swap3A_674 = tpu.vector_load %arg16[%swap3A_672, %swap3A_673] {strides = array<i32>} : memref<32x768xf32, #tpu.memory_space<vmem>>, vector<1x16xf32>,
      %swap3A_675 = vector.shape_cast %swap3A_674 : vector<1x16xf32> to vector<16xf32>
      %swap3A_676 = vector.shape_cast %add3A_671 : vector<16xf32> to vector<1x16xf32>
      tpu.vector_store %arg16[%swap3A_672, %swap3A_673], %swap3A_676 {strides = array<i32>} : memref<32x768xf32, #tpu.memory_space<vmem>>, vector<1x16xf32>,
      %get3A_677 = arith.index_cast %scan3A_46 : i32 to index
      %get3A_678 = arith.constant 624 : index
      %get3A_679 = tpu.vector_load %arg16[%get3A_677, %get3A_678] {strides = array<i32>} : memref<32x768xf32, #tpu.memory_space<vmem>>, vector<1x16xf32>,
      %get3A_680 = vector.shape_cast %get3A_679 : vector<1x16xf32> to vector<16xf32>
      %mul3A_681 = arith.mulf %get3A_49, %get3A_680 : vector<16xf32>
      %get3A_682 = arith.index_cast %scan3A_46 : i32 to index
      %get3A_683 = arith.constant 624 : index
      %get3A_684 = tpu.vector_load %arg17[%get3A_682, %get3A_683] {strides = array<i32>} : memref<32x768xf32, #tpu.memory_space<vmem>>, vector<1x16xf32>,
      %get3A_685 = vector.shape_cast %get3A_684 : vector<1x16xf32> to vector<16xf32>
      %mul3A_686 = arith.mulf %get3A_53, %get3A_685 : vector<16xf32>
      %add3A_687 = arith.addf %mul3A_681, %mul3A_686 : vector<16xf32>
      %swap3A_688 = arith.index_cast %scan3A_46 : i32 to index
      %swap3A_689 = arith.constant 624 : index
      %swap3A_690 = tpu.vector_load %arg16[%swap3A_688, %swap3A_689] {strides = array<i32>} : memref<32x768xf32, #tpu.memory_space<vmem>>, vector<1x16xf32>,
      %swap3A_691 = vector.shape_cast %swap3A_690 : vector<1x16xf32> to vector<16xf32>
      %swap3A_692 = vector.shape_cast %add3A_687 : vector<16xf32> to vector<1x16xf32>
      tpu.vector_store %arg16[%swap3A_688, %swap3A_689], %swap3A_692 {strides = array<i32>} : memref<32x768xf32, #tpu.memory_space<vmem>>, vector<1x16xf32>,
      %get3A_693 = arith.index_cast %scan3A_46 : i32 to index
      %get3A_694 = arith.constant 640 : index
      %get3A_695 = tpu.vector_load %arg16[%get3A_693, %get3A_694] {strides = array<i32>} : memref<32x768xf32, #tpu.memory_space<vmem>>, vector<1x16xf32>,
      %get3A_696 = vector.shape_cast %get3A_695 : vector<1x16xf32> to vector<16xf32>
      %mul3A_697 = arith.mulf %get3A_49, %get3A_696 : vector<16xf32>
      %get3A_698 = arith.index_cast %scan3A_46 : i32 to index
      %get3A_699 = arith.constant 640 : index
      %get3A_700 = tpu.vector_load %arg17[%get3A_698, %get3A_699] {strides = array<i32>} : memref<32x768xf32, #tpu.memory_space<vmem>>, vector<1x16xf32>,
      %get3A_701 = vector.shape_cast %get3A_700 : vector<1x16xf32> to vector<16xf32>
      %mul3A_702 = arith.mulf %get3A_53, %get3A_701 : vector<16xf32>
      %add3A_703 = arith.addf %mul3A_697, %mul3A_702 : vector<16xf32>
      %swap3A_704 = arith.index_cast %scan3A_46 : i32 to index
      %swap3A_705 = arith.constant 640 : index
      %swap3A_706 = tpu.vector_load %arg16[%swap3A_704, %swap3A_705] {strides = array<i32>} : memref<32x768xf32, #tpu.memory_space<vmem>>, vector<1x16xf32>,
      %swap3A_707 = vector.shape_cast %swap3A_706 : vector<1x16xf32> to vector<16xf32>
      %swap3A_708 = vector.shape_cast %add3A_703 : vector<16xf32> to vector<1x16xf32>
      tpu.vector_store %arg16[%swap3A_704, %swap3A_705], %swap3A_708 {strides = array<i32>} : memref<32x768xf32, #tpu.memory_space<vmem>>, vector<1x16xf32>,
      %get3A_709 = arith.index_cast %scan3A_46 : i32 to index
      %get3A_710 = arith.constant 656 : index
      %get3A_711 = tpu.vector_load %arg16[%get3A_709, %get3A_710] {strides = array<i32>} : memref<32x768xf32, #tpu.memory_space<vmem>>, vector<1x16xf32>,
      %get3A_712 = vector.shape_cast %get3A_711 : vector<1x16xf32> to vector<16xf32>
      %mul3A_713 = arith.mulf %get3A_49, %get3A_712 : vector<16xf32>
      %get3A_714 = arith.index_cast %scan3A_46 : i32 to index
      %get3A_715 = arith.constant 656 : index
      %get3A_716 = tpu.vector_load %arg17[%get3A_714, %get3A_715] {strides = array<i32>} : memref<32x768xf32, #tpu.memory_space<vmem>>, vector<1x16xf32>,
      %get3A_717 = vector.shape_cast %get3A_716 : vector<1x16xf32> to vector<16xf32>
      %mul3A_718 = arith.mulf %get3A_53, %get3A_717 : vector<16xf32>
      %add3A_719 = arith.addf %mul3A_713, %mul3A_718 : vector<16xf32>
      %swap3A_720 = arith.index_cast %scan3A_46 : i32 to index
      %swap3A_721 = arith.constant 656 : index
      %swap3A_722 = tpu.vector_load %arg16[%swap3A_720, %swap3A_721] {strides = array<i32>} : memref<32x768xf32, #tpu.memory_space<vmem>>, vector<1x16xf32>,
      %swap3A_723 = vector.shape_cast %swap3A_722 : vector<1x16xf32> to vector<16xf32>
      %swap3A_724 = vector.shape_cast %add3A_719 : vector<16xf32> to vector<1x16xf32>
      tpu.vector_store %arg16[%swap3A_720, %swap3A_721], %swap3A_724 {strides = array<i32>} : memref<32x768xf32, #tpu.memory_space<vmem>>, vector<1x16xf32>,
      %get3A_725 = arith.index_cast %scan3A_46 : i32 to index
      %get3A_726 = arith.constant 672 : index
      %get3A_727 = tpu.vector_load %arg16[%get3A_725, %get3A_726] {strides = array<i32>} : memref<32x768xf32, #tpu.memory_space<vmem>>, vector<1x16xf32>,
      %get3A_728 = vector.shape_cast %get3A_727 : vector<1x16xf32> to vector<16xf32>
      %mul3A_729 = arith.mulf %get3A_49, %get3A_728 : vector<16xf32>
      %get3A_730 = arith.index_cast %scan3A_46 : i32 to index
      %get3A_731 = arith.constant 672 : index
      %get3A_732 = tpu.vector_load %arg17[%get3A_730, %get3A_731] {strides = array<i32>} : memref<32x768xf32, #tpu.memory_space<vmem>>, vector<1x16xf32>,
      %get3A_733 = vector.shape_cast %get3A_732 : vector<1x16xf32> to vector<16xf32>
      %mul3A_734 = arith.mulf %get3A_53, %get3A_733 : vector<16xf32>
      %add3A_735 = arith.addf %mul3A_729, %mul3A_734 : vector<16xf32>
      %swap3A_736 = arith.index_cast %scan3A_46 : i32 to index
      %swap3A_737 = arith.constant 672 : index
      %swap3A_738 = tpu.vector_load %arg16[%swap3A_736, %swap3A_737] {strides = array<i32>} : memref<32x768xf32, #tpu.memory_space<vmem>>, vector<1x16xf32>,
      %swap3A_739 = vector.shape_cast %swap3A_738 : vector<1x16xf32> to vector<16xf32>
      %swap3A_740 = vector.shape_cast %add3A_735 : vector<16xf32> to vector<1x16xf32>
      tpu.vector_store %arg16[%swap3A_736, %swap3A_737], %swap3A_740 {strides = array<i32>} : memref<32x768xf32, #tpu.memory_space<vmem>>, vector<1x16xf32>,
      %get3A_741 = arith.index_cast %scan3A_46 : i32 to index
      %get3A_742 = arith.constant 688 : index
      %get3A_743 = tpu.vector_load %arg16[%get3A_741, %get3A_742] {strides = array<i32>} : memref<32x768xf32, #tpu.memory_space<vmem>>, vector<1x16xf32>,
      %get3A_744 = vector.shape_cast %get3A_743 : vector<1x16xf32> to vector<16xf32>
      %mul3A_745 = arith.mulf %get3A_49, %get3A_744 : vector<16xf32>
      %get3A_746 = arith.index_cast %scan3A_46 : i32 to index
      %get3A_747 = arith.constant 688 : index
      %get3A_748 = tpu.vector_load %arg17[%get3A_746, %get3A_747] {strides = array<i32>} : memref<32x768xf32, #tpu.memory_space<vmem>>, vector<1x16xf32>,
      %get3A_749 = vector.shape_cast %get3A_748 : vector<1x16xf32> to vector<16xf32>
      %mul3A_750 = arith.mulf %get3A_53, %get3A_749 : vector<16xf32>
      %add3A_751 = arith.addf %mul3A_745, %mul3A_750 : vector<16xf32>
      %swap3A_752 = arith.index_cast %scan3A_46 : i32 to index
      %swap3A_753 = arith.constant 688 : index
      %swap3A_754 = tpu.vector_load %arg16[%swap3A_752, %swap3A_753] {strides = array<i32>} : memref<32x768xf32, #tpu.memory_space<vmem>>, vector<1x16xf32>,
      %swap3A_755 = vector.shape_cast %swap3A_754 : vector<1x16xf32> to vector<16xf32>
      %swap3A_756 = vector.shape_cast %add3A_751 : vector<16xf32> to vector<1x16xf32>
      tpu.vector_store %arg16[%swap3A_752, %swap3A_753], %swap3A_756 {strides = array<i32>} : memref<32x768xf32, #tpu.memory_space<vmem>>, vector<1x16xf32>,
      %get3A_757 = arith.index_cast %scan3A_46 : i32 to index
      %get3A_758 = arith.constant 704 : index
      %get3A_759 = tpu.vector_load %arg16[%get3A_757, %get3A_758] {strides = array<i32>} : memref<32x768xf32, #tpu.memory_space<vmem>>, vector<1x16xf32>,
      %get3A_760 = vector.shape_cast %get3A_759 : vector<1x16xf32> to vector<16xf32>
      %mul3A_761 = arith.mulf %get3A_49, %get3A_760 : vector<16xf32>
      %get3A_762 = arith.index_cast %scan3A_46 : i32 to index
      %get3A_763 = arith.constant 704 : index
      %get3A_764 = tpu.vector_load %arg17[%get3A_762, %get3A_763] {strides = array<i32>} : memref<32x768xf32, #tpu.memory_space<vmem>>, vector<1x16xf32>,
      %get3A_765 = vector.shape_cast %get3A_764 : vector<1x16xf32> to vector<16xf32>
      %mul3A_766 = arith.mulf %get3A_53, %get3A_765 : vector<16xf32>
      %add3A_767 = arith.addf %mul3A_761, %mul3A_766 : vector<16xf32>
      %swap3A_768 = arith.index_cast %scan3A_46 : i32 to index
      %swap3A_769 = arith.constant 704 : index
      %swap3A_770 = tpu.vector_load %arg16[%swap3A_768, %swap3A_769] {strides = array<i32>} : memref<32x768xf32, #tpu.memory_space<vmem>>, vector<1x16xf32>,
      %swap3A_771 = vector.shape_cast %swap3A_770 : vector<1x16xf32> to vector<16xf32>
      %swap3A_772 = vector.shape_cast %add3A_767 : vector<16xf32> to vector<1x16xf32>
      tpu.vector_store %arg16[%swap3A_768, %swap3A_769], %swap3A_772 {strides = array<i32>} : memref<32x768xf32, #tpu.memory_space<vmem>>, vector<1x16xf32>,
      %get3A_773 = arith.index_cast %scan3A_46 : i32 to index
      %get3A_774 = arith.constant 720 : index
      %get3A_775 = tpu.vector_load %arg16[%get3A_773, %get3A_774] {strides = array<i32>} : memref<32x768xf32, #tpu.memory_space<vmem>>, vector<1x16xf32>,
      %get3A_776 = vector.shape_cast %get3A_775 : vector<1x16xf32> to vector<16xf32>
      %mul3A_777 = arith.mulf %get3A_49, %get3A_776 : vector<16xf32>
      %get3A_778 = arith.index_cast %scan3A_46 : i32 to index
      %get3A_779 = arith.constant 720 : index
      %get3A_780 = tpu.vector_load %arg17[%get3A_778, %get3A_779] {strides = array<i32>} : memref<32x768xf32, #tpu.memory_space<vmem>>, vector<1x16xf32>,
      %get3A_781 = vector.shape_cast %get3A_780 : vector<1x16xf32> to vector<16xf32>
      %mul3A_782 = arith.mulf %get3A_53, %get3A_781 : vector<16xf32>
      %add3A_783 = arith.addf %mul3A_777, %mul3A_782 : vector<16xf32>
      %swap3A_784 = arith.index_cast %scan3A_46 : i32 to index
      %swap3A_785 = arith.constant 720 : index
      %swap3A_786 = tpu.vector_load %arg16[%swap3A_784, %swap3A_785] {strides = array<i32>} : memref<32x768xf32, #tpu.memory_space<vmem>>, vector<1x16xf32>,
      %swap3A_787 = vector.shape_cast %swap3A_786 : vector<1x16xf32> to vector<16xf32>
      %swap3A_788 = vector.shape_cast %add3A_783 : vector<16xf32> to vector<1x16xf32>
      tpu.vector_store %arg16[%swap3A_784, %swap3A_785], %swap3A_788 {strides = array<i32>} : memref<32x768xf32, #tpu.memory_space<vmem>>, vector<1x16xf32>,
      %get3A_789 = arith.index_cast %scan3A_46 : i32 to index
      %get3A_790 = arith.constant 736 : index
      %get3A_791 = tpu.vector_load %arg16[%get3A_789, %get3A_790] {strides = array<i32>} : memref<32x768xf32, #tpu.memory_space<vmem>>, vector<1x16xf32>,
      %get3A_792 = vector.shape_cast %get3A_791 : vector<1x16xf32> to vector<16xf32>
      %mul3A_793 = arith.mulf %get3A_49, %get3A_792 : vector<16xf32>
      %get3A_794 = arith.index_cast %scan3A_46 : i32 to index
      %get3A_795 = arith.constant 736 : index
      %get3A_796 = tpu.vector_load %arg17[%get3A_794, %get3A_795] {strides = array<i32>} : memref<32x768xf32, #tpu.memory_space<vmem>>, vector<1x16xf32>,
      %get3A_797 = vector.shape_cast %get3A_796 : vector<1x16xf32> to vector<16xf32>
      %mul3A_798 = arith.mulf %get3A_53, %get3A_797 : vector<16xf32>
      %add3A_799 = arith.addf %mul3A_793, %mul3A_798 : vector<16xf32>
      %swap3A_800 = arith.index_cast %scan3A_46 : i32 to index
      %swap3A_801 = arith.constant 736 : index
      %swap3A_802 = tpu.vector_load %arg16[%swap3A_800, %swap3A_801] {strides = array<i32>} : memref<32x768xf32, #tpu.memory_space<vmem>>, vector<1x16xf32>,
      %swap3A_803 = vector.shape_cast %swap3A_802 : vector<1x16xf32> to vector<16xf32>
      %swap3A_804 = vector.shape_cast %add3A_799 : vector<16xf32> to vector<1x16xf32>
      tpu.vector_store %arg16[%swap3A_800, %swap3A_801], %swap3A_804 {strides = array<i32>} : memref<32x768xf32, #tpu.memory_space<vmem>>, vector<1x16xf32>,
      %get3A_805 = arith.index_cast %scan3A_46 : i32 to index
      %get3A_806 = arith.constant 752 : index
      %get3A_807 = tpu.vector_load %arg16[%get3A_805, %get3A_806] {strides = array<i32>} : memref<32x768xf32, #tpu.memory_space<vmem>>, vector<1x16xf32>,
      %get3A_808 = vector.shape_cast %get3A_807 : vector<1x16xf32> to vector<16xf32>
      %mul3A_809 = arith.mulf %get3A_49, %get3A_808 : vector<16xf32>
      %get3A_810 = arith.index_cast %scan3A_46 : i32 to index
      %get3A_811 = arith.constant 752 : index
      %get3A_812 = tpu.vector_load %arg17[%get3A_810, %get3A_811] {strides = array<i32>} : memref<32x768xf32, #tpu.memory_space<vmem>>, vector<1x16xf32>,
      %get3A_813 = vector.shape_cast %get3A_812 : vector<1x16xf32> to vector<16xf32>
      %mul3A_814 = arith.mulf %get3A_53, %get3A_813 : vector<16xf32>
      %add3A_815 = arith.addf %mul3A_809, %mul3A_814 : vector<16xf32>
      %swap3A_816 = arith.index_cast %scan3A_46 : i32 to index
      %swap3A_817 = arith.constant 752 : index
      %swap3A_818 = tpu.vector_load %arg16[%swap3A_816, %swap3A_817] {strides = array<i32>} : memref<32x768xf32, #tpu.memory_space<vmem>>, vector<1x16xf32>,
      %swap3A_819 = vector.shape_cast %swap3A_818 : vector<1x16xf32> to vector<16xf32>
      %swap3A_820 = vector.shape_cast %add3A_815 : vector<16xf32> to vector<1x16xf32>
      tpu.vector_store %arg16[%swap3A_816, %swap3A_817], %swap3A_820 {strides = array<i32>} : memref<32x768xf32, #tpu.memory_space<vmem>>, vector<1x16xf32>,
    }
    %scan3A_45 = arith.constant 32 : i32
    "tpu.region"() ({
      %run_scoped3A = tpu.sem_alloc : memref<!tpu.dma_semaphore, #tpu.memory_space<semaphore_mem>>
      %dma_start3A_46 = arith.constant 0 : i32
      %dma_start3A_47 = tpu.memref_slice %arg5[%add3A_4, %dma_start3A_46] : memref<2048x768xf32, #tpu.memory_space<hbm>> -> memref<32x768xf32, #tpu.memory_space<hbm>>
      %dma_start3A_48 = arith.constant 0 : i32
      %dma_start3A_49 = tpu.memref_slice %arg5[%add3A_4, %dma_start3A_48] : memref<2048x768xf32, #tpu.memory_space<hbm>> -> memref<32x768xf32, #tpu.memory_space<hbm>>
      tpu.enqueue_dma source(%arg16 : memref<32x768xf32, #tpu.memory_space<vmem>>) target(%dma_start3A_49 : memref<32x768xf32, #tpu.memory_space<hbm>>) target_semaphore(%run_scoped3A : memref<!tpu.dma_semaphore, #tpu.memory_space<semaphore_mem>>)
      %dma_wait3A_50 = arith.constant 0 : i32
      %dma_wait3A_51 = tpu.memref_slice %arg5[%add3A_4, %dma_wait3A_50] : memref<2048x768xf32, #tpu.memory_space<hbm>> -> memref<32x768xf32, #tpu.memory_space<hbm>>
      %dma_wait3A_52 = arith.constant 0 : i32
      %dma_wait3A_53 = tpu.memref_slice %arg5[%add3A_4, %dma_wait3A_52] : memref<2048x768xf32, #tpu.memory_space<hbm>> -> memref<32x768xf32, #tpu.memory_space<hbm>>
      tpu.wait_dma2 semaphore(%run_scoped3A : memref<!tpu.dma_semaphore, #tpu.memory_space<semaphore_mem>>) src(%arg16 : memref<32x768xf32, #tpu.memory_space<vmem>>) dst(%dma_wait3A_53 : memref<32x768xf32, #tpu.memory_space<hbm>>)
      tpu.yield
    }) : () -> ()
    return
  }
}

module attributes {stable_mosaic.version = 14 : i64} {
  func.func @_router_body(%arg0: memref<2048x768xf32, #tpu.memory_space<vmem>>, %arg1: memref<768x64xf32, #tpu.memory_space<vmem>>, %arg2: memref<4096x1xi32, #tpu.memory_space<vmem>>, %arg3: memref<97x1xi32, #tpu.memory_space<vmem>>, %arg4: memref<4096x16xf32, #tpu.memory_space<vmem>>) attributes {dimension_semantics = [], scalar_prefetch = 0 : i64, scratch_operands = 0 : i64, tpu.core_type = #tpu.core_type<tc>} {
    %get3A = arith.constant 0 : index
    %get3A_0 = arith.constant 0 : index
    %get3A_1 = vector.load %arg0[%get3A, %get3A_0] : memref<2048x768xf32, #tpu.memory_space<vmem>>, vector<2048x768xf32>
    %get3A_2 = arith.constant 0 : index
    %get3A_3 = arith.constant 0 : index
    %get3A_4 = vector.load %arg1[%get3A_2, %get3A_3] : memref<768x64xf32, #tpu.memory_space<vmem>>, vector<768x64xf32>
    %dot_general3A = arith.constant dense<0.000000e+00> : vector<2048x64xf32>
    %dot_general3A_5 = tpu.matmul %get3A_1, %get3A_4, %dot_general3A {dimension_numbers = #tpu.dot_dimension_numbers<[1], [0], [0], [1], [0, 0, 1, 1], [], []>, transpose_lhs_hint = false} : vector<2048x768xf32>, vector<768x64xf32>, vector<2048x64xf32> -> vector<2048x64xf32>
    %iota3A = tpu.iota {dimensions = array<i32: 1>} : vector<2048x64xi32>
    %reduce_max3A = arith.constant dense<0xFF800000> : vector<2048xf32>
    %reduce_max3A_6 = vector.multi_reduction <maximumf>, %dot_general3A_5, %reduce_max3A [1] : vector<2048x64xf32> to vector<2048xf32>
    %broadcast_in_dim3A = vector.shape_cast %reduce_max3A_6 : vector<2048xf32> to vector<2048x1xf32>
    %eq3A = vector.broadcast %broadcast_in_dim3A : vector<2048x1xf32> to vector<2048x64xf32>
    %eq3A_7 = arith.cmpf oeq, %dot_general3A_5, %eq3A : vector<2048x64xf32>
    %jit3A = arith.constant 64 : i32
    %broadcast_in_dim3A_8 = vector.broadcast %jit3A : i32 to vector<2048x64xi32>
    %select_n3A = arith.select %eq3A_7, %iota3A, %broadcast_in_dim3A_8 : vector<2048x64xi1>, vector<2048x64xi32>
    %reduce_min3A = arith.constant dense<2147483647> : vector<2048xi32>
    %reduce_min3A_9 = vector.multi_reduction <minsi>, %select_n3A, %reduce_min3A [1] : vector<2048x64xi32> to vector<2048xi32>
    %broadcast_in_dim3A_10 = vector.shape_cast %reduce_min3A_9 : vector<2048xi32> to vector<2048x1xi32>
    %eq3A_11 = vector.broadcast %broadcast_in_dim3A_10 : vector<2048x1xi32> to vector<2048x64xi32>
    %eq3A_12 = arith.cmpi eq, %iota3A, %eq3A_11 : vector<2048x64xi32>
    %jit3A_13 = arith.constant 0xFF800000 : f32
    %broadcast_in_dim3A_14 = vector.broadcast %jit3A_13 : f32 to vector<2048x64xf32>
    %select_n3A_15 = arith.select %eq3A_12, %broadcast_in_dim3A_14, %dot_general3A_5 : vector<2048x64xi1>, vector<2048x64xf32>
    %reduce_max3A_16 = arith.constant dense<0xFF800000> : vector<2048xf32>
    %reduce_max3A_17 = vector.multi_reduction <maximumf>, %select_n3A_15, %reduce_max3A_16 [1] : vector<2048x64xf32> to vector<2048xf32>
    %broadcast_in_dim3A_18 = vector.shape_cast %reduce_max3A_17 : vector<2048xf32> to vector<2048x1xf32>
    %eq3A_19 = vector.broadcast %broadcast_in_dim3A_18 : vector<2048x1xf32> to vector<2048x64xf32>
    %eq3A_20 = arith.cmpf oeq, %select_n3A_15, %eq3A_19 : vector<2048x64xf32>
    %jit3A_21 = arith.constant 64 : i32
    %broadcast_in_dim3A_22 = vector.broadcast %jit3A_21 : i32 to vector<2048x64xi32>
    %select_n3A_23 = arith.select %eq3A_20, %iota3A, %broadcast_in_dim3A_22 : vector<2048x64xi1>, vector<2048x64xi32>
    %reduce_min3A_24 = arith.constant dense<2147483647> : vector<2048xi32>
    %reduce_min3A_25 = vector.multi_reduction <minsi>, %select_n3A_23, %reduce_min3A_24 [1] : vector<2048x64xi32> to vector<2048xi32>
    %broadcast_in_dim3A_26 = vector.shape_cast %reduce_min3A_25 : vector<2048xi32> to vector<2048x1xi32>
    %sub3A = arith.subf %broadcast_in_dim3A_18, %broadcast_in_dim3A : vector<2048x1xf32>
    %exp3A = math.exp %sub3A : vector<2048x1xf32>
    %add3A = arith.constant 1.000000e+00 : f32
    %add3A_27 = vector.broadcast %add3A : f32 to vector<2048x1xf32>
    %add3A_28 = arith.addf %add3A_27, %exp3A : vector<2048x1xf32>
    %div3A = arith.constant 1.000000e+00 : f32
    %div3A_29 = vector.broadcast %div3A : f32 to vector<2048x1xf32>
    %div3A_30 = arith.divf %div3A_29, %add3A_28 : vector<2048x1xf32>
    %mul3A = arith.mulf %exp3A, %div3A_30 : vector<2048x1xf32>
    %concatenate3A = tpu.concatenate %broadcast_in_dim3A_10, %broadcast_in_dim3A_26 in 0 : vector<2048x1xi32>, vector<2048x1xi32> -> vector<4096x1xi32>
    %concatenate3A_31 = tpu.concatenate %div3A_30, %mul3A in 0 : vector<2048x1xf32>, vector<2048x1xf32> -> vector<4096x1xf32>
    %iota3A_32 = tpu.iota {dimensions = array<i32: 1>} : vector<4096x64xi32>
    %eq3A_33 = vector.broadcast %concatenate3A : vector<4096x1xi32> to vector<4096x64xi32>
    %eq3A_34 = arith.cmpi eq, %eq3A_33, %iota3A_32 : vector<4096x64xi32>
    %convert_element_type3A = arith.extui %eq3A_34 : vector<4096x64xi1> to vector<4096x64xi32>
    %convert_element_type3A_35 = arith.sitofp %convert_element_type3A : vector<4096x64xi32> to vector<4096x64xf32>
    %iota3A_36 = tpu.iota {dimensions = array<i32: 0>} : vector<128x128xi32>
    %iota3A_37 = tpu.iota {dimensions = array<i32: 1>} : vector<128x128xi32>
    %ge3A = arith.cmpi sge, %iota3A_36, %iota3A_37 : vector<128x128xi32>
    %convert_element_type3A_38 = arith.extui %ge3A : vector<128x128xi1> to vector<128x128xi32>
    %convert_element_type3A_39 = arith.sitofp %convert_element_type3A_38 : vector<128x128xi32> to vector<128x128xf32>
    %broadcast_in_dim3A_40 = arith.constant 0.000000e+00 : f32
    %broadcast_in_dim3A_41 = vector.broadcast %broadcast_in_dim3A_40 : f32 to vector<1x64xf32>
    %slice3A = vector.extract_strided_slice %convert_element_type3A_35 {offsets = [0, 0], sizes = [128, 64], strides = [1, 1]} : vector<4096x64xf32> to vector<128x64xf32>
    %dot_general3A_42 = arith.constant dense<0.000000e+00> : vector<128x64xf32>
    %dot_general3A_43 = tpu.matmul %convert_element_type3A_39, %slice3A, %dot_general3A_42 {dimension_numbers = #tpu.dot_dimension_numbers<[1], [0], [0], [1], [0, 0, 1, 1], [], []>, transpose_lhs_hint = false} : vector<128x128xf32>, vector<128x64xf32>, vector<128x64xf32> -> vector<128x64xf32>
    %add3A_44 = vector.broadcast %broadcast_in_dim3A_41 : vector<1x64xf32> to vector<128x64xf32>
    %add3A_45 = arith.addf %dot_general3A_43, %add3A_44 : vector<128x64xf32>
    %reduce_sum3A = arith.constant dense<0.000000e+00> : vector<64xf32>
    %reduce_sum3A_46 = vector.multi_reduction <add>, %slice3A, %reduce_sum3A [0] : vector<128x64xf32> to vector<64xf32>
    %broadcast_in_dim3A_47 = vector.shape_cast %reduce_sum3A_46 : vector<64xf32> to vector<1x64xf32>
    %add3A_48 = arith.addf %broadcast_in_dim3A_41, %broadcast_in_dim3A_47 : vector<1x64xf32>
    %slice3A_49 = vector.extract_strided_slice %convert_element_type3A_35 {offsets = [128, 0], sizes = [128, 64], strides = [1, 1]} : vector<4096x64xf32> to vector<128x64xf32>
    %dot_general3A_50 = arith.constant dense<0.000000e+00> : vector<128x64xf32>
    %dot_general3A_51 = tpu.matmul %convert_element_type3A_39, %slice3A_49, %dot_general3A_50 {dimension_numbers = #tpu.dot_dimension_numbers<[1], [0], [0], [1], [0, 0, 1, 1], [], []>, transpose_lhs_hint = false} : vector<128x128xf32>, vector<128x64xf32>, vector<128x64xf32> -> vector<128x64xf32>
    %add3A_52 = vector.broadcast %add3A_48 : vector<1x64xf32> to vector<128x64xf32>
    %add3A_53 = arith.addf %dot_general3A_51, %add3A_52 : vector<128x64xf32>
    %reduce_sum3A_54 = arith.constant dense<0.000000e+00> : vector<64xf32>
    %reduce_sum3A_55 = vector.multi_reduction <add>, %slice3A_49, %reduce_sum3A_54 [0] : vector<128x64xf32> to vector<64xf32>
    %broadcast_in_dim3A_56 = vector.shape_cast %reduce_sum3A_55 : vector<64xf32> to vector<1x64xf32>
    %add3A_57 = arith.addf %add3A_48, %broadcast_in_dim3A_56 : vector<1x64xf32>
    %slice3A_58 = vector.extract_strided_slice %convert_element_type3A_35 {offsets = [256, 0], sizes = [128, 64], strides = [1, 1]} : vector<4096x64xf32> to vector<128x64xf32>
    %dot_general3A_59 = arith.constant dense<0.000000e+00> : vector<128x64xf32>
    %dot_general3A_60 = tpu.matmul %convert_element_type3A_39, %slice3A_58, %dot_general3A_59 {dimension_numbers = #tpu.dot_dimension_numbers<[1], [0], [0], [1], [0, 0, 1, 1], [], []>, transpose_lhs_hint = false} : vector<128x128xf32>, vector<128x64xf32>, vector<128x64xf32> -> vector<128x64xf32>
    %add3A_61 = vector.broadcast %add3A_57 : vector<1x64xf32> to vector<128x64xf32>
    %add3A_62 = arith.addf %dot_general3A_60, %add3A_61 : vector<128x64xf32>
    %reduce_sum3A_63 = arith.constant dense<0.000000e+00> : vector<64xf32>
    %reduce_sum3A_64 = vector.multi_reduction <add>, %slice3A_58, %reduce_sum3A_63 [0] : vector<128x64xf32> to vector<64xf32>
    %broadcast_in_dim3A_65 = vector.shape_cast %reduce_sum3A_64 : vector<64xf32> to vector<1x64xf32>
    %add3A_66 = arith.addf %add3A_57, %broadcast_in_dim3A_65 : vector<1x64xf32>
    %slice3A_67 = vector.extract_strided_slice %convert_element_type3A_35 {offsets = [384, 0], sizes = [128, 64], strides = [1, 1]} : vector<4096x64xf32> to vector<128x64xf32>
    %dot_general3A_68 = arith.constant dense<0.000000e+00> : vector<128x64xf32>
    %dot_general3A_69 = tpu.matmul %convert_element_type3A_39, %slice3A_67, %dot_general3A_68 {dimension_numbers = #tpu.dot_dimension_numbers<[1], [0], [0], [1], [0, 0, 1, 1], [], []>, transpose_lhs_hint = false} : vector<128x128xf32>, vector<128x64xf32>, vector<128x64xf32> -> vector<128x64xf32>
    %add3A_70 = vector.broadcast %add3A_66 : vector<1x64xf32> to vector<128x64xf32>
    %add3A_71 = arith.addf %dot_general3A_69, %add3A_70 : vector<128x64xf32>
    %reduce_sum3A_72 = arith.constant dense<0.000000e+00> : vector<64xf32>
    %reduce_sum3A_73 = vector.multi_reduction <add>, %slice3A_67, %reduce_sum3A_72 [0] : vector<128x64xf32> to vector<64xf32>
    %broadcast_in_dim3A_74 = vector.shape_cast %reduce_sum3A_73 : vector<64xf32> to vector<1x64xf32>
    %add3A_75 = arith.addf %add3A_66, %broadcast_in_dim3A_74 : vector<1x64xf32>
    %slice3A_76 = vector.extract_strided_slice %convert_element_type3A_35 {offsets = [512, 0], sizes = [128, 64], strides = [1, 1]} : vector<4096x64xf32> to vector<128x64xf32>
    %dot_general3A_77 = arith.constant dense<0.000000e+00> : vector<128x64xf32>
    %dot_general3A_78 = tpu.matmul %convert_element_type3A_39, %slice3A_76, %dot_general3A_77 {dimension_numbers = #tpu.dot_dimension_numbers<[1], [0], [0], [1], [0, 0, 1, 1], [], []>, transpose_lhs_hint = false} : vector<128x128xf32>, vector<128x64xf32>, vector<128x64xf32> -> vector<128x64xf32>
    %add3A_79 = vector.broadcast %add3A_75 : vector<1x64xf32> to vector<128x64xf32>
    %add3A_80 = arith.addf %dot_general3A_78, %add3A_79 : vector<128x64xf32>
    %reduce_sum3A_81 = arith.constant dense<0.000000e+00> : vector<64xf32>
    %reduce_sum3A_82 = vector.multi_reduction <add>, %slice3A_76, %reduce_sum3A_81 [0] : vector<128x64xf32> to vector<64xf32>
    %broadcast_in_dim3A_83 = vector.shape_cast %reduce_sum3A_82 : vector<64xf32> to vector<1x64xf32>
    %add3A_84 = arith.addf %add3A_75, %broadcast_in_dim3A_83 : vector<1x64xf32>
    %slice3A_85 = vector.extract_strided_slice %convert_element_type3A_35 {offsets = [640, 0], sizes = [128, 64], strides = [1, 1]} : vector<4096x64xf32> to vector<128x64xf32>
    %dot_general3A_86 = arith.constant dense<0.000000e+00> : vector<128x64xf32>
    %dot_general3A_87 = tpu.matmul %convert_element_type3A_39, %slice3A_85, %dot_general3A_86 {dimension_numbers = #tpu.dot_dimension_numbers<[1], [0], [0], [1], [0, 0, 1, 1], [], []>, transpose_lhs_hint = false} : vector<128x128xf32>, vector<128x64xf32>, vector<128x64xf32> -> vector<128x64xf32>
    %add3A_88 = vector.broadcast %add3A_84 : vector<1x64xf32> to vector<128x64xf32>
    %add3A_89 = arith.addf %dot_general3A_87, %add3A_88 : vector<128x64xf32>
    %reduce_sum3A_90 = arith.constant dense<0.000000e+00> : vector<64xf32>
    %reduce_sum3A_91 = vector.multi_reduction <add>, %slice3A_85, %reduce_sum3A_90 [0] : vector<128x64xf32> to vector<64xf32>
    %broadcast_in_dim3A_92 = vector.shape_cast %reduce_sum3A_91 : vector<64xf32> to vector<1x64xf32>
    %add3A_93 = arith.addf %add3A_84, %broadcast_in_dim3A_92 : vector<1x64xf32>
    %slice3A_94 = vector.extract_strided_slice %convert_element_type3A_35 {offsets = [768, 0], sizes = [128, 64], strides = [1, 1]} : vector<4096x64xf32> to vector<128x64xf32>
    %dot_general3A_95 = arith.constant dense<0.000000e+00> : vector<128x64xf32>
    %dot_general3A_96 = tpu.matmul %convert_element_type3A_39, %slice3A_94, %dot_general3A_95 {dimension_numbers = #tpu.dot_dimension_numbers<[1], [0], [0], [1], [0, 0, 1, 1], [], []>, transpose_lhs_hint = false} : vector<128x128xf32>, vector<128x64xf32>, vector<128x64xf32> -> vector<128x64xf32>
    %add3A_97 = vector.broadcast %add3A_93 : vector<1x64xf32> to vector<128x64xf32>
    %add3A_98 = arith.addf %dot_general3A_96, %add3A_97 : vector<128x64xf32>
    %reduce_sum3A_99 = arith.constant dense<0.000000e+00> : vector<64xf32>
    %reduce_sum3A_100 = vector.multi_reduction <add>, %slice3A_94, %reduce_sum3A_99 [0] : vector<128x64xf32> to vector<64xf32>
    %broadcast_in_dim3A_101 = vector.shape_cast %reduce_sum3A_100 : vector<64xf32> to vector<1x64xf32>
    %add3A_102 = arith.addf %add3A_93, %broadcast_in_dim3A_101 : vector<1x64xf32>
    %slice3A_103 = vector.extract_strided_slice %convert_element_type3A_35 {offsets = [896, 0], sizes = [128, 64], strides = [1, 1]} : vector<4096x64xf32> to vector<128x64xf32>
    %dot_general3A_104 = arith.constant dense<0.000000e+00> : vector<128x64xf32>
    %dot_general3A_105 = tpu.matmul %convert_element_type3A_39, %slice3A_103, %dot_general3A_104 {dimension_numbers = #tpu.dot_dimension_numbers<[1], [0], [0], [1], [0, 0, 1, 1], [], []>, transpose_lhs_hint = false} : vector<128x128xf32>, vector<128x64xf32>, vector<128x64xf32> -> vector<128x64xf32>
    %add3A_106 = vector.broadcast %add3A_102 : vector<1x64xf32> to vector<128x64xf32>
    %add3A_107 = arith.addf %dot_general3A_105, %add3A_106 : vector<128x64xf32>
    %reduce_sum3A_108 = arith.constant dense<0.000000e+00> : vector<64xf32>
    %reduce_sum3A_109 = vector.multi_reduction <add>, %slice3A_103, %reduce_sum3A_108 [0] : vector<128x64xf32> to vector<64xf32>
    %broadcast_in_dim3A_110 = vector.shape_cast %reduce_sum3A_109 : vector<64xf32> to vector<1x64xf32>
    %add3A_111 = arith.addf %add3A_102, %broadcast_in_dim3A_110 : vector<1x64xf32>
    %slice3A_112 = vector.extract_strided_slice %convert_element_type3A_35 {offsets = [1024, 0], sizes = [128, 64], strides = [1, 1]} : vector<4096x64xf32> to vector<128x64xf32>
    %dot_general3A_113 = arith.constant dense<0.000000e+00> : vector<128x64xf32>
    %dot_general3A_114 = tpu.matmul %convert_element_type3A_39, %slice3A_112, %dot_general3A_113 {dimension_numbers = #tpu.dot_dimension_numbers<[1], [0], [0], [1], [0, 0, 1, 1], [], []>, transpose_lhs_hint = false} : vector<128x128xf32>, vector<128x64xf32>, vector<128x64xf32> -> vector<128x64xf32>
    %add3A_115 = vector.broadcast %add3A_111 : vector<1x64xf32> to vector<128x64xf32>
    %add3A_116 = arith.addf %dot_general3A_114, %add3A_115 : vector<128x64xf32>
    %reduce_sum3A_117 = arith.constant dense<0.000000e+00> : vector<64xf32>
    %reduce_sum3A_118 = vector.multi_reduction <add>, %slice3A_112, %reduce_sum3A_117 [0] : vector<128x64xf32> to vector<64xf32>
    %broadcast_in_dim3A_119 = vector.shape_cast %reduce_sum3A_118 : vector<64xf32> to vector<1x64xf32>
    %add3A_120 = arith.addf %add3A_111, %broadcast_in_dim3A_119 : vector<1x64xf32>
    %slice3A_121 = vector.extract_strided_slice %convert_element_type3A_35 {offsets = [1152, 0], sizes = [128, 64], strides = [1, 1]} : vector<4096x64xf32> to vector<128x64xf32>
    %dot_general3A_122 = arith.constant dense<0.000000e+00> : vector<128x64xf32>
    %dot_general3A_123 = tpu.matmul %convert_element_type3A_39, %slice3A_121, %dot_general3A_122 {dimension_numbers = #tpu.dot_dimension_numbers<[1], [0], [0], [1], [0, 0, 1, 1], [], []>, transpose_lhs_hint = false} : vector<128x128xf32>, vector<128x64xf32>, vector<128x64xf32> -> vector<128x64xf32>
    %add3A_124 = vector.broadcast %add3A_120 : vector<1x64xf32> to vector<128x64xf32>
    %add3A_125 = arith.addf %dot_general3A_123, %add3A_124 : vector<128x64xf32>
    %reduce_sum3A_126 = arith.constant dense<0.000000e+00> : vector<64xf32>
    %reduce_sum3A_127 = vector.multi_reduction <add>, %slice3A_121, %reduce_sum3A_126 [0] : vector<128x64xf32> to vector<64xf32>
    %broadcast_in_dim3A_128 = vector.shape_cast %reduce_sum3A_127 : vector<64xf32> to vector<1x64xf32>
    %add3A_129 = arith.addf %add3A_120, %broadcast_in_dim3A_128 : vector<1x64xf32>
    %slice3A_130 = vector.extract_strided_slice %convert_element_type3A_35 {offsets = [1280, 0], sizes = [128, 64], strides = [1, 1]} : vector<4096x64xf32> to vector<128x64xf32>
    %dot_general3A_131 = arith.constant dense<0.000000e+00> : vector<128x64xf32>
    %dot_general3A_132 = tpu.matmul %convert_element_type3A_39, %slice3A_130, %dot_general3A_131 {dimension_numbers = #tpu.dot_dimension_numbers<[1], [0], [0], [1], [0, 0, 1, 1], [], []>, transpose_lhs_hint = false} : vector<128x128xf32>, vector<128x64xf32>, vector<128x64xf32> -> vector<128x64xf32>
    %add3A_133 = vector.broadcast %add3A_129 : vector<1x64xf32> to vector<128x64xf32>
    %add3A_134 = arith.addf %dot_general3A_132, %add3A_133 : vector<128x64xf32>
    %reduce_sum3A_135 = arith.constant dense<0.000000e+00> : vector<64xf32>
    %reduce_sum3A_136 = vector.multi_reduction <add>, %slice3A_130, %reduce_sum3A_135 [0] : vector<128x64xf32> to vector<64xf32>
    %broadcast_in_dim3A_137 = vector.shape_cast %reduce_sum3A_136 : vector<64xf32> to vector<1x64xf32>
    %add3A_138 = arith.addf %add3A_129, %broadcast_in_dim3A_137 : vector<1x64xf32>
    %slice3A_139 = vector.extract_strided_slice %convert_element_type3A_35 {offsets = [1408, 0], sizes = [128, 64], strides = [1, 1]} : vector<4096x64xf32> to vector<128x64xf32>
    %dot_general3A_140 = arith.constant dense<0.000000e+00> : vector<128x64xf32>
    %dot_general3A_141 = tpu.matmul %convert_element_type3A_39, %slice3A_139, %dot_general3A_140 {dimension_numbers = #tpu.dot_dimension_numbers<[1], [0], [0], [1], [0, 0, 1, 1], [], []>, transpose_lhs_hint = false} : vector<128x128xf32>, vector<128x64xf32>, vector<128x64xf32> -> vector<128x64xf32>
    %add3A_142 = vector.broadcast %add3A_138 : vector<1x64xf32> to vector<128x64xf32>
    %add3A_143 = arith.addf %dot_general3A_141, %add3A_142 : vector<128x64xf32>
    %reduce_sum3A_144 = arith.constant dense<0.000000e+00> : vector<64xf32>
    %reduce_sum3A_145 = vector.multi_reduction <add>, %slice3A_139, %reduce_sum3A_144 [0] : vector<128x64xf32> to vector<64xf32>
    %broadcast_in_dim3A_146 = vector.shape_cast %reduce_sum3A_145 : vector<64xf32> to vector<1x64xf32>
    %add3A_147 = arith.addf %add3A_138, %broadcast_in_dim3A_146 : vector<1x64xf32>
    %slice3A_148 = vector.extract_strided_slice %convert_element_type3A_35 {offsets = [1536, 0], sizes = [128, 64], strides = [1, 1]} : vector<4096x64xf32> to vector<128x64xf32>
    %dot_general3A_149 = arith.constant dense<0.000000e+00> : vector<128x64xf32>
    %dot_general3A_150 = tpu.matmul %convert_element_type3A_39, %slice3A_148, %dot_general3A_149 {dimension_numbers = #tpu.dot_dimension_numbers<[1], [0], [0], [1], [0, 0, 1, 1], [], []>, transpose_lhs_hint = false} : vector<128x128xf32>, vector<128x64xf32>, vector<128x64xf32> -> vector<128x64xf32>
    %add3A_151 = vector.broadcast %add3A_147 : vector<1x64xf32> to vector<128x64xf32>
    %add3A_152 = arith.addf %dot_general3A_150, %add3A_151 : vector<128x64xf32>
    %reduce_sum3A_153 = arith.constant dense<0.000000e+00> : vector<64xf32>
    %reduce_sum3A_154 = vector.multi_reduction <add>, %slice3A_148, %reduce_sum3A_153 [0] : vector<128x64xf32> to vector<64xf32>
    %broadcast_in_dim3A_155 = vector.shape_cast %reduce_sum3A_154 : vector<64xf32> to vector<1x64xf32>
    %add3A_156 = arith.addf %add3A_147, %broadcast_in_dim3A_155 : vector<1x64xf32>
    %slice3A_157 = vector.extract_strided_slice %convert_element_type3A_35 {offsets = [1664, 0], sizes = [128, 64], strides = [1, 1]} : vector<4096x64xf32> to vector<128x64xf32>
    %dot_general3A_158 = arith.constant dense<0.000000e+00> : vector<128x64xf32>
    %dot_general3A_159 = tpu.matmul %convert_element_type3A_39, %slice3A_157, %dot_general3A_158 {dimension_numbers = #tpu.dot_dimension_numbers<[1], [0], [0], [1], [0, 0, 1, 1], [], []>, transpose_lhs_hint = false} : vector<128x128xf32>, vector<128x64xf32>, vector<128x64xf32> -> vector<128x64xf32>
    %add3A_160 = vector.broadcast %add3A_156 : vector<1x64xf32> to vector<128x64xf32>
    %add3A_161 = arith.addf %dot_general3A_159, %add3A_160 : vector<128x64xf32>
    %reduce_sum3A_162 = arith.constant dense<0.000000e+00> : vector<64xf32>
    %reduce_sum3A_163 = vector.multi_reduction <add>, %slice3A_157, %reduce_sum3A_162 [0] : vector<128x64xf32> to vector<64xf32>
    %broadcast_in_dim3A_164 = vector.shape_cast %reduce_sum3A_163 : vector<64xf32> to vector<1x64xf32>
    %add3A_165 = arith.addf %add3A_156, %broadcast_in_dim3A_164 : vector<1x64xf32>
    %slice3A_166 = vector.extract_strided_slice %convert_element_type3A_35 {offsets = [1792, 0], sizes = [128, 64], strides = [1, 1]} : vector<4096x64xf32> to vector<128x64xf32>
    %dot_general3A_167 = arith.constant dense<0.000000e+00> : vector<128x64xf32>
    %dot_general3A_168 = tpu.matmul %convert_element_type3A_39, %slice3A_166, %dot_general3A_167 {dimension_numbers = #tpu.dot_dimension_numbers<[1], [0], [0], [1], [0, 0, 1, 1], [], []>, transpose_lhs_hint = false} : vector<128x128xf32>, vector<128x64xf32>, vector<128x64xf32> -> vector<128x64xf32>
    %add3A_169 = vector.broadcast %add3A_165 : vector<1x64xf32> to vector<128x64xf32>
    %add3A_170 = arith.addf %dot_general3A_168, %add3A_169 : vector<128x64xf32>
    %reduce_sum3A_171 = arith.constant dense<0.000000e+00> : vector<64xf32>
    %reduce_sum3A_172 = vector.multi_reduction <add>, %slice3A_166, %reduce_sum3A_171 [0] : vector<128x64xf32> to vector<64xf32>
    %broadcast_in_dim3A_173 = vector.shape_cast %reduce_sum3A_172 : vector<64xf32> to vector<1x64xf32>
    %add3A_174 = arith.addf %add3A_165, %broadcast_in_dim3A_173 : vector<1x64xf32>
    %slice3A_175 = vector.extract_strided_slice %convert_element_type3A_35 {offsets = [1920, 0], sizes = [128, 64], strides = [1, 1]} : vector<4096x64xf32> to vector<128x64xf32>
    %dot_general3A_176 = arith.constant dense<0.000000e+00> : vector<128x64xf32>
    %dot_general3A_177 = tpu.matmul %convert_element_type3A_39, %slice3A_175, %dot_general3A_176 {dimension_numbers = #tpu.dot_dimension_numbers<[1], [0], [0], [1], [0, 0, 1, 1], [], []>, transpose_lhs_hint = false} : vector<128x128xf32>, vector<128x64xf32>, vector<128x64xf32> -> vector<128x64xf32>
    %add3A_178 = vector.broadcast %add3A_174 : vector<1x64xf32> to vector<128x64xf32>
    %add3A_179 = arith.addf %dot_general3A_177, %add3A_178 : vector<128x64xf32>
    %reduce_sum3A_180 = arith.constant dense<0.000000e+00> : vector<64xf32>
    %reduce_sum3A_181 = vector.multi_reduction <add>, %slice3A_175, %reduce_sum3A_180 [0] : vector<128x64xf32> to vector<64xf32>
    %broadcast_in_dim3A_182 = vector.shape_cast %reduce_sum3A_181 : vector<64xf32> to vector<1x64xf32>
    %add3A_183 = arith.addf %add3A_174, %broadcast_in_dim3A_182 : vector<1x64xf32>
    %slice3A_184 = vector.extract_strided_slice %convert_element_type3A_35 {offsets = [2048, 0], sizes = [128, 64], strides = [1, 1]} : vector<4096x64xf32> to vector<128x64xf32>
    %dot_general3A_185 = arith.constant dense<0.000000e+00> : vector<128x64xf32>
    %dot_general3A_186 = tpu.matmul %convert_element_type3A_39, %slice3A_184, %dot_general3A_185 {dimension_numbers = #tpu.dot_dimension_numbers<[1], [0], [0], [1], [0, 0, 1, 1], [], []>, transpose_lhs_hint = false} : vector<128x128xf32>, vector<128x64xf32>, vector<128x64xf32> -> vector<128x64xf32>
    %add3A_187 = vector.broadcast %add3A_183 : vector<1x64xf32> to vector<128x64xf32>
    %add3A_188 = arith.addf %dot_general3A_186, %add3A_187 : vector<128x64xf32>
    %reduce_sum3A_189 = arith.constant dense<0.000000e+00> : vector<64xf32>
    %reduce_sum3A_190 = vector.multi_reduction <add>, %slice3A_184, %reduce_sum3A_189 [0] : vector<128x64xf32> to vector<64xf32>
    %broadcast_in_dim3A_191 = vector.shape_cast %reduce_sum3A_190 : vector<64xf32> to vector<1x64xf32>
    %add3A_192 = arith.addf %add3A_183, %broadcast_in_dim3A_191 : vector<1x64xf32>
    %slice3A_193 = vector.extract_strided_slice %convert_element_type3A_35 {offsets = [2176, 0], sizes = [128, 64], strides = [1, 1]} : vector<4096x64xf32> to vector<128x64xf32>
    %dot_general3A_194 = arith.constant dense<0.000000e+00> : vector<128x64xf32>
    %dot_general3A_195 = tpu.matmul %convert_element_type3A_39, %slice3A_193, %dot_general3A_194 {dimension_numbers = #tpu.dot_dimension_numbers<[1], [0], [0], [1], [0, 0, 1, 1], [], []>, transpose_lhs_hint = false} : vector<128x128xf32>, vector<128x64xf32>, vector<128x64xf32> -> vector<128x64xf32>
    %add3A_196 = vector.broadcast %add3A_192 : vector<1x64xf32> to vector<128x64xf32>
    %add3A_197 = arith.addf %dot_general3A_195, %add3A_196 : vector<128x64xf32>
    %reduce_sum3A_198 = arith.constant dense<0.000000e+00> : vector<64xf32>
    %reduce_sum3A_199 = vector.multi_reduction <add>, %slice3A_193, %reduce_sum3A_198 [0] : vector<128x64xf32> to vector<64xf32>
    %broadcast_in_dim3A_200 = vector.shape_cast %reduce_sum3A_199 : vector<64xf32> to vector<1x64xf32>
    %add3A_201 = arith.addf %add3A_192, %broadcast_in_dim3A_200 : vector<1x64xf32>
    %slice3A_202 = vector.extract_strided_slice %convert_element_type3A_35 {offsets = [2304, 0], sizes = [128, 64], strides = [1, 1]} : vector<4096x64xf32> to vector<128x64xf32>
    %dot_general3A_203 = arith.constant dense<0.000000e+00> : vector<128x64xf32>
    %dot_general3A_204 = tpu.matmul %convert_element_type3A_39, %slice3A_202, %dot_general3A_203 {dimension_numbers = #tpu.dot_dimension_numbers<[1], [0], [0], [1], [0, 0, 1, 1], [], []>, transpose_lhs_hint = false} : vector<128x128xf32>, vector<128x64xf32>, vector<128x64xf32> -> vector<128x64xf32>
    %add3A_205 = vector.broadcast %add3A_201 : vector<1x64xf32> to vector<128x64xf32>
    %add3A_206 = arith.addf %dot_general3A_204, %add3A_205 : vector<128x64xf32>
    %reduce_sum3A_207 = arith.constant dense<0.000000e+00> : vector<64xf32>
    %reduce_sum3A_208 = vector.multi_reduction <add>, %slice3A_202, %reduce_sum3A_207 [0] : vector<128x64xf32> to vector<64xf32>
    %broadcast_in_dim3A_209 = vector.shape_cast %reduce_sum3A_208 : vector<64xf32> to vector<1x64xf32>
    %add3A_210 = arith.addf %add3A_201, %broadcast_in_dim3A_209 : vector<1x64xf32>
    %slice3A_211 = vector.extract_strided_slice %convert_element_type3A_35 {offsets = [2432, 0], sizes = [128, 64], strides = [1, 1]} : vector<4096x64xf32> to vector<128x64xf32>
    %dot_general3A_212 = arith.constant dense<0.000000e+00> : vector<128x64xf32>
    %dot_general3A_213 = tpu.matmul %convert_element_type3A_39, %slice3A_211, %dot_general3A_212 {dimension_numbers = #tpu.dot_dimension_numbers<[1], [0], [0], [1], [0, 0, 1, 1], [], []>, transpose_lhs_hint = false} : vector<128x128xf32>, vector<128x64xf32>, vector<128x64xf32> -> vector<128x64xf32>
    %add3A_214 = vector.broadcast %add3A_210 : vector<1x64xf32> to vector<128x64xf32>
    %add3A_215 = arith.addf %dot_general3A_213, %add3A_214 : vector<128x64xf32>
    %reduce_sum3A_216 = arith.constant dense<0.000000e+00> : vector<64xf32>
    %reduce_sum3A_217 = vector.multi_reduction <add>, %slice3A_211, %reduce_sum3A_216 [0] : vector<128x64xf32> to vector<64xf32>
    %broadcast_in_dim3A_218 = vector.shape_cast %reduce_sum3A_217 : vector<64xf32> to vector<1x64xf32>
    %add3A_219 = arith.addf %add3A_210, %broadcast_in_dim3A_218 : vector<1x64xf32>
    %slice3A_220 = vector.extract_strided_slice %convert_element_type3A_35 {offsets = [2560, 0], sizes = [128, 64], strides = [1, 1]} : vector<4096x64xf32> to vector<128x64xf32>
    %dot_general3A_221 = arith.constant dense<0.000000e+00> : vector<128x64xf32>
    %dot_general3A_222 = tpu.matmul %convert_element_type3A_39, %slice3A_220, %dot_general3A_221 {dimension_numbers = #tpu.dot_dimension_numbers<[1], [0], [0], [1], [0, 0, 1, 1], [], []>, transpose_lhs_hint = false} : vector<128x128xf32>, vector<128x64xf32>, vector<128x64xf32> -> vector<128x64xf32>
    %add3A_223 = vector.broadcast %add3A_219 : vector<1x64xf32> to vector<128x64xf32>
    %add3A_224 = arith.addf %dot_general3A_222, %add3A_223 : vector<128x64xf32>
    %reduce_sum3A_225 = arith.constant dense<0.000000e+00> : vector<64xf32>
    %reduce_sum3A_226 = vector.multi_reduction <add>, %slice3A_220, %reduce_sum3A_225 [0] : vector<128x64xf32> to vector<64xf32>
    %broadcast_in_dim3A_227 = vector.shape_cast %reduce_sum3A_226 : vector<64xf32> to vector<1x64xf32>
    %add3A_228 = arith.addf %add3A_219, %broadcast_in_dim3A_227 : vector<1x64xf32>
    %slice3A_229 = vector.extract_strided_slice %convert_element_type3A_35 {offsets = [2688, 0], sizes = [128, 64], strides = [1, 1]} : vector<4096x64xf32> to vector<128x64xf32>
    %dot_general3A_230 = arith.constant dense<0.000000e+00> : vector<128x64xf32>
    %dot_general3A_231 = tpu.matmul %convert_element_type3A_39, %slice3A_229, %dot_general3A_230 {dimension_numbers = #tpu.dot_dimension_numbers<[1], [0], [0], [1], [0, 0, 1, 1], [], []>, transpose_lhs_hint = false} : vector<128x128xf32>, vector<128x64xf32>, vector<128x64xf32> -> vector<128x64xf32>
    %add3A_232 = vector.broadcast %add3A_228 : vector<1x64xf32> to vector<128x64xf32>
    %add3A_233 = arith.addf %dot_general3A_231, %add3A_232 : vector<128x64xf32>
    %reduce_sum3A_234 = arith.constant dense<0.000000e+00> : vector<64xf32>
    %reduce_sum3A_235 = vector.multi_reduction <add>, %slice3A_229, %reduce_sum3A_234 [0] : vector<128x64xf32> to vector<64xf32>
    %broadcast_in_dim3A_236 = vector.shape_cast %reduce_sum3A_235 : vector<64xf32> to vector<1x64xf32>
    %add3A_237 = arith.addf %add3A_228, %broadcast_in_dim3A_236 : vector<1x64xf32>
    %slice3A_238 = vector.extract_strided_slice %convert_element_type3A_35 {offsets = [2816, 0], sizes = [128, 64], strides = [1, 1]} : vector<4096x64xf32> to vector<128x64xf32>
    %dot_general3A_239 = arith.constant dense<0.000000e+00> : vector<128x64xf32>
    %dot_general3A_240 = tpu.matmul %convert_element_type3A_39, %slice3A_238, %dot_general3A_239 {dimension_numbers = #tpu.dot_dimension_numbers<[1], [0], [0], [1], [0, 0, 1, 1], [], []>, transpose_lhs_hint = false} : vector<128x128xf32>, vector<128x64xf32>, vector<128x64xf32> -> vector<128x64xf32>
    %add3A_241 = vector.broadcast %add3A_237 : vector<1x64xf32> to vector<128x64xf32>
    %add3A_242 = arith.addf %dot_general3A_240, %add3A_241 : vector<128x64xf32>
    %reduce_sum3A_243 = arith.constant dense<0.000000e+00> : vector<64xf32>
    %reduce_sum3A_244 = vector.multi_reduction <add>, %slice3A_238, %reduce_sum3A_243 [0] : vector<128x64xf32> to vector<64xf32>
    %broadcast_in_dim3A_245 = vector.shape_cast %reduce_sum3A_244 : vector<64xf32> to vector<1x64xf32>
    %add3A_246 = arith.addf %add3A_237, %broadcast_in_dim3A_245 : vector<1x64xf32>
    %slice3A_247 = vector.extract_strided_slice %convert_element_type3A_35 {offsets = [2944, 0], sizes = [128, 64], strides = [1, 1]} : vector<4096x64xf32> to vector<128x64xf32>
    %dot_general3A_248 = arith.constant dense<0.000000e+00> : vector<128x64xf32>
    %dot_general3A_249 = tpu.matmul %convert_element_type3A_39, %slice3A_247, %dot_general3A_248 {dimension_numbers = #tpu.dot_dimension_numbers<[1], [0], [0], [1], [0, 0, 1, 1], [], []>, transpose_lhs_hint = false} : vector<128x128xf32>, vector<128x64xf32>, vector<128x64xf32> -> vector<128x64xf32>
    %add3A_250 = vector.broadcast %add3A_246 : vector<1x64xf32> to vector<128x64xf32>
    %add3A_251 = arith.addf %dot_general3A_249, %add3A_250 : vector<128x64xf32>
    %reduce_sum3A_252 = arith.constant dense<0.000000e+00> : vector<64xf32>
    %reduce_sum3A_253 = vector.multi_reduction <add>, %slice3A_247, %reduce_sum3A_252 [0] : vector<128x64xf32> to vector<64xf32>
    %broadcast_in_dim3A_254 = vector.shape_cast %reduce_sum3A_253 : vector<64xf32> to vector<1x64xf32>
    %add3A_255 = arith.addf %add3A_246, %broadcast_in_dim3A_254 : vector<1x64xf32>
    %slice3A_256 = vector.extract_strided_slice %convert_element_type3A_35 {offsets = [3072, 0], sizes = [128, 64], strides = [1, 1]} : vector<4096x64xf32> to vector<128x64xf32>
    %dot_general3A_257 = arith.constant dense<0.000000e+00> : vector<128x64xf32>
    %dot_general3A_258 = tpu.matmul %convert_element_type3A_39, %slice3A_256, %dot_general3A_257 {dimension_numbers = #tpu.dot_dimension_numbers<[1], [0], [0], [1], [0, 0, 1, 1], [], []>, transpose_lhs_hint = false} : vector<128x128xf32>, vector<128x64xf32>, vector<128x64xf32> -> vector<128x64xf32>
    %add3A_259 = vector.broadcast %add3A_255 : vector<1x64xf32> to vector<128x64xf32>
    %add3A_260 = arith.addf %dot_general3A_258, %add3A_259 : vector<128x64xf32>
    %reduce_sum3A_261 = arith.constant dense<0.000000e+00> : vector<64xf32>
    %reduce_sum3A_262 = vector.multi_reduction <add>, %slice3A_256, %reduce_sum3A_261 [0] : vector<128x64xf32> to vector<64xf32>
    %broadcast_in_dim3A_263 = vector.shape_cast %reduce_sum3A_262 : vector<64xf32> to vector<1x64xf32>
    %add3A_264 = arith.addf %add3A_255, %broadcast_in_dim3A_263 : vector<1x64xf32>
    %slice3A_265 = vector.extract_strided_slice %convert_element_type3A_35 {offsets = [3200, 0], sizes = [128, 64], strides = [1, 1]} : vector<4096x64xf32> to vector<128x64xf32>
    %dot_general3A_266 = arith.constant dense<0.000000e+00> : vector<128x64xf32>
    %dot_general3A_267 = tpu.matmul %convert_element_type3A_39, %slice3A_265, %dot_general3A_266 {dimension_numbers = #tpu.dot_dimension_numbers<[1], [0], [0], [1], [0, 0, 1, 1], [], []>, transpose_lhs_hint = false} : vector<128x128xf32>, vector<128x64xf32>, vector<128x64xf32> -> vector<128x64xf32>
    %add3A_268 = vector.broadcast %add3A_264 : vector<1x64xf32> to vector<128x64xf32>
    %add3A_269 = arith.addf %dot_general3A_267, %add3A_268 : vector<128x64xf32>
    %reduce_sum3A_270 = arith.constant dense<0.000000e+00> : vector<64xf32>
    %reduce_sum3A_271 = vector.multi_reduction <add>, %slice3A_265, %reduce_sum3A_270 [0] : vector<128x64xf32> to vector<64xf32>
    %broadcast_in_dim3A_272 = vector.shape_cast %reduce_sum3A_271 : vector<64xf32> to vector<1x64xf32>
    %add3A_273 = arith.addf %add3A_264, %broadcast_in_dim3A_272 : vector<1x64xf32>
    %slice3A_274 = vector.extract_strided_slice %convert_element_type3A_35 {offsets = [3328, 0], sizes = [128, 64], strides = [1, 1]} : vector<4096x64xf32> to vector<128x64xf32>
    %dot_general3A_275 = arith.constant dense<0.000000e+00> : vector<128x64xf32>
    %dot_general3A_276 = tpu.matmul %convert_element_type3A_39, %slice3A_274, %dot_general3A_275 {dimension_numbers = #tpu.dot_dimension_numbers<[1], [0], [0], [1], [0, 0, 1, 1], [], []>, transpose_lhs_hint = false} : vector<128x128xf32>, vector<128x64xf32>, vector<128x64xf32> -> vector<128x64xf32>
    %add3A_277 = vector.broadcast %add3A_273 : vector<1x64xf32> to vector<128x64xf32>
    %add3A_278 = arith.addf %dot_general3A_276, %add3A_277 : vector<128x64xf32>
    %reduce_sum3A_279 = arith.constant dense<0.000000e+00> : vector<64xf32>
    %reduce_sum3A_280 = vector.multi_reduction <add>, %slice3A_274, %reduce_sum3A_279 [0] : vector<128x64xf32> to vector<64xf32>
    %broadcast_in_dim3A_281 = vector.shape_cast %reduce_sum3A_280 : vector<64xf32> to vector<1x64xf32>
    %add3A_282 = arith.addf %add3A_273, %broadcast_in_dim3A_281 : vector<1x64xf32>
    %slice3A_283 = vector.extract_strided_slice %convert_element_type3A_35 {offsets = [3456, 0], sizes = [128, 64], strides = [1, 1]} : vector<4096x64xf32> to vector<128x64xf32>
    %dot_general3A_284 = arith.constant dense<0.000000e+00> : vector<128x64xf32>
    %dot_general3A_285 = tpu.matmul %convert_element_type3A_39, %slice3A_283, %dot_general3A_284 {dimension_numbers = #tpu.dot_dimension_numbers<[1], [0], [0], [1], [0, 0, 1, 1], [], []>, transpose_lhs_hint = false} : vector<128x128xf32>, vector<128x64xf32>, vector<128x64xf32> -> vector<128x64xf32>
    %add3A_286 = vector.broadcast %add3A_282 : vector<1x64xf32> to vector<128x64xf32>
    %add3A_287 = arith.addf %dot_general3A_285, %add3A_286 : vector<128x64xf32>
    %reduce_sum3A_288 = arith.constant dense<0.000000e+00> : vector<64xf32>
    %reduce_sum3A_289 = vector.multi_reduction <add>, %slice3A_283, %reduce_sum3A_288 [0] : vector<128x64xf32> to vector<64xf32>
    %broadcast_in_dim3A_290 = vector.shape_cast %reduce_sum3A_289 : vector<64xf32> to vector<1x64xf32>
    %add3A_291 = arith.addf %add3A_282, %broadcast_in_dim3A_290 : vector<1x64xf32>
    %slice3A_292 = vector.extract_strided_slice %convert_element_type3A_35 {offsets = [3584, 0], sizes = [128, 64], strides = [1, 1]} : vector<4096x64xf32> to vector<128x64xf32>
    %dot_general3A_293 = arith.constant dense<0.000000e+00> : vector<128x64xf32>
    %dot_general3A_294 = tpu.matmul %convert_element_type3A_39, %slice3A_292, %dot_general3A_293 {dimension_numbers = #tpu.dot_dimension_numbers<[1], [0], [0], [1], [0, 0, 1, 1], [], []>, transpose_lhs_hint = false} : vector<128x128xf32>, vector<128x64xf32>, vector<128x64xf32> -> vector<128x64xf32>
    %add3A_295 = vector.broadcast %add3A_291 : vector<1x64xf32> to vector<128x64xf32>
    %add3A_296 = arith.addf %dot_general3A_294, %add3A_295 : vector<128x64xf32>
    %reduce_sum3A_297 = arith.constant dense<0.000000e+00> : vector<64xf32>
    %reduce_sum3A_298 = vector.multi_reduction <add>, %slice3A_292, %reduce_sum3A_297 [0] : vector<128x64xf32> to vector<64xf32>
    %broadcast_in_dim3A_299 = vector.shape_cast %reduce_sum3A_298 : vector<64xf32> to vector<1x64xf32>
    %add3A_300 = arith.addf %add3A_291, %broadcast_in_dim3A_299 : vector<1x64xf32>
    %slice3A_301 = vector.extract_strided_slice %convert_element_type3A_35 {offsets = [3712, 0], sizes = [128, 64], strides = [1, 1]} : vector<4096x64xf32> to vector<128x64xf32>
    %dot_general3A_302 = arith.constant dense<0.000000e+00> : vector<128x64xf32>
    %dot_general3A_303 = tpu.matmul %convert_element_type3A_39, %slice3A_301, %dot_general3A_302 {dimension_numbers = #tpu.dot_dimension_numbers<[1], [0], [0], [1], [0, 0, 1, 1], [], []>, transpose_lhs_hint = false} : vector<128x128xf32>, vector<128x64xf32>, vector<128x64xf32> -> vector<128x64xf32>
    %add3A_304 = vector.broadcast %add3A_300 : vector<1x64xf32> to vector<128x64xf32>
    %add3A_305 = arith.addf %dot_general3A_303, %add3A_304 : vector<128x64xf32>
    %reduce_sum3A_306 = arith.constant dense<0.000000e+00> : vector<64xf32>
    %reduce_sum3A_307 = vector.multi_reduction <add>, %slice3A_301, %reduce_sum3A_306 [0] : vector<128x64xf32> to vector<64xf32>
    %broadcast_in_dim3A_308 = vector.shape_cast %reduce_sum3A_307 : vector<64xf32> to vector<1x64xf32>
    %add3A_309 = arith.addf %add3A_300, %broadcast_in_dim3A_308 : vector<1x64xf32>
    %slice3A_310 = vector.extract_strided_slice %convert_element_type3A_35 {offsets = [3840, 0], sizes = [128, 64], strides = [1, 1]} : vector<4096x64xf32> to vector<128x64xf32>
    %dot_general3A_311 = arith.constant dense<0.000000e+00> : vector<128x64xf32>
    %dot_general3A_312 = tpu.matmul %convert_element_type3A_39, %slice3A_310, %dot_general3A_311 {dimension_numbers = #tpu.dot_dimension_numbers<[1], [0], [0], [1], [0, 0, 1, 1], [], []>, transpose_lhs_hint = false} : vector<128x128xf32>, vector<128x64xf32>, vector<128x64xf32> -> vector<128x64xf32>
    %add3A_313 = vector.broadcast %add3A_309 : vector<1x64xf32> to vector<128x64xf32>
    %add3A_314 = arith.addf %dot_general3A_312, %add3A_313 : vector<128x64xf32>
    %reduce_sum3A_315 = arith.constant dense<0.000000e+00> : vector<64xf32>
    %reduce_sum3A_316 = vector.multi_reduction <add>, %slice3A_310, %reduce_sum3A_315 [0] : vector<128x64xf32> to vector<64xf32>
    %broadcast_in_dim3A_317 = vector.shape_cast %reduce_sum3A_316 : vector<64xf32> to vector<1x64xf32>
    %add3A_318 = arith.addf %add3A_309, %broadcast_in_dim3A_317 : vector<1x64xf32>
    %slice3A_319 = vector.extract_strided_slice %convert_element_type3A_35 {offsets = [3968, 0], sizes = [128, 64], strides = [1, 1]} : vector<4096x64xf32> to vector<128x64xf32>
    %dot_general3A_320 = arith.constant dense<0.000000e+00> : vector<128x64xf32>
    %dot_general3A_321 = tpu.matmul %convert_element_type3A_39, %slice3A_319, %dot_general3A_320 {dimension_numbers = #tpu.dot_dimension_numbers<[1], [0], [0], [1], [0, 0, 1, 1], [], []>, transpose_lhs_hint = false} : vector<128x128xf32>, vector<128x64xf32>, vector<128x64xf32> -> vector<128x64xf32>
    %add3A_322 = vector.broadcast %add3A_318 : vector<1x64xf32> to vector<128x64xf32>
    %add3A_323 = arith.addf %dot_general3A_321, %add3A_322 : vector<128x64xf32>
    %reduce_sum3A_324 = arith.constant dense<0.000000e+00> : vector<64xf32>
    %reduce_sum3A_325 = vector.multi_reduction <add>, %slice3A_319, %reduce_sum3A_324 [0] : vector<128x64xf32> to vector<64xf32>
    %broadcast_in_dim3A_326 = vector.shape_cast %reduce_sum3A_325 : vector<64xf32> to vector<1x64xf32>
    %add3A_327 = arith.addf %add3A_318, %broadcast_in_dim3A_326 : vector<1x64xf32>
    %concatenate3A_328 = tpu.concatenate %add3A_45, %add3A_53, %add3A_62, %add3A_71, %add3A_80, %add3A_89, %add3A_98, %add3A_107, %add3A_116, %add3A_125, %add3A_134, %add3A_143, %add3A_152, %add3A_161, %add3A_170, %add3A_179, %add3A_188, %add3A_197, %add3A_206, %add3A_215, %add3A_224, %add3A_233, %add3A_242, %add3A_251, %add3A_260, %add3A_269, %add3A_278, %add3A_287, %add3A_296, %add3A_305, %add3A_314, %add3A_323 in 0 : vector<128x64xf32>, vector<128x64xf32>, vector<128x64xf32>, vector<128x64xf32>, vector<128x64xf32>, vector<128x64xf32>, vector<128x64xf32>, vector<128x64xf32>, vector<128x64xf32>, vector<128x64xf32>, vector<128x64xf32>, vector<128x64xf32>, vector<128x64xf32>, vector<128x64xf32>, vector<128x64xf32>, vector<128x64xf32>, vector<128x64xf32>, vector<128x64xf32>, vector<128x64xf32>, vector<128x64xf32>, vector<128x64xf32>, vector<128x64xf32>, vector<128x64xf32>, vector<128x64xf32>, vector<128x64xf32>, vector<128x64xf32>, vector<128x64xf32>, vector<128x64xf32>, vector<128x64xf32>, vector<128x64xf32>, vector<128x64xf32>, vector<128x64xf32> -> vector<4096x64xf32>
    %add3A_329 = arith.constant 1.270000e+02 : f32
    %add3A_330 = vector.broadcast %add3A_329 : f32 to vector<1x64xf32>
    %add3A_331 = arith.addf %add3A_327, %add3A_330 : vector<1x64xf32>
    %div3A_332 = arith.constant 1.280000e+02 : f32
    %div3A_333 = vector.broadcast %div3A_332 : f32 to vector<1x64xf32>
    %div3A_334 = arith.divf %add3A_331, %div3A_333 : vector<1x64xf32>
    %floor3A = math.floor %div3A_334 : vector<1x64xf32>
    %mul3A_335 = arith.constant 1.280000e+02 : f32
    %mul3A_336 = vector.broadcast %mul3A_335 : f32 to vector<1x64xf32>
    %mul3A_337 = arith.mulf %floor3A, %mul3A_336 : vector<1x64xf32>
    %iota3A_338 = tpu.iota {dimensions = array<i32: 0>} : vector<64x64xi32>
    %iota3A_339 = tpu.iota {dimensions = array<i32: 1>} : vector<64x64xi32>
    %lt3A = arith.cmpi slt, %iota3A_338, %iota3A_339 : vector<64x64xi32>
    %convert_element_type3A_340 = arith.extui %lt3A : vector<64x64xi1> to vector<64x64xi32>
    %convert_element_type3A_341 = arith.sitofp %convert_element_type3A_340 : vector<64x64xi32> to vector<64x64xf32>
    %dot_general3A_342 = arith.constant dense<0.000000e+00> : vector<1x64xf32>
    %dot_general3A_343 = tpu.matmul %mul3A_337, %convert_element_type3A_341, %dot_general3A_342 {dimension_numbers = #tpu.dot_dimension_numbers<[1], [0], [0], [1], [0, 0, 1, 1], [], []>, transpose_lhs_hint = false} : vector<1x64xf32>, vector<64x64xf32>, vector<1x64xf32> -> vector<1x64xf32>
    %mul3A_344 = arith.mulf %concatenate3A_328, %convert_element_type3A_35 : vector<4096x64xf32>
    %reduce_sum3A_345 = arith.constant dense<0.000000e+00> : vector<4096xf32>
    %reduce_sum3A_346 = vector.multi_reduction <add>, %mul3A_344, %reduce_sum3A_345 [1] : vector<4096x64xf32> to vector<4096xf32>
    %broadcast_in_dim3A_347 = vector.shape_cast %reduce_sum3A_346 : vector<4096xf32> to vector<4096x1xf32>
    %sub3A_348 = arith.constant 1.000000e+00 : f32
    %sub3A_349 = vector.broadcast %sub3A_348 : f32 to vector<4096x1xf32>
    %sub3A_350 = arith.subf %broadcast_in_dim3A_347, %sub3A_349 : vector<4096x1xf32>
    %mul3A_351 = vector.broadcast %dot_general3A_343 : vector<1x64xf32> to vector<4096x64xf32>
    %mul3A_352 = arith.mulf %convert_element_type3A_35, %mul3A_351 : vector<4096x64xf32>
    %reduce_sum3A_353 = arith.constant dense<0.000000e+00> : vector<4096xf32>
    %reduce_sum3A_354 = vector.multi_reduction <add>, %mul3A_352, %reduce_sum3A_353 [1] : vector<4096x64xf32> to vector<4096xf32>
    %broadcast_in_dim3A_355 = vector.shape_cast %reduce_sum3A_354 : vector<4096xf32> to vector<4096x1xf32>
    %add3A_356 = arith.addf %sub3A_350, %broadcast_in_dim3A_355 : vector<4096x1xf32>
    %convert_element_type3A_357 = arith.fptosi %add3A_356 : vector<4096x1xf32> to vector<4096x1xi32>
    %swap3A = arith.constant 0 : index
    %swap3A_358 = arith.constant 0 : index
    %swap3A_359 = vector.load %arg2[%swap3A, %swap3A_358] : memref<4096x1xi32, #tpu.memory_space<vmem>>, vector<4096x1xi32>
    tpu.vector_store %arg2[%swap3A, %swap3A_358], %convert_element_type3A_357 {strides = array<i32>} : memref<4096x1xi32, #tpu.memory_space<vmem>>, vector<4096x1xi32>,
    %add3A_360 = arith.addf %dot_general3A_343, %mul3A_337 : vector<1x64xf32>
    %mul3A_361 = arith.constant 7.812500e-03 : f32
    %mul3A_362 = vector.broadcast %mul3A_361 : f32 to vector<1x64xf32>
    %mul3A_363 = arith.mulf %add3A_360, %mul3A_362 : vector<1x64xf32>
    %convert_element_type3A_364 = arith.fptosi %mul3A_363 : vector<1x64xf32> to vector<1x64xi32>
    %iota3A_365 = tpu.iota {dimensions = array<i32: 0>} : vector<96x1xi32>
    %ge3A_366 = vector.broadcast %iota3A_365 : vector<96x1xi32> to vector<96x64xi32>
    %ge3A_367 = vector.broadcast %convert_element_type3A_364 : vector<1x64xi32> to vector<96x64xi32>
    %ge3A_368 = arith.cmpi sge, %ge3A_366, %ge3A_367 : vector<96x64xi32>
    %convert_element_type3A_369 = arith.extui %ge3A_368 : vector<96x64xi1> to vector<96x64xi32>
    %reduce_sum3A_370 = arith.constant dense<0> : vector<96xi32>
    %reduce_sum3A_371 = vector.multi_reduction <add>, %convert_element_type3A_369, %reduce_sum3A_370 [1] : vector<96x64xi32> to vector<96xi32>
    %broadcast_in_dim3A_372 = vector.shape_cast %reduce_sum3A_371 : vector<96xi32> to vector<96x1xi32>
    %iota3A_373 = tpu.iota {dimensions = array<i32: 1>} : vector<1x64xi32>
    %gt3A = arith.constant 0.000000e+00 : f32
    %gt3A_374 = vector.broadcast %gt3A : f32 to vector<1x64xf32>
    %gt3A_375 = arith.cmpf ogt, %add3A_327, %gt3A_374 : vector<1x64xf32>
    %jit3A_376 = arith.constant 0 : i32
    %broadcast_in_dim3A_377 = vector.broadcast %jit3A_376 : i32 to vector<1x64xi32>
    %select_n3A_378 = arith.select %gt3A_375, %iota3A_373, %broadcast_in_dim3A_377 : vector<1x64xi1>, vector<1x64xi32>
    %reduce_max3A_379 = vector.shape_cast %select_n3A_378 : vector<1x64xi32> to vector<1x1x64xi32>
    %reduce_max3A_380 = arith.constant dense<-2147483648> : vector<1xi32>
    %reduce_max3A_381 = vector.multi_reduction <maxsi>, %reduce_max3A_379, %reduce_max3A_380 [1, 2] : vector<1x1x64xi32> to vector<1xi32>
    %reduce_max3A_382 = vector.shape_cast %reduce_max3A_381 : vector<1xi32> to vector<1x1x1xi32>
    %reduce_max3A_383 = vector.extract %reduce_max3A_382[0, 0, 0] : i32 from vector<1x1x1xi32>
    %reduce_max3A_384 = vector.shape_cast %convert_element_type3A_364 : vector<1x64xi32> to vector<1x1x64xi32>
    %reduce_max3A_385 = arith.constant dense<-2147483648> : vector<1xi32>
    %reduce_max3A_386 = vector.multi_reduction <maxsi>, %reduce_max3A_384, %reduce_max3A_385 [1, 2] : vector<1x1x64xi32> to vector<1xi32>
    %reduce_max3A_387 = vector.shape_cast %reduce_max3A_386 : vector<1xi32> to vector<1x1x1xi32>
    %reduce_max3A_388 = vector.extract %reduce_max3A_387[0, 0, 0] : i32 from vector<1x1x1xi32>
    %min3A = vector.broadcast %reduce_max3A_383 : i32 to vector<96x1xi32>
    %min3A_389 = arith.minsi %broadcast_in_dim3A_372, %min3A : vector<96x1xi32>
    %reshape3A = vector.broadcast %reduce_max3A_388 : i32 to vector<1x1xi32>
    %concatenate3A_390 = tpu.concatenate %min3A_389, %reshape3A in 0 : vector<96x1xi32>, vector<1x1xi32> -> vector<97x1xi32>
    %swap3A_391 = arith.constant 0 : index
    %swap3A_392 = arith.constant 0 : index
    %swap3A_393 = vector.load %arg3[%swap3A_391, %swap3A_392] : memref<97x1xi32, #tpu.memory_space<vmem>>, vector<97x1xi32>
    tpu.vector_store %arg3[%swap3A_391, %swap3A_392], %concatenate3A_390 {strides = array<i32>} : memref<97x1xi32, #tpu.memory_space<vmem>>, vector<97x1xi32>,
    %broadcast_in_dim3A_394 = arith.constant 1.000000e+00 : f32
    %broadcast_in_dim3A_395 = vector.broadcast %broadcast_in_dim3A_394 : f32 to vector<1x16xf32>
    %mul3A_396 = vector.broadcast %concatenate3A_31 : vector<4096x1xf32> to vector<4096x16xf32>
    %mul3A_397 = vector.broadcast %broadcast_in_dim3A_395 : vector<1x16xf32> to vector<4096x16xf32>
    %mul3A_398 = arith.mulf %mul3A_396, %mul3A_397 : vector<4096x16xf32>
    %swap3A_399 = arith.constant 0 : index
    %swap3A_400 = arith.constant 0 : index
    %swap3A_401 = vector.load %arg4[%swap3A_399, %swap3A_400] : memref<4096x16xf32, #tpu.memory_space<vmem>>, vector<4096x16xf32>
    tpu.vector_store %arg4[%swap3A_399, %swap3A_400], %mul3A_398 {strides = array<i32>} : memref<4096x16xf32, #tpu.memory_space<vmem>>, vector<4096x16xf32>,
    return
  }
}

module attributes {stable_mosaic.version = 14 : i64} {
  func.func @_gmm_body(%arg0: i32, %arg1: memref<97xi32, #tpu.memory_space<smem>>, %arg2: memref<128x768xf32, #tpu.memory_space<vmem>>, %arg3: memref<1x768x2048xf32, #tpu.memory_space<vmem>>, %arg4: memref<1x2048x768xf32, #tpu.memory_space<vmem>>, %arg5: memref<128x768xf32, #tpu.memory_space<vmem>>) attributes {dimension_semantics = [#tpu.dimension_semantics<arbitrary>], iteration_bounds = array<i64: 96>, scalar_prefetch = 1 : i64, scratch_operands = 0 : i64, tpu.core_type = #tpu.core_type<tc>, window_params = [{transform_indices = @transform_0, window_bounds = array<i64: 128, 768>}, {transform_indices = @transform_1, window_bounds = array<i64: 1, 768, 2048>}, {transform_indices = @transform_2, window_bounds = array<i64: 1, 2048, 768>}, {transform_indices = @transform_3, window_bounds = array<i64: 128, 768>}]} {
    %get3A = arith.constant 96 : index
    %get3A_0 = memref.load %arg1[%get3A] : memref<97xi32, #tpu.memory_space<smem>>
    %lt3A = arith.cmpi slt, %arg0, %get3A_0 : i32
    %convert_element_type3A = arith.extui %lt3A : i1 to i32
    %cond3A = arith.constant 0 : i32
    %cond3A_1 = arith.cmpi ne, %convert_element_type3A, %cond3A : i32
    scf.if %cond3A_1 {
      %get3A_2 = arith.constant 0 : index
      %get3A_3 = arith.constant 0 : index
      %get3A_4 = vector.load %arg2[%get3A_2, %get3A_3] : memref<128x768xf32, #tpu.memory_space<vmem>>, vector<128x768xf32>
      %get3A_5 = arith.constant 0 : index
      %get3A_6 = arith.constant 0 : index
      %get3A_7 = arith.constant 0 : index
      %get3A_8 = vector.load %arg3[%get3A_5, %get3A_6, %get3A_7] : memref<1x768x2048xf32, #tpu.memory_space<vmem>>, vector<1x768x2048xf32>
      %get3A_9 = vector.shape_cast %get3A_8 : vector<1x768x2048xf32> to vector<768x2048xf32>
      %dot_general3A = arith.constant dense<0.000000e+00> : vector<128x2048xf32>
      %dot_general3A_10 = tpu.matmul %get3A_4, %get3A_9, %dot_general3A {dimension_numbers = #tpu.dot_dimension_numbers<[1], [0], [0], [1], [0, 0, 1, 1], [], []>, transpose_lhs_hint = false} : vector<128x768xf32>, vector<768x2048xf32>, vector<128x2048xf32> -> vector<128x2048xf32>
      %neg3A = arith.constant 0.000000e+00 : f32
      %neg3A_11 = vector.broadcast %neg3A : f32 to vector<128x2048xf32>
      %neg3A_12 = arith.subf %neg3A_11, %dot_general3A_10 : vector<128x2048xf32>
      %exp3A = math.exp %neg3A_12 : vector<128x2048xf32>
      %add3A = arith.constant 1.000000e+00 : f32
      %add3A_13 = vector.broadcast %add3A : f32 to vector<128x2048xf32>
      %add3A_14 = arith.addf %add3A_13, %exp3A : vector<128x2048xf32>
      %div3A = arith.constant 1.000000e+00 : f32
      %div3A_15 = vector.broadcast %div3A : f32 to vector<128x2048xf32>
      %div3A_16 = arith.divf %div3A_15, %add3A_14 : vector<128x2048xf32>
      %mul3A = arith.mulf %dot_general3A_10, %div3A_16 : vector<128x2048xf32>
      %get3A_17 = arith.constant 0 : index
      %get3A_18 = arith.constant 0 : index
      %get3A_19 = arith.constant 0 : index
      %get3A_20 = vector.load %arg4[%get3A_17, %get3A_18, %get3A_19] : memref<1x2048x768xf32, #tpu.memory_space<vmem>>, vector<1x2048x768xf32>
      %get3A_21 = vector.shape_cast %get3A_20 : vector<1x2048x768xf32> to vector<2048x768xf32>
      %dot_general3A_22 = arith.constant dense<0.000000e+00> : vector<128x768xf32>
      %dot_general3A_23 = tpu.matmul %mul3A, %get3A_21, %dot_general3A_22 {dimension_numbers = #tpu.dot_dimension_numbers<[1], [0], [0], [1], [0, 0, 1, 1], [], []>, transpose_lhs_hint = false} : vector<128x2048xf32>, vector<2048x768xf32>, vector<128x768xf32> -> vector<128x768xf32>
      %swap3A = arith.constant 0 : index
      %swap3A_24 = arith.constant 0 : index
      %swap3A_25 = vector.load %arg5[%swap3A, %swap3A_24] : memref<128x768xf32, #tpu.memory_space<vmem>>, vector<128x768xf32>
      tpu.vector_store %arg5[%swap3A, %swap3A_24], %dot_general3A_23 {strides = array<i32>} : memref<128x768xf32, #tpu.memory_space<vmem>>, vector<128x768xf32>,
    } else {
    }
    return
  }
  func.func @transform_0(%arg0: i32, %arg1: memref<97xi32, #tpu.memory_space<smem>>) -> (i32, i32) {
    %get3A = arith.constant 96 : index
    %get3A_0 = memref.load %arg1[%get3A] : memref<97xi32, #tpu.memory_space<smem>>
    %min3A = arith.minsi %arg0, %get3A_0 : i32
    %c0_i32 = arith.constant 0 : i32
    %c0_i32_1 = arith.constant 0 : i32
    return %min3A, %c0_i32 : i32, i32
  }
  func.func @transform_1(%arg0: i32, %arg1: memref<97xi32, #tpu.memory_space<smem>>) -> (i32, i32, i32) {
    %get3A = arith.index_cast %arg0 : i32 to index
    %get3A_0 = memref.load %arg1[%get3A] : memref<97xi32, #tpu.memory_space<smem>>
    %c0_i32 = arith.constant 0 : i32
    %c0_i32_1 = arith.constant 0 : i32
    %c0_i32_2 = arith.constant 0 : i32
    return %get3A_0, %c0_i32, %c0_i32_1 : i32, i32, i32
  }
  func.func @transform_2(%arg0: i32, %arg1: memref<97xi32, #tpu.memory_space<smem>>) -> (i32, i32, i32) {
    %get3A = arith.index_cast %arg0 : i32 to index
    %get3A_0 = memref.load %arg1[%get3A] : memref<97xi32, #tpu.memory_space<smem>>
    %c0_i32 = arith.constant 0 : i32
    %c0_i32_1 = arith.constant 0 : i32
    %c0_i32_2 = arith.constant 0 : i32
    return %get3A_0, %c0_i32, %c0_i32_1 : i32, i32, i32
  }
  func.func @transform_3(%arg0: i32, %arg1: memref<97xi32, #tpu.memory_space<smem>>) -> (i32, i32) {
    %c0_i32 = arith.constant 0 : i32
    %c0_i32_0 = arith.constant 0 : i32
    return %arg0, %c0_i32 : i32, i32
  }
}

</mosaic_0001>

<sc_bundles>
// kernel: kernel.6.cloned.1.call-start
scs
__scs_entry_jumppad:
0x0: {  	(pc) =	sbr.rel $0x88, $3  }
0x1: {  	(tag) =	ssettag $0x0;
	lr =	simm.s32 $0x1  }
0x2: {  	[smem:$0x3F9D] =	sst lr;
	_ =	strace $0xD0000000  }
0x3: {  	_ = 	snop  }
0x4: {  	_ = 	snop  }
0x5: {  	_ = 	snop  }
0x6: {  	_ = 	snop  }
0x7: {  	_ = 	snop  }
__scs_overlays_trampoline_lowered:
0x8: {  	[smem:$0x3FAC] =	sst s0  }
0x9: {  	[smem:$0x3FAD] =	sst s1  }
0xa: {  	[smem:$0x3FAE] =	sst s2  }
0xb: {  	[smem:$0x3FAF] =	sst s3  }
0xc: {  	[smem:$0x3FB0] =	sst s4  }
0xd: {  	[smem:$0x3FB1] =	sst s5  }
0xe: {  	[smem:$0x3FB2] =	sst s6  }
0xf: {  	[smem:$0x3FB3] =	sst s7  }
0x10: {  	[smem:$0x3FB4] =	sst s8  }
0x11: {  	[smem:$0x3FB5] =	sst s9;
	s0 =	simm.s32 @!p0 $0x0  }
0x12: {  	s1 =	sld [smem:$0x3F9B];
	s0 =	simm.s32 @p0 $0x1  }
0x13: {  	[smem:$0x3FB6] =	sst s0;
	s0 =	simm.s32 @!p1 $0x0  }
0x14: {  	s2 =	sld [smem:$0x3F9A];
	s0 =	simm.s32 @p1 $0x1  }
0x15: {  	[smem:$0x3FB7] =	sst s0;
	s0 =	simm.s32 @!p2 $0x0  }
0x16: {  	s3 =	sld [smem:$0x3FDB];
	s0 =	simm.s32 @p2 $0x1  }
0x17: {  	s4 =	simm.s32 $0x1BF5;
	[smem:$0x3FB9] =	sst s0  }
0x18: {  	s0 =	sld [smem:$0x3F9C];
	_ =	swait.ge [sflag:s4], $0x0  }
0x19: {  	s7 =	sld [smem:$0x3F9D]  }
0x1a: {  	s8 =	sadd.s32 $0xFFFFE003, lr  }
0x1b: {  	s9 =	sadd.s32 $0xFFFFFEF7, lr;
	s5 =	simm.s32 $0xFFFFFFFF;
	p2 =	slt.u32 s8, $0xFFFFF086  }
0x1c: {  	p1 =	slt.u32 s9, $0xF7A;
	s5 =	simm.s32 @!p2 $0x0  }
0x1d: {  	s5 =	simm.s32 @p1 $0x1;
	p0 =	seq.s32 s7, s2  }
0x1e: {  	s7 =	smul.u32 @!p0 $0xF7A, s2;
	p2 =	seq.s32 @!p0 s5, $0x0  }
0x1f: {  	s9 =	smul.u32 $0xF7A, s1;
	s8 =	simm.s32 @!p0 $0x1BF5;
	p2 =	por !p2, p0  }
0x20: {  	[sflag:s8] =	ssyncset.s32 @!p0 $0xFFFFF086;
	s6 =	sadd.s32 @!p0 s3, s7;
	s7 =	simm.s32 @!p0 $0x108  }
0x21: {  	s3 =	sadd.s32 s3, s9;
	s6 =	sadd.s32 @!p0 $0x88, s6;
	s7 =	simm.s32 @p2 $0x1082  }
0x22: {  	[simem:s7], [sflag:s8] =	dma.local @!p0 [hbm:s6], $0xF7A  }
0x23: {  	s9 =	sor.u32 $0xD0000000, s2;
	s6 =	simm.s32 $0x108;
	_ =	swait.ge @!p0 [sflag:s8], $0x0  }
0x24: {  	s3 =	sadd.s32 $0x88, s3;
	s6 =	simm.s32 @!p1 $0x1082;
	[sflag:s4] =	ssyncset.s32 $0xFFFFF086  }
0x25: {  	[simem:s6], [sflag:s4] =	dma.local [hbm:s3], $0xF7A  }
0x26: {  	[smem:$0x3F9D] =	sst s1;
	(tag) =	ssettag s2;
	_ =	strace s9  }
0x27: {  	s1 =	sld [smem:$0x3FAD]  }
0x28: {  	s2 =	sld [smem:$0x3FAE]  }
0x29: {  	s4 =	sld [smem:$0x3FB0]  }
0x2a: {  	p0 =	seq.s32 s5, $0x0;
	s5 =	sld [smem:$0x3FB1]  }
0x2b: {  	s6 =	sld [smem:$0x3FB2]  }
0x2c: {  	s7 =	sld [smem:$0x3FB3]  }
0x2d: {  	s3 =	simm.s32 $0x108;
	s8 =	sld [smem:$0x3FB4]  }
0x2e: {  	s3 =	simm.s32 @!p0 $0x1082;
	s9 =	sld [smem:$0x3FB5]  }
0x2f: {  	lr =	sadd.s32 s0, s3;
	s0 =	sld [smem:$0x3FAC]  }
0x30: {  	s3 =	sld [smem:$0x3FAF]  }
0x31: {  	[smem:$0x3FB8] =	sst s10  }
0x32: {  	s10 =	sld [smem:$0x3FB6];
	_ =	sdelay $0x3  }
0x33: {  	p0 =	seq.s32 s10, $0x1;
	s10 =	sld [smem:$0x3FB8];
	_ =	sdelay $0x3  }
0x34: {  	[smem:$0x3FB8] =	sst s10  }
0x35: {  	s10 =	sld [smem:$0x3FB7];
	_ =	sdelay $0x3  }
0x36: {  	p1 =	seq.s32 s10, $0x1;
	s10 =	sld [smem:$0x3FB8];
	_ =	sdelay $0x3  }
0x37: {  	[smem:$0x3FB8] =	sst s10  }
0x38: {  	s10 =	sld [smem:$0x3FB9]  }
0x39: {  	_ = 	snop;
	(pc) =	sbr.ind lr, $3  }
0x3a: {  	_ = 	snop  }
0x3b: {  	_ = 	snop  }
0x3c: {  	p2 =	seq.s32 s10, $0x1;
	s10 =	sld [smem:$0x3FB8]  }
0x3d: {  	_ =	shalt  }
0x3e: {  	_ =	shalt  }
0x3f: {  	_ =	shalt  }
0x40: {  	_ =	shalt  }
0x41: {  	_ =	shalt  }
0x42: {  	_ =	shalt  }
0x43: {  	_ =	shalt  }
0x44: {  	_ =	shalt  }
0x45: {  	_ =	shalt  }
0x46: {  	_ =	shalt  }
0x47: {  	_ =	shalt  }
0x48: {  	_ =	shalt  }
0x49: {  	_ =	shalt  }
0x4a: {  	_ =	shalt  }
0x4b: {  	_ =	shalt  }
0x4c: {  	_ =	shalt  }
0x4d: {  	_ =	shalt  }
0x4e: {  	_ =	shalt  }
0x4f: {  	_ =	shalt  }
0x50: {  	_ =	shalt  }
0x51: {  	_ =	shalt  }
0x52: {  	_ =	shalt  }
0x53: {  	_ =	shalt  }
0x54: {  	_ =	shalt  }
0x55: {  	_ =	shalt  }
0x56: {  	_ =	shalt  }
0x57: {  	_ =	shalt  }
0x58: {  	_ =	shalt  }
0x59: {  	_ =	shalt  }
0x5a: {  	_ =	shalt  }
0x5b: {  	_ =	shalt  }
0x5c: {  	_ =	shalt  }
0x5d: {  	_ =	shalt  }
0x5e: {  	_ =	shalt  }
0x5f: {  	_ =	shalt  }
0x60: {  	_ =	shalt  }
0x61: {  	_ =	shalt  }
0x62: {  	_ =	shalt  }
0x63: {  	_ =	shalt  }
0x64: {  	_ =	shalt  }
0x65: {  	_ =	shalt  }
0x66: {  	_ =	shalt  }
0x67: {  	_ =	shalt  }
0x68: {  	_ =	shalt  }
0x69: {  	_ =	shalt  }
0x6a: {  	_ =	shalt  }
0x6b: {  	_ =	shalt  }
0x6c: {  	_ =	shalt  }
0x6d: {  	_ =	shalt  }
0x6e: {  	_ =	shalt  }
0x6f: {  	_ =	shalt  }
0x70: {  	_ =	shalt  }
0x71: {  	_ =	shalt  }
0x72: {  	_ =	shalt  }
0x73: {  	_ =	shalt  }
0x74: {  	_ =	shalt  }
0x75: {  	_ =	shalt  }
0x76: {  	_ =	shalt  }
0x77: {  	_ =	shalt  }
0x78: {  	_ =	shalt  }
0x79: {  	_ =	shalt  }
0x7a: {  	_ =	shalt  }
0x7b: {  	_ =	shalt  }
0x7c: {  	_ =	shalt  }
0x7d: {  	_ =	shalt  }
0x7e: {  	_ =	shalt  }
0x7f: {  	_ =	shalt  }
0x80: {  	_ =	shalt  }
0x81: {  	_ =	shalt  }
0x82: {  	_ =	shalt  }
0x83: {  	_ =	shalt  }
0x84: {  	_ =	shalt  }
0x85: {  	_ =	shalt  }
0x86: {  	_ =	shalt  }
0x87: {  	_ =	shalt  }
.Lfunc_end0:
.L_simem_size_0:
called_computation_lowered:
.L_overlay_start_0:
0x88: {  	s2 =	sld [smem:$0x3FD9]  }
0x89: {  	s3 =	sld [smem:$0x3FFE];
	_ =	sdelay $0x1  }
0x8a: {  	s1 =	srdreg.scid  }
0x8b: {  	s0 =	sand.u32 $0x1, s1  }
0x8c: {  	s17 =	sshll.u32 s0, $0xA;
	s2 =	sadd.s32 s3, s2  }
0x8d: {  	s2 =	sadd.s32 s2, s17  }
0x8e: {  	[smem:$0x3FC4] =	sst s2  }
0x8f: {  	_ = 	snop  }
0x90: {  	s2 =	sld [smem:$0x3FC9];
	(tm) =	ssettm $0x1  }
0x91: {  	s18 =	sld [smem:$0x3FFB];
	_ =	sdelay $0x3  }
0x92: {  	_ =	strace s18  }
0x93: {  	s3 =	sld [smem:$0x3FFC];
	_ =	sdelay $0x3  }
0x94: {  	_ =	strace s3  }
0x95: {  	s3 =	sld [smem:$0x3FFD];
	_ =	sdelay $0x3  }
0x96: {  	_ =	strace s3  }
0x97: {  	_ =	strace $0x8FFFFFFF  }
0x98: {  	s19 =	sld [smem:$0x3FDB];
	_ =	sdelay $0x1  }
0x99: {  	s4 =	simm.s32 $_scs_section_size  }
0x9a: {  	s5 =	simm.s32 $_size__tile_overlayer_lowered;
	s6 =	simm.s32 $_tile_overlayer_lowered  }
0x9b: {  	s22 =	simm.s32 $0x1BFF;
	s21 =	sshll.u32 s6, $0x1;
	s3 =	sadd.s32 s4, s19  }
0x9c: {  	s7 =	simm.s32 $0x0;
	s20 =	sshll.u32 s5, $0x1;
	s5 =	sadd.s32 s21, s3  }
0x9d: {  	[timem:s7], [sflag:s22] =	dma.local [hbm:s5], s20  }
0x9e: {  	_ =	swait.ge [sflag:s22], s20  }
0x9f: {  	s4 =	ssub.s32 $0x0, s20;
	[sflag:s22] =	ssyncset.done $0x0  }
0xa0: {  	[sflag:s22] =	ssyncadd.s32 s4;
	_ =	sdelay $0x1  }
0xa1: {  	s23 =	simm.s32 $0x1B8B  }
0xa2: {  	_ =	swait.ge [sflag:s23], $0x1  }
0xa3: {  	[sflag:s23] =	ssyncset.done $0x0  }
0xa4: {  	s25 =	simm.s32 $0x1B8E;
	s24 =	sld [smem:$0x3FFE];
	[sflag:s23] =	ssyncadd.s32 $0xFFFFFFFF  }
0xa5: {  	s26 =	simm.s32 $execute0_lowered;
	[smem:$0x3FD2] =	sst s25  }
0xa6: {  	s5 =	sshll.u32 s26, $0x1;
	_ =	strace $0x80000046;
	[dreg:$0x1] =	wrdreg $0xFFFFFFFF  }
0xa7: {  	s28 =	simm.s32 $_size_execute0_lowered;
	s3 =	sadd.s32 s3, s5;
	[dreg:$0x0] =	wrdreg $0x0  }
0xa8: {  	s5 =	sshll.u32 s28, $0x1;
	[dreg:$0x2] =	wrdreg s3  }
0xa9: {  	[dreg:$0x3] =	wrdreg s5  }
0xaa: {  	[dreg:$0x4] =	wrdreg $0xC0  }
0xab: {  	_ =	task [dreg:s7], $0x5FFFF  }
0xac: {  	[dreg:$0x1] =	wrdreg $0xFFFFFFFF  }
0xad: {  	[dreg:$0x0] =	wrdreg $0x60  }
0xae: {  	[dreg:$0x2] =	wrdreg s2  }
0xaf: {  	[dreg:$0x3] =	wrdreg s24  }
0xb0: {  	[dreg:$0x4] =	wrdreg $0x9  }
0xb1: {  	_ =	task.clear_ibuf [dreg:s7], $0x5FFFF;
	_ =	strace $0x90000046  }
0xb2: {  	s29 =	simm.s32 $0x9;
	_ =	strace $0x80000048  }
0xb3: {  	_ =	swait.ge [sflag:s29], $0x1  }
0xb4: {  	[sflag:s29] =	ssyncadd.s32 $0xFFFFFFFF  }
0xb5: {  	_ =	strace $0x90000048  }
0xb6: {  	_ =	sfence  }
0xb7: {  	s30 =	sld [smem:$0x0];
	_ =	sdelay $0x2  }
0xb8: {  	s31 =	sshll.u32 s1, $0xD;
	s1 =	sshrl.u32 s1, $0x2  }
0xb9: {  	s3 =	sand.u32 $0x4000, s31;
	s1 =	sadd.s32 s1, s30  }
0xba: {  	s0 =	sor.u32 s3, s0;
	s1 =	sshll.u32 s1, $0x11  }
0xbb: {  	s0 =	sor.u32 s1, s0  }
0xbc: {  	s0 =	sadd.s32 $0x8F2B, s0  }
0xbd: {  	[sflag:s0] =	ssyncadd.remote.s32 $0x1  }
0xbe: {  	_ =	sfence.sel $0xFFFF  }
0xbf: {  	[dreg:$0x0] =	wrdreg $0xFFFFFFFF;
	(pc) =	sbr.abs _section_cstart, $3  }
0xc0: {  	[dreg:$0x1] =	wrdreg $0xFFFFFFFF  }
0xc1: {  	_ =	task.clear_ibuf [dreg:s7], $0x2FFFF;
	_ =	strace $0x9FFFFFFF  }
0xc2: {  	(tm) =	ssettm $0x7FFFFFFF  }
0xc3: {  	_ =	shalt  }
tec
execute0_lowered:
.L_overlay_start_1:
0x0: {  	(tag) =	ssettag $0x1  }
0x1: {  	s1 =	srdreg.scid  }
0x2: {  	s0 =	stileid.u32;
	s4 =	sand.u32 $0x1, s1  }
0x3: {  	s5 =	rddreg [dreg:$0x0];
	s18 =	sshll.u32 s0, $0x5;
	s2 =	sshll.u32 s4, $0x4  }
0x4: {  	s1 =	rddreg [dreg:$0x1];
	s3 =	sor.u32 s2, s18;
	s2 =	simm.s32 $0x0  }
0x5: {  	s20 =	simm.s32 $0x80;
	[smem:$0x7FF] =	sst s2  }
0x6: {  	s21 =	simm.s32 $0x900;
	_ =	strace $0x80000047;
	[dreg:$0x7] =	wrdreg s20  }
0x7: {  	s22 =	simm.s32 $0x1100;
	[dreg:$0x8] =	wrdreg s21  }
0x8: {  	s23 =	simm.s32 $0x1900;
	[dreg:$0x9] =	wrdreg s22  }
0x9: {  	s24 =	simm.s32 $0x2100;
	[dreg:$0xa] =	wrdreg s23  }
0xa: {  	s25 =	simm.s32 $0x2900;
	[dreg:$0xb] =	wrdreg s24  }
0xb: {  	s26 =	simm.s32 $0x3100;
	[dreg:$0xc] =	wrdreg s25  }
0xc: {  	s8 =	simm.s32 $0x5900;
	s0 =	simm.s32 $0x3900;
	[dreg:$0xd] =	wrdreg s26  }
0xd: {  	s9 =	simm.s32 $0x6100;
	s10 =	simm.s32 $0x6900;
	[dreg:$0xe] =	wrdreg s0  }
0xe: {  	s11 =	simm.s32 $0x7100;
	s12 =	simm.s32 $0x7900;
	[dreg:$0x12] =	wrdreg s8  }
0xf: {  	s13 =	simm.s32 $0x8100;
	s14 =	simm.s32 $0x8900;
	[dreg:$0x13] =	wrdreg s9  }
0x10: {  	s15 =	simm.s32 $0x9100;
	s17 =	simm.s32 $0x9900;
	[dreg:$0x14] =	wrdreg s10  }
0x11: {  	s28 =	simm.s32 $0x16900;
	s29 =	simm.s32 $0x17100;
	[dreg:$0x15] =	wrdreg s11  }
0x12: {  	s30 =	simm.s32 $0x17900;
	s4 =	ssub.s32 $0x2, s4;
	[dreg:$0x16] =	wrdreg s12  }
0x13: {  	s31 =	simm.s32 $0x3;
	s16 =	sshrl.u32 s4, $0x1;
	[dreg:$0x17] =	wrdreg s13  }
0x14: {  	s18 =	simm.s32 $0xA100;
	s6 =	sand.u32 $0xF0, s3;
	[dreg:$0x18] =	wrdreg s14  }
0x15: {  	s3 =	sadd.s32 s3, s1;
	s7 =	smul.u32 $0x1800, s6;
	[dreg:$0x19] =	wrdreg s15  }
0x16: {  	s6 =	smul.u32 $0x300, s6;
	s19 =	sadd.s32 $0x10400, s3;
	[dreg:$0x1a] =	wrdreg s17  }
0x17: {  	s3 =	sadd.s32 $0x10408, s3;
	[dreg:$0x1b] =	wrdreg s18;
	s20 =	simm.s32 $0xB100  }
0x18: {  	s21 =	simm.s32 $0xB900;
	s22 =	simm.s32 $0xC900;
	[dreg:$0x5] =	wrdreg s19  }
0x19: {  	s8 =	simm.s32 $0xC100;
	s23 =	simm.s32 $0xD100;
	[dreg:$0x6] =	wrdreg s3  }
0x1a: {  	s9 =	simm.s32 $0x5;
	s24 =	simm.s32 $0xD900;
	[dreg:$0x1d] =	wrdreg s20  }
0x1b: {  	s10 =	simm.s32 $0x1;
	s25 =	simm.s32 $0xE100;
	[dreg:$0x1e] =	wrdreg s21  }
0x1c: {  	s11 =	simm.s32 $0x2;
	s26 =	simm.s32 $0xE900;
	[dreg:$0x1f] =	wrdreg s22  }
0x1d: {  	s13 =	simm.s32 $0xF900;
	s14 =	simm.s32 $0x10100;
	[smem:$0x7FA] =	sst s23  }
0x1e: {  	s15 =	simm.s32 $0x10900;
	s17 =	simm.s32 $0x11900;
	[smem:$0x7FB] =	sst s24  }
0x1f: {  	s18 =	simm.s32 $0x12100;
	s3 =	sadd.s32 $0x10600, s1;
	[smem:$0x7FC] =	sst s25  }
0x20: {  	s19 =	simm.s32 $0xA900;
	[smem:$0x7FD] =	sst s26;
	s20 =	simm.s32 $0x13100  }
0x21: {  	s21 =	simm.s32 $0x13900;
	s22 =	simm.s32 $0x14100;
	s23 =	simm.s32 $0x14900  }
0x22: {  	s24 =	simm.s32 $0x15100;
	s25 =	simm.s32 $0x15900;
	s26 =	simm.s32 $0x16100  }
0x23: {  	s7 =	sshrl.u32 s7, $0x3;
	s6 =	sadd.s32 s5, s6;
	[dreg:$0x1c] =	wrdreg s19  }
0x24: {  	s19 =	simm.s32 $0x12900;
	[dreg:$0x3] =	wrdreg s6;
	s6 =	simm.s32 $0x4900  }
0x25: {  	s5 =	sadd.s32 s5, s7;
	s7 =	simm.s32 $0x5100;
	[dreg:$0x10] =	wrdreg s6  }
0x26: {  	s5 =	sadd.s32 $0x1800, s5;
	[dreg:$0x11] =	wrdreg s7;
	s6 =	ssub.s32 s4, s16  }
0x27: {  	v2 =	vlaneseq.u32;
	s4 =	sadd.s32 $0x10700, s1;
	s7 =	simm.s32 $0x100;
	s16 =	simm.s32 $0x11100  }
0x28: {  	vm0 =	vmmov $0xffff;
	v1 =	vshrl.u32 v2, $0x3;
	[dreg:$0x4] =	wrdreg s5;
	s5 =	simm.s32 $0x4100;
	s6 =	smax.u32 s6, $0x1  }
0x29: {  	v0 =	vand.u32 $0x7, v2;
	v2 =	vor.u32 $0x8, v2;
	v1 =	vmul.u32 $0x8, v1;
	[dreg:$0xf] =	wrdreg s5;
	s5 =	sadd.s32 $0x10800, s1;
	s1 =	simm.s32 $0x4  }
.LBB2_1:
0x2a: {  	s0 =	rddreg [dreg:$0x3]  }
0x2b: {  	[tilespmem:s7], [sflag:$0x1] =	stream.linear.gather [hbm4b:s0+s2], $0xC000, $0x38;
	[tilespmem:$0x18100] =	vst v63  }
0x2c: {  	s12 =	rddreg [dreg:$0x4]  }
0x2d: {  	[tilespmem:s8], [sflag:$0x2] =	stream.linear.gather [hbm4b:s12+s2], $0xC000, $0x38;
	[tilespmem:$0x18100] =	vst v63  }
0x2e: {  	s0 =	rddreg [dreg:$0x5]  }
0x2f: {  	[tilespmem:s2], [sflag:$0x5] =	stream.linear.gather [hbm4b:s0+s2], $0x40, $0x38;
	[tilespmem:$0x18100] =	vst v63  }
0x30: {  	_ =	swait.ge [sflag:s9], $0x40  }
0x31: {  	s0 =	rddreg [dreg:$0x6];
	[sflag:s9] =	ssyncset.done $0x0  }
0x32: {  	s12 =	rddreg [dreg:$0x7];
	[sflag:s9] =	ssyncadd.s32 $0xFFFFFFC0  }
0x33: {  	[tilespmem:s12], [sflag:$0x5] =	stream.linear.gather [hbm4b:s0+s2], $0x40, $0x38;
	[tilespmem:$0x18100] =	vst v63  }
0x34: {  	_ =	swait.ge [sflag:s9], $0x40  }
0x35: {  	[sflag:s9] =	ssyncset.done $0x0  }
0x36: {  	[sflag:s9] =	ssyncadd.s32 $0xFFFFFFC0  }
0x37: {  	_ =	swait.ge [sflag:s10], $0xC000  }
0x38: {  	[sflag:s10] =	ssyncset.done $0x0  }
0x39: {  	[sflag:s10] =	ssyncadd.s32 $0xFFFF4000  }
0x3a: {  	v3 =	vld [tilespmem:$0x0];
	_ =	sdelay $0x4  }
0x3b: {  	v4 =	vshrl.u32 v3, $0x3  }
0x3c: {  	v4 =	vmul.u32 $0x30, v4  }
0x3d: {  	v3 =	vand.u32 $0x7, v3  }
0x3e: {  	v3 =	vor.u32 v3, v4  }
0x3f: {  	v4 =	vperm.xlane v3, v0;
	_ =	sdelay $0x1  }
0x40: {  	v4 =	vadd.s32 v1, v4;
	_ =	sdelay $0x3  }
0x41: {  	v3 =	vperm.xlane v3, v2  }
0x42: {  	[hbm4b:s3+s2] =	stream.indirect_vreg.scatter [tilespmem:s7], [sflag:$0x3], $0x80, v4, vm0, $0xb8;
	[tilespmem:$0x18100] =	vst v63  }
0x43: {  	s0 =	rddreg [dreg:$0x8];
	v3 =	vadd.s32 v1, v3  }
0x44: {  	[hbm4b:s4+s2] =	stream.indirect_vreg.scatter [tilespmem:s0], [sflag:$0x3], $0x80, v4, vm0, $0xb8;
	[tilespmem:$0x18100] =	vst v63  }
0x45: {  	s12 =	rddreg [dreg:$0x9]  }
0x46: {  	[hbm4b:s5+s2] =	stream.indirect_vreg.scatter [tilespmem:s12], [sflag:$0x3], $0x80, v4, vm0, $0xb8;
	[tilespmem:$0x18100] =	vst v63  }
0x47: {  	s0 =	rddreg [dreg:$0xa]  }
0x48: {  	[hbm4b:s3+s2] =	stream.indirect_vreg.scatter [tilespmem:s0], [sflag:$0x3], $0x80, v3, vm0, $0xb8;
	[tilespmem:$0x18100] =	vst v63  }
0x49: {  	s12 =	rddreg [dreg:$0xb]  }
0x4a: {  	[hbm4b:s4+s2] =	stream.indirect_vreg.scatter [tilespmem:s12], [sflag:$0x3], $0x80, v3, vm0, $0xb8;
	[tilespmem:$0x18100] =	vst v63  }
0x4b: {  	s0 =	rddreg [dreg:$0xc]  }
0x4c: {  	[hbm4b:s5+s2] =	stream.indirect_vreg.scatter [tilespmem:s0], [sflag:$0x3], $0x80, v3, vm0, $0xb8;
	[tilespmem:$0x18100] =	vst v63  }
0x4d: {  	v3 =	vld [tilespmem:$0x10];
	_ =	sdelay $0x4  }
0x4e: {  	v57 =	vshrl.u32 v3, $0x3  }
0x4f: {  	v4 =	vmul.u32 $0x30, v57  }
0x50: {  	v3 =	vand.u32 $0x7, v3  }
0x51: {  	v3 =	vor.u32 v3, v4  }
0x52: {  	v4 =	vperm.xlane v3, v0;
	_ =	sdelay $0x1  }
0x53: {  	v4 =	vadd.s32 v1, v4;
	_ =	sdelay $0x3  }
0x54: {  	s0 =	rddreg [dreg:$0xd];
	v3 =	vperm.xlane v3, v2  }
0x55: {  	[hbm4b:s3+s2] =	stream.indirect_vreg.scatter [tilespmem:s0], [sflag:$0x3], $0x80, v4, vm0, $0xb8;
	[tilespmem:$0x18100] =	vst v63  }
0x56: {  	s12 =	rddreg [dreg:$0xe];
	v3 =	vadd.s32 v1, v3  }
0x57: {  	[hbm4b:s4+s2] =	stream.indirect_vreg.scatter [tilespmem:s12], [sflag:$0x3], $0x80, v4, vm0, $0xb8;
	[tilespmem:$0x18100] =	vst v63  }
0x58: {  	s0 =	rddreg [dreg:$0xf]  }
0x59: {  	[hbm4b:s5+s2] =	stream.indirect_vreg.scatter [tilespmem:s0], [sflag:$0x3], $0x80, v4, vm0, $0xb8;
	[tilespmem:$0x18100] =	vst v63  }
0x5a: {  	s12 =	rddreg [dreg:$0x10]  }
0x5b: {  	[hbm4b:s3+s2] =	stream.indirect_vreg.scatter [tilespmem:s12], [sflag:$0x3], $0x80, v3, vm0, $0xb8;
	[tilespmem:$0x18100] =	vst v63  }
0x5c: {  	s0 =	rddreg [dreg:$0x11]  }
0x5d: {  	[hbm4b:s4+s2] =	stream.indirect_vreg.scatter [tilespmem:s0], [sflag:$0x3], $0x80, v3, vm0, $0xb8;
	[tilespmem:$0x18100] =	vst v63  }
0x5e: {  	s12 =	rddreg [dreg:$0x12]  }
0x5f: {  	[hbm4b:s5+s2] =	stream.indirect_vreg.scatter [tilespmem:s12], [sflag:$0x3], $0x80, v3, vm0, $0xb8;
	[tilespmem:$0x18100] =	vst v63  }
0x60: {  	v3 =	vld [tilespmem:$0x20];
	_ =	sdelay $0x4  }
0x61: {  	v58 =	vshrl.u32 v3, $0x3  }
0x62: {  	v4 =	vmul.u32 $0x30, v58  }
0x63: {  	v3 =	vand.u32 $0x7, v3  }
0x64: {  	v3 =	vor.u32 v3, v4  }
0x65: {  	v4 =	vperm.xlane v3, v0;
	_ =	sdelay $0x1  }
0x66: {  	v4 =	vadd.s32 v1, v4;
	_ =	sdelay $0x3  }
0x67: {  	s0 =	rddreg [dreg:$0x13];
	v3 =	vperm.xlane v3, v2  }
0x68: {  	[hbm4b:s3+s2] =	stream.indirect_vreg.scatter [tilespmem:s0], [sflag:$0x3], $0x80, v4, vm0, $0xb8;
	[tilespmem:$0x18100] =	vst v63  }
0x69: {  	s12 =	rddreg [dreg:$0x14];
	v3 =	vadd.s32 v1, v3  }
0x6a: {  	[hbm4b:s4+s2] =	stream.indirect_vreg.scatter [tilespmem:s12], [sflag:$0x3], $0x80, v4, vm0, $0xb8;
	[tilespmem:$0x18100] =	vst v63  }
0x6b: {  	s0 =	rddreg [dreg:$0x15]  }
0x6c: {  	[hbm4b:s5+s2] =	stream.indirect_vreg.scatter [tilespmem:s0], [sflag:$0x3], $0x80, v4, vm0, $0xb8;
	[tilespmem:$0x18100] =	vst v63  }
0x6d: {  	s12 =	rddreg [dreg:$0x16]  }
0x6e: {  	[hbm4b:s3+s2] =	stream.indirect_vreg.scatter [tilespmem:s12], [sflag:$0x3], $0x80, v3, vm0, $0xb8;
	[tilespmem:$0x18100] =	vst v63  }
0x6f: {  	s0 =	rddreg [dreg:$0x17]  }
0x70: {  	[hbm4b:s4+s2] =	stream.indirect_vreg.scatter [tilespmem:s0], [sflag:$0x3], $0x80, v3, vm0, $0xb8;
	[tilespmem:$0x18100] =	vst v63  }
0x71: {  	s12 =	rddreg [dreg:$0x18]  }
0x72: {  	[hbm4b:s5+s2] =	stream.indirect_vreg.scatter [tilespmem:s12], [sflag:$0x3], $0x80, v3, vm0, $0xb8;
	[tilespmem:$0x18100] =	vst v63  }
0x73: {  	v3 =	vld [tilespmem:$0x30];
	_ =	sdelay $0x4  }
0x74: {  	v59 =	vshrl.u32 v3, $0x3  }
0x75: {  	v4 =	vmul.u32 $0x30, v59  }
0x76: {  	v3 =	vand.u32 $0x7, v3  }
0x77: {  	v3 =	vor.u32 v3, v4  }
0x78: {  	v4 =	vperm.xlane v3, v0;
	_ =	sdelay $0x1  }
0x79: {  	v4 =	vadd.s32 v1, v4;
	_ =	sdelay $0x3  }
0x7a: {  	s0 =	rddreg [dreg:$0x19];
	v3 =	vperm.xlane v3, v2  }
0x7b: {  	[hbm4b:s3+s2] =	stream.indirect_vreg.scatter [tilespmem:s0], [sflag:$0x3], $0x80, v4, vm0, $0xb8;
	[tilespmem:$0x18100] =	vst v63  }
0x7c: {  	s12 =	rddreg [dreg:$0x1a];
	v3 =	vadd.s32 v1, v3  }
0x7d: {  	[hbm4b:s4+s2] =	stream.indirect_vreg.scatter [tilespmem:s12], [sflag:$0x3], $0x80, v4, vm0, $0xb8;
	[tilespmem:$0x18100] =	vst v63  }
0x7e: {  	s0 =	rddreg [dreg:$0x1b]  }
0x7f: {  	[hbm4b:s5+s2] =	stream.indirect_vreg.scatter [tilespmem:s0], [sflag:$0x3], $0x80, v4, vm0, $0xb8;
	[tilespmem:$0x18100] =	vst v63  }
0x80: {  	s12 =	rddreg [dreg:$0x1c]  }
0x81: {  	[hbm4b:s3+s2] =	stream.indirect_vreg.scatter [tilespmem:s12], [sflag:$0x3], $0x80, v3, vm0, $0xb8;
	[tilespmem:$0x18100] =	vst v63  }
0x82: {  	s0 =	rddreg [dreg:$0x1d]  }
0x83: {  	[hbm4b:s4+s2] =	stream.indirect_vreg.scatter [tilespmem:s0], [sflag:$0x3], $0x80, v3, vm0, $0xb8;
	[tilespmem:$0x18100] =	vst v63  }
0x84: {  	s12 =	rddreg [dreg:$0x1e]  }
0x85: {  	[hbm4b:s5+s2] =	stream.indirect_vreg.scatter [tilespmem:s12], [sflag:$0x3], $0x80, v3, vm0, $0xb8;
	[tilespmem:$0x18100] =	vst v63  }
0x86: {  	_ =	swait.ge [sflag:s11], $0xC000  }
0x87: {  	[sflag:s11] =	ssyncset.done $0x0  }
0x88: {  	[sflag:s11] =	ssyncadd.s32 $0xFFFF4000  }
0x89: {  	v3 =	vld [tilespmem:$0x80];
	_ =	sdelay $0x4  }
0x8a: {  	v60 =	vshrl.u32 v3, $0x3  }
0x8b: {  	v4 =	vmul.u32 $0x30, v60  }
0x8c: {  	v3 =	vand.u32 $0x7, v3  }
0x8d: {  	v3 =	vor.u32 v3, v4  }
0x8e: {  	v4 =	vperm.xlane v3, v0;
	_ =	sdelay $0x1  }
0x8f: {  	v4 =	vadd.s32 v1, v4;
	_ =	sdelay $0x3  }
0x90: {  	s0 =	rddreg [dreg:$0x1f];
	v3 =	vperm.xlane v3, v2  }
0x91: {  	[hbm4b:s3+s2] =	stream.indirect_vreg.scatter [tilespmem:s8], [sflag:$0x4], $0x80, v4, vm0, $0xb8;
	[tilespmem:$0x18100] =	vst v63  }
0x92: {  	s12 =	sld [smem:$0x7FA];
	v3 =	vadd.s32 v1, v3  }
0x93: {  	[hbm4b:s4+s2] =	stream.indirect_vreg.scatter [tilespmem:s0], [sflag:$0x4], $0x80, v4, vm0, $0xb8;
	[tilespmem:$0x18100] =	vst v63  }
0x94: {  	s0 =	sld [smem:$0x7FB]  }
0x95: {  	[hbm4b:s5+s2] =	stream.indirect_vreg.scatter [tilespmem:s12], [sflag:$0x4], $0x80, v4, vm0, $0xb8;
	[tilespmem:$0x18100] =	vst v63  }
0x96: {  	s12 =	sld [smem:$0x7FC]  }
0x97: {  	[hbm4b:s3+s2] =	stream.indirect_vreg.scatter [tilespmem:s0], [sflag:$0x4], $0x80, v3, vm0, $0xb8;
	[tilespmem:$0x18100] =	vst v63  }
0x98: {  	s0 =	sld [smem:$0x7FD]  }
0x99: {  	[hbm4b:s4+s2] =	stream.indirect_vreg.scatter [tilespmem:s12], [sflag:$0x4], $0x80, v3, vm0, $0xb8;
	[tilespmem:$0x18100] =	vst v63  }
0x9a: {  	_ = 	snop  }
0x9b: {  	[hbm4b:s5+s2] =	stream.indirect_vreg.scatter [tilespmem:s0], [sflag:$0x4], $0x80, v3, vm0, $0xb8;
	[tilespmem:$0x18100] =	vst v63  }
0x9c: {  	v3 =	vld [tilespmem:$0x90];
	_ =	sdelay $0x4  }
0x9d: {  	v61 =	vshrl.u32 v3, $0x3  }
0x9e: {  	v4 =	vmul.u32 $0x30, v61  }
0x9f: {  	v3 =	vand.u32 $0x7, v3  }
0xa0: {  	v3 =	vor.u32 v3, v4  }
0xa1: {  	v4 =	vperm.xlane v3, v0;
	_ =	sdelay $0x1  }
0xa2: {  	v4 =	vadd.s32 v1, v4;
	_ =	sdelay $0x3  }
0xa3: {  	s12 =	simm.s32 $0xF100;
	v3 =	vperm.xlane v3, v2  }
0xa4: {  	[hbm4b:s3+s2] =	stream.indirect_vreg.scatter [tilespmem:s12], [sflag:$0x4], $0x80, v4, vm0, $0xb8;
	[tilespmem:$0x18100] =	vst v63  }
0xa5: {  	v3 =	vadd.s32 v1, v3  }
0xa6: {  	[hbm4b:s4+s2] =	stream.indirect_vreg.scatter [tilespmem:s13], [sflag:$0x4], $0x80, v4, vm0, $0xb8;
	[tilespmem:$0x18100] =	vst v63  }
0xa7: {  	_ = 	snop  }
0xa8: {  	[hbm4b:s5+s2] =	stream.indirect_vreg.scatter [tilespmem:s14], [sflag:$0x4], $0x80, v4, vm0, $0xb8;
	[tilespmem:$0x18100] =	vst v63  }
0xa9: {  	_ = 	snop  }
0xaa: {  	[hbm4b:s3+s2] =	stream.indirect_vreg.scatter [tilespmem:s15], [sflag:$0x4], $0x80, v3, vm0, $0xb8;
	[tilespmem:$0x18100] =	vst v63  }
0xab: {  	_ = 	snop  }
0xac: {  	[hbm4b:s4+s2] =	stream.indirect_vreg.scatter [tilespmem:s16], [sflag:$0x4], $0x80, v3, vm0, $0xb8;
	[tilespmem:$0x18100] =	vst v63  }
0xad: {  	_ = 	snop  }
0xae: {  	[hbm4b:s5+s2] =	stream.indirect_vreg.scatter [tilespmem:s17], [sflag:$0x4], $0x80, v3, vm0, $0xb8;
	[tilespmem:$0x18100] =	vst v63  }
0xaf: {  	v3 =	vld [tilespmem:$0xA0];
	_ =	sdelay $0x4  }
0xb0: {  	v62 =	vshrl.u32 v3, $0x3  }
0xb1: {  	v4 =	vmul.u32 $0x30, v62  }
0xb2: {  	v3 =	vand.u32 $0x7, v3  }
0xb3: {  	v3 =	vor.u32 v3, v4  }
0xb4: {  	v4 =	vperm.xlane v3, v0;
	_ =	sdelay $0x1  }
0xb5: {  	v4 =	vadd.s32 v1, v4;
	_ =	sdelay $0x3  }
0xb6: {  	v3 =	vperm.xlane v3, v2  }
0xb7: {  	[hbm4b:s3+s2] =	stream.indirect_vreg.scatter [tilespmem:s18], [sflag:$0x4], $0x80, v4, vm0, $0xb8;
	[tilespmem:$0x18100] =	vst v63  }
0xb8: {  	v3 =	vadd.s32 v1, v3  }
0xb9: {  	[hbm4b:s4+s2] =	stream.indirect_vreg.scatter [tilespmem:s19], [sflag:$0x4], $0x80, v4, vm0, $0xb8;
	[tilespmem:$0x18100] =	vst v63  }
0xba: {  	_ = 	snop  }
0xbb: {  	[hbm4b:s5+s2] =	stream.indirect_vreg.scatter [tilespmem:s20], [sflag:$0x4], $0x80, v4, vm0, $0xb8;
	[tilespmem:$0x18100] =	vst v63  }
0xbc: {  	_ = 	snop  }
0xbd: {  	[hbm4b:s3+s2] =	stream.indirect_vreg.scatter [tilespmem:s21], [sflag:$0x4], $0x80, v3, vm0, $0xb8;
	[tilespmem:$0x18100] =	vst v63  }
0xbe: {  	_ = 	snop  }
0xbf: {  	[hbm4b:s4+s2] =	stream.indirect_vreg.scatter [tilespmem:s22], [sflag:$0x4], $0x80, v3, vm0, $0xb8;
	[tilespmem:$0x18100] =	vst v63  }
0xc0: {  	_ = 	snop  }
0xc1: {  	[hbm4b:s5+s2] =	stream.indirect_vreg.scatter [tilespmem:s23], [sflag:$0x4], $0x80, v3, vm0, $0xb8;
	[tilespmem:$0x18100] =	vst v63  }
0xc2: {  	v3 =	vld [tilespmem:$0xB0];
	_ =	sdelay $0x4  }
0xc3: {  	v63 =	vshrl.u32 v3, $0x3  }
0xc4: {  	v4 =	vmul.u32 $0x30, v63  }
0xc5: {  	v3 =	vand.u32 $0x7, v3  }
0xc6: {  	v3 =	vor.u32 v3, v4  }
0xc7: {  	v4 =	vperm.xlane v3, v0;
	_ =	sdelay $0x1  }
0xc8: {  	v4 =	vadd.s32 v1, v4;
	_ =	sdelay $0x3  }
0xc9: {  	v3 =	vperm.xlane v3, v2  }
0xca: {  	[hbm4b:s3+s2] =	stream.indirect_vreg.scatter [tilespmem:s24], [sflag:$0x4], $0x80, v4, vm0, $0xb8;
	[tilespmem:$0x18100] =	vst v63  }
0xcb: {  	v3 =	vadd.s32 v1, v3  }
0xcc: {  	[hbm4b:s4+s2] =	stream.indirect_vreg.scatter [tilespmem:s25], [sflag:$0x4], $0x80, v4, vm0, $0xb8;
	[tilespmem:$0x18100] =	vst v63  }
0xcd: {  	_ = 	snop  }
0xce: {  	[hbm4b:s5+s2] =	stream.indirect_vreg.scatter [tilespmem:s26], [sflag:$0x4], $0x80, v4, vm0, $0xb8;
	[tilespmem:$0x18100] =	vst v63  }
0xcf: {  	_ = 	snop  }
0xd0: {  	[hbm4b:s3+s2] =	stream.indirect_vreg.scatter [tilespmem:s28], [sflag:$0x4], $0x80, v3, vm0, $0xb8;
	[tilespmem:$0x18100] =	vst v63  }
0xd1: {  	_ = 	snop  }
0xd2: {  	[hbm4b:s4+s2] =	stream.indirect_vreg.scatter [tilespmem:s29], [sflag:$0x4], $0x80, v3, vm0, $0xb8;
	[tilespmem:$0x18100] =	vst v63  }
0xd3: {  	_ = 	snop  }
0xd4: {  	[hbm4b:s5+s2] =	stream.indirect_vreg.scatter [tilespmem:s30], [sflag:$0x4], $0x80, v3, vm0, $0xb8;
	[tilespmem:$0x18100] =	vst v63  }
0xd5: {  	p0 =	sne.s32 s6, $0x1;
	_ =	swait.ge [sflag:s31], $0xC000  }
.Ltmp0:
0xd6: {  	[sflag:s31] =	ssyncset.done $0x0;
	(pc) =	sbr.rel @p0 .LBB2_1-.Ltmp0, $4  }
0xd7: {  	[sflag:s31] =	ssyncadd.s32 $0xFFFF4000  }
0xd8: {  	_ =	swait.ge [sflag:s1], $0xC000  }
0xd9: {  	[sflag:s1] =	ssyncset.done $0x0  }
0xda: {  	s6 =	sadd.s32 $0xFFFFFFFF, s6;
	[sflag:s1] =	ssyncadd.s32 $0xFFFF4000  }
0xdb: {  	_ =	sfence.sel $0x180000  }
0xdc: {  	[bflag:$0x0] =	sbarrier.arrive $0xFFFF  }
0xdd: {  	_ =	strace $0x90000047  }
0xde: {  	s0 =	stileid.u32;
	[bflag:$0x2] =	sbarrier.arrive $0xFFFF  }
0xdf: {  	p0 =	sne.s32 s0, $0x0;
	s0 =	rddreg [dreg:$0x2]  }
0xe0: {  	s0 =	sadd.s32 @!p0 $0x100000, s0  }
0xe1: {  	[sflag:s0] =	ssyncadd.tile.s32 @!p0 $0x1;
	_ =	shalt  }
.Lfunc_end2:
_tile_overlayer_lowered:
.L_overlay_start_2:
0xe2: {  	(tag) =	ssettag $0x2  }
0xe3: {  	s0 =	rddreg [dreg:$0x0];
	s2 =	stileid.u32  }
0xe4: {  	s1 =	rddreg [dreg:$0x1];
	p0 =	sne.s32 s2, $0x0  }
0xe5: {  	s3 =	rddreg [dreg:$0x2];
	[bflag:$0x3] =	sbarrier.arrive $0xFFFF;
	s2 =	simm.s32 @!p0 $0x1C05  }
0xe6: {  	[timem:s3], [sflag:s2] =	dma.local @!p0 [hbm:s0], s1  }
0xe7: {  	s0 =	simm.s32 @!p0 $0x5  }
0xe8: {  	_ =	swait.ge @!p0 [sflag:s0], s1  }
0xe9: {  	s1 =	ssub.s32 @!p0 $0x0, s1;
	[sflag:s0] =	ssyncset.done @!p0 $0x0  }
0xea: {  	[sflag:s0] =	ssyncadd.s32 @!p0 s1  }
0xeb: {  	[bflag:$0x3] =	sbarrier.arrive $0xFFFF  }
0xec: {  	_ =	shalt  }

// kernel: kernel.9.cloned.1.call-start
scs
__scs_entry_jumppad:
0x0: {  	(pc) =	sbr.rel $0x88, $3  }
0x1: {  	(tag) =	ssettag $0x0;
	lr =	simm.s32 $0x1  }
0x2: {  	[smem:$0x3F9D] =	sst lr;
	_ =	strace $0xD0000000  }
0x3: {  	_ = 	snop  }
0x4: {  	_ = 	snop  }
0x5: {  	_ = 	snop  }
0x6: {  	_ = 	snop  }
0x7: {  	_ = 	snop  }
__scs_overlays_trampoline_lowered:
0x8: {  	[smem:$0x3FAC] =	sst s0  }
0x9: {  	[smem:$0x3FAD] =	sst s1  }
0xa: {  	[smem:$0x3FAE] =	sst s2  }
0xb: {  	[smem:$0x3FAF] =	sst s3  }
0xc: {  	[smem:$0x3FB0] =	sst s4  }
0xd: {  	[smem:$0x3FB1] =	sst s5  }
0xe: {  	[smem:$0x3FB2] =	sst s6  }
0xf: {  	[smem:$0x3FB3] =	sst s7  }
0x10: {  	[smem:$0x3FB4] =	sst s8  }
0x11: {  	[smem:$0x3FB5] =	sst s9;
	s0 =	simm.s32 @!p0 $0x0  }
0x12: {  	s1 =	sld [smem:$0x3F9B];
	s0 =	simm.s32 @p0 $0x1  }
0x13: {  	[smem:$0x3FB6] =	sst s0;
	s0 =	simm.s32 @!p1 $0x0  }
0x14: {  	s2 =	sld [smem:$0x3F9A];
	s0 =	simm.s32 @p1 $0x1  }
0x15: {  	[smem:$0x3FB7] =	sst s0;
	s0 =	simm.s32 @!p2 $0x0  }
0x16: {  	s3 =	sld [smem:$0x3FDB];
	s0 =	simm.s32 @p2 $0x1  }
0x17: {  	s4 =	simm.s32 $0x1BF5;
	[smem:$0x3FB9] =	sst s0  }
0x18: {  	s0 =	sld [smem:$0x3F9C];
	_ =	swait.ge [sflag:s4], $0x0  }
0x19: {  	s7 =	sld [smem:$0x3F9D]  }
0x1a: {  	s8 =	sadd.s32 $0xFFFFE003, lr  }
0x1b: {  	s9 =	sadd.s32 $0xFFFFFEF7, lr;
	s5 =	simm.s32 $0xFFFFFFFF;
	p2 =	slt.u32 s8, $0xFFFFF086  }
0x1c: {  	p1 =	slt.u32 s9, $0xF7A;
	s5 =	simm.s32 @!p2 $0x0  }
0x1d: {  	s5 =	simm.s32 @p1 $0x1;
	p0 =	seq.s32 s7, s2  }
0x1e: {  	s7 =	smul.u32 @!p0 $0xF7A, s2;
	p2 =	seq.s32 @!p0 s5, $0x0  }
0x1f: {  	s9 =	smul.u32 $0xF7A, s1;
	s8 =	simm.s32 @!p0 $0x1BF5;
	p2 =	por !p2, p0  }
0x20: {  	[sflag:s8] =	ssyncset.s32 @!p0 $0xFFFFF086;
	s6 =	sadd.s32 @!p0 s3, s7;
	s7 =	simm.s32 @!p0 $0x108  }
0x21: {  	s3 =	sadd.s32 s3, s9;
	s6 =	sadd.s32 @!p0 $0x88, s6;
	s7 =	simm.s32 @p2 $0x1082  }
0x22: {  	[simem:s7], [sflag:s8] =	dma.local @!p0 [hbm:s6], $0xF7A  }
0x23: {  	s9 =	sor.u32 $0xD0000000, s2;
	s6 =	simm.s32 $0x108;
	_ =	swait.ge @!p0 [sflag:s8], $0x0  }
0x24: {  	s3 =	sadd.s32 $0x88, s3;
	s6 =	simm.s32 @!p1 $0x1082;
	[sflag:s4] =	ssyncset.s32 $0xFFFFF086  }
0x25: {  	[simem:s6], [sflag:s4] =	dma.local [hbm:s3], $0xF7A  }
0x26: {  	[smem:$0x3F9D] =	sst s1;
	(tag) =	ssettag s2;
	_ =	strace s9  }
0x27: {  	s1 =	sld [smem:$0x3FAD]  }
0x28: {  	s2 =	sld [smem:$0x3FAE]  }
0x29: {  	s4 =	sld [smem:$0x3FB0]  }
0x2a: {  	p0 =	seq.s32 s5, $0x0;
	s5 =	sld [smem:$0x3FB1]  }
0x2b: {  	s6 =	sld [smem:$0x3FB2]  }
0x2c: {  	s7 =	sld [smem:$0x3FB3]  }
0x2d: {  	s3 =	simm.s32 $0x108;
	s8 =	sld [smem:$0x3FB4]  }
0x2e: {  	s3 =	simm.s32 @!p0 $0x1082;
	s9 =	sld [smem:$0x3FB5]  }
0x2f: {  	lr =	sadd.s32 s0, s3;
	s0 =	sld [smem:$0x3FAC]  }
0x30: {  	s3 =	sld [smem:$0x3FAF]  }
0x31: {  	[smem:$0x3FB8] =	sst s10  }
0x32: {  	s10 =	sld [smem:$0x3FB6];
	_ =	sdelay $0x3  }
0x33: {  	p0 =	seq.s32 s10, $0x1;
	s10 =	sld [smem:$0x3FB8];
	_ =	sdelay $0x3  }
0x34: {  	[smem:$0x3FB8] =	sst s10  }
0x35: {  	s10 =	sld [smem:$0x3FB7];
	_ =	sdelay $0x3  }
0x36: {  	p1 =	seq.s32 s10, $0x1;
	s10 =	sld [smem:$0x3FB8];
	_ =	sdelay $0x3  }
0x37: {  	[smem:$0x3FB8] =	sst s10  }
0x38: {  	s10 =	sld [smem:$0x3FB9]  }
0x39: {  	_ = 	snop;
	(pc) =	sbr.ind lr, $3  }
0x3a: {  	_ = 	snop  }
0x3b: {  	_ = 	snop  }
0x3c: {  	p2 =	seq.s32 s10, $0x1;
	s10 =	sld [smem:$0x3FB8]  }
0x3d: {  	_ =	shalt  }
0x3e: {  	_ =	shalt  }
0x3f: {  	_ =	shalt  }
0x40: {  	_ =	shalt  }
0x41: {  	_ =	shalt  }
0x42: {  	_ =	shalt  }
0x43: {  	_ =	shalt  }
0x44: {  	_ =	shalt  }
0x45: {  	_ =	shalt  }
0x46: {  	_ =	shalt  }
0x47: {  	_ =	shalt  }
0x48: {  	_ =	shalt  }
0x49: {  	_ =	shalt  }
0x4a: {  	_ =	shalt  }
0x4b: {  	_ =	shalt  }
0x4c: {  	_ =	shalt  }
0x4d: {  	_ =	shalt  }
0x4e: {  	_ =	shalt  }
0x4f: {  	_ =	shalt  }
0x50: {  	_ =	shalt  }
0x51: {  	_ =	shalt  }
0x52: {  	_ =	shalt  }
0x53: {  	_ =	shalt  }
0x54: {  	_ =	shalt  }
0x55: {  	_ =	shalt  }
0x56: {  	_ =	shalt  }
0x57: {  	_ =	shalt  }
0x58: {  	_ =	shalt  }
0x59: {  	_ =	shalt  }
0x5a: {  	_ =	shalt  }
0x5b: {  	_ =	shalt  }
0x5c: {  	_ =	shalt  }
0x5d: {  	_ =	shalt  }
0x5e: {  	_ =	shalt  }
0x5f: {  	_ =	shalt  }
0x60: {  	_ =	shalt  }
0x61: {  	_ =	shalt  }
0x62: {  	_ =	shalt  }
0x63: {  	_ =	shalt  }
0x64: {  	_ =	shalt  }
0x65: {  	_ =	shalt  }
0x66: {  	_ =	shalt  }
0x67: {  	_ =	shalt  }
0x68: {  	_ =	shalt  }
0x69: {  	_ =	shalt  }
0x6a: {  	_ =	shalt  }
0x6b: {  	_ =	shalt  }
0x6c: {  	_ =	shalt  }
0x6d: {  	_ =	shalt  }
0x6e: {  	_ =	shalt  }
0x6f: {  	_ =	shalt  }
0x70: {  	_ =	shalt  }
0x71: {  	_ =	shalt  }
0x72: {  	_ =	shalt  }
0x73: {  	_ =	shalt  }
0x74: {  	_ =	shalt  }
0x75: {  	_ =	shalt  }
0x76: {  	_ =	shalt  }
0x77: {  	_ =	shalt  }
0x78: {  	_ =	shalt  }
0x79: {  	_ =	shalt  }
0x7a: {  	_ =	shalt  }
0x7b: {  	_ =	shalt  }
0x7c: {  	_ =	shalt  }
0x7d: {  	_ =	shalt  }
0x7e: {  	_ =	shalt  }
0x7f: {  	_ =	shalt  }
0x80: {  	_ =	shalt  }
0x81: {  	_ =	shalt  }
0x82: {  	_ =	shalt  }
0x83: {  	_ =	shalt  }
0x84: {  	_ =	shalt  }
0x85: {  	_ =	shalt  }
0x86: {  	_ =	shalt  }
0x87: {  	_ =	shalt  }
.Lfunc_end0:
.L_simem_size_0:
called_computation.1_lowered:
.L_overlay_start_0:
0x88: {  	s2 =	sld [smem:$0x3FD9]  }
0x89: {  	s3 =	sld [smem:$0x3FFE];
	_ =	sdelay $0x1  }
0x8a: {  	s1 =	srdreg.scid  }
0x8b: {  	s0 =	sand.u32 $0x1, s1  }
0x8c: {  	s17 =	sshll.u32 s0, $0xA;
	s2 =	sadd.s32 s3, s2  }
0x8d: {  	s2 =	sadd.s32 s2, s17  }
0x8e: {  	[smem:$0x3FC4] =	sst s2  }
0x8f: {  	_ = 	snop  }
0x90: {  	s2 =	sld [smem:$0x3FD0];
	(tm) =	ssettm $0x1  }
0x91: {  	s18 =	sld [smem:$0x3FFB];
	_ =	sdelay $0x3  }
0x92: {  	_ =	strace s18  }
0x93: {  	s3 =	sld [smem:$0x3FFC];
	_ =	sdelay $0x3  }
0x94: {  	_ =	strace s3  }
0x95: {  	s3 =	sld [smem:$0x3FFD];
	_ =	sdelay $0x3  }
0x96: {  	_ =	strace s3  }
0x97: {  	_ =	strace $0x8FFFFFFF  }
0x98: {  	s19 =	sld [smem:$0x3FDB];
	_ =	sdelay $0x1  }
0x99: {  	s4 =	simm.s32 $_scs_section_size  }
0x9a: {  	s5 =	simm.s32 $_size__tile_overlayer_lowered;
	s6 =	simm.s32 $_tile_overlayer_lowered  }
0x9b: {  	s22 =	simm.s32 $0x1BFF;
	s21 =	sshll.u32 s6, $0x1;
	s3 =	sadd.s32 s4, s19  }
0x9c: {  	s7 =	simm.s32 $0x0;
	s20 =	sshll.u32 s5, $0x1;
	s5 =	sadd.s32 s21, s3  }
0x9d: {  	[timem:s7], [sflag:s22] =	dma.local [hbm:s5], s20  }
0x9e: {  	_ =	swait.ge [sflag:s22], s20  }
0x9f: {  	s4 =	ssub.s32 $0x0, s20;
	[sflag:s22] =	ssyncset.done $0x0  }
0xa0: {  	[sflag:s22] =	ssyncadd.s32 s4;
	_ =	sdelay $0x1  }
0xa1: {  	s23 =	simm.s32 $0x1B8B  }
0xa2: {  	_ =	swait.ge [sflag:s23], $0x1  }
0xa3: {  	[sflag:s23] =	ssyncset.done $0x0  }
0xa4: {  	s25 =	simm.s32 $0x1B8E;
	s24 =	sld [smem:$0x3FFE];
	[sflag:s23] =	ssyncadd.s32 $0xFFFFFFFF  }
0xa5: {  	s26 =	simm.s32 $execute0_lowered;
	[smem:$0x3FD2] =	sst s25  }
0xa6: {  	s5 =	sshll.u32 s26, $0x1;
	_ =	strace $0x80000049;
	[dreg:$0x1] =	wrdreg $0xFFFFFFFF  }
0xa7: {  	s28 =	simm.s32 $_size_execute0_lowered;
	s3 =	sadd.s32 s3, s5;
	[dreg:$0x0] =	wrdreg $0x0  }
0xa8: {  	s5 =	sshll.u32 s28, $0x1;
	[dreg:$0x2] =	wrdreg s3  }
0xa9: {  	[dreg:$0x3] =	wrdreg s5  }
0xaa: {  	[dreg:$0x4] =	wrdreg $0xC0  }
0xab: {  	_ =	task [dreg:s7], $0x5FFFF  }
0xac: {  	[dreg:$0x1] =	wrdreg $0xFFFFFFFF  }
0xad: {  	[dreg:$0x0] =	wrdreg $0x60  }
0xae: {  	[dreg:$0x2] =	wrdreg s24  }
0xaf: {  	[dreg:$0x3] =	wrdreg s2  }
0xb0: {  	[dreg:$0x4] =	wrdreg $0x9  }
0xb1: {  	_ =	task.clear_ibuf [dreg:s7], $0x5FFFF;
	_ =	strace $0x90000049  }
0xb2: {  	s29 =	simm.s32 $0x9;
	_ =	strace $0x8000004B  }
0xb3: {  	_ =	swait.ge [sflag:s29], $0x1  }
0xb4: {  	[sflag:s29] =	ssyncadd.s32 $0xFFFFFFFF  }
0xb5: {  	_ =	strace $0x9000004B  }
0xb6: {  	_ =	sfence  }
0xb7: {  	s30 =	sld [smem:$0x0];
	_ =	sdelay $0x2  }
0xb8: {  	s31 =	sshll.u32 s1, $0xD;
	s1 =	sshrl.u32 s1, $0x2  }
0xb9: {  	s3 =	sand.u32 $0x4000, s31;
	s1 =	sadd.s32 s1, s30  }
0xba: {  	s0 =	sor.u32 s3, s0;
	s1 =	sshll.u32 s1, $0x11  }
0xbb: {  	s0 =	sor.u32 s1, s0  }
0xbc: {  	s0 =	sadd.s32 $0x8F2B, s0  }
0xbd: {  	[sflag:s0] =	ssyncadd.remote.s32 $0x1  }
0xbe: {  	_ =	sfence.sel $0xFFFF  }
0xbf: {  	[dreg:$0x0] =	wrdreg $0xFFFFFFFF;
	(pc) =	sbr.abs _section_cstart, $3  }
0xc0: {  	[dreg:$0x1] =	wrdreg $0xFFFFFFFF  }
0xc1: {  	_ =	task.clear_ibuf [dreg:s7], $0x2FFFF;
	_ =	strace $0x9FFFFFFF  }
0xc2: {  	(tm) =	ssettm $0x7FFFFFFF  }
0xc3: {  	_ =	shalt  }
tec
execute0_lowered:
.L_overlay_start_1:
0x0: {  	(tag) =	ssettag $0x1  }
0x1: {  	s0 =	rddreg [dreg:$0x0]  }
0x2: {  	s2 =	rddreg [dreg:$0x1];
	s1 =	simm.s32 $0x0;
	s4 =	srdreg.scid  }
0x3: {  	s6 =	stileid.u32;
	s19 =	simm.s32 $0x4200;
	s30 =	simm.s32 $0x3200  }
0x4: {  	s31 =	simm.s32 $0x1;
	s18 =	simm.s32 $0x3;
	s20 =	simm.s32 $0x4  }
0x5: {  	s21 =	simm.s32 $0x0;
	[smem:$0x7FF] =	sst s1;
	s3 =	sadd.s32 $0x130600, s0  }
0x6: {  	s4 =	sand.u32 $0x1, s4;
	s6 =	sshll.u32 s6, $0x7;
	s9 =	sadd.s32 $0x10400, s0  }
0x7: {  	s13 =	sadd.s32 $0x400, s0;
	s5 =	ssub.s32 $0x2, s4;
	s4 =	sshll.u32 s4, $0x6  }
0x8: {  	_ =	strace $0x8000004A;
	s7 =	sshrl.u32 s5, $0x1;
	s10 =	sor.u32 s4, s6  }
0x9: {  	s6 =	sadd.s32 $0x130700, s0;
	s16 =	ssub.s32 s5, s7;
	s11 =	sor.u32 $0x800, s10  }
0xa: {  	s12 =	sor.u32 $0x20, s10;
	s14 =	sshrl.u32 s10, $0x3;
	s7 =	sadd.s32 $0x130800, s0  }
0xb: {  	s15 =	sor.u32 $0x820, s10;
	s10 =	sshll.u32 s10, $0x4;
	s28 =	sshrl.u32 s11, $0x3  }
0xc: {  	s4 =	sadd.s32 s9, s14;
	s29 =	sshrl.u32 s12, $0x3;
	s17 =	sshrl.u32 s15, $0x3  }
0xd: {  	s10 =	sadd.s32 s13, s10;
	s14 =	smul.u32 $0x300, s14;
	s11 =	sshll.u32 s11, $0x4  }
0xe: {  	s12 =	sshll.u32 s12, $0x4;
	s15 =	sshll.u32 s15, $0x4;
	s16 =	smax.u32 s16, $0x1  }
0xf: {  	s5 =	sadd.s32 s9, s28;
	s8 =	sadd.s32 s9, s29;
	s9 =	sadd.s32 s9, s17  }
0x10: {  	v2 =	vlaneseq.u32;
	s0 =	smul.u32 $0x300, s29;
	s11 =	sadd.s32 s13, s11;
	s12 =	sadd.s32 s13, s12  }
0x11: {  	vm0 =	vmmov $0xffff;
	v1 =	vshrl.u32 v2, $0x3;
	s13 =	sadd.s32 s13, s15;
	s17 =	simm.s32 $0x5;
	s14 =	sadd.s32 s2, s14  }
0x12: {  	v0 =	vand.u32 $0x7, v2;
	v2 =	vor.u32 $0x8, v2;
	v1 =	vmul.u32 $0x8, v1;
	s15 =	sadd.s32 s2, s0;
	s0 =	simm.s32 $0x10200;
	s2 =	simm.s32 $0x2  }
.LBB2_1:
0x13: {  	[tilespmem:s1], [sflag:$0x5] =	stream.linear.gather [hbm4b:s4+s1], $0x20, $0x38;
	[tilespmem:$0x1C200] =	vst v63  }
0x14: {  	_ =	swait.ge [sflag:s17], $0x20  }
0x15: {  	[sflag:s17] =	ssyncset.done $0x0  }
0x16: {  	s22 =	simm.s32 $0x80;
	[sflag:s17] =	ssyncadd.s32 $0xFFFFFFE0  }
0x17: {  	[tilespmem:s22], [sflag:$0x5] =	stream.linear.gather [hbm4b:s5+s1], $0x20, $0x38;
	[tilespmem:$0x1C200] =	vst v63  }
0x18: {  	_ =	swait.ge [sflag:s17], $0x20  }
0x19: {  	[sflag:s17] =	ssyncset.done $0x0  }
0x1a: {  	[sflag:s17] =	ssyncadd.s32 $0xFFFFFFE0  }
0x1b: {  	v3 =	vld [tilespmem:$0x0];
	_ =	sdelay $0x4  }
0x1c: {  	v4 =	vshrl.u32 v3, $0x3  }
0x1d: {  	v4 =	vmul.u32 $0x30, v4  }
0x1e: {  	v3 =	vand.u32 $0x7, v3  }
0x1f: {  	v3 =	vor.u32 v3, v4  }
0x20: {  	v4 =	vperm.xlane v3, v0;
	_ =	sdelay $0x1  }
0x21: {  	v4 =	vadd.s32 v1, v4;
	_ =	sdelay $0x3  }
0x22: {  	v3 =	vperm.xlane v3, v2  }
0x23: {  	[tilespmem:s19], [sflag:$0x1] =	stream.indirect_vreg.gather [hbm4b:s3+s1], $0x80, v4, vm0, $0xb8;
	[tilespmem:$0x1C200] =	vst v63  }
0x24: {  	s28 =	simm.s32 $0x4A00;
	v3 =	vadd.s32 v1, v3  }
0x25: {  	[tilespmem:s28], [sflag:$0x1] =	stream.indirect_vreg.gather [hbm4b:s6+s1], $0x80, v4, vm0, $0xb8;
	[tilespmem:$0x1C200] =	vst v63  }
0x26: {  	s29 =	simm.s32 $0x5200  }
0x27: {  	[tilespmem:s29], [sflag:$0x1] =	stream.indirect_vreg.gather [hbm4b:s7+s1], $0x80, v4, vm0, $0xb8;
	[tilespmem:$0x1C200] =	vst v63  }
0x28: {  	s23 =	simm.s32 $0x5A00  }
0x29: {  	[tilespmem:s23], [sflag:$0x1] =	stream.indirect_vreg.gather [hbm4b:s3+s1], $0x80, v3, vm0, $0xb8;
	[tilespmem:$0x1C200] =	vst v63  }
0x2a: {  	s24 =	simm.s32 $0x6200  }
0x2b: {  	[tilespmem:s24], [sflag:$0x1] =	stream.indirect_vreg.gather [hbm4b:s6+s1], $0x80, v3, vm0, $0xb8;
	[tilespmem:$0x1C200] =	vst v63  }
0x2c: {  	s25 =	simm.s32 $0x6A00  }
0x2d: {  	[tilespmem:s25], [sflag:$0x1] =	stream.indirect_vreg.gather [hbm4b:s7+s1], $0x80, v3, vm0, $0xb8;
	[tilespmem:$0x1C200] =	vst v63  }
0x2e: {  	v3 =	vld [tilespmem:$0x10];
	_ =	sdelay $0x4  }
0x2f: {  	v4 =	vshrl.u32 v3, $0x3  }
0x30: {  	v4 =	vmul.u32 $0x30, v4  }
0x31: {  	v3 =	vand.u32 $0x7, v3  }
0x32: {  	v3 =	vor.u32 v3, v4  }
0x33: {  	v4 =	vperm.xlane v3, v0;
	_ =	sdelay $0x1  }
0x34: {  	v4 =	vadd.s32 v1, v4;
	_ =	sdelay $0x3  }
0x35: {  	s26 =	simm.s32 $0x7200;
	v3 =	vperm.xlane v3, v2  }
0x36: {  	[tilespmem:s26], [sflag:$0x1] =	stream.indirect_vreg.gather [hbm4b:s3+s1], $0x80, v4, vm0, $0xb8;
	[tilespmem:$0x1C200] =	vst v63  }
0x37: {  	s28 =	simm.s32 $0x7A00;
	v3 =	vadd.s32 v1, v3  }
0x38: {  	[tilespmem:s28], [sflag:$0x1] =	stream.indirect_vreg.gather [hbm4b:s6+s1], $0x80, v4, vm0, $0xb8;
	[tilespmem:$0x1C200] =	vst v63  }
0x39: {  	s29 =	simm.s32 $0x8200  }
0x3a: {  	[tilespmem:s29], [sflag:$0x1] =	stream.indirect_vreg.gather [hbm4b:s7+s1], $0x80, v4, vm0, $0xb8;
	[tilespmem:$0x1C200] =	vst v63  }
0x3b: {  	s23 =	simm.s32 $0x8A00  }
0x3c: {  	[tilespmem:s23], [sflag:$0x1] =	stream.indirect_vreg.gather [hbm4b:s3+s1], $0x80, v3, vm0, $0xb8;
	[tilespmem:$0x1C200] =	vst v63  }
0x3d: {  	s24 =	simm.s32 $0x9200  }
0x3e: {  	[tilespmem:s24], [sflag:$0x1] =	stream.indirect_vreg.gather [hbm4b:s6+s1], $0x80, v3, vm0, $0xb8;
	[tilespmem:$0x1C200] =	vst v63  }
0x3f: {  	s25 =	simm.s32 $0x9A00  }
0x40: {  	[tilespmem:s25], [sflag:$0x1] =	stream.indirect_vreg.gather [hbm4b:s7+s1], $0x80, v3, vm0, $0xb8;
	[tilespmem:$0x1C200] =	vst v63  }
0x41: {  	v3 =	vld [tilespmem:$0x80];
	_ =	sdelay $0x4  }
0x42: {  	v4 =	vshrl.u32 v3, $0x3  }
0x43: {  	v4 =	vmul.u32 $0x30, v4  }
0x44: {  	v3 =	vand.u32 $0x7, v3  }
0x45: {  	v3 =	vor.u32 v3, v4  }
0x46: {  	v4 =	vperm.xlane v3, v0;
	_ =	sdelay $0x1  }
0x47: {  	v4 =	vadd.s32 v1, v4;
	_ =	sdelay $0x3  }
0x48: {  	s26 =	simm.s32 $0xA200;
	v3 =	vperm.xlane v3, v2  }
0x49: {  	[tilespmem:s26], [sflag:$0x2] =	stream.indirect_vreg.gather [hbm4b:s3+s1], $0x80, v4, vm0, $0xb8;
	[tilespmem:$0x1C200] =	vst v63  }
0x4a: {  	s28 =	simm.s32 $0xAA00;
	v3 =	vadd.s32 v1, v3  }
0x4b: {  	[tilespmem:s28], [sflag:$0x2] =	stream.indirect_vreg.gather [hbm4b:s6+s1], $0x80, v4, vm0, $0xb8;
	[tilespmem:$0x1C200] =	vst v63  }
0x4c: {  	s29 =	simm.s32 $0xB200  }
0x4d: {  	[tilespmem:s29], [sflag:$0x2] =	stream.indirect_vreg.gather [hbm4b:s7+s1], $0x80, v4, vm0, $0xb8;
	[tilespmem:$0x1C200] =	vst v63  }
0x4e: {  	s23 =	simm.s32 $0xBA00  }
0x4f: {  	[tilespmem:s23], [sflag:$0x2] =	stream.indirect_vreg.gather [hbm4b:s3+s1], $0x80, v3, vm0, $0xb8;
	[tilespmem:$0x1C200] =	vst v63  }
0x50: {  	s24 =	simm.s32 $0xC200  }
0x51: {  	[tilespmem:s24], [sflag:$0x2] =	stream.indirect_vreg.gather [hbm4b:s6+s1], $0x80, v3, vm0, $0xb8;
	[tilespmem:$0x1C200] =	vst v63  }
0x52: {  	s25 =	simm.s32 $0xCA00  }
0x53: {  	[tilespmem:s25], [sflag:$0x2] =	stream.indirect_vreg.gather [hbm4b:s7+s1], $0x80, v3, vm0, $0xb8;
	[tilespmem:$0x1C200] =	vst v63  }
0x54: {  	v3 =	vld [tilespmem:$0x90];
	_ =	sdelay $0x4  }
0x55: {  	v4 =	vshrl.u32 v3, $0x3  }
0x56: {  	v4 =	vmul.u32 $0x30, v4  }
0x57: {  	v3 =	vand.u32 $0x7, v3  }
0x58: {  	v3 =	vor.u32 v3, v4  }
0x59: {  	v4 =	vperm.xlane v3, v0;
	_ =	sdelay $0x1  }
0x5a: {  	v4 =	vadd.s32 v1, v4;
	_ =	sdelay $0x3  }
0x5b: {  	s26 =	simm.s32 $0xD200;
	v3 =	vperm.xlane v3, v2  }
0x5c: {  	[tilespmem:s26], [sflag:$0x2] =	stream.indirect_vreg.gather [hbm4b:s3+s1], $0x80, v4, vm0, $0xb8;
	[tilespmem:$0x1C200] =	vst v63  }
0x5d: {  	s28 =	simm.s32 $0xDA00;
	v3 =	vadd.s32 v1, v3  }
0x5e: {  	[tilespmem:s28], [sflag:$0x2] =	stream.indirect_vreg.gather [hbm4b:s6+s1], $0x80, v4, vm0, $0xb8;
	[tilespmem:$0x1C200] =	vst v63  }
0x5f: {  	s29 =	simm.s32 $0xE200  }
0x60: {  	[tilespmem:s29], [sflag:$0x2] =	stream.indirect_vreg.gather [hbm4b:s7+s1], $0x80, v4, vm0, $0xb8;
	[tilespmem:$0x1C200] =	vst v63  }
0x61: {  	s23 =	simm.s32 $0xEA00  }
0x62: {  	[tilespmem:s23], [sflag:$0x2] =	stream.indirect_vreg.gather [hbm4b:s3+s1], $0x80, v3, vm0, $0xb8;
	[tilespmem:$0x1C200] =	vst v63  }
0x63: {  	s24 =	simm.s32 $0xF200  }
0x64: {  	[tilespmem:s24], [sflag:$0x2] =	stream.indirect_vreg.gather [hbm4b:s6+s1], $0x80, v3, vm0, $0xb8;
	[tilespmem:$0x1C200] =	vst v63  }
0x65: {  	s25 =	simm.s32 $0xFA00  }
0x66: {  	[tilespmem:s25], [sflag:$0x2] =	stream.indirect_vreg.gather [hbm4b:s7+s1], $0x80, v3, vm0, $0xb8;
	[tilespmem:$0x1C200] =	vst v63  }
0x67: {  	s26 =	simm.s32 $0x100  }
0x68: {  	[tilespmem:s26], [sflag:$0x5] =	stream.linear.gather [hbm4b:s8+s1], $0x20, $0x38;
	[tilespmem:$0x1C200] =	vst v63  }
0x69: {  	_ =	swait.ge [sflag:s17], $0x20  }
0x6a: {  	[sflag:s17] =	ssyncset.done $0x0  }
0x6b: {  	s28 =	simm.s32 $0x180;
	[sflag:s17] =	ssyncadd.s32 $0xFFFFFFE0  }
0x6c: {  	[tilespmem:s28], [sflag:$0x5] =	stream.linear.gather [hbm4b:s9+s1], $0x20, $0x38;
	[tilespmem:$0x1C200] =	vst v63  }
0x6d: {  	_ =	swait.ge [sflag:s17], $0x20  }
0x6e: {  	[sflag:s17] =	ssyncset.done $0x0  }
0x6f: {  	[sflag:s17] =	ssyncadd.s32 $0xFFFFFFE0  }
0x70: {  	v3 =	vld [tilespmem:$0x100];
	_ =	sdelay $0x4  }
0x71: {  	v4 =	vshrl.u32 v3, $0x3  }
0x72: {  	v4 =	vmul.u32 $0x30, v4  }
0x73: {  	v3 =	vand.u32 $0x7, v3  }
0x74: {  	v3 =	vor.u32 v3, v4  }
0x75: {  	v4 =	vperm.xlane v3, v0;
	_ =	sdelay $0x1  }
0x76: {  	v4 =	vadd.s32 v1, v4;
	_ =	sdelay $0x3  }
0x77: {  	v3 =	vperm.xlane v3, v2  }
0x78: {  	[tilespmem:s0], [sflag:$0x3] =	stream.indirect_vreg.gather [hbm4b:s3+s1], $0x80, v4, vm0, $0xb8;
	[tilespmem:$0x1C200] =	vst v63  }
0x79: {  	s29 =	simm.s32 $0x10A00;
	v3 =	vadd.s32 v1, v3  }
0x7a: {  	[tilespmem:s29], [sflag:$0x3] =	stream.indirect_vreg.gather [hbm4b:s6+s1], $0x80, v4, vm0, $0xb8;
	[tilespmem:$0x1C200] =	vst v63  }
0x7b: {  	s23 =	simm.s32 $0x11200  }
0x7c: {  	[tilespmem:s23], [sflag:$0x3] =	stream.indirect_vreg.gather [hbm4b:s7+s1], $0x80, v4, vm0, $0xb8;
	[tilespmem:$0x1C200] =	vst v63  }
0x7d: {  	s24 =	simm.s32 $0x11A00  }
0x7e: {  	[tilespmem:s24], [sflag:$0x3] =	stream.indirect_vreg.gather [hbm4b:s3+s1], $0x80, v3, vm0, $0xb8;
	[tilespmem:$0x1C200] =	vst v63  }
0x7f: {  	s25 =	simm.s32 $0x12200  }
0x80: {  	[tilespmem:s25], [sflag:$0x3] =	stream.indirect_vreg.gather [hbm4b:s6+s1], $0x80, v3, vm0, $0xb8;
	[tilespmem:$0x1C200] =	vst v63  }
0x81: {  	s26 =	simm.s32 $0x12A00  }
0x82: {  	[tilespmem:s26], [sflag:$0x3] =	stream.indirect_vreg.gather [hbm4b:s7+s1], $0x80, v3, vm0, $0xb8;
	[tilespmem:$0x1C200] =	vst v63  }
0x83: {  	v3 =	vld [tilespmem:$0x110];
	_ =	sdelay $0x4  }
0x84: {  	v4 =	vshrl.u32 v3, $0x3  }
0x85: {  	v4 =	vmul.u32 $0x30, v4  }
0x86: {  	v3 =	vand.u32 $0x7, v3  }
0x87: {  	v3 =	vor.u32 v3, v4  }
0x88: {  	v4 =	vperm.xlane v3, v0;
	_ =	sdelay $0x1  }
0x89: {  	v4 =	vadd.s32 v1, v4;
	_ =	sdelay $0x3  }
0x8a: {  	s28 =	simm.s32 $0x13200;
	v3 =	vperm.xlane v3, v2  }
0x8b: {  	[tilespmem:s28], [sflag:$0x3] =	stream.indirect_vreg.gather [hbm4b:s3+s1], $0x80, v4, vm0, $0xb8;
	[tilespmem:$0x1C200] =	vst v63  }
0x8c: {  	s29 =	simm.s32 $0x13A00;
	v3 =	vadd.s32 v1, v3  }
0x8d: {  	[tilespmem:s29], [sflag:$0x3] =	stream.indirect_vreg.gather [hbm4b:s6+s1], $0x80, v4, vm0, $0xb8;
	[tilespmem:$0x1C200] =	vst v63  }
0x8e: {  	s23 =	simm.s32 $0x14200  }
0x8f: {  	[tilespmem:s23], [sflag:$0x3] =	stream.indirect_vreg.gather [hbm4b:s7+s1], $0x80, v4, vm0, $0xb8;
	[tilespmem:$0x1C200] =	vst v63  }
0x90: {  	s24 =	simm.s32 $0x14A00  }
0x91: {  	[tilespmem:s24], [sflag:$0x3] =	stream.indirect_vreg.gather [hbm4b:s3+s1], $0x80, v3, vm0, $0xb8;
	[tilespmem:$0x1C200] =	vst v63  }
0x92: {  	s25 =	simm.s32 $0x15200  }
0x93: {  	[tilespmem:s25], [sflag:$0x3] =	stream.indirect_vreg.gather [hbm4b:s6+s1], $0x80, v3, vm0, $0xb8;
	[tilespmem:$0x1C200] =	vst v63  }
0x94: {  	s26 =	simm.s32 $0x15A00  }
0x95: {  	[tilespmem:s26], [sflag:$0x3] =	stream.indirect_vreg.gather [hbm4b:s7+s1], $0x80, v3, vm0, $0xb8;
	[tilespmem:$0x1C200] =	vst v63  }
0x96: {  	v3 =	vld [tilespmem:$0x180];
	_ =	sdelay $0x4  }
0x97: {  	v4 =	vshrl.u32 v3, $0x3  }
0x98: {  	v4 =	vmul.u32 $0x30, v4  }
0x99: {  	v3 =	vand.u32 $0x7, v3  }
0x9a: {  	v3 =	vor.u32 v3, v4  }
0x9b: {  	v4 =	vperm.xlane v3, v0;
	_ =	sdelay $0x1  }
0x9c: {  	v4 =	vadd.s32 v1, v4;
	_ =	sdelay $0x3  }
0x9d: {  	s28 =	simm.s32 $0x16200;
	v3 =	vperm.xlane v3, v2  }
0x9e: {  	[tilespmem:s28], [sflag:$0x4] =	stream.indirect_vreg.gather [hbm4b:s3+s1], $0x80, v4, vm0, $0xb8;
	[tilespmem:$0x1C200] =	vst v63  }
0x9f: {  	s29 =	simm.s32 $0x16A00;
	v3 =	vadd.s32 v1, v3  }
0xa0: {  	[tilespmem:s29], [sflag:$0x4] =	stream.indirect_vreg.gather [hbm4b:s6+s1], $0x80, v4, vm0, $0xb8;
	[tilespmem:$0x1C200] =	vst v63  }
0xa1: {  	s23 =	simm.s32 $0x17200  }
0xa2: {  	[tilespmem:s23], [sflag:$0x4] =	stream.indirect_vreg.gather [hbm4b:s7+s1], $0x80, v4, vm0, $0xb8;
	[tilespmem:$0x1C200] =	vst v63  }
0xa3: {  	s24 =	simm.s32 $0x17A00  }
0xa4: {  	[tilespmem:s24], [sflag:$0x4] =	stream.indirect_vreg.gather [hbm4b:s3+s1], $0x80, v3, vm0, $0xb8;
	[tilespmem:$0x1C200] =	vst v63  }
0xa5: {  	s25 =	simm.s32 $0x18200  }
0xa6: {  	[tilespmem:s25], [sflag:$0x4] =	stream.indirect_vreg.gather [hbm4b:s6+s1], $0x80, v3, vm0, $0xb8;
	[tilespmem:$0x1C200] =	vst v63  }
0xa7: {  	s26 =	simm.s32 $0x18A00  }
0xa8: {  	[tilespmem:s26], [sflag:$0x4] =	stream.indirect_vreg.gather [hbm4b:s7+s1], $0x80, v3, vm0, $0xb8;
	[tilespmem:$0x1C200] =	vst v63  }
0xa9: {  	v3 =	vld [tilespmem:$0x190];
	_ =	sdelay $0x4  }
0xaa: {  	v4 =	vshrl.u32 v3, $0x3  }
0xab: {  	v4 =	vmul.u32 $0x30, v4  }
0xac: {  	v3 =	vand.u32 $0x7, v3  }
0xad: {  	v3 =	vor.u32 v3, v4  }
0xae: {  	v4 =	vperm.xlane v3, v0;
	_ =	sdelay $0x1  }
0xaf: {  	v4 =	vadd.s32 v1, v4;
	_ =	sdelay $0x3  }
0xb0: {  	s28 =	simm.s32 $0x19200;
	v3 =	vperm.xlane v3, v2  }
0xb1: {  	[tilespmem:s28], [sflag:$0x4] =	stream.indirect_vreg.gather [hbm4b:s3+s1], $0x80, v4, vm0, $0xb8;
	[tilespmem:$0x1C200] =	vst v63  }
0xb2: {  	s29 =	simm.s32 $0x19A00;
	v3 =	vadd.s32 v1, v3  }
0xb3: {  	[tilespmem:s29], [sflag:$0x4] =	stream.indirect_vreg.gather [hbm4b:s6+s1], $0x80, v4, vm0, $0xb8;
	[tilespmem:$0x1C200] =	vst v63  }
0xb4: {  	s23 =	simm.s32 $0x1A200  }
0xb5: {  	[tilespmem:s23], [sflag:$0x4] =	stream.indirect_vreg.gather [hbm4b:s7+s1], $0x80, v4, vm0, $0xb8;
	[tilespmem:$0x1C200] =	vst v63  }
0xb6: {  	s24 =	simm.s32 $0x1AA00  }
0xb7: {  	[tilespmem:s24], [sflag:$0x4] =	stream.indirect_vreg.gather [hbm4b:s3+s1], $0x80, v3, vm0, $0xb8;
	[tilespmem:$0x1C200] =	vst v63  }
0xb8: {  	s25 =	simm.s32 $0x1B200  }
0xb9: {  	[tilespmem:s25], [sflag:$0x4] =	stream.indirect_vreg.gather [hbm4b:s6+s1], $0x80, v3, vm0, $0xb8;
	[tilespmem:$0x1C200] =	vst v63  }
0xba: {  	s26 =	simm.s32 $0x1BA00  }
0xbb: {  	[tilespmem:s26], [sflag:$0x4] =	stream.indirect_vreg.gather [hbm4b:s7+s1], $0x80, v3, vm0, $0xb8;
	[tilespmem:$0x1C200] =	vst v63  }
0xbc: {  	s22 =	simm.s32 $0x200  }
0xbd: {  	[tilespmem:s22], [sflag:$0x5] =	stream.linear.gather [hbm4b:s10+s1], $0x1000, $0x38;
	[tilespmem:$0x1C200] =	vst v63  }
0xbe: {  	_ =	swait.ge [sflag:s17], $0x1000  }
0xbf: {  	[sflag:s17] =	ssyncset.done $0x0  }
0xc0: {  	s23 =	simm.s32 $0x1200;
	[sflag:s17] =	ssyncadd.s32 $0xFFFFF000  }
0xc1: {  	[tilespmem:s23], [sflag:$0x5] =	stream.linear.gather [hbm4b:s11+s1], $0x1000, $0x38;
	[tilespmem:$0x1C200] =	vst v63  }
0xc2: {  	_ =	swait.ge [sflag:s17], $0x1000  }
0xc3: {  	[sflag:s17] =	ssyncset.done $0x0  }
0xc4: {  	s24 =	simm.s32 $0x2200;
	[sflag:s17] =	ssyncadd.s32 $0xFFFFF000  }
0xc5: {  	[tilespmem:s24], [sflag:$0x5] =	stream.linear.gather [hbm4b:s12+s1], $0x1000, $0x38;
	[tilespmem:$0x1C200] =	vst v63  }
0xc6: {  	_ =	swait.ge [sflag:s17], $0x1000  }
0xc7: {  	[sflag:s17] =	ssyncset.done $0x0  }
0xc8: {  	[sflag:s17] =	ssyncadd.s32 $0xFFFFF000  }
0xc9: {  	[tilespmem:s30], [sflag:$0x5] =	stream.linear.gather [hbm4b:s13+s1], $0x1000, $0x38;
	[tilespmem:$0x1C200] =	vst v63  }
0xca: {  	_ =	swait.ge [sflag:s17], $0x1000  }
0xcb: {  	[sflag:s17] =	ssyncset.done $0x0  }
0xcc: {  	[sflag:s17] =	ssyncadd.s32 $0xFFFFF000  }
0xcd: {  	_ =	swait.ge [sflag:s31], $0x6000  }
0xce: {  	[sflag:s31] =	ssyncset.done $0x0  }
0xcf: {  	s28 =	simm.s32 $0x0;
	[sflag:s31] =	ssyncadd.s32 $0xFFFFA000  }
0xd0: {  	s24 =	smul.u32 $0x1800, s28;
	_ =	swait.ge [sflag:s2], $0x6000  }
0xd1: {  	s25 =	sand.u32 $0x380, s1;
	[sflag:s2] =	ssyncset.done $0x0  }
0xd2: {  	s26 =	sor.u32 s25, s24;
	[sflag:s2] =	ssyncadd.s32 $0xFFFFA000  }
0xd3: {  	v4 =	vld [tilespmem:s26+$0x4210]  }
0xd4: {  	v3 =	vld [tilespmem:s26+$0xA210]  }
0xd5: {  	v6 =	vld [tilespmem:s26+$0x4220]  }
0xd6: {  	v5 =	vld [tilespmem:s26+$0xA220]  }
0xd7: {  	v10 =	vld [tilespmem:s26+$0x4230]  }
0xd8: {  	v9 =	vld [tilespmem:s26+$0xA230]  }
0xd9: {  	v12 =	vld [tilespmem:s26+$0x4240]  }
0xda: {  	v11 =	vld [tilespmem:s26+$0xA240]  }
0xdb: {  	v13 =	vld [tilespmem:s26+$0x4260]  }
0xdc: {  	v14 =	vld [tilespmem:s26+$0x4270]  }
0xdd: {  	v15 =	vld [tilespmem:s26+$0x4600]  }
0xde: {  	v16 =	vld [tilespmem:s26+$0x4610]  }
0xdf: {  	v17 =	vld [tilespmem:s26+$0x4620]  }
0xe0: {  	v18 =	vld [tilespmem:s26+$0x4630]  }
0xe1: {  	v19 =	vld [tilespmem:s26+$0x4640]  }
0xe2: {  	v20 =	vld [tilespmem:s26+$0x4650]  }
0xe3: {  	v21 =	vld [tilespmem:s26+$0x4660]  }
0xe4: {  	v22 =	vld [tilespmem:s26+$0x4670]  }
0xe5: {  	v23 =	vld [tilespmem:s26+$0x4A00]  }
0xe6: {  	v24 =	vld [tilespmem:s26+$0x4A10]  }
0xe7: {  	v25 =	vld [tilespmem:s26+$0x4A20]  }
0xe8: {  	v26 =	vld [tilespmem:s26+$0x4A30]  }
0xe9: {  	v27 =	vld [tilespmem:s26+$0x4A40]  }
0xea: {  	v28 =	vld [tilespmem:s26+$0x4A50]  }
0xeb: {  	v29 =	vld [tilespmem:s26+$0x4A60]  }
0xec: {  	v30 =	vld [tilespmem:s26+$0x4A70]  }
0xed: {  	v31 =	vld [tilespmem:s26+$0x4E00]  }
0xee: {  	v32 =	vld [tilespmem:s26+$0x4E10]  }
0xef: {  	v33 =	vld [tilespmem:s26+$0x4E20]  }
0xf0: {  	v34 =	vld [tilespmem:s26+$0x4E30]  }
0xf1: {  	v35 =	vld [tilespmem:s26+$0x4E40]  }
0xf2: {  	v36 =	vld [tilespmem:s26+$0x4E50]  }
0xf3: {  	v37 =	vld [tilespmem:s26+$0x4E60]  }
0xf4: {  	v38 =	vld [tilespmem:s26+$0x4E70]  }
0xf5: {  	v39 =	vld [tilespmem:s26+$0x5200]  }
0xf6: {  	v40 =	vld [tilespmem:s26+$0x5210]  }
0xf7: {  	v41 =	vld [tilespmem:s26+$0x5220]  }
0xf8: {  	v42 =	vld [tilespmem:s26+$0x5230]  }
0xf9: {  	v43 =	vld [tilespmem:s26+$0x5240]  }
0xfa: {  	v44 =	vld [tilespmem:s26+$0x5250]  }
0xfb: {  	v45 =	vld [tilespmem:s26+$0x5260]  }
0xfc: {  	v46 =	vld [tilespmem:s26+$0x5600]  }
0xfd: {  	v47 =	vld [tilespmem:s26+$0x5610]  }
0xfe: {  	v48 =	vld [tilespmem:s26+$0xB610]  }
0xff: {  	v49 =	vld [tilespmem:s26+$0xB630]  }
0x100: {  	v50 =	vld [tilespmem:s26+$0x5630]  }
0x101: {  	v51 =	vld [tilespmem:s26+$0x5620]  }
0x102: {  	v7 =	vld [tilespmem:s22+$0x0]  }
0x103: {  	v8 =	vld [tilespmem:s23+$0x0]  }
0x104: {  	v52 =	vld [tilespmem:s26+$0xB620]  }
0x105: {  	v53 =	vld [tilespmem:s26+$0xB600]  }
0x106: {  	v54 =	vld [tilespmem:s26+$0x5270]  }
0x107: {  	v55 =	vld [tilespmem:s26+$0xB270];
	v50 =	vmul.f32 v50, v7  }
0x108: {  	v56 =	vld [tilespmem:s26+$0xB260];
	v49 =	vmul.f32 v49, v8;
	v51 =	vmul.f32 v51, v7  }
0x109: {  	v57 =	vld [tilespmem:s26+$0xB250];
	v52 =	vmul.f32 v52, v8;
	v47 =	vmul.f32 v47, v7  }
0x10a: {  	v61 =	vld [tilespmem:s26+$0xB200];
	v48 =	vmul.f32 v48, v8;
	v46 =	vmul.f32 v46, v7  }
0x10b: {  	v58 =	vld [tilespmem:s26+$0xB240];
	v62 =	vmul.f32 v53, v8;
	v63 =	vmul.f32 v54, v7;
	v49 =	vadd.f32 v49, v50  }
0x10c: {  	v53 =	vld [tilespmem:s26+$0xB230];
	v59 =	vmul.f32 v55, v8;
	v45 =	vmul.f32 v45, v7;
	v51 =	vadd.f32 v52, v51  }
0x10d: {  	v60 =	vmul.f32 v56, v8;
	v44 =	vmul.f32 v44, v7;
	v56 =	vld [tilespmem:s26+$0xAE60];
	v47 =	vadd.f32 v48, v47;
	[tilespmem:s26+$0x5630] =	vst v49  }
0x10e: {  	v43 =	vmul.f32 v43, v7;
	v39 =	vmul.f32 v39, v7;
	v55 =	vld [tilespmem:s26+$0xAA70];
	v46 =	vadd.f32 v62, v46;
	[tilespmem:s26+$0x5620] =	vst v51  }
0x10f: {  	v61 =	vmul.f32 v61, v8;
	v12 =	vmul.f32 v12, v7;
	v48 =	vld [tilespmem:s26+$0xB220];
	v52 =	vadd.f32 v59, v63;
	[tilespmem:s26+$0x5610] =	vst v47  }
0x110: {  	v11 =	vmul.f32 v11, v8;
	v63 =	vmul.f32 v58, v8;
	v45 =	vadd.f32 v60, v45;
	v58 =	vld [tilespmem:s26+$0xAE50];
	[tilespmem:s26+$0x5600] =	vst v46  }
0x111: {  	v42 =	vmul.f32 v42, v7;
	v62 =	vmul.f32 v57, v8;
	v59 =	vld [tilespmem:s26+$0xAE40];
	v39 =	vadd.f32 v61, v39;
	[tilespmem:s26+$0x5270] =	vst v52  }
0x112: {  	v41 =	vmul.f32 v41, v7;
	v40 =	vmul.f32 v40, v7;
	v60 =	vld [tilespmem:s26+$0xAE30];
	v11 =	vadd.f32 v11, v12;
	[tilespmem:s26+$0x5260] =	vst v45  }
0x113: {  	v38 =	vmul.f32 v38, v7;
	v61 =	vld [tilespmem:s26+$0xAA10];
	v44 =	vadd.f32 v62, v44;
	[tilespmem:s26+$0x5200] =	vst v39;
	v57 =	vmul.f32 v53, v8  }
0x114: {  	v37 =	vmul.f32 v37, v7;
	v49 =	vld [tilespmem:s26+$0xB210];
	v43 =	vadd.f32 v63, v43;
	[tilespmem:s26+$0x4240] =	vst v11;
	v46 =	vmul.f32 v56, v8  }
0x115: {  	v36 =	vmul.f32 v36, v7;
	v47 =	vld [tilespmem:s26+$0xAE70];
	[tilespmem:s26+$0x5250] =	vst v44;
	v48 =	vmul.f32 v48, v8;
	v42 =	vadd.f32 v57, v42  }
0x116: {  	v35 =	vmul.f32 v35, v7;
	v62 =	vld [tilespmem:s26+$0xAE20];
	[tilespmem:s26+$0x5240] =	vst v43;
	v54 =	vmul.f32 v58, v8;
	v37 =	vadd.f32 v46, v37  }
0x117: {  	v34 =	vmul.f32 v34, v7;
	v63 =	vld [tilespmem:s26+$0xAE10];
	v45 =	vmul.f32 v59, v8;
	v41 =	vadd.f32 v48, v41;
	[tilespmem:s26+$0x5230] =	vst v42  }
0x118: {  	v33 =	vmul.f32 v33, v7;
	v56 =	vld [tilespmem:s26+$0xAA60];
	v44 =	vmul.f32 v60, v8;
	v36 =	vadd.f32 v54, v36;
	[tilespmem:s26+$0x4E60] =	vst v37  }
0x119: {  	v32 =	vmul.f32 v32, v7;
	v53 =	vld [tilespmem:s26+$0xAE00];
	v49 =	vmul.f32 v49, v8;
	v35 =	vadd.f32 v45, v35;
	[tilespmem:s26+$0x5220] =	vst v41  }
0x11a: {  	v6 =	vmul.f32 v6, v7;
	v12 =	vld [tilespmem:s26+$0x5660];
	v47 =	vmul.f32 v47, v8;
	v34 =	vadd.f32 v44, v34;
	[tilespmem:s26+$0x4E50] =	vst v36  }
0x11b: {  	v5 =	vmul.f32 v5, v8;
	v58 =	vld [tilespmem:s26+$0xAA40];
	v43 =	vmul.f32 v62, v8;
	v40 =	vadd.f32 v49, v40;
	[tilespmem:s26+$0x4E40] =	vst v35  }
0x11c: {  	v29 =	vmul.f32 v29, v7;
	v59 =	vld [tilespmem:s26+$0xAA30];
	v42 =	vmul.f32 v63, v8;
	v38 =	vadd.f32 v47, v38;
	[tilespmem:s26+$0x4E30] =	vst v34  }
0x11d: {  	v5 =	vadd.f32 v5, v6;
	v6 =	vld [tilespmem:s26+$0x4200];
	v39 =	vmul.f32 v56, v8;
	v33 =	vadd.f32 v43, v33;
	[tilespmem:s26+$0x5210] =	vst v40  }
0x11e: {  	v31 =	vmul.f32 v31, v7;
	v60 =	vld [tilespmem:s26+$0xAA20];
	v41 =	vmul.f32 v53, v8;
	v32 =	vadd.f32 v42, v32;
	[tilespmem:s26+$0x4E70] =	vst v38  }
0x11f: {  	v24 =	vmul.f32 v24, v7;
	v57 =	vld [tilespmem:s26+$0xAA50];
	v34 =	vmul.f32 v61, v8;
	v29 =	vadd.f32 v39, v29;
	[tilespmem:s26+$0x4E20] =	vst v33  }
0x120: {  	v27 =	vmul.f32 v27, v7;
	v62 =	vld [tilespmem:s26+$0xAA00];
	v37 =	vmul.f32 v58, v8;
	v31 =	vadd.f32 v41, v31;
	[tilespmem:s26+$0x4E10] =	vst v32  }
0x121: {  	v26 =	vmul.f32 v26, v7;
	v63 =	vld [tilespmem:s26+$0xA670];
	v36 =	vmul.f32 v59, v8;
	v24 =	vadd.f32 v34, v24;
	[tilespmem:s26+$0x4A60] =	vst v29  }
0x122: {  	v30 =	vmul.f32 v30, v7;
	v40 =	vmul.f32 v55, v8;
	v27 =	vadd.f32 v37, v27;
	v29 =	vld [tilespmem:s26+$0xA640];
	[tilespmem:s26+$0x4E00] =	vst v31  }
0x123: {  	v25 =	vmul.f32 v25, v7;
	v35 =	vmul.f32 v60, v8;
	v26 =	vadd.f32 v36, v26;
	v31 =	vld [tilespmem:s26+$0xA660];
	[tilespmem:s26+$0x4A10] =	vst v24  }
0x124: {  	v28 =	vmul.f32 v28, v7;
	v38 =	vmul.f32 v57, v8;
	v30 =	vadd.f32 v40, v30;
	v24 =	vld [tilespmem:s26+$0xA270];
	[tilespmem:s26+$0x4A40] =	vst v27  }
0x125: {  	v23 =	vmul.f32 v23, v7;
	v33 =	vmul.f32 v62, v8;
	v25 =	vadd.f32 v35, v25;
	v27 =	vld [tilespmem:s26+$0xA620];
	[tilespmem:s26+$0x4A30] =	vst v26  }
0x126: {  	v22 =	vmul.f32 v22, v7;
	v32 =	vmul.f32 v63, v8;
	v28 =	vadd.f32 v38, v28;
	[tilespmem:s26+$0x4A70] =	vst v30;
	v30 =	vld [tilespmem:s26+$0xA650]  }
0x127: {  	v19 =	vmul.f32 v19, v7;
	v23 =	vadd.f32 v33, v23;
	[tilespmem:s26+$0x4A20] =	vst v25;
	v25 =	vld [tilespmem:s26+$0xA600];
	v29 =	vmul.f32 v29, v8  }
0x128: {  	v21 =	vmul.f32 v21, v7;
	v22 =	vadd.f32 v32, v22;
	[tilespmem:s26+$0x4A50] =	vst v28;
	v28 =	vld [tilespmem:s26+$0xA630];
	v31 =	vmul.f32 v31, v8  }
0x129: {  	v14 =	vmul.f32 v14, v7;
	[tilespmem:s26+$0x4A00] =	vst v23;
	v23 =	vld [tilespmem:s26+$0xA260];
	v24 =	vmul.f32 v24, v8;
	v19 =	vadd.f32 v29, v19  }
0x12a: {  	v17 =	vmul.f32 v17, v7;
	v26 =	vld [tilespmem:s26+$0xA610];
	[tilespmem:s26+$0x4670] =	vst v22;
	v27 =	vmul.f32 v27, v8;
	v21 =	vadd.f32 v31, v21  }
0x12b: {  	v20 =	vmul.f32 v20, v7;
	v22 =	vld [tilespmem:s26+$0x4250];
	v30 =	vmul.f32 v30, v8;
	v14 =	vadd.f32 v24, v14;
	[tilespmem:s26+$0x4640] =	vst v19  }
0x12c: {  	v15 =	vmul.f32 v15, v7;
	v25 =	vmul.f32 v25, v8;
	v17 =	vadd.f32 v27, v17;
	v19 =	vld [tilespmem:s26+$0xB650];
	[tilespmem:s26+$0x4660] =	vst v21  }
0x12d: {  	v18 =	vmul.f32 v18, v7;
	v28 =	vmul.f32 v28, v8;
	v20 =	vadd.f32 v30, v20;
	v21 =	vld [tilespmem:s26+$0xA250];
	[tilespmem:s26+$0x4270] =	vst v14  }
0x12e: {  	v13 =	vmul.f32 v13, v7;
	v23 =	vmul.f32 v23, v8;
	v15 =	vadd.f32 v25, v15;
	[tilespmem:s26+$0x4620] =	vst v17;
	v17 =	vld [tilespmem:s26+$0x5640]  }
0x12f: {  	v16 =	vmul.f32 v16, v7;
	v26 =	vmul.f32 v26, v8;
	v18 =	vadd.f32 v28, v18;
	[tilespmem:s26+$0x4650] =	vst v20;
	v20 =	vld [tilespmem:s26+$0xB640]  }
0x130: {  	v10 =	vmul.f32 v10, v7;
	v9 =	vmul.f32 v9, v8;
	v13 =	vadd.f32 v23, v13;
	[tilespmem:s26+$0x4600] =	vst v15;
	v15 =	vld [tilespmem:s26+$0x5650]  }
0x131: {  	v4 =	vmul.f32 v4, v7;
	v3 =	vmul.f32 v3, v8;
	v16 =	vadd.f32 v26, v16;
	[tilespmem:s26+$0x4630] =	vst v18;
	v18 =	vld [tilespmem:s26+$0xB660]  }
0x132: {  	v9 =	vadd.f32 v9, v10;
	v10 =	vmul.f32 v22, v7;
	v14 =	vld [tilespmem:s26+$0x5670];
	[tilespmem:s26+$0x4260] =	vst v13;
	v13 =	vmul.f32 v21, v8  }
0x133: {  	v3 =	vadd.f32 v3, v4;
	[tilespmem:s26+$0x4610] =	vst v16;
	v16 =	vld [tilespmem:s26+$0xB670]  }
0x134: {  	s29 =	simm.s32 $0x0;
	[tilespmem:s26+$0x4230] =	vst v9;
	v9 =	vld [tilespmem:s26+$0xA200];
	v11 =	vmul.f32 v17, v7;
	v17 =	vmul.f32 v20, v8;
	v4 =	vadd.f32 v13, v10  }
0x135: {  	s24 =	smul.u32 $0x1800, s29;
	s25 =	simm.s32 $0x80;
	[tilespmem:s26+$0x4220] =	vst v5;
	v5 =	vmul.f32 v15, v7;
	v10 =	vmul.f32 v19, v8  }
0x136: {  	s28 =	sand.u32 $0x380, s25;
	v11 =	vadd.f32 v17, v11;
	[tilespmem:s26+$0x4250] =	vst v4;
	v4 =	vmul.f32 v12, v7;
	v12 =	vmul.f32 v18, v8  }
0x137: {  	s24 =	sor.u32 s28, s24;
	[tilespmem:s26+$0x4210] =	vst v3;
	v5 =	vadd.f32 v10, v5  }
0x138: {  	v3 =	vld [tilespmem:s24+$0x4210];
	v10 =	vmul.f32 v14, v7;
	[tilespmem:s26+$0x5640] =	vst v11;
	v11 =	vmul.f32 v16, v8;
	v12 =	vadd.f32 v12, v4  }
0x139: {  	v7 =	vmul.f32 v6, v7;
	v8 =	vmul.f32 v9, v8;
	v4 =	vld [tilespmem:s24+$0xA210];
	[tilespmem:s26+$0x5650] =	vst v5  }
0x13a: {  	v9 =	vadd.f32 v11, v10;
	v6 =	vld [tilespmem:s24+$0x4220];
	[tilespmem:s26+$0x5660] =	vst v12  }
0x13b: {  	v7 =	vadd.f32 v8, v7;
	v5 =	vld [tilespmem:s24+$0xA220]  }
0x13c: {  	v8 =	vld [tilespmem:s24+$0x4230];
	[tilespmem:s26+$0x5670] =	vst v9  }
0x13d: {  	v18 =	vld [tilespmem:s24+$0x4630];
	[tilespmem:s26+$0x4200] =	vst v7  }
0x13e: {  	v7 =	vld [tilespmem:s24+$0xA230]  }
0x13f: {  	v10 =	vld [tilespmem:s24+$0x4240]  }
0x140: {  	v9 =	vld [tilespmem:s24+$0xA240]  }
0x141: {  	v12 =	vld [tilespmem:s24+$0x4250]  }
0x142: {  	v11 =	vld [tilespmem:s24+$0xA250]  }
0x143: {  	v13 =	vld [tilespmem:s24+$0x4260]  }
0x144: {  	v14 =	vld [tilespmem:s24+$0x4270]  }
0x145: {  	v15 =	vld [tilespmem:s24+$0x4600]  }
0x146: {  	v16 =	vld [tilespmem:s24+$0x4610]  }
0x147: {  	v17 =	vld [tilespmem:s24+$0x4620]  }
0x148: {  	v19 =	vld [tilespmem:s24+$0x4640]  }
0x149: {  	v20 =	vld [tilespmem:s24+$0x4650]  }
0x14a: {  	v21 =	vld [tilespmem:s24+$0x4660]  }
0x14b: {  	v22 =	vld [tilespmem:s24+$0x4670]  }
0x14c: {  	v23 =	vld [tilespmem:s24+$0x4A00]  }
0x14d: {  	v24 =	vld [tilespmem:s24+$0x4A10]  }
0x14e: {  	v25 =	vld [tilespmem:s24+$0x4A20]  }
0x14f: {  	v26 =	vld [tilespmem:s24+$0x4A30]  }
0x150: {  	v27 =	vld [tilespmem:s24+$0x4A40]  }
0x151: {  	v28 =	vld [tilespmem:s24+$0x4A50]  }
0x152: {  	v29 =	vld [tilespmem:s24+$0x4A60]  }
0x153: {  	v30 =	vld [tilespmem:s24+$0x4A70]  }
0x154: {  	v31 =	vld [tilespmem:s24+$0x4E00]  }
0x155: {  	v34 =	vld [tilespmem:s24+$0x4E10]  }
0x156: {  	v35 =	vld [tilespmem:s24+$0x4E20]  }
0x157: {  	v36 =	vld [tilespmem:s24+$0x4E30]  }
0x158: {  	v37 =	vld [tilespmem:s24+$0x4E40]  }
0x159: {  	v38 =	vld [tilespmem:s24+$0x4E50]  }
0x15a: {  	v39 =	vld [tilespmem:s24+$0x4E60]  }
0x15b: {  	v40 =	vld [tilespmem:s24+$0x4E70]  }
0x15c: {  	v41 =	vld [tilespmem:s24+$0x5200]  }
0x15d: {  	v42 =	vld [tilespmem:s24+$0x5210]  }
0x15e: {  	v43 =	vld [tilespmem:s24+$0x5220]  }
0x15f: {  	v44 =	vld [tilespmem:s24+$0x5230]  }
0x160: {  	v45 =	vld [tilespmem:s24+$0x5240]  }
0x161: {  	v46 =	vld [tilespmem:s24+$0x5250]  }
0x162: {  	v47 =	vld [tilespmem:s24+$0x5260]  }
0x163: {  	v48 =	vld [tilespmem:s24+$0x5600]  }
0x164: {  	v50 =	vld [tilespmem:s24+$0x5610]  }
0x165: {  	v49 =	vld [tilespmem:s24+$0xB610]  }
0x166: {  	s26 =	simm.s32 $0x2;
	v51 =	vld [tilespmem:s24+$0xB630]  }
.LBB2_2:
0x167: {  	p0 =	sne.s32 s26, $0x1F;
	v52 =	vld [tilespmem:s24+$0x5630]  }
0x168: {  	s22 =	sadd.s32 $0x80, s22;
	v53 =	vld [tilespmem:s24+$0x5620]  }
0x169: {  	s23 =	sadd.s32 $0x80, s23;
	v33 =	vld [tilespmem:s22+$0x0]  }
0x16a: {  	v32 =	vld [tilespmem:s23+$0x0]  }
0x16b: {  	v54 =	vld [tilespmem:s24+$0xB620]  }
0x16c: {  	v55 =	vld [tilespmem:s24+$0xB600]  }
0x16d: {  	v56 =	vld [tilespmem:s24+$0x5270]  }
0x16e: {  	v57 =	vld [tilespmem:s24+$0xB270];
	v50 =	vmul.f32 v50, v33;
	v53 =	vmul.f32 v53, v33  }
0x16f: {  	v52 =	vmul.f32 v52, v33;
	v58 =	vld [tilespmem:s24+$0xB260];
	v51 =	vmul.f32 v51, v32  }
0x170: {  	v49 =	vmul.f32 v49, v32;
	v59 =	vld [tilespmem:s24+$0xB250];
	v54 =	vmul.f32 v54, v32  }
0x171: {  	v48 =	vmul.f32 v48, v33;
	v60 =	vld [tilespmem:s24+$0xB240];
	v55 =	vmul.f32 v55, v32;
	v51 =	vadd.f32 v51, v52  }
0x172: {  	v49 =	vadd.f32 v49, v50;
	v52 =	vld [tilespmem:s24+$0xB230];
	v56 =	vmul.f32 v56, v33;
	v50 =	vadd.f32 v54, v53  }
0x173: {  	v47 =	vmul.f32 v47, v33;
	v53 =	vld [tilespmem:s24+$0xB220];
	v54 =	vmul.f32 v57, v32;
	v48 =	vadd.f32 v55, v48;
	[tilespmem:s24+$0x5630] =	vst v51  }
0x174: {  	v46 =	vmul.f32 v46, v33;
	v51 =	vld [tilespmem:s24+$0xB210];
	v55 =	vmul.f32 v58, v32;
	[tilespmem:s24+$0x5620] =	vst v50  }
0x175: {  	v45 =	vmul.f32 v45, v33;
	v50 =	vld [tilespmem:s24+$0xB200];
	v57 =	vmul.f32 v59, v32;
	v54 =	vadd.f32 v54, v56;
	[tilespmem:s24+$0x5610] =	vst v49  }
0x176: {  	v44 =	vmul.f32 v44, v33;
	v49 =	vld [tilespmem:s24+$0xAE70];
	v56 =	vmul.f32 v60, v32;
	v47 =	vadd.f32 v55, v47;
	[tilespmem:s24+$0x5600] =	vst v48  }
0x177: {  	v43 =	vmul.f32 v43, v33;
	v48 =	vld [tilespmem:s24+$0xAE60];
	v52 =	vmul.f32 v52, v32;
	v46 =	vadd.f32 v57, v46;
	[tilespmem:s24+$0x5270] =	vst v54  }
0x178: {  	v42 =	vmul.f32 v42, v33;
	v54 =	vld [tilespmem:s24+$0xAE50];
	v53 =	vmul.f32 v53, v32;
	v45 =	vadd.f32 v56, v45;
	[tilespmem:s24+$0x5260] =	vst v47  }
0x179: {  	v41 =	vmul.f32 v41, v33;
	v47 =	vld [tilespmem:s24+$0xAE40];
	v51 =	vmul.f32 v51, v32;
	v44 =	vadd.f32 v52, v44;
	[tilespmem:s24+$0x5250] =	vst v46  }
0x17a: {  	v40 =	vmul.f32 v40, v33;
	v46 =	vld [tilespmem:s24+$0xAE30];
	v50 =	vmul.f32 v50, v32;
	v43 =	vadd.f32 v53, v43;
	[tilespmem:s24+$0x5240] =	vst v45  }
0x17b: {  	v39 =	vmul.f32 v39, v33;
	v45 =	vld [tilespmem:s24+$0xAE20];
	v49 =	vmul.f32 v49, v32;
	v42 =	vadd.f32 v51, v42;
	[tilespmem:s24+$0x5230] =	vst v44  }
0x17c: {  	v38 =	vmul.f32 v38, v33;
	v44 =	vld [tilespmem:s24+$0xAE10];
	v48 =	vmul.f32 v48, v32;
	v41 =	vadd.f32 v50, v41;
	[tilespmem:s24+$0x5220] =	vst v43  }
0x17d: {  	v37 =	vmul.f32 v37, v33;
	v43 =	vld [tilespmem:s24+$0xAE00];
	v50 =	vmul.f32 v54, v32;
	v40 =	vadd.f32 v49, v40;
	[tilespmem:s24+$0x5210] =	vst v42  }
0x17e: {  	v36 =	vmul.f32 v36, v33;
	v42 =	vld [tilespmem:s24+$0xAA70];
	v47 =	vmul.f32 v47, v32;
	v39 =	vadd.f32 v48, v39;
	[tilespmem:s24+$0x5200] =	vst v41  }
0x17f: {  	v35 =	vmul.f32 v35, v33;
	v41 =	vld [tilespmem:s24+$0xAA60];
	v46 =	vmul.f32 v46, v32;
	v38 =	vadd.f32 v50, v38;
	[tilespmem:s24+$0x4E70] =	vst v40  }
0x180: {  	v34 =	vmul.f32 v34, v33;
	v40 =	vld [tilespmem:s24+$0xAA50];
	v45 =	vmul.f32 v45, v32;
	v37 =	vadd.f32 v47, v37;
	[tilespmem:s24+$0x4E60] =	vst v39  }
0x181: {  	v31 =	vmul.f32 v31, v33;
	v39 =	vld [tilespmem:s24+$0xAA40];
	v44 =	vmul.f32 v44, v32;
	v36 =	vadd.f32 v46, v36;
	[tilespmem:s24+$0x4E50] =	vst v38  }
0x182: {  	v30 =	vmul.f32 v30, v33;
	v38 =	vld [tilespmem:s24+$0xAA30];
	v43 =	vmul.f32 v43, v32;
	v35 =	vadd.f32 v45, v35;
	[tilespmem:s24+$0x4E40] =	vst v37  }
0x183: {  	v29 =	vmul.f32 v29, v33;
	v37 =	vld [tilespmem:s24+$0xAA20];
	v42 =	vmul.f32 v42, v32;
	v34 =	vadd.f32 v44, v34;
	[tilespmem:s24+$0x4E30] =	vst v36  }
0x184: {  	v28 =	vmul.f32 v28, v33;
	v36 =	vld [tilespmem:s24+$0xAA10];
	v41 =	vmul.f32 v41, v32;
	v31 =	vadd.f32 v43, v31;
	[tilespmem:s24+$0x4E20] =	vst v35  }
0x185: {  	v27 =	vmul.f32 v27, v33;
	v35 =	vld [tilespmem:s24+$0xAA00];
	v40 =	vmul.f32 v40, v32;
	v30 =	vadd.f32 v42, v30;
	[tilespmem:s24+$0x4E10] =	vst v34  }
0x186: {  	v26 =	vmul.f32 v26, v33;
	v34 =	vld [tilespmem:s24+$0xA670];
	v39 =	vmul.f32 v39, v32;
	v29 =	vadd.f32 v41, v29;
	[tilespmem:s24+$0x4E00] =	vst v31  }
0x187: {  	v25 =	vmul.f32 v25, v33;
	v31 =	vld [tilespmem:s24+$0xA660];
	v38 =	vmul.f32 v38, v32;
	v28 =	vadd.f32 v40, v28;
	[tilespmem:s24+$0x4A70] =	vst v30  }
0x188: {  	v24 =	vmul.f32 v24, v33;
	v30 =	vld [tilespmem:s24+$0xA650];
	v37 =	vmul.f32 v37, v32;
	v27 =	vadd.f32 v39, v27;
	[tilespmem:s24+$0x4A60] =	vst v29  }
0x189: {  	v23 =	vmul.f32 v23, v33;
	v29 =	vld [tilespmem:s24+$0xA640];
	v36 =	vmul.f32 v36, v32;
	v26 =	vadd.f32 v38, v26;
	[tilespmem:s24+$0x4A50] =	vst v28  }
0x18a: {  	v22 =	vmul.f32 v22, v33;
	v28 =	vld [tilespmem:s24+$0xA630];
	v35 =	vmul.f32 v35, v32;
	v25 =	vadd.f32 v37, v25;
	[tilespmem:s24+$0x4A40] =	vst v27  }
0x18b: {  	v21 =	vmul.f32 v21, v33;
	v27 =	vld [tilespmem:s24+$0xA620];
	v34 =	vmul.f32 v34, v32;
	v24 =	vadd.f32 v36, v24;
	[tilespmem:s24+$0x4A30] =	vst v26  }
0x18c: {  	v20 =	vmul.f32 v20, v33;
	v26 =	vld [tilespmem:s24+$0xA610];
	v31 =	vmul.f32 v31, v32;
	v23 =	vadd.f32 v35, v23;
	[tilespmem:s24+$0x4A20] =	vst v25  }
0x18d: {  	v19 =	vmul.f32 v19, v33;
	v25 =	vld [tilespmem:s24+$0xA600];
	v30 =	vmul.f32 v30, v32;
	v22 =	vadd.f32 v34, v22;
	[tilespmem:s24+$0x4A10] =	vst v24  }
0x18e: {  	v18 =	vmul.f32 v18, v33;
	v24 =	vld [tilespmem:s24+$0xA270];
	v29 =	vmul.f32 v29, v32;
	v21 =	vadd.f32 v31, v21;
	[tilespmem:s24+$0x4A00] =	vst v23  }
0x18f: {  	v17 =	vmul.f32 v17, v33;
	v23 =	vld [tilespmem:s24+$0xA260];
	v28 =	vmul.f32 v28, v32;
	v20 =	vadd.f32 v30, v20;
	[tilespmem:s24+$0x4670] =	vst v22  }
0x190: {  	v16 =	vmul.f32 v16, v33;
	v22 =	vmul.f32 v27, v32;
	v19 =	vadd.f32 v29, v19;
	[tilespmem:s24+$0x4660] =	vst v21;
	v21 =	vld [tilespmem:s24+$0xB640]  }
0x191: {  	v15 =	vmul.f32 v15, v33;
	v26 =	vmul.f32 v26, v32;
	v18 =	vadd.f32 v28, v18;
	[tilespmem:s24+$0x4650] =	vst v20;
	v20 =	vld [tilespmem:s24+$0xB650]  }
0x192: {  	v14 =	vmul.f32 v14, v33;
	v25 =	vmul.f32 v25, v32;
	v17 =	vadd.f32 v22, v17;
	[tilespmem:s24+$0x4640] =	vst v19;
	v19 =	vld [tilespmem:s24+$0xB660]  }
0x193: {  	v13 =	vmul.f32 v13, v33;
	v22 =	vmul.f32 v24, v32;
	v16 =	vadd.f32 v26, v16;
	[tilespmem:s24+$0x4630] =	vst v18;
	v18 =	vld [tilespmem:s24+$0xB670]  }
0x194: {  	v12 =	vmul.f32 v12, v33;
	v23 =	vmul.f32 v23, v32;
	v15 =	vadd.f32 v25, v15;
	[tilespmem:s24+$0x4620] =	vst v17;
	v17 =	vld [tilespmem:s24+$0x5640]  }
0x195: {  	v10 =	vmul.f32 v10, v33;
	v11 =	vmul.f32 v11, v32;
	v14 =	vadd.f32 v22, v14;
	[tilespmem:s24+$0x4610] =	vst v16;
	v16 =	vld [tilespmem:s24+$0x5650]  }
0x196: {  	v8 =	vmul.f32 v8, v33;
	v9 =	vmul.f32 v9, v32;
	v13 =	vadd.f32 v23, v13;
	[tilespmem:s24+$0x4600] =	vst v15;
	v15 =	vld [tilespmem:s24+$0x5660]  }
0x197: {  	v6 =	vmul.f32 v6, v33;
	v7 =	vmul.f32 v7, v32;
	v11 =	vadd.f32 v11, v12;
	[tilespmem:s24+$0x4270] =	vst v14;
	v12 =	vld [tilespmem:s24+$0x5670]  }
0x198: {  	v3 =	vmul.f32 v3, v33;
	v5 =	vmul.f32 v5, v32;
	v9 =	vadd.f32 v9, v10;
	v14 =	vld [tilespmem:s24+$0x4200];
	[tilespmem:s24+$0x4260] =	vst v13  }
0x199: {  	v4 =	vmul.f32 v4, v32;
	v7 =	vadd.f32 v7, v8;
	v10 =	vld [tilespmem:s24+$0xA200];
	[tilespmem:s24+$0x4250] =	vst v11;
	v8 =	vmul.f32 v17, v33  }
0x19a: {  	s28 =	sshrl.u32 s26, $0x3;
	v5 =	vadd.f32 v5, v6;
	v6 =	vmul.f32 v21, v32;
	[tilespmem:s24+$0x4240] =	vst v9;
	v9 =	vmul.f32 v16, v33  }
0x19b: {  	s25 =	sadd.s32 $0x80, s25;
	s28 =	smul.u32 $0x1800, s28;
	v3 =	vadd.f32 v4, v3;
	v4 =	vmul.f32 v20, v32;
	[tilespmem:s24+$0x4230] =	vst v7;
	v7 =	vmul.f32 v15, v33  }
0x19c: {  	s29 =	sand.u32 $0x380, s25;
	[tilespmem:s24+$0x4220] =	vst v5;
	v5 =	vadd.f32 v6, v8;
	v6 =	vmul.f32 v19, v32;
	v8 =	vmul.f32 v12, v33  }
0x19d: {  	s28 =	sor.u32 s29, s28;
	v9 =	vadd.f32 v4, v9;
	v12 =	vmul.f32 v18, v32;
	v11 =	vmul.f32 v14, v33;
	[tilespmem:s24+$0x4210] =	vst v3  }
0x19e: {  	v3 =	vld [tilespmem:s28+$0x4210];
	v10 =	vmul.f32 v10, v32;
	[tilespmem:s24+$0x5640] =	vst v5;
	v5 =	vadd.f32 v6, v7  }
0x19f: {  	v7 =	vadd.f32 v12, v8;
	v4 =	vld [tilespmem:s28+$0xA210];
	[tilespmem:s24+$0x5650] =	vst v9  }
0x1a0: {  	v6 =	vld [tilespmem:s28+$0x4220];
	v9 =	vadd.f32 v10, v11;
	[tilespmem:s24+$0x5660] =	vst v5  }
0x1a1: {  	v5 =	vld [tilespmem:s28+$0xA220];
	[tilespmem:s24+$0x5670] =	vst v7  }
0x1a2: {  	v8 =	vld [tilespmem:s28+$0x4230];
	[tilespmem:s24+$0x4200] =	vst v9;
	s24 =	smov.u32 s28  }
0x1a3: {  	v7 =	vld [tilespmem:s24+$0xA230]  }
0x1a4: {  	v10 =	vld [tilespmem:s24+$0x4240]  }
0x1a5: {  	v9 =	vld [tilespmem:s24+$0xA240]  }
0x1a6: {  	v12 =	vld [tilespmem:s24+$0x4250]  }
0x1a7: {  	v11 =	vld [tilespmem:s24+$0xA250]  }
0x1a8: {  	v13 =	vld [tilespmem:s24+$0x4260]  }
0x1a9: {  	v14 =	vld [tilespmem:s24+$0x4270]  }
0x1aa: {  	v15 =	vld [tilespmem:s24+$0x4600]  }
0x1ab: {  	v16 =	vld [tilespmem:s24+$0x4610]  }
0x1ac: {  	v17 =	vld [tilespmem:s24+$0x4620]  }
0x1ad: {  	v18 =	vld [tilespmem:s24+$0x4630]  }
0x1ae: {  	v19 =	vld [tilespmem:s24+$0x4640]  }
0x1af: {  	v20 =	vld [tilespmem:s24+$0x4650]  }
0x1b0: {  	v21 =	vld [tilespmem:s24+$0x4660]  }
0x1b1: {  	v22 =	vld [tilespmem:s24+$0x4670]  }
0x1b2: {  	v23 =	vld [tilespmem:s24+$0x4A00]  }
0x1b3: {  	v24 =	vld [tilespmem:s24+$0x4A10]  }
0x1b4: {  	v25 =	vld [tilespmem:s24+$0x4A20]  }
0x1b5: {  	v26 =	vld [tilespmem:s24+$0x4A30]  }
0x1b6: {  	v27 =	vld [tilespmem:s24+$0x4A40]  }
0x1b7: {  	v28 =	vld [tilespmem:s24+$0x4A50]  }
0x1b8: {  	v29 =	vld [tilespmem:s24+$0x4A60]  }
0x1b9: {  	v30 =	vld [tilespmem:s24+$0x4A70]  }
0x1ba: {  	v31 =	vld [tilespmem:s24+$0x4E00]  }
0x1bb: {  	v34 =	vld [tilespmem:s24+$0x4E10]  }
0x1bc: {  	v35 =	vld [tilespmem:s24+$0x4E20]  }
0x1bd: {  	v36 =	vld [tilespmem:s24+$0x4E30]  }
0x1be: {  	v37 =	vld [tilespmem:s24+$0x4E40]  }
0x1bf: {  	v38 =	vld [tilespmem:s24+$0x4E50]  }
0x1c0: {  	v39 =	vld [tilespmem:s24+$0x4E60]  }
0x1c1: {  	v40 =	vld [tilespmem:s24+$0x4E70]  }
0x1c2: {  	v41 =	vld [tilespmem:s24+$0x5200]  }
0x1c3: {  	v42 =	vld [tilespmem:s24+$0x5210]  }
0x1c4: {  	v43 =	vld [tilespmem:s24+$0x5220]  }
0x1c5: {  	v44 =	vld [tilespmem:s24+$0x5230]  }
0x1c6: {  	v45 =	vld [tilespmem:s24+$0x5240]  }
0x1c7: {  	v46 =	vld [tilespmem:s24+$0x5250]  }
.Ltmp0:
0x1c8: {  	v47 =	vld [tilespmem:s24+$0x5260];
	(pc) =	sbr.rel @p0 .LBB2_2-.Ltmp0, $4  }
0x1c9: {  	v48 =	vld [tilespmem:s24+$0x5600]  }
0x1ca: {  	v50 =	vld [tilespmem:s24+$0x5610]  }
0x1cb: {  	v49 =	vld [tilespmem:s24+$0xB610]  }
0x1cc: {  	s26 =	sadd.s32 $0x1, s26;
	v51 =	vld [tilespmem:s24+$0xB630]  }
0x1cd: {  	v52 =	vld [tilespmem:s24+$0x5630]  }
0x1ce: {  	v53 =	vld [tilespmem:s24+$0x5620];
	s22 =	sadd.s32 $0x80, s22  }
0x1cf: {  	s25 =	sadd.s32 $0x80, s23;
	v32 =	vld [tilespmem:s22+$0x0]  }
0x1d0: {  	v33 =	vld [tilespmem:s25+$0x0]  }
0x1d1: {  	v54 =	vld [tilespmem:s24+$0xB620]  }
0x1d2: {  	v55 =	vld [tilespmem:s24+$0xB600]  }
0x1d3: {  	v56 =	vld [tilespmem:s24+$0x5270]  }
0x1d4: {  	v57 =	vld [tilespmem:s24+$0xB270]  }
0x1d5: {  	v58 =	vld [tilespmem:s24+$0xB260];
	v52 =	vmul.f32 v52, v32;
	v51 =	vmul.f32 v51, v33  }
0x1d6: {  	v53 =	vmul.f32 v53, v32;
	v54 =	vmul.f32 v54, v33  }
0x1d7: {  	v59 =	vld [tilespmem:s24+$0xB250];
	v50 =	vmul.f32 v50, v32;
	v49 =	vmul.f32 v49, v33  }
0x1d8: {  	v61 =	vld [tilespmem:s24+$0xB220];
	v48 =	vmul.f32 v48, v32;
	v62 =	vmul.f32 v55, v33;
	v51 =	vadd.f32 v51, v52  }
0x1d9: {  	v60 =	vld [tilespmem:s24+$0xB240];
	v63 =	vmul.f32 v56, v32;
	v57 =	vmul.f32 v57, v33;
	v53 =	vadd.f32 v54, v53  }
0x1da: {  	v47 =	vmul.f32 v47, v32;
	v58 =	vmul.f32 v58, v33;
	v52 =	vld [tilespmem:s24+$0xB230];
	v49 =	vadd.f32 v49, v50;
	[tilespmem:s24+$0x5630] =	vst v51  }
0x1db: {  	v46 =	vmul.f32 v46, v32;
	v45 =	vmul.f32 v45, v32;
	v50 =	vld [tilespmem:s24+$0xB200];
	v48 =	vadd.f32 v62, v48;
	[tilespmem:s24+$0x5620] =	vst v53  }
0x1dc: {  	v44 =	vmul.f32 v44, v32;
	v62 =	vmul.f32 v59, v33;
	v47 =	vadd.f32 v58, v47;
	v58 =	vld [tilespmem:s24+$0xAE30];
	[tilespmem:s24+$0x5610] =	vst v49  }
0x1dd: {  	v43 =	vmul.f32 v43, v32;
	v59 =	vmul.f32 v61, v33;
	v51 =	vld [tilespmem:s24+$0xB210];
	v53 =	vadd.f32 v57, v63;
	[tilespmem:s24+$0x5600] =	vst v48  }
0x1de: {  	v42 =	vmul.f32 v42, v32;
	v49 =	vld [tilespmem:s24+$0xAE70];
	v63 =	vmul.f32 v60, v33;
	v46 =	vadd.f32 v62, v46;
	[tilespmem:s24+$0x5260] =	vst v47  }
0x1df: {  	v41 =	vmul.f32 v41, v32;
	v48 =	vld [tilespmem:s24+$0xAE60];
	v43 =	vadd.f32 v59, v43;
	[tilespmem:s24+$0x5270] =	vst v53;
	v52 =	vmul.f32 v52, v33  }
0x1e0: {  	v40 =	vmul.f32 v40, v32;
	v57 =	vld [tilespmem:s24+$0xAE40];
	v45 =	vadd.f32 v63, v45;
	[tilespmem:s24+$0x5250] =	vst v46;
	v50 =	vmul.f32 v50, v33  }
0x1e1: {  	v36 =	vmul.f32 v36, v32;
	v60 =	vld [tilespmem:s24+$0xAE20];
	[tilespmem:s24+$0x5220] =	vst v43;
	v46 =	vmul.f32 v58, v33;
	v44 =	vadd.f32 v52, v44  }
0x1e2: {  	v39 =	vmul.f32 v39, v32;
	v62 =	vld [tilespmem:s24+$0xAE00];
	[tilespmem:s24+$0x5240] =	vst v45;
	v51 =	vmul.f32 v51, v33;
	v41 =	vadd.f32 v50, v41  }
0x1e3: {  	v38 =	vmul.f32 v38, v32;
	v53 =	vld [tilespmem:s24+$0xAE50];
	v49 =	vmul.f32 v49, v33;
	v36 =	vadd.f32 v46, v36;
	[tilespmem:s24+$0x5230] =	vst v44  }
0x1e4: {  	v37 =	vmul.f32 v37, v32;
	v61 =	vld [tilespmem:s24+$0xAE10];
	v48 =	vmul.f32 v48, v33;
	v42 =	vadd.f32 v51, v42;
	[tilespmem:s24+$0x5200] =	vst v41  }
0x1e5: {  	v35 =	vmul.f32 v35, v32;
	v59 =	vld [tilespmem:s24+$0xAA10];
	v47 =	vmul.f32 v57, v33;
	v40 =	vadd.f32 v49, v40;
	[tilespmem:s24+$0x4E30] =	vst v36  }
0x1e6: {  	v34 =	vmul.f32 v34, v32;
	v63 =	vld [tilespmem:s24+$0xAA70];
	v45 =	vmul.f32 v60, v33;
	v39 =	vadd.f32 v48, v39;
	[tilespmem:s24+$0x5210] =	vst v42  }
0x1e7: {  	v55 =	vld [tilespmem:s24+$0xAA50];
	v31 =	vmul.f32 v31, v32;
	v43 =	vmul.f32 v62, v33;
	v37 =	vadd.f32 v47, v37;
	[tilespmem:s24+$0x4E70] =	vst v40  }
0x1e8: {  	v30 =	vmul.f32 v30, v32;
	v52 =	vld [tilespmem:s24+$0xAA60];
	v54 =	vmul.f32 v53, v33;
	v35 =	vadd.f32 v45, v35;
	[tilespmem:s24+$0x4E60] =	vst v39  }
0x1e9: {  	v56 =	vld [tilespmem:s24+$0xAA40];
	v29 =	vmul.f32 v29, v32;
	v44 =	vmul.f32 v61, v33;
	v31 =	vadd.f32 v43, v31;
	[tilespmem:s24+$0x4E40] =	vst v37  }
0x1ea: {  	v24 =	vmul.f32 v24, v32;
	v58 =	vld [tilespmem:s24+$0xAA20];
	v36 =	vmul.f32 v59, v33;
	v38 =	vadd.f32 v54, v38;
	[tilespmem:s24+$0x4E20] =	vst v35  }
0x1eb: {  	v28 =	vmul.f32 v28, v32;
	v60 =	vld [tilespmem:s24+$0xAA00];
	v34 =	vadd.f32 v44, v34;
	v42 =	vmul.f32 v63, v33;
	[tilespmem:s24+$0x4E00] =	vst v31  }
0x1ec: {  	v27 =	vmul.f32 v27, v32;
	v57 =	vld [tilespmem:s24+$0xAA30];
	v40 =	vmul.f32 v55, v33;
	v24 =	vadd.f32 v36, v24;
	[tilespmem:s24+$0x4E50] =	vst v38  }
0x1ed: {  	v26 =	vmul.f32 v26, v32;
	v61 =	vld [tilespmem:s24+$0xA670];
	v41 =	vmul.f32 v52, v33;
	[tilespmem:s24+$0x4E10] =	vst v34;
	v30 =	vadd.f32 v42, v30  }
0x1ee: {  	v25 =	vmul.f32 v25, v32;
	v39 =	vmul.f32 v56, v33;
	v28 =	vadd.f32 v40, v28;
	[tilespmem:s24+$0x4A10] =	vst v24  }
0x1ef: {  	v23 =	vmul.f32 v23, v32;
	v31 =	vld [tilespmem:s24+$0xA660];
	v37 =	vmul.f32 v58, v33;
	v29 =	vadd.f32 v41, v29;
	[tilespmem:s24+$0x4A70] =	vst v30  }
0x1f0: {  	v22 =	vmul.f32 v22, v32;
	v35 =	vmul.f32 v60, v33;
	v27 =	vadd.f32 v39, v27;
	v30 =	vld [tilespmem:s24+$0xA650];
	[tilespmem:s24+$0x4A50] =	vst v28  }
0x1f1: {  	v10 =	vmul.f32 v10, v32;
	v38 =	vmul.f32 v57, v33;
	v25 =	vadd.f32 v37, v25;
	[tilespmem:s24+$0x4A60] =	vst v29;
	v29 =	vld [tilespmem:s24+$0xA640]  }
0x1f2: {  	v9 =	vmul.f32 v9, v33;
	v34 =	vmul.f32 v61, v33;
	v23 =	vadd.f32 v35, v23;
	v28 =	vld [tilespmem:s24+$0xA630];
	[tilespmem:s24+$0x4A40] =	vst v27  }
0x1f3: {  	v21 =	vmul.f32 v21, v32;
	v26 =	vadd.f32 v38, v26;
	v27 =	vld [tilespmem:s24+$0xA620];
	[tilespmem:s24+$0x4A20] =	vst v25  }
0x1f4: {  	v9 =	vadd.f32 v9, v10;
	v10 =	vld [tilespmem:s24+$0xA200];
	v24 =	vmul.f32 v31, v33;
	v22 =	vadd.f32 v34, v22;
	[tilespmem:s24+$0x4A00] =	vst v23  }
0x1f5: {  	v20 =	vmul.f32 v20, v32;
	[tilespmem:s24+$0x4A30] =	vst v26;
	v26 =	vld [tilespmem:s24+$0xA610];
	v23 =	vmul.f32 v30, v33  }
0x1f6: {  	v19 =	vmul.f32 v19, v32;
	v25 =	vld [tilespmem:s24+$0xA600];
	v21 =	vadd.f32 v24, v21;
	[tilespmem:s24+$0x4670] =	vst v22;
	v22 =	vmul.f32 v29, v33  }
0x1f7: {  	v18 =	vmul.f32 v18, v32;
	v31 =	vld [tilespmem:s24+$0xA270];
	v20 =	vadd.f32 v23, v20;
	v23 =	vmul.f32 v28, v33  }
0x1f8: {  	v17 =	vmul.f32 v17, v32;
	v24 =	vld [tilespmem:s24+$0xA260];
	[tilespmem:s24+$0x4660] =	vst v21;
	v19 =	vadd.f32 v22, v19;
	v22 =	vmul.f32 v27, v33  }
0x1f9: {  	v12 =	vmul.f32 v12, v32;
	v11 =	vmul.f32 v11, v33;
	v21 =	vld [tilespmem:s24+$0xB640];
	[tilespmem:s24+$0x4650] =	vst v20;
	v18 =	vadd.f32 v23, v18  }
0x1fa: {  	v16 =	vmul.f32 v16, v32;
	v20 =	vld [tilespmem:s24+$0xB650];
	v23 =	vmul.f32 v26, v33;
	[tilespmem:s24+$0x4640] =	vst v19;
	v17 =	vadd.f32 v22, v17  }
0x1fb: {  	v15 =	vmul.f32 v15, v32;
	v11 =	vadd.f32 v11, v12;
	v19 =	vld [tilespmem:s24+$0xB660];
	[tilespmem:s24+$0x4630] =	vst v18;
	v18 =	vmul.f32 v25, v33  }
0x1fc: {  	v14 =	vmul.f32 v14, v32;
	v22 =	vld [tilespmem:s24+$0xB670];
	v16 =	vadd.f32 v23, v16;
	[tilespmem:s24+$0x4620] =	vst v17;
	v17 =	vmul.f32 v31, v33  }
0x1fd: {  	[tilespmem:s24+$0x4250] =	vst v11;
	v15 =	vadd.f32 v18, v15;
	v18 =	vld [tilespmem:s24+$0x5640]  }
0x1fe: {  	v8 =	vmul.f32 v8, v32;
	v7 =	vmul.f32 v7, v33;
	[tilespmem:s24+$0x4610] =	vst v16;
	v16 =	vld [tilespmem:s24+$0x5650];
	v14 =	vadd.f32 v17, v14  }
0x1ff: {  	v6 =	vmul.f32 v6, v32;
	v5 =	vmul.f32 v5, v33;
	[tilespmem:s24+$0x4600] =	vst v15;
	v15 =	vld [tilespmem:s24+$0x5660]  }
0x200: {  	v3 =	vmul.f32 v3, v32;
	v4 =	vmul.f32 v4, v33;
	v7 =	vadd.f32 v7, v8;
	[tilespmem:s24+$0x4270] =	vst v14;
	v14 =	vld [tilespmem:s24+$0x5670]  }
0x201: {  	v13 =	vmul.f32 v13, v32;
	v12 =	vld [tilespmem:s24+$0x4200];
	v5 =	vadd.f32 v5, v6;
	[tilespmem:s24+$0x4240] =	vst v9;
	v23 =	vmul.f32 v24, v33  }
0x202: {  	v3 =	vadd.f32 v4, v3;
	[tilespmem:s24+$0x4230] =	vst v7;
	v6 =	vmul.f32 v21, v33;
	v8 =	vmul.f32 v18, v32  }
0x203: {  	[tilespmem:s24+$0x4220] =	vst v5;
	v13 =	vadd.f32 v23, v13;
	v4 =	vmul.f32 v20, v33;
	v9 =	vmul.f32 v16, v32  }
0x204: {  	[tilespmem:s24+$0x4210] =	vst v3;
	v7 =	vmul.f32 v15, v32;
	v5 =	vadd.f32 v6, v8;
	v6 =	vmul.f32 v19, v33  }
0x205: {  	[tilespmem:s24+$0x4260] =	vst v13;
	v3 =	vadd.f32 v4, v9;
	v4 =	vmul.f32 v22, v33;
	v8 =	vmul.f32 v14, v32  }
0x206: {  	v10 =	vmul.f32 v10, v33;
	v9 =	vmul.f32 v12, v32;
	[tilespmem:s24+$0x5640] =	vst v5;
	v5 =	vadd.f32 v6, v7  }
0x207: {  	[tilespmem:s24+$0x5650] =	vst v3;
	v3 =	vadd.f32 v4, v8  }
0x208: {  	v4 =	vadd.f32 v10, v9;
	[tilespmem:s24+$0x5660] =	vst v5  }
0x209: {  	[tilespmem:s24+$0x5670] =	vst v3  }
0x20a: {  	s26 =	simm.s32 $0x0;
	[tilespmem:s24+$0x4200] =	vst v4  }
0x20b: {  	[hbm4b:s14+s26] =	stream.linear.scatter [tilespmem:s19], [sflag:$0x5], $0x6000, $0x38;
	[tilespmem:$0x1C200] =	vst v63  }
0x20c: {  	_ =	swait.ge [sflag:s17], $0x6000  }
0x20d: {  	[sflag:s17] =	ssyncset.done $0x0  }
0x20e: {  	[sflag:s17] =	ssyncadd.s32 $0xFFFFA000  }
0x20f: {  	_ =	swait.ge [sflag:s18], $0x6000  }
0x210: {  	[sflag:s18] =	ssyncset.done $0x0  }
0x211: {  	s28 =	simm.s32 $0x0;
	[sflag:s18] =	ssyncadd.s32 $0xFFFFA000  }
0x212: {  	s23 =	smul.u32 $0x1800, s28;
	_ =	swait.ge [sflag:s20], $0x6000  }
0x213: {  	s22 =	sand.u32 $0x380, s26;
	[sflag:s20] =	ssyncset.done $0x0  }
0x214: {  	s26 =	sor.u32 s22, s23;
	[sflag:s20] =	ssyncadd.s32 $0xFFFFA000  }
0x215: {  	v4 =	vld [tilespmem:s26+$0x10210]  }
0x216: {  	v3 =	vld [tilespmem:s26+$0x16210]  }
0x217: {  	v6 =	vld [tilespmem:s26+$0x10220]  }
0x218: {  	v5 =	vld [tilespmem:s26+$0x16220]  }
0x219: {  	v10 =	vld [tilespmem:s26+$0x10230]  }
0x21a: {  	v7 =	vld [tilespmem:s26+$0x16230]  }
0x21b: {  	v12 =	vld [tilespmem:s26+$0x10240]  }
0x21c: {  	v11 =	vld [tilespmem:s26+$0x16240]  }
0x21d: {  	v13 =	vld [tilespmem:s26+$0x10260]  }
0x21e: {  	v14 =	vld [tilespmem:s26+$0x10270]  }
0x21f: {  	v15 =	vld [tilespmem:s26+$0x10600]  }
0x220: {  	v16 =	vld [tilespmem:s26+$0x10610]  }
0x221: {  	v17 =	vld [tilespmem:s26+$0x10620]  }
0x222: {  	v18 =	vld [tilespmem:s26+$0x10630]  }
0x223: {  	v19 =	vld [tilespmem:s26+$0x10640]  }
0x224: {  	v20 =	vld [tilespmem:s26+$0x10650]  }
0x225: {  	v21 =	vld [tilespmem:s26+$0x10660]  }
0x226: {  	v22 =	vld [tilespmem:s26+$0x10670]  }
0x227: {  	v23 =	vld [tilespmem:s26+$0x10A00]  }
0x228: {  	v24 =	vld [tilespmem:s26+$0x10A10]  }
0x229: {  	v25 =	vld [tilespmem:s26+$0x10A20]  }
0x22a: {  	v26 =	vld [tilespmem:s26+$0x10A30]  }
0x22b: {  	v27 =	vld [tilespmem:s26+$0x10A40]  }
0x22c: {  	v28 =	vld [tilespmem:s26+$0x10A50]  }
0x22d: {  	v29 =	vld [tilespmem:s26+$0x10A60]  }
0x22e: {  	v30 =	vld [tilespmem:s26+$0x10A70]  }
0x22f: {  	v31 =	vld [tilespmem:s26+$0x10E00]  }
0x230: {  	v32 =	vld [tilespmem:s26+$0x10E10]  }
0x231: {  	v33 =	vld [tilespmem:s26+$0x10E20]  }
0x232: {  	v34 =	vld [tilespmem:s26+$0x10E30]  }
0x233: {  	v35 =	vld [tilespmem:s26+$0x10E40]  }
0x234: {  	v36 =	vld [tilespmem:s26+$0x10E50]  }
0x235: {  	v37 =	vld [tilespmem:s26+$0x10E60]  }
0x236: {  	v38 =	vld [tilespmem:s26+$0x10E70]  }
0x237: {  	v39 =	vld [tilespmem:s26+$0x11200]  }
0x238: {  	v40 =	vld [tilespmem:s26+$0x11210]  }
0x239: {  	v41 =	vld [tilespmem:s26+$0x11220]  }
0x23a: {  	v42 =	vld [tilespmem:s26+$0x11230]  }
0x23b: {  	v43 =	vld [tilespmem:s26+$0x11240]  }
0x23c: {  	v44 =	vld [tilespmem:s26+$0x11250]  }
0x23d: {  	v45 =	vld [tilespmem:s26+$0x11260]  }
0x23e: {  	v46 =	vld [tilespmem:s26+$0x11600]  }
0x23f: {  	v47 =	vld [tilespmem:s26+$0x11610]  }
0x240: {  	v48 =	vld [tilespmem:s26+$0x17610]  }
0x241: {  	v49 =	vld [tilespmem:s26+$0x17630]  }
0x242: {  	v50 =	vld [tilespmem:s26+$0x11630]  }
0x243: {  	s23 =	simm.s32 $0x2200;
	v51 =	vld [tilespmem:s26+$0x11620]  }
0x244: {  	s24 =	simm.s32 $0x3200;
	v8 =	vld [tilespmem:s23+$0x0]  }
0x245: {  	v9 =	vld [tilespmem:s24+$0x0]  }
0x246: {  	v52 =	vld [tilespmem:s26+$0x17620]  }
0x247: {  	v62 =	vld [tilespmem:s26+$0x17600]  }
0x248: {  	v63 =	vld [tilespmem:s26+$0x11270]  }
0x249: {  	v60 =	vld [tilespmem:s26+$0x17270];
	v50 =	vmul.f32 v50, v8  }
0x24a: {  	v61 =	vld [tilespmem:s26+$0x17260];
	v49 =	vmul.f32 v49, v9;
	v51 =	vmul.f32 v51, v8  }
0x24b: {  	v57 =	vld [tilespmem:s26+$0x17250];
	v52 =	vmul.f32 v52, v9;
	v47 =	vmul.f32 v47, v8  }
0x24c: {  	v58 =	vld [tilespmem:s26+$0x17240];
	v48 =	vmul.f32 v48, v9;
	v46 =	vmul.f32 v46, v8;
	v49 =	vadd.f32 v49, v50  }
0x24d: {  	v53 =	vld [tilespmem:s26+$0x17230];
	v62 =	vmul.f32 v62, v9;
	v63 =	vmul.f32 v63, v8;
	v51 =	vadd.f32 v52, v51  }
0x24e: {  	v56 =	vld [tilespmem:s26+$0x16E60];
	v59 =	vmul.f32 v60, v9;
	v45 =	vmul.f32 v45, v8;
	v47 =	vadd.f32 v48, v47;
	[tilespmem:s26+$0x11630] =	vst v49  }
0x24f: {  	v55 =	vld [tilespmem:s26+$0x16A70];
	v60 =	vmul.f32 v61, v9;
	v44 =	vmul.f32 v44, v8;
	v46 =	vadd.f32 v62, v46;
	[tilespmem:s26+$0x11620] =	vst v51  }
0x250: {  	v61 =	vld [tilespmem:s26+$0x17200];
	v12 =	vmul.f32 v12, v8;
	v11 =	vmul.f32 v11, v9;
	v52 =	vadd.f32 v59, v63;
	[tilespmem:s26+$0x11610] =	vst v47  }
0x251: {  	v10 =	vmul.f32 v10, v8;
	v7 =	vmul.f32 v7, v9;
	v48 =	vld [tilespmem:s26+$0x17220];
	v45 =	vadd.f32 v60, v45;
	[tilespmem:s26+$0x11600] =	vst v46  }
0x252: {  	v62 =	vmul.f32 v57, v9;
	v63 =	vmul.f32 v58, v9;
	v58 =	vld [tilespmem:s26+$0x16E50];
	v11 =	vadd.f32 v11, v12;
	[tilespmem:s26+$0x11270] =	vst v52  }
0x253: {  	v43 =	vmul.f32 v43, v8;
	v59 =	vld [tilespmem:s26+$0x16E40];
	v7 =	vadd.f32 v7, v10;
	[tilespmem:s26+$0x11260] =	vst v45  }
0x254: {  	v42 =	vmul.f32 v42, v8;
	v57 =	vmul.f32 v53, v9;
	v60 =	vld [tilespmem:s26+$0x16E30];
	v44 =	vadd.f32 v62, v44;
	[tilespmem:s26+$0x10240] =	vst v11  }
0x255: {  	v37 =	vmul.f32 v37, v8;
	v53 =	vld [tilespmem:s26+$0x16E00];
	v43 =	vadd.f32 v63, v43;
	v46 =	vmul.f32 v56, v9;
	[tilespmem:s26+$0x10230] =	vst v7  }
0x256: {  	v39 =	vmul.f32 v39, v8;
	v49 =	vld [tilespmem:s26+$0x17210];
	v42 =	vadd.f32 v57, v42;
	v61 =	vmul.f32 v61, v9;
	[tilespmem:s26+$0x11250] =	vst v44  }
0x257: {  	v41 =	vmul.f32 v41, v8;
	v47 =	vld [tilespmem:s26+$0x16E70];
	[tilespmem:s26+$0x11240] =	vst v43;
	v37 =	vadd.f32 v46, v37;
	v48 =	vmul.f32 v48, v9  }
0x258: {  	v36 =	vmul.f32 v36, v8;
	v62 =	vld [tilespmem:s26+$0x16E20];
	[tilespmem:s26+$0x11230] =	vst v42;
	v39 =	vadd.f32 v61, v39;
	v54 =	vmul.f32 v58, v9  }
0x259: {  	v35 =	vmul.f32 v35, v8;
	v63 =	vld [tilespmem:s26+$0x16E10];
	v45 =	vmul.f32 v59, v9;
	[tilespmem:s26+$0x10E60] =	vst v37;
	v41 =	vadd.f32 v48, v41  }
0x25a: {  	v34 =	vmul.f32 v34, v8;
	v56 =	vld [tilespmem:s26+$0x16A60];
	v44 =	vmul.f32 v60, v9;
	[tilespmem:s26+$0x11200] =	vst v39;
	v36 =	vadd.f32 v54, v36  }
0x25b: {  	v40 =	vmul.f32 v40, v8;
	v12 =	vld [tilespmem:s26+$0x11660];
	v49 =	vmul.f32 v49, v9;
	v35 =	vadd.f32 v45, v35;
	[tilespmem:s26+$0x11220] =	vst v41  }
0x25c: {  	v38 =	vmul.f32 v38, v8;
	v58 =	vld [tilespmem:s26+$0x16A40];
	v47 =	vmul.f32 v47, v9;
	v34 =	vadd.f32 v44, v34;
	[tilespmem:s26+$0x10E50] =	vst v36  }
0x25d: {  	v33 =	vmul.f32 v33, v8;
	v59 =	vld [tilespmem:s26+$0x16A30];
	v43 =	vmul.f32 v62, v9;
	v40 =	vadd.f32 v49, v40;
	[tilespmem:s26+$0x10E40] =	vst v35  }
0x25e: {  	v32 =	vmul.f32 v32, v8;
	v57 =	vld [tilespmem:s26+$0x16A50];
	v42 =	vmul.f32 v63, v9;
	v38 =	vadd.f32 v47, v38;
	[tilespmem:s26+$0x10E30] =	vst v34  }
0x25f: {  	v29 =	vmul.f32 v29, v8;
	v60 =	vld [tilespmem:s26+$0x16A20];
	v39 =	vmul.f32 v56, v9;
	v33 =	vadd.f32 v43, v33;
	[tilespmem:s26+$0x11210] =	vst v40  }
0x260: {  	v31 =	vmul.f32 v31, v8;
	v61 =	vld [tilespmem:s26+$0x16A10];
	v41 =	vmul.f32 v53, v9;
	v32 =	vadd.f32 v42, v32;
	[tilespmem:s26+$0x10E70] =	vst v38  }
0x261: {  	v27 =	vmul.f32 v27, v8;
	v62 =	vld [tilespmem:s26+$0x16A00];
	v29 =	vadd.f32 v39, v29;
	v37 =	vmul.f32 v58, v9;
	[tilespmem:s26+$0x10E20] =	vst v33  }
0x262: {  	v26 =	vmul.f32 v26, v8;
	v63 =	vld [tilespmem:s26+$0x16670];
	v36 =	vmul.f32 v59, v9;
	v31 =	vadd.f32 v41, v31;
	[tilespmem:s26+$0x10E10] =	vst v32  }
0x263: {  	v30 =	vmul.f32 v30, v8;
	v40 =	vmul.f32 v55, v9;
	[tilespmem:s26+$0x10A60] =	vst v29;
	v29 =	vld [tilespmem:s26+$0x16640];
	v27 =	vadd.f32 v37, v27  }
0x264: {  	v25 =	vmul.f32 v25, v8;
	v35 =	vmul.f32 v60, v9;
	v26 =	vadd.f32 v36, v26;
	[tilespmem:s26+$0x10E00] =	vst v31;
	v31 =	vld [tilespmem:s26+$0x16660]  }
0x265: {  	v28 =	vmul.f32 v28, v8;
	v38 =	vmul.f32 v57, v9;
	v30 =	vadd.f32 v40, v30;
	[tilespmem:s26+$0x10A40] =	vst v27;
	v27 =	vld [tilespmem:s26+$0x16620]  }
0x266: {  	v23 =	vmul.f32 v23, v8;
	v33 =	vmul.f32 v62, v9;
	v25 =	vadd.f32 v35, v25;
	[tilespmem:s26+$0x10A30] =	vst v26;
	v26 =	vld [tilespmem:s26+$0x16610]  }
0x267: {  	v24 =	vmul.f32 v24, v8;
	v34 =	vmul.f32 v61, v9;
	v28 =	vadd.f32 v38, v28;
	[tilespmem:s26+$0x10A70] =	vst v30;
	v30 =	vld [tilespmem:s26+$0x16650]  }
0x268: {  	v22 =	vmul.f32 v22, v8;
	v32 =	vmul.f32 v63, v9;
	v23 =	vadd.f32 v33, v23;
	[tilespmem:s26+$0x10A20] =	vst v25;
	v25 =	vld [tilespmem:s26+$0x16600]  }
0x269: {  	v19 =	vmul.f32 v19, v8;
	v24 =	vadd.f32 v34, v24;
	[tilespmem:s26+$0x10A50] =	vst v28;
	v28 =	vld [tilespmem:s26+$0x16630];
	v29 =	vmul.f32 v29, v9  }
0x26a: {  	v21 =	vmul.f32 v21, v8;
	v22 =	vadd.f32 v32, v22;
	[tilespmem:s26+$0x10A00] =	vst v23;
	v23 =	vld [tilespmem:s26+$0x16260];
	v31 =	vmul.f32 v31, v9  }
0x26b: {  	v17 =	vmul.f32 v17, v8;
	[tilespmem:s26+$0x10A10] =	vst v24;
	v24 =	vld [tilespmem:s26+$0x16270];
	v19 =	vadd.f32 v29, v19;
	v27 =	vmul.f32 v27, v9  }
0x26c: {  	v20 =	vmul.f32 v20, v8;
	[tilespmem:s26+$0x10670] =	vst v22;
	v22 =	vld [tilespmem:s26+$0x10250];
	v30 =	vmul.f32 v30, v9;
	v21 =	vadd.f32 v31, v21  }
0x26d: {  	v15 =	vmul.f32 v15, v8;
	v25 =	vmul.f32 v25, v9;
	[tilespmem:s26+$0x10640] =	vst v19;
	v19 =	vld [tilespmem:s26+$0x17650];
	v17 =	vadd.f32 v27, v17  }
0x26e: {  	v18 =	vmul.f32 v18, v8;
	v28 =	vmul.f32 v28, v9;
	v20 =	vadd.f32 v30, v20;
	[tilespmem:s26+$0x10660] =	vst v21;
	v21 =	vld [tilespmem:s26+$0x16250]  }
0x26f: {  	v13 =	vmul.f32 v13, v8;
	v23 =	vmul.f32 v23, v9;
	v15 =	vadd.f32 v25, v15;
	[tilespmem:s26+$0x10620] =	vst v17;
	v17 =	vld [tilespmem:s26+$0x11640]  }
0x270: {  	v6 =	vmul.f32 v6, v8;
	v5 =	vmul.f32 v5, v9;
	v18 =	vadd.f32 v28, v18;
	[tilespmem:s26+$0x10650] =	vst v20;
	v20 =	vld [tilespmem:s26+$0x17640]  }
0x271: {  	v14 =	vmul.f32 v14, v8;
	v24 =	vmul.f32 v24, v9;
	v13 =	vadd.f32 v23, v13;
	[tilespmem:s26+$0x10600] =	vst v15;
	v15 =	vld [tilespmem:s26+$0x11650]  }
0x272: {  	v4 =	vmul.f32 v4, v8;
	v3 =	vmul.f32 v3, v9;
	v5 =	vadd.f32 v5, v6;
	[tilespmem:s26+$0x10630] =	vst v18;
	v18 =	vld [tilespmem:s26+$0x17660]  }
0x273: {  	v6 =	vld [tilespmem:s26+$0x10200];
	v14 =	vadd.f32 v24, v14;
	v10 =	vmul.f32 v22, v8;
	[tilespmem:s26+$0x10260] =	vst v13;
	v13 =	vmul.f32 v21, v9  }
0x274: {  	s29 =	simm.s32 $0x0;
	v16 =	vmul.f32 v16, v8;
	v3 =	vadd.f32 v3, v4;
	v7 =	vld [tilespmem:s26+$0x16200];
	[tilespmem:s26+$0x10220] =	vst v5;
	v26 =	vmul.f32 v26, v9  }
0x275: {  	s25 =	simm.s32 $0x80;
	s22 =	smul.u32 $0x1800, s29;
	[tilespmem:s26+$0x10270] =	vst v14;
	v14 =	vld [tilespmem:s26+$0x11670];
	v11 =	vmul.f32 v17, v8;
	v17 =	vmul.f32 v20, v9;
	v4 =	vadd.f32 v13, v10  }
0x276: {  	s28 =	sand.u32 $0x380, s25;
	[tilespmem:s26+$0x10210] =	vst v3;
	v16 =	vadd.f32 v26, v16;
	v5 =	vmul.f32 v15, v8;
	v10 =	vmul.f32 v19, v9  }
0x277: {  	s22 =	sor.u32 s28, s22;
	v11 =	vadd.f32 v17, v11;
	[tilespmem:s26+$0x10250] =	vst v4;
	v4 =	vmul.f32 v12, v8;
	v12 =	vmul.f32 v18, v9  }
0x278: {  	v3 =	vld [tilespmem:s22+$0x10210];
	[tilespmem:s26+$0x10610] =	vst v16;
	v5 =	vadd.f32 v10, v5  }
0x279: {  	v7 =	vmul.f32 v7, v9;
	v16 =	vld [tilespmem:s26+$0x17670];
	[tilespmem:s26+$0x11640] =	vst v11;
	v12 =	vadd.f32 v12, v4  }
0x27a: {  	v10 =	vmul.f32 v14, v8;
	v8 =	vmul.f32 v6, v8;
	v4 =	vld [tilespmem:s22+$0x16210];
	[tilespmem:s26+$0x11650] =	vst v5  }
0x27b: {  	v6 =	vld [tilespmem:s22+$0x10220];
	[tilespmem:s26+$0x11660] =	vst v12  }
0x27c: {  	v7 =	vadd.f32 v7, v8;
	v5 =	vld [tilespmem:s22+$0x16220]  }
0x27d: {  	v8 =	vld [tilespmem:s22+$0x10230]  }
0x27e: {  	[tilespmem:s26+$0x10200] =	vst v7;
	v18 =	vld [tilespmem:s22+$0x10630]  }
0x27f: {  	v11 =	vmul.f32 v16, v9;
	v26 =	vld [tilespmem:s22+$0x10A30]  }
0x280: {  	v36 =	vld [tilespmem:s22+$0x10E30]  }
0x281: {  	v9 =	vadd.f32 v11, v10;
	v44 =	vld [tilespmem:s22+$0x11230]  }
0x282: {  	v48 =	vld [tilespmem:s22+$0x11600]  }
0x283: {  	[tilespmem:s26+$0x11670] =	vst v9;
	v50 =	vld [tilespmem:s22+$0x11610]  }
0x284: {  	v7 =	vld [tilespmem:s22+$0x16230]  }
0x285: {  	v10 =	vld [tilespmem:s22+$0x10240]  }
0x286: {  	v9 =	vld [tilespmem:s22+$0x16240]  }
0x287: {  	v12 =	vld [tilespmem:s22+$0x10250]  }
0x288: {  	v11 =	vld [tilespmem:s22+$0x16250]  }
0x289: {  	v13 =	vld [tilespmem:s22+$0x10260]  }
0x28a: {  	v14 =	vld [tilespmem:s22+$0x10270]  }
0x28b: {  	v15 =	vld [tilespmem:s22+$0x10600]  }
0x28c: {  	v16 =	vld [tilespmem:s22+$0x10610]  }
0x28d: {  	v17 =	vld [tilespmem:s22+$0x10620]  }
0x28e: {  	v19 =	vld [tilespmem:s22+$0x10640]  }
0x28f: {  	v20 =	vld [tilespmem:s22+$0x10650]  }
0x290: {  	v21 =	vld [tilespmem:s22+$0x10660]  }
0x291: {  	v22 =	vld [tilespmem:s22+$0x10670]  }
0x292: {  	v23 =	vld [tilespmem:s22+$0x10A00]  }
0x293: {  	v24 =	vld [tilespmem:s22+$0x10A10]  }
0x294: {  	v25 =	vld [tilespmem:s22+$0x10A20]  }
0x295: {  	v27 =	vld [tilespmem:s22+$0x10A40]  }
0x296: {  	v28 =	vld [tilespmem:s22+$0x10A50]  }
0x297: {  	v29 =	vld [tilespmem:s22+$0x10A60]  }
0x298: {  	v30 =	vld [tilespmem:s22+$0x10A70]  }
0x299: {  	v31 =	vld [tilespmem:s22+$0x10E00]  }
0x29a: {  	v34 =	vld [tilespmem:s22+$0x10E10]  }
0x29b: {  	v35 =	vld [tilespmem:s22+$0x10E20]  }
0x29c: {  	v37 =	vld [tilespmem:s22+$0x10E40]  }
0x29d: {  	v38 =	vld [tilespmem:s22+$0x10E50]  }
0x29e: {  	v39 =	vld [tilespmem:s22+$0x10E60]  }
0x29f: {  	v40 =	vld [tilespmem:s22+$0x10E70]  }
0x2a0: {  	v41 =	vld [tilespmem:s22+$0x11200]  }
0x2a1: {  	v42 =	vld [tilespmem:s22+$0x11210]  }
0x2a2: {  	v43 =	vld [tilespmem:s22+$0x11220]  }
0x2a3: {  	v45 =	vld [tilespmem:s22+$0x11240]  }
0x2a4: {  	v46 =	vld [tilespmem:s22+$0x11250]  }
0x2a5: {  	v47 =	vld [tilespmem:s22+$0x11260]  }
0x2a6: {  	v49 =	vld [tilespmem:s22+$0x17610]  }
0x2a7: {  	s26 =	simm.s32 $0x2;
	v51 =	vld [tilespmem:s22+$0x17630]  }
.LBB2_4:
0x2a8: {  	p0 =	sne.s32 s26, $0x1F;
	v52 =	vld [tilespmem:s22+$0x11630]  }
0x2a9: {  	s23 =	sadd.s32 $0x80, s23;
	v53 =	vld [tilespmem:s22+$0x11620]  }
0x2aa: {  	s24 =	sadd.s32 $0x80, s24;
	v33 =	vld [tilespmem:s23+$0x0]  }
0x2ab: {  	v32 =	vld [tilespmem:s24+$0x0]  }
0x2ac: {  	v54 =	vld [tilespmem:s22+$0x17620]  }
0x2ad: {  	v55 =	vld [tilespmem:s22+$0x17600]  }
0x2ae: {  	v56 =	vld [tilespmem:s22+$0x11270]  }
0x2af: {  	v57 =	vld [tilespmem:s22+$0x17270];
	v50 =	vmul.f32 v50, v33;
	v53 =	vmul.f32 v53, v33  }
0x2b0: {  	v52 =	vmul.f32 v52, v33;
	v58 =	vld [tilespmem:s22+$0x17260];
	v51 =	vmul.f32 v51, v32  }
0x2b1: {  	v49 =	vmul.f32 v49, v32;
	v59 =	vld [tilespmem:s22+$0x17250];
	v54 =	vmul.f32 v54, v32  }
0x2b2: {  	v48 =	vmul.f32 v48, v33;
	v60 =	vld [tilespmem:s22+$0x17240];
	v55 =	vmul.f32 v55, v32;
	v51 =	vadd.f32 v51, v52  }
0x2b3: {  	v49 =	vadd.f32 v49, v50;
	v52 =	vld [tilespmem:s22+$0x17230];
	v56 =	vmul.f32 v56, v33;
	v50 =	vadd.f32 v54, v53  }
0x2b4: {  	v47 =	vmul.f32 v47, v33;
	v53 =	vld [tilespmem:s22+$0x17220];
	v54 =	vmul.f32 v57, v32;
	v48 =	vadd.f32 v55, v48;
	[tilespmem:s22+$0x11630] =	vst v51  }
0x2b5: {  	v46 =	vmul.f32 v46, v33;
	v51 =	vld [tilespmem:s22+$0x17210];
	v55 =	vmul.f32 v58, v32;
	[tilespmem:s22+$0x11620] =	vst v50  }
0x2b6: {  	v45 =	vmul.f32 v45, v33;
	v50 =	vld [tilespmem:s22+$0x17200];
	v57 =	vmul.f32 v59, v32;
	v54 =	vadd.f32 v54, v56;
	[tilespmem:s22+$0x11610] =	vst v49  }
0x2b7: {  	v44 =	vmul.f32 v44, v33;
	v49 =	vld [tilespmem:s22+$0x16E70];
	v56 =	vmul.f32 v60, v32;
	v47 =	vadd.f32 v55, v47;
	[tilespmem:s22+$0x11600] =	vst v48  }
0x2b8: {  	v43 =	vmul.f32 v43, v33;
	v48 =	vld [tilespmem:s22+$0x16E60];
	v52 =	vmul.f32 v52, v32;
	v46 =	vadd.f32 v57, v46;
	[tilespmem:s22+$0x11270] =	vst v54  }
0x2b9: {  	v42 =	vmul.f32 v42, v33;
	v54 =	vld [tilespmem:s22+$0x16E50];
	v53 =	vmul.f32 v53, v32;
	v45 =	vadd.f32 v56, v45;
	[tilespmem:s22+$0x11260] =	vst v47  }
0x2ba: {  	v41 =	vmul.f32 v41, v33;
	v47 =	vld [tilespmem:s22+$0x16E40];
	v51 =	vmul.f32 v51, v32;
	v44 =	vadd.f32 v52, v44;
	[tilespmem:s22+$0x11250] =	vst v46  }
0x2bb: {  	v40 =	vmul.f32 v40, v33;
	v46 =	vld [tilespmem:s22+$0x16E30];
	v50 =	vmul.f32 v50, v32;
	v43 =	vadd.f32 v53, v43;
	[tilespmem:s22+$0x11240] =	vst v45  }
0x2bc: {  	v39 =	vmul.f32 v39, v33;
	v45 =	vld [tilespmem:s22+$0x16E20];
	v49 =	vmul.f32 v49, v32;
	v42 =	vadd.f32 v51, v42;
	[tilespmem:s22+$0x11230] =	vst v44  }
0x2bd: {  	v38 =	vmul.f32 v38, v33;
	v44 =	vld [tilespmem:s22+$0x16E10];
	v48 =	vmul.f32 v48, v32;
	v41 =	vadd.f32 v50, v41;
	[tilespmem:s22+$0x11220] =	vst v43  }
0x2be: {  	v37 =	vmul.f32 v37, v33;
	v43 =	vld [tilespmem:s22+$0x16E00];
	v50 =	vmul.f32 v54, v32;
	v40 =	vadd.f32 v49, v40;
	[tilespmem:s22+$0x11210] =	vst v42  }
0x2bf: {  	v36 =	vmul.f32 v36, v33;
	v42 =	vld [tilespmem:s22+$0x16A70];
	v47 =	vmul.f32 v47, v32;
	v39 =	vadd.f32 v48, v39;
	[tilespmem:s22+$0x11200] =	vst v41  }
0x2c0: {  	v35 =	vmul.f32 v35, v33;
	v41 =	vld [tilespmem:s22+$0x16A60];
	v46 =	vmul.f32 v46, v32;
	v38 =	vadd.f32 v50, v38;
	[tilespmem:s22+$0x10E70] =	vst v40  }
0x2c1: {  	v34 =	vmul.f32 v34, v33;
	v40 =	vld [tilespmem:s22+$0x16A50];
	v45 =	vmul.f32 v45, v32;
	v37 =	vadd.f32 v47, v37;
	[tilespmem:s22+$0x10E60] =	vst v39  }
0x2c2: {  	v31 =	vmul.f32 v31, v33;
	v39 =	vld [tilespmem:s22+$0x16A40];
	v44 =	vmul.f32 v44, v32;
	v36 =	vadd.f32 v46, v36;
	[tilespmem:s22+$0x10E50] =	vst v38  }
0x2c3: {  	v30 =	vmul.f32 v30, v33;
	v38 =	vld [tilespmem:s22+$0x16A30];
	v43 =	vmul.f32 v43, v32;
	v35 =	vadd.f32 v45, v35;
	[tilespmem:s22+$0x10E40] =	vst v37  }
0x2c4: {  	v29 =	vmul.f32 v29, v33;
	v37 =	vld [tilespmem:s22+$0x16A20];
	v42 =	vmul.f32 v42, v32;
	v34 =	vadd.f32 v44, v34;
	[tilespmem:s22+$0x10E30] =	vst v36  }
0x2c5: {  	v28 =	vmul.f32 v28, v33;
	v36 =	vld [tilespmem:s22+$0x16A10];
	v41 =	vmul.f32 v41, v32;
	v31 =	vadd.f32 v43, v31;
	[tilespmem:s22+$0x10E20] =	vst v35  }
0x2c6: {  	v27 =	vmul.f32 v27, v33;
	v35 =	vld [tilespmem:s22+$0x16A00];
	v40 =	vmul.f32 v40, v32;
	v30 =	vadd.f32 v42, v30;
	[tilespmem:s22+$0x10E10] =	vst v34  }
0x2c7: {  	v26 =	vmul.f32 v26, v33;
	v34 =	vld [tilespmem:s22+$0x16670];
	v39 =	vmul.f32 v39, v32;
	v29 =	vadd.f32 v41, v29;
	[tilespmem:s22+$0x10E00] =	vst v31  }
0x2c8: {  	v25 =	vmul.f32 v25, v33;
	v31 =	vld [tilespmem:s22+$0x16660];
	v38 =	vmul.f32 v38, v32;
	v28 =	vadd.f32 v40, v28;
	[tilespmem:s22+$0x10A70] =	vst v30  }
0x2c9: {  	v24 =	vmul.f32 v24, v33;
	v30 =	vld [tilespmem:s22+$0x16650];
	v37 =	vmul.f32 v37, v32;
	v27 =	vadd.f32 v39, v27;
	[tilespmem:s22+$0x10A60] =	vst v29  }
0x2ca: {  	v23 =	vmul.f32 v23, v33;
	v29 =	vld [tilespmem:s22+$0x16640];
	v36 =	vmul.f32 v36, v32;
	v26 =	vadd.f32 v38, v26;
	[tilespmem:s22+$0x10A50] =	vst v28  }
0x2cb: {  	v22 =	vmul.f32 v22, v33;
	v28 =	vld [tilespmem:s22+$0x16630];
	v35 =	vmul.f32 v35, v32;
	v25 =	vadd.f32 v37, v25;
	[tilespmem:s22+$0x10A40] =	vst v27  }
0x2cc: {  	v21 =	vmul.f32 v21, v33;
	v27 =	vld [tilespmem:s22+$0x16620];
	v34 =	vmul.f32 v34, v32;
	v24 =	vadd.f32 v36, v24;
	[tilespmem:s22+$0x10A30] =	vst v26  }
0x2cd: {  	v20 =	vmul.f32 v20, v33;
	v26 =	vld [tilespmem:s22+$0x16610];
	v31 =	vmul.f32 v31, v32;
	v23 =	vadd.f32 v35, v23;
	[tilespmem:s22+$0x10A20] =	vst v25  }
0x2ce: {  	v19 =	vmul.f32 v19, v33;
	v25 =	vld [tilespmem:s22+$0x16600];
	v30 =	vmul.f32 v30, v32;
	v22 =	vadd.f32 v34, v22;
	[tilespmem:s22+$0x10A10] =	vst v24  }
0x2cf: {  	v18 =	vmul.f32 v18, v33;
	v24 =	vld [tilespmem:s22+$0x16270];
	v29 =	vmul.f32 v29, v32;
	v21 =	vadd.f32 v31, v21;
	[tilespmem:s22+$0x10A00] =	vst v23  }
0x2d0: {  	v17 =	vmul.f32 v17, v33;
	v23 =	vld [tilespmem:s22+$0x16260];
	v28 =	vmul.f32 v28, v32;
	v20 =	vadd.f32 v30, v20;
	[tilespmem:s22+$0x10670] =	vst v22  }
0x2d1: {  	v16 =	vmul.f32 v16, v33;
	v22 =	vmul.f32 v27, v32;
	v19 =	vadd.f32 v29, v19;
	[tilespmem:s22+$0x10660] =	vst v21;
	v21 =	vld [tilespmem:s22+$0x17640]  }
0x2d2: {  	v15 =	vmul.f32 v15, v33;
	v26 =	vmul.f32 v26, v32;
	v18 =	vadd.f32 v28, v18;
	[tilespmem:s22+$0x10650] =	vst v20;
	v20 =	vld [tilespmem:s22+$0x17650]  }
0x2d3: {  	v14 =	vmul.f32 v14, v33;
	v25 =	vmul.f32 v25, v32;
	v17 =	vadd.f32 v22, v17;
	[tilespmem:s22+$0x10640] =	vst v19;
	v19 =	vld [tilespmem:s22+$0x17660]  }
0x2d4: {  	v13 =	vmul.f32 v13, v33;
	v22 =	vmul.f32 v24, v32;
	v16 =	vadd.f32 v26, v16;
	[tilespmem:s22+$0x10630] =	vst v18;
	v18 =	vld [tilespmem:s22+$0x17670]  }
0x2d5: {  	v12 =	vmul.f32 v12, v33;
	v23 =	vmul.f32 v23, v32;
	v15 =	vadd.f32 v25, v15;
	[tilespmem:s22+$0x10620] =	vst v17;
	v17 =	vld [tilespmem:s22+$0x11640]  }
0x2d6: {  	v10 =	vmul.f32 v10, v33;
	v11 =	vmul.f32 v11, v32;
	v14 =	vadd.f32 v22, v14;
	[tilespmem:s22+$0x10610] =	vst v16;
	v16 =	vld [tilespmem:s22+$0x11650]  }
0x2d7: {  	v8 =	vmul.f32 v8, v33;
	v9 =	vmul.f32 v9, v32;
	v13 =	vadd.f32 v23, v13;
	[tilespmem:s22+$0x10600] =	vst v15;
	v15 =	vld [tilespmem:s22+$0x11660]  }
0x2d8: {  	v6 =	vmul.f32 v6, v33;
	v7 =	vmul.f32 v7, v32;
	v11 =	vadd.f32 v11, v12;
	[tilespmem:s22+$0x10270] =	vst v14;
	v12 =	vld [tilespmem:s22+$0x11670]  }
0x2d9: {  	v3 =	vmul.f32 v3, v33;
	v5 =	vmul.f32 v5, v32;
	v9 =	vadd.f32 v9, v10;
	v14 =	vld [tilespmem:s22+$0x10200];
	[tilespmem:s22+$0x10260] =	vst v13  }
0x2da: {  	v4 =	vmul.f32 v4, v32;
	v7 =	vadd.f32 v7, v8;
	v10 =	vld [tilespmem:s22+$0x16200];
	[tilespmem:s22+$0x10250] =	vst v11;
	v8 =	vmul.f32 v17, v33  }
0x2db: {  	s28 =	sshrl.u32 s26, $0x3;
	v5 =	vadd.f32 v5, v6;
	v6 =	vmul.f32 v21, v32;
	[tilespmem:s22+$0x10240] =	vst v9;
	v9 =	vmul.f32 v16, v33  }
0x2dc: {  	s25 =	sadd.s32 $0x80, s25;
	s28 =	smul.u32 $0x1800, s28;
	v3 =	vadd.f32 v4, v3;
	v4 =	vmul.f32 v20, v32;
	[tilespmem:s22+$0x10230] =	vst v7;
	v7 =	vmul.f32 v15, v33  }
0x2dd: {  	s29 =	sand.u32 $0x380, s25;
	[tilespmem:s22+$0x10220] =	vst v5;
	v5 =	vadd.f32 v6, v8;
	v6 =	vmul.f32 v19, v32;
	v8 =	vmul.f32 v12, v33  }
0x2de: {  	s28 =	sor.u32 s29, s28;
	v9 =	vadd.f32 v4, v9;
	v12 =	vmul.f32 v18, v32;
	v11 =	vmul.f32 v14, v33;
	[tilespmem:s22+$0x10210] =	vst v3  }
0x2df: {  	v3 =	vld [tilespmem:s28+$0x10210];
	v10 =	vmul.f32 v10, v32;
	[tilespmem:s22+$0x11640] =	vst v5;
	v5 =	vadd.f32 v6, v7  }
0x2e0: {  	v7 =	vadd.f32 v12, v8;
	v4 =	vld [tilespmem:s28+$0x16210];
	[tilespmem:s22+$0x11650] =	vst v9  }
0x2e1: {  	v6 =	vld [tilespmem:s28+$0x10220];
	v9 =	vadd.f32 v10, v11;
	[tilespmem:s22+$0x11660] =	vst v5  }
0x2e2: {  	v5 =	vld [tilespmem:s28+$0x16220];
	[tilespmem:s22+$0x11670] =	vst v7  }
0x2e3: {  	v8 =	vld [tilespmem:s28+$0x10230];
	[tilespmem:s22+$0x10200] =	vst v9;
	s22 =	smov.u32 s28  }
0x2e4: {  	v7 =	vld [tilespmem:s22+$0x16230]  }
0x2e5: {  	v10 =	vld [tilespmem:s22+$0x10240]  }
0x2e6: {  	v9 =	vld [tilespmem:s22+$0x16240]  }
0x2e7: {  	v12 =	vld [tilespmem:s22+$0x10250]  }
0x2e8: {  	v11 =	vld [tilespmem:s22+$0x16250]  }
0x2e9: {  	v13 =	vld [tilespmem:s22+$0x10260]  }
0x2ea: {  	v14 =	vld [tilespmem:s22+$0x10270]  }
0x2eb: {  	v15 =	vld [tilespmem:s22+$0x10600]  }
0x2ec: {  	v16 =	vld [tilespmem:s22+$0x10610]  }
0x2ed: {  	v17 =	vld [tilespmem:s22+$0x10620]  }
0x2ee: {  	v18 =	vld [tilespmem:s22+$0x10630]  }
0x2ef: {  	v19 =	vld [tilespmem:s22+$0x10640]  }
0x2f0: {  	v20 =	vld [tilespmem:s22+$0x10650]  }
0x2f1: {  	v21 =	vld [tilespmem:s22+$0x10660]  }
0x2f2: {  	v22 =	vld [tilespmem:s22+$0x10670]  }
0x2f3: {  	v23 =	vld [tilespmem:s22+$0x10A00]  }
0x2f4: {  	v24 =	vld [tilespmem:s22+$0x10A10]  }
0x2f5: {  	v25 =	vld [tilespmem:s22+$0x10A20]  }
0x2f6: {  	v26 =	vld [tilespmem:s22+$0x10A30]  }
0x2f7: {  	v27 =	vld [tilespmem:s22+$0x10A40]  }
0x2f8: {  	v28 =	vld [tilespmem:s22+$0x10A50]  }
0x2f9: {  	v29 =	vld [tilespmem:s22+$0x10A60]  }
0x2fa: {  	v30 =	vld [tilespmem:s22+$0x10A70]  }
0x2fb: {  	v31 =	vld [tilespmem:s22+$0x10E00]  }
0x2fc: {  	v34 =	vld [tilespmem:s22+$0x10E10]  }
0x2fd: {  	v35 =	vld [tilespmem:s22+$0x10E20]  }
0x2fe: {  	v36 =	vld [tilespmem:s22+$0x10E30]  }
0x2ff: {  	v37 =	vld [tilespmem:s22+$0x10E40]  }
0x300: {  	v38 =	vld [tilespmem:s22+$0x10E50]  }
0x301: {  	v39 =	vld [tilespmem:s22+$0x10E60]  }
0x302: {  	v40 =	vld [tilespmem:s22+$0x10E70]  }
0x303: {  	v41 =	vld [tilespmem:s22+$0x11200]  }
0x304: {  	v42 =	vld [tilespmem:s22+$0x11210]  }
0x305: {  	v43 =	vld [tilespmem:s22+$0x11220]  }
0x306: {  	v44 =	vld [tilespmem:s22+$0x11230]  }
0x307: {  	v45 =	vld [tilespmem:s22+$0x11240]  }
0x308: {  	v46 =	vld [tilespmem:s22+$0x11250]  }
.Ltmp1:
0x309: {  	v47 =	vld [tilespmem:s22+$0x11260];
	(pc) =	sbr.rel @p0 .LBB2_4-.Ltmp1, $4  }
0x30a: {  	v48 =	vld [tilespmem:s22+$0x11600]  }
0x30b: {  	v50 =	vld [tilespmem:s22+$0x11610]  }
0x30c: {  	v49 =	vld [tilespmem:s22+$0x17610]  }
0x30d: {  	s26 =	sadd.s32 $0x1, s26;
	v51 =	vld [tilespmem:s22+$0x17630]  }
0x30e: {  	v52 =	vld [tilespmem:s22+$0x11630]  }
0x30f: {  	v53 =	vld [tilespmem:s22+$0x11620];
	s23 =	sadd.s32 $0x80, s23  }
0x310: {  	s29 =	sadd.s32 $0x80, s24;
	v32 =	vld [tilespmem:s23+$0x0]  }
0x311: {  	v33 =	vld [tilespmem:s29+$0x0]  }
0x312: {  	v54 =	vld [tilespmem:s22+$0x17620];
	_ =	sdelay $0x1  }
0x313: {  	v55 =	vld [tilespmem:s22+$0x17600]  }
0x314: {  	v56 =	vld [tilespmem:s22+$0x11270]  }
0x315: {  	v58 =	vld [tilespmem:s22+$0x17260];
	v52 =	vmul.f32 v52, v32;
	v51 =	vmul.f32 v51, v33  }
0x316: {  	v57 =	vld [tilespmem:s22+$0x17270];
	v53 =	vmul.f32 v53, v32;
	v54 =	vmul.f32 v54, v33  }
0x317: {  	v59 =	vld [tilespmem:s22+$0x17250];
	v50 =	vmul.f32 v50, v32;
	v49 =	vmul.f32 v49, v33  }
0x318: {  	v60 =	vld [tilespmem:s22+$0x17240];
	v48 =	vmul.f32 v48, v32;
	v62 =	vmul.f32 v55, v33;
	v51 =	vadd.f32 v51, v52  }
0x319: {  	v61 =	vld [tilespmem:s22+$0x17220];
	v63 =	vmul.f32 v56, v32;
	v47 =	vmul.f32 v47, v32;
	v53 =	vadd.f32 v54, v53  }
0x31a: {  	v58 =	vmul.f32 v58, v33;
	v55 =	vld [tilespmem:s22+$0x16660];
	v12 =	vmul.f32 v12, v32;
	v49 =	vadd.f32 v49, v50;
	[tilespmem:s22+$0x11630] =	vst v51  }
0x31b: {  	v56 =	vld [tilespmem:s22+$0x16650];
	v11 =	vmul.f32 v11, v33;
	v10 =	vmul.f32 v10, v32;
	v48 =	vadd.f32 v62, v48;
	[tilespmem:s22+$0x11620] =	vst v53  }
0x31c: {  	v9 =	vmul.f32 v9, v33;
	v8 =	vmul.f32 v8, v32;
	v52 =	vld [tilespmem:s22+$0x17230];
	v47 =	vadd.f32 v58, v47;
	[tilespmem:s22+$0x11610] =	vst v49  }
0x31d: {  	v7 =	vmul.f32 v7, v33;
	v6 =	vmul.f32 v6, v32;
	v50 =	vld [tilespmem:s22+$0x17200];
	v11 =	vadd.f32 v11, v12;
	[tilespmem:s22+$0x11600] =	vst v48  }
0x31e: {  	v5 =	vmul.f32 v5, v33;
	v3 =	vmul.f32 v3, v32;
	v58 =	vld [tilespmem:s22+$0x16E20];
	v9 =	vadd.f32 v9, v10;
	[tilespmem:s22+$0x11260] =	vst v47  }
0x31f: {  	v4 =	vmul.f32 v4, v33;
	v62 =	vmul.f32 v59, v33;
	v59 =	vld [tilespmem:s22+$0x16E10];
	v7 =	vadd.f32 v7, v8;
	[tilespmem:s22+$0x10250] =	vst v11  }
0x320: {  	v57 =	vmul.f32 v57, v33;
	v54 =	vld [tilespmem:s22+$0x16670];
	v5 =	vadd.f32 v5, v6;
	[tilespmem:s22+$0x10240] =	vst v9  }
0x321: {  	v46 =	vmul.f32 v46, v32;
	v3 =	vadd.f32 v4, v3;
	v51 =	vld [tilespmem:s22+$0x17210];
	[tilespmem:s22+$0x10230] =	vst v7  }
0x322: {  	v45 =	vmul.f32 v45, v32;
	v49 =	vld [tilespmem:s22+$0x16E70];
	v53 =	vadd.f32 v57, v63;
	v63 =	vmul.f32 v60, v33;
	[tilespmem:s22+$0x10220] =	vst v5  }
0x323: {  	v43 =	vmul.f32 v43, v32;
	v48 =	vld [tilespmem:s22+$0x16E60];
	v46 =	vadd.f32 v62, v46;
	v57 =	vmul.f32 v61, v33;
	[tilespmem:s22+$0x10210] =	vst v3  }
0x324: {  	v44 =	vmul.f32 v44, v32;
	v47 =	vld [tilespmem:s22+$0x16E40];
	[tilespmem:s22+$0x11270] =	vst v53;
	v45 =	vadd.f32 v63, v45;
	v52 =	vmul.f32 v52, v33  }
0x325: {  	v41 =	vmul.f32 v41, v32;
	v60 =	vld [tilespmem:s22+$0x16E00];
	[tilespmem:s22+$0x11250] =	vst v46;
	v43 =	vadd.f32 v57, v43;
	v50 =	vmul.f32 v50, v33  }
0x326: {  	v35 =	vmul.f32 v35, v32;
	v61 =	vld [tilespmem:s22+$0x16A70];
	[tilespmem:s22+$0x11240] =	vst v45;
	v45 =	vmul.f32 v58, v33;
	v44 =	vadd.f32 v52, v44  }
0x327: {  	v42 =	vmul.f32 v42, v32;
	v53 =	vld [tilespmem:s22+$0x16E50];
	[tilespmem:s22+$0x11220] =	vst v43;
	v51 =	vmul.f32 v51, v33;
	v41 =	vadd.f32 v50, v41  }
0x328: {  	v40 =	vmul.f32 v40, v32;
	v46 =	vld [tilespmem:s22+$0x16E30];
	v49 =	vmul.f32 v49, v33;
	v35 =	vadd.f32 v45, v35;
	[tilespmem:s22+$0x11230] =	vst v44  }
0x329: {  	v39 =	vmul.f32 v39, v32;
	v62 =	vld [tilespmem:s22+$0x16A60];
	v48 =	vmul.f32 v48, v33;
	v42 =	vadd.f32 v51, v42;
	[tilespmem:s22+$0x11200] =	vst v41  }
0x32a: {  	v37 =	vmul.f32 v37, v32;
	v57 =	vld [tilespmem:s22+$0x16640];
	v47 =	vmul.f32 v47, v33;
	v40 =	vadd.f32 v49, v40;
	[tilespmem:s22+$0x10E20] =	vst v35  }
0x32b: {  	v31 =	vmul.f32 v31, v32;
	v58 =	vld [tilespmem:s22+$0x16630];
	v43 =	vmul.f32 v60, v33;
	v39 =	vadd.f32 v48, v39;
	[tilespmem:s22+$0x11210] =	vst v42  }
0x32c: {  	v38 =	vmul.f32 v38, v32;
	v50 =	vld [tilespmem:s22+$0x16A30];
	v63 =	vmul.f32 v53, v33;
	v37 =	vadd.f32 v47, v37;
	[tilespmem:s22+$0x10E70] =	vst v40  }
0x32d: {  	v36 =	vmul.f32 v36, v32;
	v60 =	vld [tilespmem:s22+$0x16610];
	v46 =	vmul.f32 v46, v33;
	v31 =	vadd.f32 v43, v31;
	[tilespmem:s22+$0x10E60] =	vst v39  }
0x32e: {  	v34 =	vmul.f32 v34, v32;
	v52 =	vld [tilespmem:s22+$0x16A10];
	v44 =	vmul.f32 v59, v33;
	v38 =	vadd.f32 v63, v38;
	[tilespmem:s22+$0x10E40] =	vst v37  }
0x32f: {  	v29 =	vmul.f32 v29, v32;
	v45 =	vld [tilespmem:s22+$0x11640];
	v41 =	vmul.f32 v62, v33;
	v36 =	vadd.f32 v46, v36;
	[tilespmem:s22+$0x10E00] =	vst v31  }
0x330: {  	v21 =	vmul.f32 v21, v32;
	v48 =	vld [tilespmem:s22+$0x16A50];
	v62 =	vmul.f32 v55, v33;
	v34 =	vadd.f32 v44, v34;
	[tilespmem:s22+$0x10E50] =	vst v38  }
0x331: {  	v30 =	vmul.f32 v30, v32;
	v49 =	vld [tilespmem:s22+$0x16A40];
	v42 =	vmul.f32 v61, v33;
	v29 =	vadd.f32 v41, v29;
	[tilespmem:s22+$0x10E30] =	vst v36  }
0x332: {  	v16 =	vmul.f32 v16, v32;
	v51 =	vld [tilespmem:s22+$0x16A20];
	v21 =	vadd.f32 v62, v21;
	v41 =	vmul.f32 v60, v33;
	[tilespmem:s22+$0x10E10] =	vst v34  }
0x333: {  	v26 =	vmul.f32 v26, v32;
	v53 =	vld [tilespmem:s22+$0x16A00];
	v30 =	vadd.f32 v42, v30;
	[tilespmem:s22+$0x10A60] =	vst v29;
	v38 =	vmul.f32 v50, v33  }
0x334: {  	v24 =	vmul.f32 v24, v32;
	v59 =	vld [tilespmem:s22+$0x16620];
	v36 =	vmul.f32 v52, v33;
	[tilespmem:s22+$0x10660] =	vst v21;
	v16 =	vadd.f32 v41, v16  }
0x335: {  	v22 =	vmul.f32 v22, v32;
	v43 =	vld [tilespmem:s22+$0x17670];
	v34 =	vmul.f32 v54, v33;
	[tilespmem:s22+$0x10A70] =	vst v30;
	v26 =	vadd.f32 v38, v26  }
0x336: {  	v28 =	vmul.f32 v28, v32;
	v61 =	vld [tilespmem:s22+$0x16600];
	v40 =	vmul.f32 v48, v33;
	v24 =	vadd.f32 v36, v24;
	[tilespmem:s22+$0x10610] =	vst v16  }
0x337: {  	v27 =	vmul.f32 v27, v32;
	v63 =	vld [tilespmem:s22+$0x16270];
	v39 =	vmul.f32 v49, v33;
	v22 =	vadd.f32 v34, v22;
	[tilespmem:s22+$0x10A30] =	vst v26  }
0x338: {  	v25 =	vmul.f32 v25, v32;
	v46 =	vld [tilespmem:s22+$0x11650];
	v37 =	vmul.f32 v51, v33;
	v28 =	vadd.f32 v40, v28;
	[tilespmem:s22+$0x10A10] =	vst v24  }
0x339: {  	v23 =	vmul.f32 v23, v32;
	v50 =	vld [tilespmem:s22+$0x16200];
	v35 =	vmul.f32 v53, v33;
	v27 =	vadd.f32 v39, v27;
	[tilespmem:s22+$0x10670] =	vst v22  }
0x33a: {  	v20 =	vmul.f32 v20, v32;
	v48 =	vld [tilespmem:s22+$0x11660];
	v30 =	vmul.f32 v56, v33;
	v25 =	vadd.f32 v37, v25;
	[tilespmem:s22+$0x10A50] =	vst v28  }
0x33b: {  	v19 =	vmul.f32 v19, v32;
	v51 =	vld [tilespmem:s22+$0x10200];
	v23 =	vadd.f32 v35, v23;
	v35 =	vmul.f32 v57, v33;
	[tilespmem:s22+$0x10A40] =	vst v27  }
0x33c: {  	v18 =	vmul.f32 v18, v32;
	v34 =	vld [tilespmem:s22+$0x16260];
	v37 =	vmul.f32 v58, v33;
	v20 =	vadd.f32 v30, v20;
	[tilespmem:s22+$0x10A20] =	vst v25  }
0x33d: {  	v17 =	vmul.f32 v17, v32;
	v36 =	vld [tilespmem:s22+$0x17640];
	v39 =	vmul.f32 v59, v33;
	[tilespmem:s22+$0x10A00] =	vst v23;
	v19 =	vadd.f32 v35, v19  }
0x33e: {  	v15 =	vmul.f32 v15, v32;
	v38 =	vld [tilespmem:s22+$0x17650];
	v42 =	vmul.f32 v61, v33;
	v18 =	vadd.f32 v37, v18;
	[tilespmem:s22+$0x10650] =	vst v20  }
0x33f: {  	v14 =	vmul.f32 v14, v32;
	v40 =	vld [tilespmem:s22+$0x17660];
	v44 =	vmul.f32 v63, v33;
	v17 =	vadd.f32 v39, v17;
	[tilespmem:s22+$0x10640] =	vst v19  }
0x340: {  	v49 =	vld [tilespmem:s22+$0x11670];
	v15 =	vadd.f32 v42, v15;
	v10 =	vmul.f32 v50, v33;
	v61 =	vmul.f32 v51, v32;
	[tilespmem:s22+$0x10630] =	vst v18  }
0x341: {  	v13 =	vmul.f32 v13, v32;
	v14 =	vadd.f32 v44, v14;
	[tilespmem:s22+$0x10620] =	vst v17;
	v47 =	vmul.f32 v34, v33  }
0x342: {  	v52 =	vmul.f32 v45, v32;
	[tilespmem:s22+$0x10600] =	vst v15;
	v53 =	vmul.f32 v36, v33;
	v63 =	vadd.f32 v10, v61  }
0x343: {  	v54 =	vmul.f32 v46, v32;
	[tilespmem:s22+$0x10270] =	vst v14;
	v55 =	vmul.f32 v38, v33;
	v13 =	vadd.f32 v47, v13  }
0x344: {  	v56 =	vmul.f32 v48, v32;
	v58 =	vmul.f32 v40, v33;
	v57 =	vadd.f32 v53, v52;
	[tilespmem:s22+$0x10200] =	vst v63  }
0x345: {  	v60 =	vmul.f32 v43, v33;
	v59 =	vmul.f32 v49, v32;
	v3 =	vadd.f32 v55, v54;
	[tilespmem:s22+$0x10260] =	vst v13  }
0x346: {  	v62 =	vadd.f32 v58, v56;
	[tilespmem:s22+$0x11640] =	vst v57  }
0x347: {  	s21 =	sadd.s32 $0x1, s21;
	[tilespmem:s22+$0x11650] =	vst v3;
	v3 =	vadd.f32 v60, v59  }
0x348: {  	p0 =	sne.s32 s21, s16;
	[tilespmem:s22+$0x11660] =	vst v62  }
.Ltmp2:
0x349: {  	[tilespmem:s22+$0x11670] =	vst v3;
	(pc) =	sbr.rel @p0 .LBB2_1-.Ltmp2, $4  }
0x34a: {  	[hbm4b:s15+s1] =	stream.linear.scatter [tilespmem:s0], [sflag:$0x5], $0x6000, $0x38;
	[tilespmem:$0x1C200] =	vst v63  }
0x34b: {  	_ =	swait.ge [sflag:s17], $0x6000  }
0x34c: {  	[sflag:s17] =	ssyncset.done $0x0  }
0x34d: {  	[sflag:s17] =	ssyncadd.s32 $0xFFFFA000  }
0x34e: {  	_ =	sfence.sel $0x180000  }
0x34f: {  	[bflag:$0x0] =	sbarrier.arrive $0xFFFF  }
0x350: {  	_ =	strace $0x9000004A  }
0x351: {  	s0 =	stileid.u32;
	[bflag:$0x2] =	sbarrier.arrive $0xFFFF  }
0x352: {  	p0 =	sne.s32 s0, $0x0;
	s0 =	rddreg [dreg:$0x2]  }
0x353: {  	s0 =	sadd.s32 @!p0 $0x100000, s0  }
0x354: {  	[sflag:s0] =	ssyncadd.tile.s32 @!p0 $0x1;
	_ =	shalt  }
.Lfunc_end2:
_tile_overlayer_lowered:
.L_overlay_start_2:
0x355: {  	(tag) =	ssettag $0x2  }
0x356: {  	s0 =	rddreg [dreg:$0x0];
	s2 =	stileid.u32  }
0x357: {  	s1 =	rddreg [dreg:$0x1];
	p0 =	sne.s32 s2, $0x0  }
0x358: {  	s3 =	rddreg [dreg:$0x2];
	[bflag:$0x3] =	sbarrier.arrive $0xFFFF;
	s2 =	simm.s32 @!p0 $0x1C05  }
0x359: {  	[timem:s3], [sflag:s2] =	dma.local @!p0 [hbm:s0], s1  }
0x35a: {  	s0 =	simm.s32 @!p0 $0x5  }
0x35b: {  	_ =	swait.ge @!p0 [sflag:s0], s1  }
0x35c: {  	s1 =	ssub.s32 @!p0 $0x0, s1;
	[sflag:s0] =	ssyncset.done @!p0 $0x0  }
0x35d: {  	[sflag:s0] =	ssyncadd.s32 @!p0 s1  }
0x35e: {  	[bflag:$0x3] =	sbarrier.arrive $0xFFFF  }
0x35f: {  	_ =	shalt  }

</sc_bundles>
